<compile_context>
chip_gen: v7x
topology: tpu7x:2x2x1
jax: 0.10.2.dev20260603
libtpu: 0.0.44.dev20260713+nightly
codegen_flags: <defaults>
</compile_context>

<pallas_src>
import jax
import jax.numpy as jnp
from jax import lax
from jax.experimental import pallas as pl
from jax.experimental.pallas import tpu as pltpu
from jax.experimental.pallas import tpu_sc as plsc

_B = 4
_L = 8192
_D = 1024
_NC = 2
_NS = 16
_NW = _NC * _NS
_RPW = _L // _NW
_C = 8
_NCH = _RPW // _C
_NSLOT = 3


def _sc_body(x_hbm, e_hbm, o_hbm, xb, eb, *sems):
    sin = sems[:_NSLOT]
    sout = sems[_NSLOT:]
    wid = lax.axis_index("s") * _NC + lax.axis_index("c")
    base = wid * _RPW

    def rows(c):
        return pl.ds(pl.multiple_of(base + c * _C, _C), _C)

    def fire_in(s, c):
        r = rows(c)
        pltpu.async_copy(e_hbm.at[r], eb.at[s], sin[s])
        pltpu.async_copy(x_hbm.at[:, r], xb.at[s], sin[s])

    def wait_in(s, c):
        r = rows(c)
        pltpu.make_async_copy(e_hbm.at[r], eb.at[s], sin[s]).wait()
        pltpu.make_async_copy(x_hbm.at[:, r], xb.at[s], sin[s]).wait()

    def fire_out(s, c):
        r = rows(c)
        pltpu.async_copy(xb.at[s], o_hbm.at[:, r], sout[s])

    def wait_out(s, c):
        r = rows(c)
        pltpu.make_async_copy(xb.at[s], o_hbm.at[:, r], sout[s]).wait()

    def compute(s):
        er = eb.at[s]
        xr = [xb.at[s, b] for b in range(_B)]

        @plsc.parallel_loop(0, _D, step=16, unroll=4)
        def step(i):
            sl = pl.ds(i, 16)
            for r in range(_C):
                v = er[r, sl]
                for b in range(_B):
                    xr[b][r, sl] = xr[b][r, sl] + v

    for s in range(_NSLOT):
        fire_in(s, s)

    def body(k, carry):
        for j in range(_NSLOT):
            c = _NSLOT * k + j

            @pl.when(c < _NCH)
            def _():
                wait_in(j, c)
                compute(j)
                fire_out(j, c)
                p = c - 1
                sp = (j + 2) % _NSLOT

                @pl.when((p >= 0) & (p + _NSLOT < _NCH))
                def _():
                    wait_out(sp, p)
                    fire_in(sp, p + _NSLOT)

        return carry

    lax.fori_loop(0, (_NCH + _NSLOT - 1) // _NSLOT, body, 0)

    for c in range(_NCH - _NSLOT, _NCH):
        wait_out(c % _NSLOT, c)


def kernel(input, emb):
    run = pl.kernel(
        _sc_body,
        out_type=jax.ShapeDtypeStruct((_B, _L, _D), jnp.float32),
        mesh=plsc.VectorSubcoreMesh(core_axis_name="c", subcore_axis_name="s"),
        compiler_params=pltpu.CompilerParams(use_tc_tiling_on_sc=True),
        scratch_types=[
            pltpu.VMEM((_NSLOT, _B, _C, _D), jnp.float32),
            pltpu.VMEM((_NSLOT, _C, _D), jnp.float32),
        ]
        + [pltpu.SemaphoreType.DMA] * (2 * _NSLOT),
    )
    return run(input, emb)

# --- scband reference (transcript-rebuilt; emitter-appended) ---
"""Pipeline reference for scband-learned-positional-encodings-1202590842986 (READ-ONLY COPY).

The authoritative reference and input builder live on the scoring server;
editing this copy changes nothing except your own understanding.
"""

import jax, jax.numpy as jnp
import numpy as np

MAX_LEN = 8192
D_MODEL = 1024
B = 4
L = 8192

def setup_inputs(seed: int = 0) -> dict:
    key = jax.random.key(seed)
    k1, k2 = jax.random.split(key)
    x = jax.random.normal(k1, (B, L, D_MODEL), dtype=jnp.float32)
    emb = jax.random.normal(k2, (MAX_LEN, D_MODEL), dtype=jnp.float32) * 0.02
    return {"input": x, "emb": emb}

def reference(input, emb):
    Bv, length, dims = input.shape
    position = jnp.arange(length, dtype=jnp.int32)
    pos_emb = jnp.take(emb, position, axis=0)
    return input + pos_emb[None, :, :]

if __name__ == "__main__":
    import jax
    _d = setup_inputs()
    print(jax.jit(kernel)(*tuple(_d.values())))

</pallas_src>

<mosaic_0001>
#map = affine_map<(d0, d1) -> (0, 0, 0)>
#map1 = affine_map<(d0, d1) -> (0, 0)>
module attributes {stable_mosaic.version = 14 : i64} {
  func.func @_sc_body(%arg0: i32, %arg1: i32, %arg2: memref<4x8192x1024xf32, #tpu.memory_space<hbm>>, %arg3: memref<8192x1024xf32, #tpu.memory_space<hbm>>, %arg4: memref<4x8192x1024xf32, #tpu.memory_space<hbm>>, %arg5: memref<3x4x8x1024xf32, #tpu.memory_space<vmem>>, %arg6: memref<3x8x1024xf32, #tpu.memory_space<vmem>>, %arg7: memref<!tpu.dma_semaphore, #tpu.memory_space<semaphore_mem>>, %arg8: memref<!tpu.dma_semaphore, #tpu.memory_space<semaphore_mem>>, %arg9: memref<!tpu.dma_semaphore, #tpu.memory_space<semaphore_mem>>, %arg10: memref<!tpu.dma_semaphore, #tpu.memory_space<semaphore_mem>>, %arg11: memref<!tpu.dma_semaphore, #tpu.memory_space<semaphore_mem>>, %arg12: memref<!tpu.dma_semaphore, #tpu.memory_space<semaphore_mem>>) attributes {dimension_semantics = [#tpu.dimension_semantics<core_parallel>, #tpu.dimension_semantics<subcore_parallel>], iteration_bounds = array<i64: 2, 16>, scalar_prefetch = 0 : i64, scratch_operands = 8 : i64, tpu.core_type = #tpu.core_type<sc_vector_subcore>, window_params = [{transform_indices = #map}, {transform_indices = #map1}, {transform_indices = #map}]} {
    %mul3A = arith.constant 2 : i32
    %mul3A_0 = arith.muli %arg1, %mul3A : i32
    %add3A = arith.addi %mul3A_0, %arg0 : i32
    %mul3A_1 = arith.constant 256 : i32
    %mul3A_2 = arith.muli %add3A, %mul3A_1 : i32
    %add3A_3 = arith.constant 0 : i32
    %add3A_4 = arith.addi %mul3A_2, %add3A_3 : i32
    %multiple_of3A = tpu.assume_multiple %add3A_4, 8 : i32
    %dma_start3A = arith.constant 0 : i32
    %dma_start3A_5 = arith.constant 0 : i32
    %dma_start3A_6 = arith.constant 0 : i32
    %dma_start3A_7 = tpu.memref_slice %arg6[%dma_start3A, %dma_start3A_5, %dma_start3A_6] : memref<3x8x1024xf32, #tpu.memory_space<vmem>> -> memref<1x8x1024xf32, #tpu.memory_space<vmem>>
    %dma_start3A_8 = tpu.memref_squeeze %dma_start3A_7 : memref<1x8x1024xf32, #tpu.memory_space<vmem>> -> memref<8x1024xf32, #tpu.memory_space<vmem>>
    %dma_start3A_9 = arith.constant 0 : i32
    %dma_start3A_10 = tpu.memref_slice %arg3[%multiple_of3A, %dma_start3A_9] : memref<8192x1024xf32, #tpu.memory_space<hbm>> -> memref<8x1024xf32, #tpu.memory_space<hbm>>
    %dma_start3A_11 = arith.constant 0 : i32
    %dma_start3A_12 = arith.constant 0 : i32
    %dma_start3A_13 = tpu.memref_slice %arg6[%dma_start3A, %dma_start3A_11, %dma_start3A_12] : memref<3x8x1024xf32, #tpu.memory_space<vmem>> -> memref<1x8x1024xf32, #tpu.memory_space<vmem>>
    %dma_start3A_14 = tpu.memref_squeeze %dma_start3A_13 : memref<1x8x1024xf32, #tpu.memory_space<vmem>> -> memref<8x1024xf32, #tpu.memory_space<vmem>>
    %dma_start3A_15 = arith.constant 0 : i32
    %dma_start3A_16 = tpu.memref_slice %arg3[%multiple_of3A, %dma_start3A_15] : memref<8192x1024xf32, #tpu.memory_space<hbm>> -> memref<8x1024xf32, #tpu.memory_space<hbm>>
    tpu.enqueue_dma source(%dma_start3A_16 : memref<8x1024xf32, #tpu.memory_space<hbm>>) target(%dma_start3A_14 : memref<8x1024xf32, #tpu.memory_space<vmem>>) target_semaphore(%arg7 : memref<!tpu.dma_semaphore, #tpu.memory_space<semaphore_mem>>)
    %dma_start3A_17 = arith.constant 0 : i32
    %dma_start3A_18 = arith.constant 0 : i32
    %dma_start3A_19 = arith.constant 0 : i32
    %dma_start3A_20 = arith.constant 0 : i32
    %dma_start3A_21 = tpu.memref_slice %arg5[%dma_start3A_17, %dma_start3A_18, %dma_start3A_19, %dma_start3A_20] : memref<3x4x8x1024xf32, #tpu.memory_space<vmem>> -> memref<1x4x8x1024xf32, #tpu.memory_space<vmem>>
    %dma_start3A_22 = tpu.memref_squeeze %dma_start3A_21 : memref<1x4x8x1024xf32, #tpu.memory_space<vmem>> -> memref<4x8x1024xf32, #tpu.memory_space<vmem>>
    %dma_start3A_23 = arith.constant 0 : i32
    %dma_start3A_24 = arith.constant 0 : i32
    %dma_start3A_25 = tpu.memref_slice %arg2[%dma_start3A_23, %multiple_of3A, %dma_start3A_24] : memref<4x8192x1024xf32, #tpu.memory_space<hbm>> -> memref<4x8x1024xf32, #tpu.memory_space<hbm>>
    %dma_start3A_26 = arith.constant 0 : i32
    %dma_start3A_27 = arith.constant 0 : i32
    %dma_start3A_28 = arith.constant 0 : i32
    %dma_start3A_29 = tpu.memref_slice %arg5[%dma_start3A_17, %dma_start3A_26, %dma_start3A_27, %dma_start3A_28] : memref<3x4x8x1024xf32, #tpu.memory_space<vmem>> -> memref<1x4x8x1024xf32, #tpu.memory_space<vmem>>
    %dma_start3A_30 = tpu.memref_squeeze %dma_start3A_29 : memref<1x4x8x1024xf32, #tpu.memory_space<vmem>> -> memref<4x8x1024xf32, #tpu.memory_space<vmem>>
    %dma_start3A_31 = arith.constant 0 : i32
    %dma_start3A_32 = arith.constant 0 : i32
    %dma_start3A_33 = tpu.memref_slice %arg2[%dma_start3A_31, %multiple_of3A, %dma_start3A_32] : memref<4x8192x1024xf32, #tpu.memory_space<hbm>> -> memref<4x8x1024xf32, #tpu.memory_space<hbm>>
    tpu.enqueue_dma source(%dma_start3A_33 : memref<4x8x1024xf32, #tpu.memory_space<hbm>>) target(%dma_start3A_30 : memref<4x8x1024xf32, #tpu.memory_space<vmem>>) target_semaphore(%arg7 : memref<!tpu.dma_semaphore, #tpu.memory_space<semaphore_mem>>)
    %add3A_34 = arith.constant 8 : i32
    %add3A_35 = arith.addi %mul3A_2, %add3A_34 : i32
    %multiple_of3A_36 = tpu.assume_multiple %add3A_35, 8 : i32
    %dma_start3A_37 = arith.constant 1 : i32
    %dma_start3A_38 = arith.constant 0 : i32
    %dma_start3A_39 = arith.constant 0 : i32
    %dma_start3A_40 = tpu.memref_slice %arg6[%dma_start3A_37, %dma_start3A_38, %dma_start3A_39] : memref<3x8x1024xf32, #tpu.memory_space<vmem>> -> memref<1x8x1024xf32, #tpu.memory_space<vmem>>
    %dma_start3A_41 = tpu.memref_squeeze %dma_start3A_40 : memref<1x8x1024xf32, #tpu.memory_space<vmem>> -> memref<8x1024xf32, #tpu.memory_space<vmem>>
    %dma_start3A_42 = arith.constant 0 : i32
    %dma_start3A_43 = tpu.memref_slice %arg3[%multiple_of3A_36, %dma_start3A_42] : memref<8192x1024xf32, #tpu.memory_space<hbm>> -> memref<8x1024xf32, #tpu.memory_space<hbm>>
    %dma_start3A_44 = arith.constant 0 : i32
    %dma_start3A_45 = arith.constant 0 : i32
    %dma_start3A_46 = tpu.memref_slice %arg6[%dma_start3A_37, %dma_start3A_44, %dma_start3A_45] : memref<3x8x1024xf32, #tpu.memory_space<vmem>> -> memref<1x8x1024xf32, #tpu.memory_space<vmem>>
    %dma_start3A_47 = tpu.memref_squeeze %dma_start3A_46 : memref<1x8x1024xf32, #tpu.memory_space<vmem>> -> memref<8x1024xf32, #tpu.memory_space<vmem>>
    %dma_start3A_48 = arith.constant 0 : i32
    %dma_start3A_49 = tpu.memref_slice %arg3[%multiple_of3A_36, %dma_start3A_48] : memref<8192x1024xf32, #tpu.memory_space<hbm>> -> memref<8x1024xf32, #tpu.memory_space<hbm>>
    tpu.enqueue_dma source(%dma_start3A_49 : memref<8x1024xf32, #tpu.memory_space<hbm>>) target(%dma_start3A_47 : memref<8x1024xf32, #tpu.memory_space<vmem>>) target_semaphore(%arg8 : memref<!tpu.dma_semaphore, #tpu.memory_space<semaphore_mem>>)
    %dma_start3A_50 = arith.constant 1 : i32
    %dma_start3A_51 = arith.constant 0 : i32
    %dma_start3A_52 = arith.constant 0 : i32
    %dma_start3A_53 = arith.constant 0 : i32
    %dma_start3A_54 = tpu.memref_slice %arg5[%dma_start3A_50, %dma_start3A_51, %dma_start3A_52, %dma_start3A_53] : memref<3x4x8x1024xf32, #tpu.memory_space<vmem>> -> memref<1x4x8x1024xf32, #tpu.memory_space<vmem>>
    %dma_start3A_55 = tpu.memref_squeeze %dma_start3A_54 : memref<1x4x8x1024xf32, #tpu.memory_space<vmem>> -> memref<4x8x1024xf32, #tpu.memory_space<vmem>>
    %dma_start3A_56 = arith.constant 0 : i32
    %dma_start3A_57 = arith.constant 0 : i32
    %dma_start3A_58 = tpu.memref_slice %arg2[%dma_start3A_56, %multiple_of3A_36, %dma_start3A_57] : memref<4x8192x1024xf32, #tpu.memory_space<hbm>> -> memref<4x8x1024xf32, #tpu.memory_space<hbm>>
    %dma_start3A_59 = arith.constant 0 : i32
    %dma_start3A_60 = arith.constant 0 : i32
    %dma_start3A_61 = arith.constant 0 : i32
    %dma_start3A_62 = tpu.memref_slice %arg5[%dma_start3A_50, %dma_start3A_59, %dma_start3A_60, %dma_start3A_61] : memref<3x4x8x1024xf32, #tpu.memory_space<vmem>> -> memref<1x4x8x1024xf32, #tpu.memory_space<vmem>>
    %dma_start3A_63 = tpu.memref_squeeze %dma_start3A_62 : memref<1x4x8x1024xf32, #tpu.memory_space<vmem>> -> memref<4x8x1024xf32, #tpu.memory_space<vmem>>
    %dma_start3A_64 = arith.constant 0 : i32
    %dma_start3A_65 = arith.constant 0 : i32
    %dma_start3A_66 = tpu.memref_slice %arg2[%dma_start3A_64, %multiple_of3A_36, %dma_start3A_65] : memref<4x8192x1024xf32, #tpu.memory_space<hbm>> -> memref<4x8x1024xf32, #tpu.memory_space<hbm>>
    tpu.enqueue_dma source(%dma_start3A_66 : memref<4x8x1024xf32, #tpu.memory_space<hbm>>) target(%dma_start3A_63 : memref<4x8x1024xf32, #tpu.memory_space<vmem>>) target_semaphore(%arg8 : memref<!tpu.dma_semaphore, #tpu.memory_space<semaphore_mem>>)
    %add3A_67 = arith.constant 16 : i32
    %add3A_68 = arith.addi %mul3A_2, %add3A_67 : i32
    %multiple_of3A_69 = tpu.assume_multiple %add3A_68, 8 : i32
    %dma_start3A_70 = arith.constant 2 : i32
    %dma_start3A_71 = arith.constant 0 : i32
    %dma_start3A_72 = arith.constant 0 : i32
    %dma_start3A_73 = tpu.memref_slice %arg6[%dma_start3A_70, %dma_start3A_71, %dma_start3A_72] : memref<3x8x1024xf32, #tpu.memory_space<vmem>> -> memref<1x8x1024xf32, #tpu.memory_space<vmem>>
    %dma_start3A_74 = tpu.memref_squeeze %dma_start3A_73 : memref<1x8x1024xf32, #tpu.memory_space<vmem>> -> memref<8x1024xf32, #tpu.memory_space<vmem>>
    %dma_start3A_75 = arith.constant 0 : i32
    %dma_start3A_76 = tpu.memref_slice %arg3[%multiple_of3A_69, %dma_start3A_75] : memref<8192x1024xf32, #tpu.memory_space<hbm>> -> memref<8x1024xf32, #tpu.memory_space<hbm>>
    %dma_start3A_77 = arith.constant 0 : i32
    %dma_start3A_78 = arith.constant 0 : i32
    %dma_start3A_79 = tpu.memref_slice %arg6[%dma_start3A_70, %dma_start3A_77, %dma_start3A_78] : memref<3x8x1024xf32, #tpu.memory_space<vmem>> -> memref<1x8x1024xf32, #tpu.memory_space<vmem>>
    %dma_start3A_80 = tpu.memref_squeeze %dma_start3A_79 : memref<1x8x1024xf32, #tpu.memory_space<vmem>> -> memref<8x1024xf32, #tpu.memory_space<vmem>>
    %dma_start3A_81 = arith.constant 0 : i32
    %dma_start3A_82 = tpu.memref_slice %arg3[%multiple_of3A_69, %dma_start3A_81] : memref<8192x1024xf32, #tpu.memory_space<hbm>> -> memref<8x1024xf32, #tpu.memory_space<hbm>>
    tpu.enqueue_dma source(%dma_start3A_82 : memref<8x1024xf32, #tpu.memory_space<hbm>>) target(%dma_start3A_80 : memref<8x1024xf32, #tpu.memory_space<vmem>>) target_semaphore(%arg9 : memref<!tpu.dma_semaphore, #tpu.memory_space<semaphore_mem>>)
    %dma_start3A_83 = arith.constant 2 : i32
    %dma_start3A_84 = arith.constant 0 : i32
    %dma_start3A_85 = arith.constant 0 : i32
    %dma_start3A_86 = arith.constant 0 : i32
    %dma_start3A_87 = tpu.memref_slice %arg5[%dma_start3A_83, %dma_start3A_84, %dma_start3A_85, %dma_start3A_86] : memref<3x4x8x1024xf32, #tpu.memory_space<vmem>> -> memref<1x4x8x1024xf32, #tpu.memory_space<vmem>>
    %dma_start3A_88 = tpu.memref_squeeze %dma_start3A_87 : memref<1x4x8x1024xf32, #tpu.memory_space<vmem>> -> memref<4x8x1024xf32, #tpu.memory_space<vmem>>
    %dma_start3A_89 = arith.constant 0 : i32
    %dma_start3A_90 = arith.constant 0 : i32
    %dma_start3A_91 = tpu.memref_slice %arg2[%dma_start3A_89, %multiple_of3A_69, %dma_start3A_90] : memref<4x8192x1024xf32, #tpu.memory_space<hbm>> -> memref<4x8x1024xf32, #tpu.memory_space<hbm>>
    %dma_start3A_92 = arith.constant 0 : i32
    %dma_start3A_93 = arith.constant 0 : i32
    %dma_start3A_94 = arith.constant 0 : i32
    %dma_start3A_95 = tpu.memref_slice %arg5[%dma_start3A_83, %dma_start3A_92, %dma_start3A_93, %dma_start3A_94] : memref<3x4x8x1024xf32, #tpu.memory_space<vmem>> -> memref<1x4x8x1024xf32, #tpu.memory_space<vmem>>
    %dma_start3A_96 = tpu.memref_squeeze %dma_start3A_95 : memref<1x4x8x1024xf32, #tpu.memory_space<vmem>> -> memref<4x8x1024xf32, #tpu.memory_space<vmem>>
    %dma_start3A_97 = arith.constant 0 : i32
    %dma_start3A_98 = arith.constant 0 : i32
    %dma_start3A_99 = tpu.memref_slice %arg2[%dma_start3A_97, %multiple_of3A_69, %dma_start3A_98] : memref<4x8192x1024xf32, #tpu.memory_space<hbm>> -> memref<4x8x1024xf32, #tpu.memory_space<hbm>>
    tpu.enqueue_dma source(%dma_start3A_99 : memref<4x8x1024xf32, #tpu.memory_space<hbm>>) target(%dma_start3A_96 : memref<4x8x1024xf32, #tpu.memory_space<vmem>>) target_semaphore(%arg9 : memref<!tpu.dma_semaphore, #tpu.memory_space<semaphore_mem>>)
    %scan3A = arith.constant 0 : i32
    %scan3A_100 = arith.constant 0 : i32
    %scan3A_101 = arith.constant 11 : i32
    %scan3A_102 = arith.addi %scan3A_100, %scan3A_101 : i32
    %scan3A_103 = arith.constant 1 : i32
    scf.for %scan3A_164 = %scan3A_100 to %scan3A_102 step %scan3A_103  : i32 {
      %mul3A_165 = arith.constant 3 : i32
      %mul3A_166 = arith.muli %mul3A_165, %scan3A_164 : i32
      %add3A_167 = arith.constant 0 : i32
      %add3A_168 = arith.addi %mul3A_166, %add3A_167 : i32
      %lt3A = arith.constant 32 : i32
      %lt3A_169 = arith.cmpi slt, %add3A_168, %lt3A : i32
      %convert_element_type3A = arith.extui %lt3A_169 : i1 to i32
      %cond3A = arith.constant 0 : i32
      %cond3A_170 = arith.cmpi ne, %convert_element_type3A, %cond3A : i32
      scf.if %cond3A_170 {
        %mul3A_189 = arith.constant 8 : i32
        %mul3A_190 = arith.muli %add3A_168, %mul3A_189 : i32
        %add3A_191 = arith.addi %mul3A_2, %mul3A_190 : i32
        %multiple_of3A_192 = tpu.assume_multiple %add3A_191, 8 : i32
        %dma_wait3A_193 = arith.constant 0 : i32
        %dma_wait3A_194 = arith.constant 0 : i32
        %dma_wait3A_195 = arith.constant 0 : i32
        %dma_wait3A_196 = tpu.memref_slice %arg6[%dma_wait3A_193, %dma_wait3A_194, %dma_wait3A_195] : memref<3x8x1024xf32, #tpu.memory_space<vmem>> -> memref<1x8x1024xf32, #tpu.memory_space<vmem>>
        %dma_wait3A_197 = tpu.memref_squeeze %dma_wait3A_196 : memref<1x8x1024xf32, #tpu.memory_space<vmem>> -> memref<8x1024xf32, #tpu.memory_space<vmem>>
        %dma_wait3A_198 = arith.constant 0 : i32
        %dma_wait3A_199 = tpu.memref_slice %arg3[%multiple_of3A_192, %dma_wait3A_198] : memref<8192x1024xf32, #tpu.memory_space<hbm>> -> memref<8x1024xf32, #tpu.memory_space<hbm>>
        %dma_wait3A_200 = arith.constant 0 : i32
        %dma_wait3A_201 = arith.constant 0 : i32
        %dma_wait3A_202 = tpu.memref_slice %arg6[%dma_wait3A_193, %dma_wait3A_200, %dma_wait3A_201] : memref<3x8x1024xf32, #tpu.memory_space<vmem>> -> memref<1x8x1024xf32, #tpu.memory_space<vmem>>
        %dma_wait3A_203 = tpu.memref_squeeze %dma_wait3A_202 : memref<1x8x1024xf32, #tpu.memory_space<vmem>> -> memref<8x1024xf32, #tpu.memory_space<vmem>>
        %dma_wait3A_204 = arith.constant 0 : i32
        %dma_wait3A_205 = tpu.memref_slice %arg3[%multiple_of3A_192, %dma_wait3A_204] : memref<8192x1024xf32, #tpu.memory_space<hbm>> -> memref<8x1024xf32, #tpu.memory_space<hbm>>
        tpu.wait_dma2 semaphore(%arg7 : memref<!tpu.dma_semaphore, #tpu.memory_space<semaphore_mem>>) src(%dma_wait3A_205 : memref<8x1024xf32, #tpu.memory_space<hbm>>) dst(%dma_wait3A_203 : memref<8x1024xf32, #tpu.memory_space<vmem>>)
        %dma_wait3A_206 = arith.constant 0 : i32
        %dma_wait3A_207 = arith.constant 0 : i32
        %dma_wait3A_208 = arith.constant 0 : i32
        %dma_wait3A_209 = arith.constant 0 : i32
        %dma_wait3A_210 = tpu.memref_slice %arg5[%dma_wait3A_206, %dma_wait3A_207, %dma_wait3A_208, %dma_wait3A_209] : memref<3x4x8x1024xf32, #tpu.memory_space<vmem>> -> memref<1x4x8x1024xf32, #tpu.memory_space<vmem>>
        %dma_wait3A_211 = tpu.memref_squeeze %dma_wait3A_210 : memref<1x4x8x1024xf32, #tpu.memory_space<vmem>> -> memref<4x8x1024xf32, #tpu.memory_space<vmem>>
        %dma_wait3A_212 = arith.constant 0 : i32
        %dma_wait3A_213 = arith.constant 0 : i32
        %dma_wait3A_214 = tpu.memref_slice %arg2[%dma_wait3A_212, %multiple_of3A_192, %dma_wait3A_213] : memref<4x8192x1024xf32, #tpu.memory_space<hbm>> -> memref<4x8x1024xf32, #tpu.memory_space<hbm>>
        %dma_wait3A_215 = arith.constant 0 : i32
        %dma_wait3A_216 = arith.constant 0 : i32
        %dma_wait3A_217 = arith.constant 0 : i32
        %dma_wait3A_218 = tpu.memref_slice %arg5[%dma_wait3A_206, %dma_wait3A_215, %dma_wait3A_216, %dma_wait3A_217] : memref<3x4x8x1024xf32, #tpu.memory_space<vmem>> -> memref<1x4x8x1024xf32, #tpu.memory_space<vmem>>
        %dma_wait3A_219 = tpu.memref_squeeze %dma_wait3A_218 : memref<1x4x8x1024xf32, #tpu.memory_space<vmem>> -> memref<4x8x1024xf32, #tpu.memory_space<vmem>>
        %dma_wait3A_220 = arith.constant 0 : i32
        %dma_wait3A_221 = arith.constant 0 : i32
        %dma_wait3A_222 = tpu.memref_slice %arg2[%dma_wait3A_220, %multiple_of3A_192, %dma_wait3A_221] : memref<4x8192x1024xf32, #tpu.memory_space<hbm>> -> memref<4x8x1024xf32, #tpu.memory_space<hbm>>
        tpu.wait_dma2 semaphore(%arg7 : memref<!tpu.dma_semaphore, #tpu.memory_space<semaphore_mem>>) src(%dma_wait3A_222 : memref<4x8x1024xf32, #tpu.memory_space<hbm>>) dst(%dma_wait3A_219 : memref<4x8x1024xf32, #tpu.memory_space<vmem>>)
        %parallel_loop3A = arith.constant 0 : i32
        %parallel_loop3A_223 = arith.constant 1024 : i32
        %parallel_loop3A_224 = arith.constant 16 : i32
        %parallel_loop3A_225 = arith.constant 0 : i32
        %parallel_loop3A_226 = arith.constant 0 : i32
        %parallel_loop3A_227 = arith.constant 0 : i32
        %parallel_loop3A_228 = arith.constant 0 : i32
        %parallel_loop3A_229 = arith.constant 1 : i32
        %parallel_loop3A_230 = arith.constant 0 : i32
        %parallel_loop3A_231 = arith.constant 2 : i32
        %parallel_loop3A_232 = arith.constant 0 : i32
        %parallel_loop3A_233 = arith.constant 3 : i32
        scf.for %parallel_loop3A_264 = %parallel_loop3A to %parallel_loop3A_223 step %parallel_loop3A_224  : i32 {
          %parallel_loop3A_265 = arith.constant 0 : i32
          %parallel_loop3A_266 = arith.constant 0 : i32
          %parallel_loop3A_267 = arith.constant 0 : i32
          %parallel_loop3A_268 = tpu.memref_slice %arg6[%parallel_loop3A_225, %parallel_loop3A_266, %parallel_loop3A_267] : memref<3x8x1024xf32, #tpu.memory_space<vmem>> -> memref<1x8x1024xf32, #tpu.memory_space<vmem>>
          %parallel_loop3A_269 = tpu.memref_squeeze %parallel_loop3A_268 : memref<1x8x1024xf32, #tpu.memory_space<vmem>> -> memref<8x1024xf32, #tpu.memory_space<vmem>>
          %parallel_loop3A_270 = arith.index_cast %parallel_loop3A_265 : i32 to index
          %parallel_loop3A_271 = arith.index_cast %parallel_loop3A_264 : i32 to index
          %parallel_loop3A_272 = tpu.vector_load %parallel_loop3A_269[%parallel_loop3A_270, %parallel_loop3A_271] {strides = array<i32>} : memref<8x1024xf32, #tpu.memory_space<vmem>>, vector<1x16xf32>,
          %parallel_loop3A_273 = vector.shape_cast %parallel_loop3A_272 : vector<1x16xf32> to vector<16xf32>
          %parallel_loop3A_274 = arith.constant 0 : i32
          %parallel_loop3A_275 = arith.constant 0 : i32
          %parallel_loop3A_276 = arith.constant 0 : i32
          %parallel_loop3A_277 = tpu.memref_slice %arg5[%parallel_loop3A_226, %parallel_loop3A_227, %parallel_loop3A_275, %parallel_loop3A_276] : memref<3x4x8x1024xf32, #tpu.memory_space<vmem>> -> memref<1x1x8x1024xf32, #tpu.memory_space<vmem>>
          %parallel_loop3A_278 = tpu.memref_squeeze %parallel_loop3A_277 : memref<1x1x8x1024xf32, #tpu.memory_space<vmem>> -> memref<8x1024xf32, #tpu.memory_space<vmem>>
          %parallel_loop3A_279 = arith.index_cast %parallel_loop3A_274 : i32 to index
          %parallel_loop3A_280 = arith.index_cast %parallel_loop3A_264 : i32 to index
          %parallel_loop3A_281 = tpu.vector_load %parallel_loop3A_278[%parallel_loop3A_279, %parallel_loop3A_280] {strides = array<i32>} : memref<8x1024xf32, #tpu.memory_space<vmem>>, vector<1x16xf32>,
          %parallel_loop3A_282 = vector.shape_cast %parallel_loop3A_281 : vector<1x16xf32> to vector<16xf32>
          %parallel_loop3A_283 = arith.addf %parallel_loop3A_282, %parallel_loop3A_273 : vector<16xf32>
          %parallel_loop3A_284 = arith.constant 0 : i32
          %parallel_loop3A_285 = arith.constant 0 : i32
          %parallel_loop3A_286 = arith.constant 0 : i32
          %parallel_loop3A_287 = tpu.memref_slice %arg5[%parallel_loop3A_226, %parallel_loop3A_227, %parallel_loop3A_285, %parallel_loop3A_286] : memref<3x4x8x1024xf32, #tpu.memory_space<vmem>> -> memref<1x1x8x1024xf32, #tpu.memory_space<vmem>>
          %parallel_loop3A_288 = tpu.memref_squeeze %parallel_loop3A_287 : memref<1x1x8x1024xf32, #tpu.memory_space<vmem>> -> memref<8x1024xf32, #tpu.memory_space<vmem>>
          %parallel_loop3A_289 = arith.index_cast %parallel_loop3A_284 : i32 to index
          %parallel_loop3A_290 = arith.index_cast %parallel_loop3A_264 : i32 to index
          %parallel_loop3A_291 = tpu.vector_load %parallel_loop3A_288[%parallel_loop3A_289, %parallel_loop3A_290] {strides = array<i32>} : memref<8x1024xf32, #tpu.memory_space<vmem>>, vector<1x16xf32>,
          %parallel_loop3A_292 = vector.shape_cast %parallel_loop3A_291 : vector<1x16xf32> to vector<16xf32>
          %parallel_loop3A_293 = vector.shape_cast %parallel_loop3A_283 : vector<16xf32> to vector<1x16xf32>
          tpu.vector_store %parallel_loop3A_288[%parallel_loop3A_289, %parallel_loop3A_290], %parallel_loop3A_293 {strides = array<i32>} : memref<8x1024xf32, #tpu.memory_space<vmem>>, vector<1x16xf32>,
          %parallel_loop3A_294 = arith.constant 0 : i32
          %parallel_loop3A_295 = arith.constant 0 : i32
          %parallel_loop3A_296 = arith.constant 0 : i32
          %parallel_loop3A_297 = tpu.memref_slice %arg5[%parallel_loop3A_228, %parallel_loop3A_229, %parallel_loop3A_295, %parallel_loop3A_296] : memref<3x4x8x1024xf32, #tpu.memory_space<vmem>> -> memref<1x1x8x1024xf32, #tpu.memory_space<vmem>>
          %parallel_loop3A_298 = tpu.memref_squeeze %parallel_loop3A_297 : memref<1x1x8x1024xf32, #tpu.memory_space<vmem>> -> memref<8x1024xf32, #tpu.memory_space<vmem>>
          %parallel_loop3A_299 = arith.index_cast %parallel_loop3A_294 : i32 to index
          %parallel_loop3A_300 = arith.index_cast %parallel_loop3A_264 : i32 to index
          %parallel_loop3A_301 = tpu.vector_load %parallel_loop3A_298[%parallel_loop3A_299, %parallel_loop3A_300] {strides = array<i32>} : memref<8x1024xf32, #tpu.memory_space<vmem>>, vector<1x16xf32>,
          %parallel_loop3A_302 = vector.shape_cast %parallel_loop3A_301 : vector<1x16xf32> to vector<16xf32>
          %parallel_loop3A_303 = arith.addf %parallel_loop3A_302, %parallel_loop3A_273 : vector<16xf32>
          %parallel_loop3A_304 = arith.constant 0 : i32
          %parallel_loop3A_305 = arith.constant 0 : i32
          %parallel_loop3A_306 = arith.constant 0 : i32
          %parallel_loop3A_307 = tpu.memref_slice %arg5[%parallel_loop3A_228, %parallel_loop3A_229, %parallel_loop3A_305, %parallel_loop3A_306] : memref<3x4x8x1024xf32, #tpu.memory_space<vmem>> -> memref<1x1x8x1024xf32, #tpu.memory_space<vmem>>
          %parallel_loop3A_308 = tpu.memref_squeeze %parallel_loop3A_307 : memref<1x1x8x1024xf32, #tpu.memory_space<vmem>> -> memref<8x1024xf32, #tpu.memory_space<vmem>>
          %parallel_loop3A_309 = arith.index_cast %parallel_loop3A_304 : i32 to index
          %parallel_loop3A_310 = arith.index_cast %parallel_loop3A_264 : i32 to index
          %parallel_loop3A_311 = tpu.vector_load %parallel_loop3A_308[%parallel_loop3A_309, %parallel_loop3A_310] {strides = array<i32>} : memref<8x1024xf32, #tpu.memory_space<vmem>>, vector<1x16xf32>,
          %parallel_loop3A_312 = vector.shape_cast %parallel_loop3A_311 : vector<1x16xf32> to vector<16xf32>
          %parallel_loop3A_313 = vector.shape_cast %parallel_loop3A_303 : vector<16xf32> to vector<1x16xf32>
          tpu.vector_store %parallel_loop3A_308[%parallel_loop3A_309, %parallel_loop3A_310], %parallel_loop3A_313 {strides = array<i32>} : memref<8x1024xf32, #tpu.memory_space<vmem>>, vector<1x16xf32>,
          %parallel_loop3A_314 = arith.constant 0 : i32
          %parallel_loop3A_315 = arith.constant 0 : i32
          %parallel_loop3A_316 = arith.constant 0 : i32
          %parallel_loop3A_317 = tpu.memref_slice %arg5[%parallel_loop3A_230, %parallel_loop3A_231, %parallel_loop3A_315, %parallel_loop3A_316] : memref<3x4x8x1024xf32, #tpu.memory_space<vmem>> -> memref<1x1x8x1024xf32, #tpu.memory_space<vmem>>
          %parallel_loop3A_318 = tpu.memref_squeeze %parallel_loop3A_317 : memref<1x1x8x1024xf32, #tpu.memory_space<vmem>> -> memref<8x1024xf32, #tpu.memory_space<vmem>>
          %parallel_loop3A_319 = arith.index_cast %parallel_loop3A_314 : i32 to index
          %parallel_loop3A_320 = arith.index_cast %parallel_loop3A_264 : i32 to index
          %parallel_loop3A_321 = tpu.vector_load %parallel_loop3A_318[%parallel_loop3A_319, %parallel_loop3A_320] {strides = array<i32>} : memref<8x1024xf32, #tpu.memory_space<vmem>>, vector<1x16xf32>,
          %parallel_loop3A_322 = vector.shape_cast %parallel_loop3A_321 : vector<1x16xf32> to vector<16xf32>
          %parallel_loop3A_323 = arith.addf %parallel_loop3A_322, %parallel_loop3A_273 : vector<16xf32>
          %parallel_loop3A_324 = arith.constant 0 : i32
          %parallel_loop3A_325 = arith.constant 0 : i32
          %parallel_loop3A_326 = arith.constant 0 : i32
          %parallel_loop3A_327 = tpu.memref_slice %arg5[%parallel_loop3A_230, %parallel_loop3A_231, %parallel_loop3A_325, %parallel_loop3A_326] : memref<3x4x8x1024xf32, #tpu.memory_space<vmem>> -> memref<1x1x8x1024xf32, #tpu.memory_space<vmem>>
          %parallel_loop3A_328 = tpu.memref_squeeze %parallel_loop3A_327 : memref<1x1x8x1024xf32, #tpu.memory_space<vmem>> -> memref<8x1024xf32, #tpu.memory_space<vmem>>
          %parallel_loop3A_329 = arith.index_cast %parallel_loop3A_324 : i32 to index
          %parallel_loop3A_330 = arith.index_cast %parallel_loop3A_264 : i32 to index
          %parallel_loop3A_331 = tpu.vector_load %parallel_loop3A_328[%parallel_loop3A_329, %parallel_loop3A_330] {strides = array<i32>} : memref<8x1024xf32, #tpu.memory_space<vmem>>, vector<1x16xf32>,
          %parallel_loop3A_332 = vector.shape_cast %parallel_loop3A_331 : vector<1x16xf32> to vector<16xf32>
          %parallel_loop3A_333 = vector.shape_cast %parallel_loop3A_323 : vector<16xf32> to vector<1x16xf32>
          tpu.vector_store %parallel_loop3A_328[%parallel_loop3A_329, %parallel_loop3A_330], %parallel_loop3A_333 {strides = array<i32>} : memref<8x1024xf32, #tpu.memory_space<vmem>>, vector<1x16xf32>,
          %parallel_loop3A_334 = arith.constant 0 : i32
          %parallel_loop3A_335 = arith.constant 0 : i32
          %parallel_loop3A_336 = arith.constant 0 : i32
          %parallel_loop3A_337 = tpu.memref_slice %arg5[%parallel_loop3A_232, %parallel_loop3A_233, %parallel_loop3A_335, %parallel_loop3A_336] : memref<3x4x8x1024xf32, #tpu.memory_space<vmem>> -> memref<1x1x8x1024xf32, #tpu.memory_space<vmem>>
          %parallel_loop3A_338 = tpu.memref_squeeze %parallel_loop3A_337 : memref<1x1x8x1024xf32, #tpu.memory_space<vmem>> -> memref<8x1024xf32, #tpu.memory_space<vmem>>
          %parallel_loop3A_339 = arith.index_cast %parallel_loop3A_334 : i32 to index
          %parallel_loop3A_340 = arith.index_cast %parallel_loop3A_264 : i32 to index
          %parallel_loop3A_341 = tpu.vector_load %parallel_loop3A_338[%parallel_loop3A_339, %parallel_loop3A_340] {strides = array<i32>} : memref<8x1024xf32, #tpu.memory_space<vmem>>, vector<1x16xf32>,
          %parallel_loop3A_342 = vector.shape_cast %parallel_loop3A_341 : vector<1x16xf32> to vector<16xf32>
          %parallel_loop3A_343 = arith.addf %parallel_loop3A_342, %parallel_loop3A_273 : vector<16xf32>
          %parallel_loop3A_344 = arith.constant 0 : i32
          %parallel_loop3A_345 = arith.constant 0 : i32
          %parallel_loop3A_346 = arith.constant 0 : i32
          %parallel_loop3A_347 = tpu.memref_slice %arg5[%parallel_loop3A_232, %parallel_loop3A_233, %parallel_loop3A_345, %parallel_loop3A_346] : memref<3x4x8x1024xf32, #tpu.memory_space<vmem>> -> memref<1x1x8x1024xf32, #tpu.memory_space<vmem>>
          %parallel_loop3A_348 = tpu.memref_squeeze %parallel_loop3A_347 : memref<1x1x8x1024xf32, #tpu.memory_space<vmem>> -> memref<8x1024xf32, #tpu.memory_space<vmem>>
          %parallel_loop3A_349 = arith.index_cast %parallel_loop3A_344 : i32 to index
          %parallel_loop3A_350 = arith.index_cast %parallel_loop3A_264 : i32 to index
          %parallel_loop3A_351 = tpu.vector_load %parallel_loop3A_348[%parallel_loop3A_349, %parallel_loop3A_350] {strides = array<i32>} : memref<8x1024xf32, #tpu.memory_space<vmem>>, vector<1x16xf32>,
          %parallel_loop3A_352 = vector.shape_cast %parallel_loop3A_351 : vector<1x16xf32> to vector<16xf32>
          %parallel_loop3A_353 = vector.shape_cast %parallel_loop3A_343 : vector<16xf32> to vector<1x16xf32>
          tpu.vector_store %parallel_loop3A_348[%parallel_loop3A_349, %parallel_loop3A_350], %parallel_loop3A_353 {strides = array<i32>} : memref<8x1024xf32, #tpu.memory_space<vmem>>, vector<1x16xf32>,
          %parallel_loop3A_354 = arith.constant 1 : i32
          %parallel_loop3A_355 = arith.constant 0 : i32
          %parallel_loop3A_356 = arith.constant 0 : i32
          %parallel_loop3A_357 = tpu.memref_slice %arg6[%parallel_loop3A_225, %parallel_loop3A_355, %parallel_loop3A_356] : memref<3x8x1024xf32, #tpu.memory_space<vmem>> -> memref<1x8x1024xf32, #tpu.memory_space<vmem>>
          %parallel_loop3A_358 = tpu.memref_squeeze %parallel_loop3A_357 : memref<1x8x1024xf32, #tpu.memory_space<vmem>> -> memref<8x1024xf32, #tpu.memory_space<vmem>>
          %parallel_loop3A_359 = arith.index_cast %parallel_loop3A_354 : i32 to index
          %parallel_loop3A_360 = arith.index_cast %parallel_loop3A_264 : i32 to index
          %parallel_loop3A_361 = tpu.vector_load %parallel_loop3A_358[%parallel_loop3A_359, %parallel_loop3A_360] {strides = array<i32>} : memref<8x1024xf32, #tpu.memory_space<vmem>>, vector<1x16xf32>,
          %parallel_loop3A_362 = vector.shape_cast %parallel_loop3A_361 : vector<1x16xf32> to vector<16xf32>
          %parallel_loop3A_363 = arith.constant 1 : i32
          %parallel_loop3A_364 = arith.constant 0 : i32
          %parallel_loop3A_365 = arith.constant 0 : i32
          %parallel_loop3A_366 = tpu.memref_slice %arg5[%parallel_loop3A_226, %parallel_loop3A_227, %parallel_loop3A_364, %parallel_loop3A_365] : memref<3x4x8x1024xf32, #tpu.memory_space<vmem>> -> memref<1x1x8x1024xf32, #tpu.memory_space<vmem>>
          %parallel_loop3A_367 = tpu.memref_squeeze %parallel_loop3A_366 : memref<1x1x8x1024xf32, #tpu.memory_space<vmem>> -> memref<8x1024xf32, #tpu.memory_space<vmem>>
          %parallel_loop3A_368 = arith.index_cast %parallel_loop3A_363 : i32 to index
          %parallel_loop3A_369 = arith.index_cast %parallel_loop3A_264 : i32 to index
          %parallel_loop3A_370 = tpu.vector_load %parallel_loop3A_367[%parallel_loop3A_368, %parallel_loop3A_369] {strides = array<i32>} : memref<8x1024xf32, #tpu.memory_space<vmem>>, vector<1x16xf32>,
          %parallel_loop3A_371 = vector.shape_cast %parallel_loop3A_370 : vector<1x16xf32> to vector<16xf32>
          %parallel_loop3A_372 = arith.addf %parallel_loop3A_371, %parallel_loop3A_362 : vector<16xf32>
          %parallel_loop3A_373 = arith.constant 1 : i32
          %parallel_loop3A_374 = arith.constant 0 : i32
          %parallel_loop3A_375 = arith.constant 0 : i32
          %parallel_loop3A_376 = tpu.memref_slice %arg5[%parallel_loop3A_226, %parallel_loop3A_227, %parallel_loop3A_374, %parallel_loop3A_375] : memref<3x4x8x1024xf32, #tpu.memory_space<vmem>> -> memref<1x1x8x1024xf32, #tpu.memory_space<vmem>>
          %parallel_loop3A_377 = tpu.memref_squeeze %parallel_loop3A_376 : memref<1x1x8x1024xf32, #tpu.memory_space<vmem>> -> memref<8x1024xf32, #tpu.memory_space<vmem>>
          %parallel_loop3A_378 = arith.index_cast %parallel_loop3A_373 : i32 to index
          %parallel_loop3A_379 = arith.index_cast %parallel_loop3A_264 : i32 to index
          %parallel_loop3A_380 = tpu.vector_load %parallel_loop3A_377[%parallel_loop3A_378, %parallel_loop3A_379] {strides = array<i32>} : memref<8x1024xf32, #tpu.memory_space<vmem>>, vector<1x16xf32>,
          %parallel_loop3A_381 = vector.shape_cast %parallel_loop3A_380 : vector<1x16xf32> to vector<16xf32>
          %parallel_loop3A_382 = vector.shape_cast %parallel_loop3A_372 : vector<16xf32> to vector<1x16xf32>
          tpu.vector_store %parallel_loop3A_377[%parallel_loop3A_378, %parallel_loop3A_379], %parallel_loop3A_382 {strides = array<i32>} : memref<8x1024xf32, #tpu.memory_space<vmem>>, vector<1x16xf32>,
          %parallel_loop3A_383 = arith.constant 1 : i32
          %parallel_loop3A_384 = arith.constant 0 : i32
          %parallel_loop3A_385 = arith.constant 0 : i32
          %parallel_loop3A_386 = tpu.memref_slice %arg5[%parallel_loop3A_228, %parallel_loop3A_229, %parallel_loop3A_384, %parallel_loop3A_385] : memref<3x4x8x1024xf32, #tpu.memory_space<vmem>> -> memref<1x1x8x1024xf32, #tpu.memory_space<vmem>>
          %parallel_loop3A_387 = tpu.memref_squeeze %parallel_loop3A_386 : memref<1x1x8x1024xf32, #tpu.memory_space<vmem>> -> memref<8x1024xf32, #tpu.memory_space<vmem>>
          %parallel_loop3A_388 = arith.index_cast %parallel_loop3A_383 : i32 to index
          %parallel_loop3A_389 = arith.index_cast %parallel_loop3A_264 : i32 to index
          %parallel_loop3A_390 = tpu.vector_load %parallel_loop3A_387[%parallel_loop3A_388, %parallel_loop3A_389] {strides = array<i32>} : memref<8x1024xf32, #tpu.memory_space<vmem>>, vector<1x16xf32>,
          %parallel_loop3A_391 = vector.shape_cast %parallel_loop3A_390 : vector<1x16xf32> to vector<16xf32>
          %parallel_loop3A_392 = arith.addf %parallel_loop3A_391, %parallel_loop3A_362 : vector<16xf32>
          %parallel_loop3A_393 = arith.constant 1 : i32
          %parallel_loop3A_394 = arith.constant 0 : i32
          %parallel_loop3A_395 = arith.constant 0 : i32
          %parallel_loop3A_396 = tpu.memref_slice %arg5[%parallel_loop3A_228, %parallel_loop3A_229, %parallel_loop3A_394, %parallel_loop3A_395] : memref<3x4x8x1024xf32, #tpu.memory_space<vmem>> -> memref<1x1x8x1024xf32, #tpu.memory_space<vmem>>
          %parallel_loop3A_397 = tpu.memref_squeeze %parallel_loop3A_396 : memref<1x1x8x1024xf32, #tpu.memory_space<vmem>> -> memref<8x1024xf32, #tpu.memory_space<vmem>>
          %parallel_loop3A_398 = arith.index_cast %parallel_loop3A_393 : i32 to index
          %parallel_loop3A_399 = arith.index_cast %parallel_loop3A_264 : i32 to index
          %parallel_loop3A_400 = tpu.vector_load %parallel_loop3A_397[%parallel_loop3A_398, %parallel_loop3A_399] {strides = array<i32>} : memref<8x1024xf32, #tpu.memory_space<vmem>>, vector<1x16xf32>,
          %parallel_loop3A_401 = vector.shape_cast %parallel_loop3A_400 : vector<1x16xf32> to vector<16xf32>
          %parallel_loop3A_402 = vector.shape_cast %parallel_loop3A_392 : vector<16xf32> to vector<1x16xf32>
          tpu.vector_store %parallel_loop3A_397[%parallel_loop3A_398, %parallel_loop3A_399], %parallel_loop3A_402 {strides = array<i32>} : memref<8x1024xf32, #tpu.memory_space<vmem>>, vector<1x16xf32>,
          %parallel_loop3A_403 = arith.constant 1 : i32
          %parallel_loop3A_404 = arith.constant 0 : i32
          %parallel_loop3A_405 = arith.constant 0 : i32
          %parallel_loop3A_406 = tpu.memref_slice %arg5[%parallel_loop3A_230, %parallel_loop3A_231, %parallel_loop3A_404, %parallel_loop3A_405] : memref<3x4x8x1024xf32, #tpu.memory_space<vmem>> -> memref<1x1x8x1024xf32, #tpu.memory_space<vmem>>
          %parallel_loop3A_407 = tpu.memref_squeeze %parallel_loop3A_406 : memref<1x1x8x1024xf32, #tpu.memory_space<vmem>> -> memref<8x1024xf32, #tpu.memory_space<vmem>>
          %parallel_loop3A_408 = arith.index_cast %parallel_loop3A_403 : i32 to index
          %parallel_loop3A_409 = arith.index_cast %parallel_loop3A_264 : i32 to index
          %parallel_loop3A_410 = tpu.vector_load %parallel_loop3A_407[%parallel_loop3A_408, %parallel_loop3A_409] {strides = array<i32>} : memref<8x1024xf32, #tpu.memory_space<vmem>>, vector<1x16xf32>,
          %parallel_loop3A_411 = vector.shape_cast %parallel_loop3A_410 : vector<1x16xf32> to vector<16xf32>
          %parallel_loop3A_412 = arith.addf %parallel_loop3A_411, %parallel_loop3A_362 : vector<16xf32>
          %parallel_loop3A_413 = arith.constant 1 : i32
          %parallel_loop3A_414 = arith.constant 0 : i32
          %parallel_loop3A_415 = arith.constant 0 : i32
          %parallel_loop3A_416 = tpu.memref_slice %arg5[%parallel_loop3A_230, %parallel_loop3A_231, %parallel_loop3A_414, %parallel_loop3A_415] : memref<3x4x8x1024xf32, #tpu.memory_space<vmem>> -> memref<1x1x8x1024xf32, #tpu.memory_space<vmem>>
          %parallel_loop3A_417 = tpu.memref_squeeze %parallel_loop3A_416 : memref<1x1x8x1024xf32, #tpu.memory_space<vmem>> -> memref<8x1024xf32, #tpu.memory_space<vmem>>
          %parallel_loop3A_418 = arith.index_cast %parallel_loop3A_413 : i32 to index
          %parallel_loop3A_419 = arith.index_cast %parallel_loop3A_264 : i32 to index
          %parallel_loop3A_420 = tpu.vector_load %parallel_loop3A_417[%parallel_loop3A_418, %parallel_loop3A_419] {strides = array<i32>} : memref<8x1024xf32, #tpu.memory_space<vmem>>, vector<1x16xf32>,
          %parallel_loop3A_421 = vector.shape_cast %parallel_loop3A_420 : vector<1x16xf32> to vector<16xf32>
          %parallel_loop3A_422 = vector.shape_cast %parallel_loop3A_412 : vector<16xf32> to vector<1x16xf32>
          tpu.vector_store %parallel_loop3A_417[%parallel_loop3A_418, %parallel_loop3A_419], %parallel_loop3A_422 {strides = array<i32>} : memref<8x1024xf32, #tpu.memory_space<vmem>>, vector<1x16xf32>,
          %parallel_loop3A_423 = arith.constant 1 : i32
          %parallel_loop3A_424 = arith.constant 0 : i32
          %parallel_loop3A_425 = arith.constant 0 : i32
          %parallel_loop3A_426 = tpu.memref_slice %arg5[%parallel_loop3A_232, %parallel_loop3A_233, %parallel_loop3A_424, %parallel_loop3A_425] : memref<3x4x8x1024xf32, #tpu.memory_space<vmem>> -> memref<1x1x8x1024xf32, #tpu.memory_space<vmem>>
          %parallel_loop3A_427 = tpu.memref_squeeze %parallel_loop3A_426 : memref<1x1x8x1024xf32, #tpu.memory_space<vmem>> -> memref<8x1024xf32, #tpu.memory_space<vmem>>
          %parallel_loop3A_428 = arith.index_cast %parallel_loop3A_423 : i32 to index
          %parallel_loop3A_429 = arith.index_cast %parallel_loop3A_264 : i32 to index
          %parallel_loop3A_430 = tpu.vector_load %parallel_loop3A_427[%parallel_loop3A_428, %parallel_loop3A_429] {strides = array<i32>} : memref<8x1024xf32, #tpu.memory_space<vmem>>, vector<1x16xf32>,
          %parallel_loop3A_431 = vector.shape_cast %parallel_loop3A_430 : vector<1x16xf32> to vector<16xf32>
          %parallel_loop3A_432 = arith.addf %parallel_loop3A_431, %parallel_loop3A_362 : vector<16xf32>
          %parallel_loop3A_433 = arith.constant 1 : i32
          %parallel_loop3A_434 = arith.constant 0 : i32
          %parallel_loop3A_435 = arith.constant 0 : i32
          %parallel_loop3A_436 = tpu.memref_slice %arg5[%parallel_loop3A_232, %parallel_loop3A_233, %parallel_loop3A_434, %parallel_loop3A_435] : memref<3x4x8x1024xf32, #tpu.memory_space<vmem>> -> memref<1x1x8x1024xf32, #tpu.memory_space<vmem>>
          %parallel_loop3A_437 = tpu.memref_squeeze %parallel_loop3A_436 : memref<1x1x8x1024xf32, #tpu.memory_space<vmem>> -> memref<8x1024xf32, #tpu.memory_space<vmem>>
          %parallel_loop3A_438 = arith.index_cast %parallel_loop3A_433 : i32 to index
          %parallel_loop3A_439 = arith.index_cast %parallel_loop3A_264 : i32 to index
          %parallel_loop3A_440 = tpu.vector_load %parallel_loop3A_437[%parallel_loop3A_438, %parallel_loop3A_439] {strides = array<i32>} : memref<8x1024xf32, #tpu.memory_space<vmem>>, vector<1x16xf32>,
          %parallel_loop3A_441 = vector.shape_cast %parallel_loop3A_440 : vector<1x16xf32> to vector<16xf32>
          %parallel_loop3A_442 = vector.shape_cast %parallel_loop3A_432 : vector<16xf32> to vector<1x16xf32>
          tpu.vector_store %parallel_loop3A_437[%parallel_loop3A_438, %parallel_loop3A_439], %parallel_loop3A_442 {strides = array<i32>} : memref<8x1024xf32, #tpu.memory_space<vmem>>, vector<1x16xf32>,
          %parallel_loop3A_443 = arith.constant 2 : i32
          %parallel_loop3A_444 = arith.constant 0 : i32
          %parallel_loop3A_445 = arith.constant 0 : i32
          %parallel_loop3A_446 = tpu.memref_slice %arg6[%parallel_loop3A_225, %parallel_loop3A_444, %parallel_loop3A_445] : memref<3x8x1024xf32, #tpu.memory_space<vmem>> -> memref<1x8x1024xf32, #tpu.memory_space<vmem>>
          %parallel_loop3A_447 = tpu.memref_squeeze %parallel_loop3A_446 : memref<1x8x1024xf32, #tpu.memory_space<vmem>> -> memref<8x1024xf32, #tpu.memory_space<vmem>>
          %parallel_loop3A_448 = arith.index_cast %parallel_loop3A_443 : i32 to index
          %parallel_loop3A_449 = arith.index_cast %parallel_loop3A_264 : i32 to index
          %parallel_loop3A_450 = tpu.vector_load %parallel_loop3A_447[%parallel_loop3A_448, %parallel_loop3A_449] {strides = array<i32>} : memref<8x1024xf32, #tpu.memory_space<vmem>>, vector<1x16xf32>,
          %parallel_loop3A_451 = vector.shape_cast %parallel_loop3A_450 : vector<1x16xf32> to vector<16xf32>
          %parallel_loop3A_452 = arith.constant 2 : i32
          %parallel_loop3A_453 = arith.constant 0 : i32
          %parallel_loop3A_454 = arith.constant 0 : i32
          %parallel_loop3A_455 = tpu.memref_slice %arg5[%parallel_loop3A_226, %parallel_loop3A_227, %parallel_loop3A_453, %parallel_loop3A_454] : memref<3x4x8x1024xf32, #tpu.memory_space<vmem>> -> memref<1x1x8x1024xf32, #tpu.memory_space<vmem>>
          %parallel_loop3A_456 = tpu.memref_squeeze %parallel_loop3A_455 : memref<1x1x8x1024xf32, #tpu.memory_space<vmem>> -> memref<8x1024xf32, #tpu.memory_space<vmem>>
          %parallel_loop3A_457 = arith.index_cast %parallel_loop3A_452 : i32 to index
          %parallel_loop3A_458 = arith.index_cast %parallel_loop3A_264 : i32 to index
          %parallel_loop3A_459 = tpu.vector_load %parallel_loop3A_456[%parallel_loop3A_457, %parallel_loop3A_458] {strides = array<i32>} : memref<8x1024xf32, #tpu.memory_space<vmem>>, vector<1x16xf32>,
          %parallel_loop3A_460 = vector.shape_cast %parallel_loop3A_459 : vector<1x16xf32> to vector<16xf32>
          %parallel_loop3A_461 = arith.addf %parallel_loop3A_460, %parallel_loop3A_451 : vector<16xf32>
          %parallel_loop3A_462 = arith.constant 2 : i32
          %parallel_loop3A_463 = arith.constant 0 : i32
          %parallel_loop3A_464 = arith.constant 0 : i32
          %parallel_loop3A_465 = tpu.memref_slice %arg5[%parallel_loop3A_226, %parallel_loop3A_227, %parallel_loop3A_463, %parallel_loop3A_464] : memref<3x4x8x1024xf32, #tpu.memory_space<vmem>> -> memref<1x1x8x1024xf32, #tpu.memory_space<vmem>>
          %parallel_loop3A_466 = tpu.memref_squeeze %parallel_loop3A_465 : memref<1x1x8x1024xf32, #tpu.memory_space<vmem>> -> memref<8x1024xf32, #tpu.memory_space<vmem>>
          %parallel_loop3A_467 = arith.index_cast %parallel_loop3A_462 : i32 to index
          %parallel_loop3A_468 = arith.index_cast %parallel_loop3A_264 : i32 to index
          %parallel_loop3A_469 = tpu.vector_load %parallel_loop3A_466[%parallel_loop3A_467, %parallel_loop3A_468] {strides = array<i32>} : memref<8x1024xf32, #tpu.memory_space<vmem>>, vector<1x16xf32>,
          %parallel_loop3A_470 = vector.shape_cast %parallel_loop3A_469 : vector<1x16xf32> to vector<16xf32>
          %parallel_loop3A_471 = vector.shape_cast %parallel_loop3A_461 : vector<16xf32> to vector<1x16xf32>
          tpu.vector_store %parallel_loop3A_466[%parallel_loop3A_467, %parallel_loop3A_468], %parallel_loop3A_471 {strides = array<i32>} : memref<8x1024xf32, #tpu.memory_space<vmem>>, vector<1x16xf32>,
          %parallel_loop3A_472 = arith.constant 2 : i32
          %parallel_loop3A_473 = arith.constant 0 : i32
          %parallel_loop3A_474 = arith.constant 0 : i32
          %parallel_loop3A_475 = tpu.memref_slice %arg5[%parallel_loop3A_228, %parallel_loop3A_229, %parallel_loop3A_473, %parallel_loop3A_474] : memref<3x4x8x1024xf32, #tpu.memory_space<vmem>> -> memref<1x1x8x1024xf32, #tpu.memory_space<vmem>>
          %parallel_loop3A_476 = tpu.memref_squeeze %parallel_loop3A_475 : memref<1x1x8x1024xf32, #tpu.memory_space<vmem>> -> memref<8x1024xf32, #tpu.memory_space<vmem>>
          %parallel_loop3A_477 = arith.index_cast %parallel_loop3A_472 : i32 to index
          %parallel_loop3A_478 = arith.index_cast %parallel_loop3A_264 : i32 to index
          %parallel_loop3A_479 = tpu.vector_load %parallel_loop3A_476[%parallel_loop3A_477, %parallel_loop3A_478] {strides = array<i32>} : memref<8x1024xf32, #tpu.memory_space<vmem>>, vector<1x16xf32>,
          %parallel_loop3A_480 = vector.shape_cast %parallel_loop3A_479 : vector<1x16xf32> to vector<16xf32>
          %parallel_loop3A_481 = arith.addf %parallel_loop3A_480, %parallel_loop3A_451 : vector<16xf32>
          %parallel_loop3A_482 = arith.constant 2 : i32
          %parallel_loop3A_483 = arith.constant 0 : i32
          %parallel_loop3A_484 = arith.constant 0 : i32
          %parallel_loop3A_485 = tpu.memref_slice %arg5[%parallel_loop3A_228, %parallel_loop3A_229, %parallel_loop3A_483, %parallel_loop3A_484] : memref<3x4x8x1024xf32, #tpu.memory_space<vmem>> -> memref<1x1x8x1024xf32, #tpu.memory_space<vmem>>
          %parallel_loop3A_486 = tpu.memref_squeeze %parallel_loop3A_485 : memref<1x1x8x1024xf32, #tpu.memory_space<vmem>> -> memref<8x1024xf32, #tpu.memory_space<vmem>>
          %parallel_loop3A_487 = arith.index_cast %parallel_loop3A_482 : i32 to index
          %parallel_loop3A_488 = arith.index_cast %parallel_loop3A_264 : i32 to index
          %parallel_loop3A_489 = tpu.vector_load %parallel_loop3A_486[%parallel_loop3A_487, %parallel_loop3A_488] {strides = array<i32>} : memref<8x1024xf32, #tpu.memory_space<vmem>>, vector<1x16xf32>,
          %parallel_loop3A_490 = vector.shape_cast %parallel_loop3A_489 : vector<1x16xf32> to vector<16xf32>
          %parallel_loop3A_491 = vector.shape_cast %parallel_loop3A_481 : vector<16xf32> to vector<1x16xf32>
          tpu.vector_store %parallel_loop3A_486[%parallel_loop3A_487, %parallel_loop3A_488], %parallel_loop3A_491 {strides = array<i32>} : memref<8x1024xf32, #tpu.memory_space<vmem>>, vector<1x16xf32>,
          %parallel_loop3A_492 = arith.constant 2 : i32
          %parallel_loop3A_493 = arith.constant 0 : i32
          %parallel_loop3A_494 = arith.constant 0 : i32
          %parallel_loop3A_495 = tpu.memref_slice %arg5[%parallel_loop3A_230, %parallel_loop3A_231, %parallel_loop3A_493, %parallel_loop3A_494] : memref<3x4x8x1024xf32, #tpu.memory_space<vmem>> -> memref<1x1x8x1024xf32, #tpu.memory_space<vmem>>
          %parallel_loop3A_496 = tpu.memref_squeeze %parallel_loop3A_495 : memref<1x1x8x1024xf32, #tpu.memory_space<vmem>> -> memref<8x1024xf32, #tpu.memory_space<vmem>>
          %parallel_loop3A_497 = arith.index_cast %parallel_loop3A_492 : i32 to index
          %parallel_loop3A_498 = arith.index_cast %parallel_loop3A_264 : i32 to index
          %parallel_loop3A_499 = tpu.vector_load %parallel_loop3A_496[%parallel_loop3A_497, %parallel_loop3A_498] {strides = array<i32>} : memref<8x1024xf32, #tpu.memory_space<vmem>>, vector<1x16xf32>,
          %parallel_loop3A_500 = vector.shape_cast %parallel_loop3A_499 : vector<1x16xf32> to vector<16xf32>
          %parallel_loop3A_501 = arith.addf %parallel_loop3A_500, %parallel_loop3A_451 : vector<16xf32>
          %parallel_loop3A_502 = arith.constant 2 : i32
          %parallel_loop3A_503 = arith.constant 0 : i32
          %parallel_loop3A_504 = arith.constant 0 : i32
          %parallel_loop3A_505 = tpu.memref_slice %arg5[%parallel_loop3A_230, %parallel_loop3A_231, %parallel_loop3A_503, %parallel_loop3A_504] : memref<3x4x8x1024xf32, #tpu.memory_space<vmem>> -> memref<1x1x8x1024xf32, #tpu.memory_space<vmem>>
          %parallel_loop3A_506 = tpu.memref_squeeze %parallel_loop3A_505 : memref<1x1x8x1024xf32, #tpu.memory_space<vmem>> -> memref<8x1024xf32, #tpu.memory_space<vmem>>
          %parallel_loop3A_507 = arith.index_cast %parallel_loop3A_502 : i32 to index
          %parallel_loop3A_508 = arith.index_cast %parallel_loop3A_264 : i32 to index
          %parallel_loop3A_509 = tpu.vector_load %parallel_loop3A_506[%parallel_loop3A_507, %parallel_loop3A_508] {strides = array<i32>} : memref<8x1024xf32, #tpu.memory_space<vmem>>, vector<1x16xf32>,
          %parallel_loop3A_510 = vector.shape_cast %parallel_loop3A_509 : vector<1x16xf32> to vector<16xf32>
          %parallel_loop3A_511 = vector.shape_cast %parallel_loop3A_501 : vector<16xf32> to vector<1x16xf32>
          tpu.vector_store %parallel_loop3A_506[%parallel_loop3A_507, %parallel_loop3A_508], %parallel_loop3A_511 {strides = array<i32>} : memref<8x1024xf32, #tpu.memory_space<vmem>>, vector<1x16xf32>,
          %parallel_loop3A_512 = arith.constant 2 : i32
          %parallel_loop3A_513 = arith.constant 0 : i32
          %parallel_loop3A_514 = arith.constant 0 : i32
          %parallel_loop3A_515 = tpu.memref_slice %arg5[%parallel_loop3A_232, %parallel_loop3A_233, %parallel_loop3A_513, %parallel_loop3A_514] : memref<3x4x8x1024xf32, #tpu.memory_space<vmem>> -> memref<1x1x8x1024xf32, #tpu.memory_space<vmem>>
          %parallel_loop3A_516 = tpu.memref_squeeze %parallel_loop3A_515 : memref<1x1x8x1024xf32, #tpu.memory_space<vmem>> -> memref<8x1024xf32, #tpu.memory_space<vmem>>
          %parallel_loop3A_517 = arith.index_cast %parallel_loop3A_512 : i32 to index
          %parallel_loop3A_518 = arith.index_cast %parallel_loop3A_264 : i32 to index
          %parallel_loop3A_519 = tpu.vector_load %parallel_loop3A_516[%parallel_loop3A_517, %parallel_loop3A_518] {strides = array<i32>} : memref<8x1024xf32, #tpu.memory_space<vmem>>, vector<1x16xf32>,
          %parallel_loop3A_520 = vector.shape_cast %parallel_loop3A_519 : vector<1x16xf32> to vector<16xf32>
          %parallel_loop3A_521 = arith.addf %parallel_loop3A_520, %parallel_loop3A_451 : vector<16xf32>
          %parallel_loop3A_522 = arith.constant 2 : i32
          %parallel_loop3A_523 = arith.constant 0 : i32
          %parallel_loop3A_524 = arith.constant 0 : i32
          %parallel_loop3A_525 = tpu.memref_slice %arg5[%parallel_loop3A_232, %parallel_loop3A_233, %parallel_loop3A_523, %parallel_loop3A_524] : memref<3x4x8x1024xf32, #tpu.memory_space<vmem>> -> memref<1x1x8x1024xf32, #tpu.memory_space<vmem>>
          %parallel_loop3A_526 = tpu.memref_squeeze %parallel_loop3A_525 : memref<1x1x8x1024xf32, #tpu.memory_space<vmem>> -> memref<8x1024xf32, #tpu.memory_space<vmem>>
          %parallel_loop3A_527 = arith.index_cast %parallel_loop3A_522 : i32 to index
          %parallel_loop3A_528 = arith.index_cast %parallel_loop3A_264 : i32 to index
          %parallel_loop3A_529 = tpu.vector_load %parallel_loop3A_526[%parallel_loop3A_527, %parallel_loop3A_528] {strides = array<i32>} : memref<8x1024xf32, #tpu.memory_space<vmem>>, vector<1x16xf32>,
          %parallel_loop3A_530 = vector.shape_cast %parallel_loop3A_529 : vector<1x16xf32> to vector<16xf32>
          %parallel_loop3A_531 = vector.shape_cast %parallel_loop3A_521 : vector<16xf32> to vector<1x16xf32>
          tpu.vector_store %parallel_loop3A_526[%parallel_loop3A_527, %parallel_loop3A_528], %parallel_loop3A_531 {strides = array<i32>} : memref<8x1024xf32, #tpu.memory_space<vmem>>, vector<1x16xf32>,
          %parallel_loop3A_532 = arith.constant 3 : i32
          %parallel_loop3A_533 = arith.constant 0 : i32
          %parallel_loop3A_534 = arith.constant 0 : i32
          %parallel_loop3A_535 = tpu.memref_slice %arg6[%parallel_loop3A_225, %parallel_loop3A_533, %parallel_loop3A_534] : memref<3x8x1024xf32, #tpu.memory_space<vmem>> -> memref<1x8x1024xf32, #tpu.memory_space<vmem>>
          %parallel_loop3A_536 = tpu.memref_squeeze %parallel_loop3A_535 : memref<1x8x1024xf32, #tpu.memory_space<vmem>> -> memref<8x1024xf32, #tpu.memory_space<vmem>>
          %parallel_loop3A_537 = arith.index_cast %parallel_loop3A_532 : i32 to index
          %parallel_loop3A_538 = arith.index_cast %parallel_loop3A_264 : i32 to index
          %parallel_loop3A_539 = tpu.vector_load %parallel_loop3A_536[%parallel_loop3A_537, %parallel_loop3A_538] {strides = array<i32>} : memref<8x1024xf32, #tpu.memory_space<vmem>>, vector<1x16xf32>,
          %parallel_loop3A_540 = vector.shape_cast %parallel_loop3A_539 : vector<1x16xf32> to vector<16xf32>
          %parallel_loop3A_541 = arith.constant 3 : i32
          %parallel_loop3A_542 = arith.constant 0 : i32
          %parallel_loop3A_543 = arith.constant 0 : i32
          %parallel_loop3A_544 = tpu.memref_slice %arg5[%parallel_loop3A_226, %parallel_loop3A_227, %parallel_loop3A_542, %parallel_loop3A_543] : memref<3x4x8x1024xf32, #tpu.memory_space<vmem>> -> memref<1x1x8x1024xf32, #tpu.memory_space<vmem>>
          %parallel_loop3A_545 = tpu.memref_squeeze %parallel_loop3A_544 : memref<1x1x8x1024xf32, #tpu.memory_space<vmem>> -> memref<8x1024xf32, #tpu.memory_space<vmem>>
          %parallel_loop3A_546 = arith.index_cast %parallel_loop3A_541 : i32 to index
          %parallel_loop3A_547 = arith.index_cast %parallel_loop3A_264 : i32 to index
          %parallel_loop3A_548 = tpu.vector_load %parallel_loop3A_545[%parallel_loop3A_546, %parallel_loop3A_547] {strides = array<i32>} : memref<8x1024xf32, #tpu.memory_space<vmem>>, vector<1x16xf32>,
          %parallel_loop3A_549 = vector.shape_cast %parallel_loop3A_548 : vector<1x16xf32> to vector<16xf32>
          %parallel_loop3A_550 = arith.addf %parallel_loop3A_549, %parallel_loop3A_540 : vector<16xf32>
          %parallel_loop3A_551 = arith.constant 3 : i32
          %parallel_loop3A_552 = arith.constant 0 : i32
          %parallel_loop3A_553 = arith.constant 0 : i32
          %parallel_loop3A_554 = tpu.memref_slice %arg5[%parallel_loop3A_226, %parallel_loop3A_227, %parallel_loop3A_552, %parallel_loop3A_553] : memref<3x4x8x1024xf32, #tpu.memory_space<vmem>> -> memref<1x1x8x1024xf32, #tpu.memory_space<vmem>>
          %parallel_loop3A_555 = tpu.memref_squeeze %parallel_loop3A_554 : memref<1x1x8x1024xf32, #tpu.memory_space<vmem>> -> memref<8x1024xf32, #tpu.memory_space<vmem>>
          %parallel_loop3A_556 = arith.index_cast %parallel_loop3A_551 : i32 to index
          %parallel_loop3A_557 = arith.index_cast %parallel_loop3A_264 : i32 to index
          %parallel_loop3A_558 = tpu.vector_load %parallel_loop3A_555[%parallel_loop3A_556, %parallel_loop3A_557] {strides = array<i32>} : memref<8x1024xf32, #tpu.memory_space<vmem>>, vector<1x16xf32>,
          %parallel_loop3A_559 = vector.shape_cast %parallel_loop3A_558 : vector<1x16xf32> to vector<16xf32>
          %parallel_loop3A_560 = vector.shape_cast %parallel_loop3A_550 : vector<16xf32> to vector<1x16xf32>
          tpu.vector_store %parallel_loop3A_555[%parallel_loop3A_556, %parallel_loop3A_557], %parallel_loop3A_560 {strides = array<i32>} : memref<8x1024xf32, #tpu.memory_space<vmem>>, vector<1x16xf32>,
          %parallel_loop3A_561 = arith.constant 3 : i32
          %parallel_loop3A_562 = arith.constant 0 : i32
          %parallel_loop3A_563 = arith.constant 0 : i32
          %parallel_loop3A_564 = tpu.memref_slice %arg5[%parallel_loop3A_228, %parallel_loop3A_229, %parallel_loop3A_562, %parallel_loop3A_563] : memref<3x4x8x1024xf32, #tpu.memory_space<vmem>> -> memref<1x1x8x1024xf32, #tpu.memory_space<vmem>>
          %parallel_loop3A_565 = tpu.memref_squeeze %parallel_loop3A_564 : memref<1x1x8x1024xf32, #tpu.memory_space<vmem>> -> memref<8x1024xf32, #tpu.memory_space<vmem>>
          %parallel_loop3A_566 = arith.index_cast %parallel_loop3A_561 : i32 to index
          %parallel_loop3A_567 = arith.index_cast %parallel_loop3A_264 : i32 to index
          %parallel_loop3A_568 = tpu.vector_load %parallel_loop3A_565[%parallel_loop3A_566, %parallel_loop3A_567] {strides = array<i32>} : memref<8x1024xf32, #tpu.memory_space<vmem>>, vector<1x16xf32>,
          %parallel_loop3A_569 = vector.shape_cast %parallel_loop3A_568 : vector<1x16xf32> to vector<16xf32>
          %parallel_loop3A_570 = arith.addf %parallel_loop3A_569, %parallel_loop3A_540 : vector<16xf32>
          %parallel_loop3A_571 = arith.constant 3 : i32
          %parallel_loop3A_572 = arith.constant 0 : i32
          %parallel_loop3A_573 = arith.constant 0 : i32
          %parallel_loop3A_574 = tpu.memref_slice %arg5[%parallel_loop3A_228, %parallel_loop3A_229, %parallel_loop3A_572, %parallel_loop3A_573] : memref<3x4x8x1024xf32, #tpu.memory_space<vmem>> -> memref<1x1x8x1024xf32, #tpu.memory_space<vmem>>
          %parallel_loop3A_575 = tpu.memref_squeeze %parallel_loop3A_574 : memref<1x1x8x1024xf32, #tpu.memory_space<vmem>> -> memref<8x1024xf32, #tpu.memory_space<vmem>>
          %parallel_loop3A_576 = arith.index_cast %parallel_loop3A_571 : i32 to index
          %parallel_loop3A_577 = arith.index_cast %parallel_loop3A_264 : i32 to index
          %parallel_loop3A_578 = tpu.vector_load %parallel_loop3A_575[%parallel_loop3A_576, %parallel_loop3A_577] {strides = array<i32>} : memref<8x1024xf32, #tpu.memory_space<vmem>>, vector<1x16xf32>,
          %parallel_loop3A_579 = vector.shape_cast %parallel_loop3A_578 : vector<1x16xf32> to vector<16xf32>
          %parallel_loop3A_580 = vector.shape_cast %parallel_loop3A_570 : vector<16xf32> to vector<1x16xf32>
          tpu.vector_store %parallel_loop3A_575[%parallel_loop3A_576, %parallel_loop3A_577], %parallel_loop3A_580 {strides = array<i32>} : memref<8x1024xf32, #tpu.memory_space<vmem>>, vector<1x16xf32>,
          %parallel_loop3A_581 = arith.constant 3 : i32
          %parallel_loop3A_582 = arith.constant 0 : i32
          %parallel_loop3A_583 = arith.constant 0 : i32
          %parallel_loop3A_584 = tpu.memref_slice %arg5[%parallel_loop3A_230, %parallel_loop3A_231, %parallel_loop3A_582, %parallel_loop3A_583] : memref<3x4x8x1024xf32, #tpu.memory_space<vmem>> -> memref<1x1x8x1024xf32, #tpu.memory_space<vmem>>
          %parallel_loop3A_585 = tpu.memref_squeeze %parallel_loop3A_584 : memref<1x1x8x1024xf32, #tpu.memory_space<vmem>> -> memref<8x1024xf32, #tpu.memory_space<vmem>>
          %parallel_loop3A_586 = arith.index_cast %parallel_loop3A_581 : i32 to index
          %parallel_loop3A_587 = arith.index_cast %parallel_loop3A_264 : i32 to index
          %parallel_loop3A_588 = tpu.vector_load %parallel_loop3A_585[%parallel_loop3A_586, %parallel_loop3A_587] {strides = array<i32>} : memref<8x1024xf32, #tpu.memory_space<vmem>>, vector<1x16xf32>,
          %parallel_loop3A_589 = vector.shape_cast %parallel_loop3A_588 : vector<1x16xf32> to vector<16xf32>
          %parallel_loop3A_590 = arith.addf %parallel_loop3A_589, %parallel_loop3A_540 : vector<16xf32>
          %parallel_loop3A_591 = arith.constant 3 : i32
          %parallel_loop3A_592 = arith.constant 0 : i32
          %parallel_loop3A_593 = arith.constant 0 : i32
          %parallel_loop3A_594 = tpu.memref_slice %arg5[%parallel_loop3A_230, %parallel_loop3A_231, %parallel_loop3A_592, %parallel_loop3A_593] : memref<3x4x8x1024xf32, #tpu.memory_space<vmem>> -> memref<1x1x8x1024xf32, #tpu.memory_space<vmem>>
          %parallel_loop3A_595 = tpu.memref_squeeze %parallel_loop3A_594 : memref<1x1x8x1024xf32, #tpu.memory_space<vmem>> -> memref<8x1024xf32, #tpu.memory_space<vmem>>
          %parallel_loop3A_596 = arith.index_cast %parallel_loop3A_591 : i32 to index
          %parallel_loop3A_597 = arith.index_cast %parallel_loop3A_264 : i32 to index
          %parallel_loop3A_598 = tpu.vector_load %parallel_loop3A_595[%parallel_loop3A_596, %parallel_loop3A_597] {strides = array<i32>} : memref<8x1024xf32, #tpu.memory_space<vmem>>, vector<1x16xf32>,
          %parallel_loop3A_599 = vector.shape_cast %parallel_loop3A_598 : vector<1x16xf32> to vector<16xf32>
          %parallel_loop3A_600 = vector.shape_cast %parallel_loop3A_590 : vector<16xf32> to vector<1x16xf32>
          tpu.vector_store %parallel_loop3A_595[%parallel_loop3A_596, %parallel_loop3A_597], %parallel_loop3A_600 {strides = array<i32>} : memref<8x1024xf32, #tpu.memory_space<vmem>>, vector<1x16xf32>,
          %parallel_loop3A_601 = arith.constant 3 : i32
          %parallel_loop3A_602 = arith.constant 0 : i32
          %parallel_loop3A_603 = arith.constant 0 : i32
          %parallel_loop3A_604 = tpu.memref_slice %arg5[%parallel_loop3A_232, %parallel_loop3A_233, %parallel_loop3A_602, %parallel_loop3A_603] : memref<3x4x8x1024xf32, #tpu.memory_space<vmem>> -> memref<1x1x8x1024xf32, #tpu.memory_space<vmem>>
          %parallel_loop3A_605 = tpu.memref_squeeze %parallel_loop3A_604 : memref<1x1x8x1024xf32, #tpu.memory_space<vmem>> -> memref<8x1024xf32, #tpu.memory_space<vmem>>
          %parallel_loop3A_606 = arith.index_cast %parallel_loop3A_601 : i32 to index
          %parallel_loop3A_607 = arith.index_cast %parallel_loop3A_264 : i32 to index
          %parallel_loop3A_608 = tpu.vector_load %parallel_loop3A_605[%parallel_loop3A_606, %parallel_loop3A_607] {strides = array<i32>} : memref<8x1024xf32, #tpu.memory_space<vmem>>, vector<1x16xf32>,
          %parallel_loop3A_609 = vector.shape_cast %parallel_loop3A_608 : vector<1x16xf32> to vector<16xf32>
          %parallel_loop3A_610 = arith.addf %parallel_loop3A_609, %parallel_loop3A_540 : vector<16xf32>
          %parallel_loop3A_611 = arith.constant 3 : i32
          %parallel_loop3A_612 = arith.constant 0 : i32
          %parallel_loop3A_613 = arith.constant 0 : i32
          %parallel_loop3A_614 = tpu.memref_slice %arg5[%parallel_loop3A_232, %parallel_loop3A_233, %parallel_loop3A_612, %parallel_loop3A_613] : memref<3x4x8x1024xf32, #tpu.memory_space<vmem>> -> memref<1x1x8x1024xf32, #tpu.memory_space<vmem>>
          %parallel_loop3A_615 = tpu.memref_squeeze %parallel_loop3A_614 : memref<1x1x8x1024xf32, #tpu.memory_space<vmem>> -> memref<8x1024xf32, #tpu.memory_space<vmem>>
          %parallel_loop3A_616 = arith.index_cast %parallel_loop3A_611 : i32 to index
          %parallel_loop3A_617 = arith.index_cast %parallel_loop3A_264 : i32 to index
          %parallel_loop3A_618 = tpu.vector_load %parallel_loop3A_615[%parallel_loop3A_616, %parallel_loop3A_617] {strides = array<i32>} : memref<8x1024xf32, #tpu.memory_space<vmem>>, vector<1x16xf32>,
          %parallel_loop3A_619 = vector.shape_cast %parallel_loop3A_618 : vector<1x16xf32> to vector<16xf32>
          %parallel_loop3A_620 = vector.shape_cast %parallel_loop3A_610 : vector<16xf32> to vector<1x16xf32>
          tpu.vector_store %parallel_loop3A_615[%parallel_loop3A_616, %parallel_loop3A_617], %parallel_loop3A_620 {strides = array<i32>} : memref<8x1024xf32, #tpu.memory_space<vmem>>, vector<1x16xf32>,
          %parallel_loop3A_621 = arith.constant 4 : i32
          %parallel_loop3A_622 = arith.constant 0 : i32
          %parallel_loop3A_623 = arith.constant 0 : i32
          %parallel_loop3A_624 = tpu.memref_slice %arg6[%parallel_loop3A_225, %parallel_loop3A_622, %parallel_loop3A_623] : memref<3x8x1024xf32, #tpu.memory_space<vmem>> -> memref<1x8x1024xf32, #tpu.memory_space<vmem>>
          %parallel_loop3A_625 = tpu.memref_squeeze %parallel_loop3A_624 : memref<1x8x1024xf32, #tpu.memory_space<vmem>> -> memref<8x1024xf32, #tpu.memory_space<vmem>>
          %parallel_loop3A_626 = arith.index_cast %parallel_loop3A_621 : i32 to index
          %parallel_loop3A_627 = arith.index_cast %parallel_loop3A_264 : i32 to index
          %parallel_loop3A_628 = tpu.vector_load %parallel_loop3A_625[%parallel_loop3A_626, %parallel_loop3A_627] {strides = array<i32>} : memref<8x1024xf32, #tpu.memory_space<vmem>>, vector<1x16xf32>,
          %parallel_loop3A_629 = vector.shape_cast %parallel_loop3A_628 : vector<1x16xf32> to vector<16xf32>
          %parallel_loop3A_630 = arith.constant 4 : i32
          %parallel_loop3A_631 = arith.constant 0 : i32
          %parallel_loop3A_632 = arith.constant 0 : i32
          %parallel_loop3A_633 = tpu.memref_slice %arg5[%parallel_loop3A_226, %parallel_loop3A_227, %parallel_loop3A_631, %parallel_loop3A_632] : memref<3x4x8x1024xf32, #tpu.memory_space<vmem>> -> memref<1x1x8x1024xf32, #tpu.memory_space<vmem>>
          %parallel_loop3A_634 = tpu.memref_squeeze %parallel_loop3A_633 : memref<1x1x8x1024xf32, #tpu.memory_space<vmem>> -> memref<8x1024xf32, #tpu.memory_space<vmem>>
          %parallel_loop3A_635 = arith.index_cast %parallel_loop3A_630 : i32 to index
          %parallel_loop3A_636 = arith.index_cast %parallel_loop3A_264 : i32 to index
          %parallel_loop3A_637 = tpu.vector_load %parallel_loop3A_634[%parallel_loop3A_635, %parallel_loop3A_636] {strides = array<i32>} : memref<8x1024xf32, #tpu.memory_space<vmem>>, vector<1x16xf32>,
          %parallel_loop3A_638 = vector.shape_cast %parallel_loop3A_637 : vector<1x16xf32> to vector<16xf32>
          %parallel_loop3A_639 = arith.addf %parallel_loop3A_638, %parallel_loop3A_629 : vector<16xf32>
          %parallel_loop3A_640 = arith.constant 4 : i32
          %parallel_loop3A_641 = arith.constant 0 : i32
          %parallel_loop3A_642 = arith.constant 0 : i32
          %parallel_loop3A_643 = tpu.memref_slice %arg5[%parallel_loop3A_226, %parallel_loop3A_227, %parallel_loop3A_641, %parallel_loop3A_642] : memref<3x4x8x1024xf32, #tpu.memory_space<vmem>> -> memref<1x1x8x1024xf32, #tpu.memory_space<vmem>>
          %parallel_loop3A_644 = tpu.memref_squeeze %parallel_loop3A_643 : memref<1x1x8x1024xf32, #tpu.memory_space<vmem>> -> memref<8x1024xf32, #tpu.memory_space<vmem>>
          %parallel_loop3A_645 = arith.index_cast %parallel_loop3A_640 : i32 to index
          %parallel_loop3A_646 = arith.index_cast %parallel_loop3A_264 : i32 to index
          %parallel_loop3A_647 = tpu.vector_load %parallel_loop3A_644[%parallel_loop3A_645, %parallel_loop3A_646] {strides = array<i32>} : memref<8x1024xf32, #tpu.memory_space<vmem>>, vector<1x16xf32>,
          %parallel_loop3A_648 = vector.shape_cast %parallel_loop3A_647 : vector<1x16xf32> to vector<16xf32>
          %parallel_loop3A_649 = vector.shape_cast %parallel_loop3A_639 : vector<16xf32> to vector<1x16xf32>
          tpu.vector_store %parallel_loop3A_644[%parallel_loop3A_645, %parallel_loop3A_646], %parallel_loop3A_649 {strides = array<i32>} : memref<8x1024xf32, #tpu.memory_space<vmem>>, vector<1x16xf32>,
          %parallel_loop3A_650 = arith.constant 4 : i32
          %parallel_loop3A_651 = arith.constant 0 : i32
          %parallel_loop3A_652 = arith.constant 0 : i32
          %parallel_loop3A_653 = tpu.memref_slice %arg5[%parallel_loop3A_228, %parallel_loop3A_229, %parallel_loop3A_651, %parallel_loop3A_652] : memref<3x4x8x1024xf32, #tpu.memory_space<vmem>> -> memref<1x1x8x1024xf32, #tpu.memory_space<vmem>>
          %parallel_loop3A_654 = tpu.memref_squeeze %parallel_loop3A_653 : memref<1x1x8x1024xf32, #tpu.memory_space<vmem>> -> memref<8x1024xf32, #tpu.memory_space<vmem>>
          %parallel_loop3A_655 = arith.index_cast %parallel_loop3A_650 : i32 to index
          %parallel_loop3A_656 = arith.index_cast %parallel_loop3A_264 : i32 to index
          %parallel_loop3A_657 = tpu.vector_load %parallel_loop3A_654[%parallel_loop3A_655, %parallel_loop3A_656] {strides = array<i32>} : memref<8x1024xf32, #tpu.memory_space<vmem>>, vector<1x16xf32>,
          %parallel_loop3A_658 = vector.shape_cast %parallel_loop3A_657 : vector<1x16xf32> to vector<16xf32>
          %parallel_loop3A_659 = arith.addf %parallel_loop3A_658, %parallel_loop3A_629 : vector<16xf32>
          %parallel_loop3A_660 = arith.constant 4 : i32
          %parallel_loop3A_661 = arith.constant 0 : i32
          %parallel_loop3A_662 = arith.constant 0 : i32
          %parallel_loop3A_663 = tpu.memref_slice %arg5[%parallel_loop3A_228, %parallel_loop3A_229, %parallel_loop3A_661, %parallel_loop3A_662] : memref<3x4x8x1024xf32, #tpu.memory_space<vmem>> -> memref<1x1x8x1024xf32, #tpu.memory_space<vmem>>
          %parallel_loop3A_664 = tpu.memref_squeeze %parallel_loop3A_663 : memref<1x1x8x1024xf32, #tpu.memory_space<vmem>> -> memref<8x1024xf32, #tpu.memory_space<vmem>>
          %parallel_loop3A_665 = arith.index_cast %parallel_loop3A_660 : i32 to index
          %parallel_loop3A_666 = arith.index_cast %parallel_loop3A_264 : i32 to index
          %parallel_loop3A_667 = tpu.vector_load %parallel_loop3A_664[%parallel_loop3A_665, %parallel_loop3A_666] {strides = array<i32>} : memref<8x1024xf32, #tpu.memory_space<vmem>>, vector<1x16xf32>,
          %parallel_loop3A_668 = vector.shape_cast %parallel_loop3A_667 : vector<1x16xf32> to vector<16xf32>
          %parallel_loop3A_669 = vector.shape_cast %parallel_loop3A_659 : vector<16xf32> to vector<1x16xf32>
          tpu.vector_store %parallel_loop3A_664[%parallel_loop3A_665, %parallel_loop3A_666], %parallel_loop3A_669 {strides = array<i32>} : memref<8x1024xf32, #tpu.memory_space<vmem>>, vector<1x16xf32>,
          %parallel_loop3A_670 = arith.constant 4 : i32
          %parallel_loop3A_671 = arith.constant 0 : i32
          %parallel_loop3A_672 = arith.constant 0 : i32
          %parallel_loop3A_673 = tpu.memref_slice %arg5[%parallel_loop3A_230, %parallel_loop3A_231, %parallel_loop3A_671, %parallel_loop3A_672] : memref<3x4x8x1024xf32, #tpu.memory_space<vmem>> -> memref<1x1x8x1024xf32, #tpu.memory_space<vmem>>
          %parallel_loop3A_674 = tpu.memref_squeeze %parallel_loop3A_673 : memref<1x1x8x1024xf32, #tpu.memory_space<vmem>> -> memref<8x1024xf32, #tpu.memory_space<vmem>>
          %parallel_loop3A_675 = arith.index_cast %parallel_loop3A_670 : i32 to index
          %parallel_loop3A_676 = arith.index_cast %parallel_loop3A_264 : i32 to index
          %parallel_loop3A_677 = tpu.vector_load %parallel_loop3A_674[%parallel_loop3A_675, %parallel_loop3A_676] {strides = array<i32>} : memref<8x1024xf32, #tpu.memory_space<vmem>>, vector<1x16xf32>,
          %parallel_loop3A_678 = vector.shape_cast %parallel_loop3A_677 : vector<1x16xf32> to vector<16xf32>
          %parallel_loop3A_679 = arith.addf %parallel_loop3A_678, %parallel_loop3A_629 : vector<16xf32>
          %parallel_loop3A_680 = arith.constant 4 : i32
          %parallel_loop3A_681 = arith.constant 0 : i32
          %parallel_loop3A_682 = arith.constant 0 : i32
          %parallel_loop3A_683 = tpu.memref_slice %arg5[%parallel_loop3A_230, %parallel_loop3A_231, %parallel_loop3A_681, %parallel_loop3A_682] : memref<3x4x8x1024xf32, #tpu.memory_space<vmem>> -> memref<1x1x8x1024xf32, #tpu.memory_space<vmem>>
          %parallel_loop3A_684 = tpu.memref_squeeze %parallel_loop3A_683 : memref<1x1x8x1024xf32, #tpu.memory_space<vmem>> -> memref<8x1024xf32, #tpu.memory_space<vmem>>
          %parallel_loop3A_685 = arith.index_cast %parallel_loop3A_680 : i32 to index
          %parallel_loop3A_686 = arith.index_cast %parallel_loop3A_264 : i32 to index
          %parallel_loop3A_687 = tpu.vector_load %parallel_loop3A_684[%parallel_loop3A_685, %parallel_loop3A_686] {strides = array<i32>} : memref<8x1024xf32, #tpu.memory_space<vmem>>, vector<1x16xf32>,
          %parallel_loop3A_688 = vector.shape_cast %parallel_loop3A_687 : vector<1x16xf32> to vector<16xf32>
          %parallel_loop3A_689 = vector.shape_cast %parallel_loop3A_679 : vector<16xf32> to vector<1x16xf32>
          tpu.vector_store %parallel_loop3A_684[%parallel_loop3A_685, %parallel_loop3A_686], %parallel_loop3A_689 {strides = array<i32>} : memref<8x1024xf32, #tpu.memory_space<vmem>>, vector<1x16xf32>,
          %parallel_loop3A_690 = arith.constant 4 : i32
          %parallel_loop3A_691 = arith.constant 0 : i32
          %parallel_loop3A_692 = arith.constant 0 : i32
          %parallel_loop3A_693 = tpu.memref_slice %arg5[%parallel_loop3A_232, %parallel_loop3A_233, %parallel_loop3A_691, %parallel_loop3A_692] : memref<3x4x8x1024xf32, #tpu.memory_space<vmem>> -> memref<1x1x8x1024xf32, #tpu.memory_space<vmem>>
          %parallel_loop3A_694 = tpu.memref_squeeze %parallel_loop3A_693 : memref<1x1x8x1024xf32, #tpu.memory_space<vmem>> -> memref<8x1024xf32, #tpu.memory_space<vmem>>
          %parallel_loop3A_695 = arith.index_cast %parallel_loop3A_690 : i32 to index
          %parallel_loop3A_696 = arith.index_cast %parallel_loop3A_264 : i32 to index
          %parallel_loop3A_697 = tpu.vector_load %parallel_loop3A_694[%parallel_loop3A_695, %parallel_loop3A_696] {strides = array<i32>} : memref<8x1024xf32, #tpu.memory_space<vmem>>, vector<1x16xf32>,
          %parallel_loop3A_698 = vector.shape_cast %parallel_loop3A_697 : vector<1x16xf32> to vector<16xf32>
          %parallel_loop3A_699 = arith.addf %parallel_loop3A_698, %parallel_loop3A_629 : vector<16xf32>
          %parallel_loop3A_700 = arith.constant 4 : i32
          %parallel_loop3A_701 = arith.constant 0 : i32
          %parallel_loop3A_702 = arith.constant 0 : i32
          %parallel_loop3A_703 = tpu.memref_slice %arg5[%parallel_loop3A_232, %parallel_loop3A_233, %parallel_loop3A_701, %parallel_loop3A_702] : memref<3x4x8x1024xf32, #tpu.memory_space<vmem>> -> memref<1x1x8x1024xf32, #tpu.memory_space<vmem>>
          %parallel_loop3A_704 = tpu.memref_squeeze %parallel_loop3A_703 : memref<1x1x8x1024xf32, #tpu.memory_space<vmem>> -> memref<8x1024xf32, #tpu.memory_space<vmem>>
          %parallel_loop3A_705 = arith.index_cast %parallel_loop3A_700 : i32 to index
          %parallel_loop3A_706 = arith.index_cast %parallel_loop3A_264 : i32 to index
          %parallel_loop3A_707 = tpu.vector_load %parallel_loop3A_704[%parallel_loop3A_705, %parallel_loop3A_706] {strides = array<i32>} : memref<8x1024xf32, #tpu.memory_space<vmem>>, vector<1x16xf32>,
          %parallel_loop3A_708 = vector.shape_cast %parallel_loop3A_707 : vector<1x16xf32> to vector<16xf32>
          %parallel_loop3A_709 = vector.shape_cast %parallel_loop3A_699 : vector<16xf32> to vector<1x16xf32>
          tpu.vector_store %parallel_loop3A_704[%parallel_loop3A_705, %parallel_loop3A_706], %parallel_loop3A_709 {strides = array<i32>} : memref<8x1024xf32, #tpu.memory_space<vmem>>, vector<1x16xf32>,
          %parallel_loop3A_710 = arith.constant 5 : i32
          %parallel_loop3A_711 = arith.constant 0 : i32
          %parallel_loop3A_712 = arith.constant 0 : i32
          %parallel_loop3A_713 = tpu.memref_slice %arg6[%parallel_loop3A_225, %parallel_loop3A_711, %parallel_loop3A_712] : memref<3x8x1024xf32, #tpu.memory_space<vmem>> -> memref<1x8x1024xf32, #tpu.memory_space<vmem>>
          %parallel_loop3A_714 = tpu.memref_squeeze %parallel_loop3A_713 : memref<1x8x1024xf32, #tpu.memory_space<vmem>> -> memref<8x1024xf32, #tpu.memory_space<vmem>>
          %parallel_loop3A_715 = arith.index_cast %parallel_loop3A_710 : i32 to index
          %parallel_loop3A_716 = arith.index_cast %parallel_loop3A_264 : i32 to index
          %parallel_loop3A_717 = tpu.vector_load %parallel_loop3A_714[%parallel_loop3A_715, %parallel_loop3A_716] {strides = array<i32>} : memref<8x1024xf32, #tpu.memory_space<vmem>>, vector<1x16xf32>,
          %parallel_loop3A_718 = vector.shape_cast %parallel_loop3A_717 : vector<1x16xf32> to vector<16xf32>
          %parallel_loop3A_719 = arith.constant 5 : i32
          %parallel_loop3A_720 = arith.constant 0 : i32
          %parallel_loop3A_721 = arith.constant 0 : i32
          %parallel_loop3A_722 = tpu.memref_slice %arg5[%parallel_loop3A_226, %parallel_loop3A_227, %parallel_loop3A_720, %parallel_loop3A_721] : memref<3x4x8x1024xf32, #tpu.memory_space<vmem>> -> memref<1x1x8x1024xf32, #tpu.memory_space<vmem>>
          %parallel_loop3A_723 = tpu.memref_squeeze %parallel_loop3A_722 : memref<1x1x8x1024xf32, #tpu.memory_space<vmem>> -> memref<8x1024xf32, #tpu.memory_space<vmem>>
          %parallel_loop3A_724 = arith.index_cast %parallel_loop3A_719 : i32 to index
          %parallel_loop3A_725 = arith.index_cast %parallel_loop3A_264 : i32 to index
          %parallel_loop3A_726 = tpu.vector_load %parallel_loop3A_723[%parallel_loop3A_724, %parallel_loop3A_725] {strides = array<i32>} : memref<8x1024xf32, #tpu.memory_space<vmem>>, vector<1x16xf32>,
          %parallel_loop3A_727 = vector.shape_cast %parallel_loop3A_726 : vector<1x16xf32> to vector<16xf32>
          %parallel_loop3A_728 = arith.addf %parallel_loop3A_727, %parallel_loop3A_718 : vector<16xf32>
          %parallel_loop3A_729 = arith.constant 5 : i32
          %parallel_loop3A_730 = arith.constant 0 : i32
          %parallel_loop3A_731 = arith.constant 0 : i32
          %parallel_loop3A_732 = tpu.memref_slice %arg5[%parallel_loop3A_226, %parallel_loop3A_227, %parallel_loop3A_730, %parallel_loop3A_731] : memref<3x4x8x1024xf32, #tpu.memory_space<vmem>> -> memref<1x1x8x1024xf32, #tpu.memory_space<vmem>>
          %parallel_loop3A_733 = tpu.memref_squeeze %parallel_loop3A_732 : memref<1x1x8x1024xf32, #tpu.memory_space<vmem>> -> memref<8x1024xf32, #tpu.memory_space<vmem>>
          %parallel_loop3A_734 = arith.index_cast %parallel_loop3A_729 : i32 to index
          %parallel_loop3A_735 = arith.index_cast %parallel_loop3A_264 : i32 to index
          %parallel_loop3A_736 = tpu.vector_load %parallel_loop3A_733[%parallel_loop3A_734, %parallel_loop3A_735] {strides = array<i32>} : memref<8x1024xf32, #tpu.memory_space<vmem>>, vector<1x16xf32>,
          %parallel_loop3A_737 = vector.shape_cast %parallel_loop3A_736 : vector<1x16xf32> to vector<16xf32>
          %parallel_loop3A_738 = vector.shape_cast %parallel_loop3A_728 : vector<16xf32> to vector<1x16xf32>
          tpu.vector_store %parallel_loop3A_733[%parallel_loop3A_734, %parallel_loop3A_735], %parallel_loop3A_738 {strides = array<i32>} : memref<8x1024xf32, #tpu.memory_space<vmem>>, vector<1x16xf32>,
          %parallel_loop3A_739 = arith.constant 5 : i32
          %parallel_loop3A_740 = arith.constant 0 : i32
          %parallel_loop3A_741 = arith.constant 0 : i32
          %parallel_loop3A_742 = tpu.memref_slice %arg5[%parallel_loop3A_228, %parallel_loop3A_229, %parallel_loop3A_740, %parallel_loop3A_741] : memref<3x4x8x1024xf32, #tpu.memory_space<vmem>> -> memref<1x1x8x1024xf32, #tpu.memory_space<vmem>>
          %parallel_loop3A_743 = tpu.memref_squeeze %parallel_loop3A_742 : memref<1x1x8x1024xf32, #tpu.memory_space<vmem>> -> memref<8x1024xf32, #tpu.memory_space<vmem>>
          %parallel_loop3A_744 = arith.index_cast %parallel_loop3A_739 : i32 to index
          %parallel_loop3A_745 = arith.index_cast %parallel_loop3A_264 : i32 to index
          %parallel_loop3A_746 = tpu.vector_load %parallel_loop3A_743[%parallel_loop3A_744, %parallel_loop3A_745] {strides = array<i32>} : memref<8x1024xf32, #tpu.memory_space<vmem>>, vector<1x16xf32>,
          %parallel_loop3A_747 = vector.shape_cast %parallel_loop3A_746 : vector<1x16xf32> to vector<16xf32>
          %parallel_loop3A_748 = arith.addf %parallel_loop3A_747, %parallel_loop3A_718 : vector<16xf32>
          %parallel_loop3A_749 = arith.constant 5 : i32
          %parallel_loop3A_750 = arith.constant 0 : i32
          %parallel_loop3A_751 = arith.constant 0 : i32
          %parallel_loop3A_752 = tpu.memref_slice %arg5[%parallel_loop3A_228, %parallel_loop3A_229, %parallel_loop3A_750, %parallel_loop3A_751] : memref<3x4x8x1024xf32, #tpu.memory_space<vmem>> -> memref<1x1x8x1024xf32, #tpu.memory_space<vmem>>
          %parallel_loop3A_753 = tpu.memref_squeeze %parallel_loop3A_752 : memref<1x1x8x1024xf32, #tpu.memory_space<vmem>> -> memref<8x1024xf32, #tpu.memory_space<vmem>>
          %parallel_loop3A_754 = arith.index_cast %parallel_loop3A_749 : i32 to index
          %parallel_loop3A_755 = arith.index_cast %parallel_loop3A_264 : i32 to index
          %parallel_loop3A_756 = tpu.vector_load %parallel_loop3A_753[%parallel_loop3A_754, %parallel_loop3A_755] {strides = array<i32>} : memref<8x1024xf32, #tpu.memory_space<vmem>>, vector<1x16xf32>,
          %parallel_loop3A_757 = vector.shape_cast %parallel_loop3A_756 : vector<1x16xf32> to vector<16xf32>
          %parallel_loop3A_758 = vector.shape_cast %parallel_loop3A_748 : vector<16xf32> to vector<1x16xf32>
          tpu.vector_store %parallel_loop3A_753[%parallel_loop3A_754, %parallel_loop3A_755], %parallel_loop3A_758 {strides = array<i32>} : memref<8x1024xf32, #tpu.memory_space<vmem>>, vector<1x16xf32>,
          %parallel_loop3A_759 = arith.constant 5 : i32
          %parallel_loop3A_760 = arith.constant 0 : i32
          %parallel_loop3A_761 = arith.constant 0 : i32
          %parallel_loop3A_762 = tpu.memref_slice %arg5[%parallel_loop3A_230, %parallel_loop3A_231, %parallel_loop3A_760, %parallel_loop3A_761] : memref<3x4x8x1024xf32, #tpu.memory_space<vmem>> -> memref<1x1x8x1024xf32, #tpu.memory_space<vmem>>
          %parallel_loop3A_763 = tpu.memref_squeeze %parallel_loop3A_762 : memref<1x1x8x1024xf32, #tpu.memory_space<vmem>> -> memref<8x1024xf32, #tpu.memory_space<vmem>>
          %parallel_loop3A_764 = arith.index_cast %parallel_loop3A_759 : i32 to index
          %parallel_loop3A_765 = arith.index_cast %parallel_loop3A_264 : i32 to index
          %parallel_loop3A_766 = tpu.vector_load %parallel_loop3A_763[%parallel_loop3A_764, %parallel_loop3A_765] {strides = array<i32>} : memref<8x1024xf32, #tpu.memory_space<vmem>>, vector<1x16xf32>,
          %parallel_loop3A_767 = vector.shape_cast %parallel_loop3A_766 : vector<1x16xf32> to vector<16xf32>
          %parallel_loop3A_768 = arith.addf %parallel_loop3A_767, %parallel_loop3A_718 : vector<16xf32>
          %parallel_loop3A_769 = arith.constant 5 : i32
          %parallel_loop3A_770 = arith.constant 0 : i32
          %parallel_loop3A_771 = arith.constant 0 : i32
          %parallel_loop3A_772 = tpu.memref_slice %arg5[%parallel_loop3A_230, %parallel_loop3A_231, %parallel_loop3A_770, %parallel_loop3A_771] : memref<3x4x8x1024xf32, #tpu.memory_space<vmem>> -> memref<1x1x8x1024xf32, #tpu.memory_space<vmem>>
          %parallel_loop3A_773 = tpu.memref_squeeze %parallel_loop3A_772 : memref<1x1x8x1024xf32, #tpu.memory_space<vmem>> -> memref<8x1024xf32, #tpu.memory_space<vmem>>
          %parallel_loop3A_774 = arith.index_cast %parallel_loop3A_769 : i32 to index
          %parallel_loop3A_775 = arith.index_cast %parallel_loop3A_264 : i32 to index
          %parallel_loop3A_776 = tpu.vector_load %parallel_loop3A_773[%parallel_loop3A_774, %parallel_loop3A_775] {strides = array<i32>} : memref<8x1024xf32, #tpu.memory_space<vmem>>, vector<1x16xf32>,
          %parallel_loop3A_777 = vector.shape_cast %parallel_loop3A_776 : vector<1x16xf32> to vector<16xf32>
          %parallel_loop3A_778 = vector.shape_cast %parallel_loop3A_768 : vector<16xf32> to vector<1x16xf32>
          tpu.vector_store %parallel_loop3A_773[%parallel_loop3A_774, %parallel_loop3A_775], %parallel_loop3A_778 {strides = array<i32>} : memref<8x1024xf32, #tpu.memory_space<vmem>>, vector<1x16xf32>,
          %parallel_loop3A_779 = arith.constant 5 : i32
          %parallel_loop3A_780 = arith.constant 0 : i32
          %parallel_loop3A_781 = arith.constant 0 : i32
          %parallel_loop3A_782 = tpu.memref_slice %arg5[%parallel_loop3A_232, %parallel_loop3A_233, %parallel_loop3A_780, %parallel_loop3A_781] : memref<3x4x8x1024xf32, #tpu.memory_space<vmem>> -> memref<1x1x8x1024xf32, #tpu.memory_space<vmem>>
          %parallel_loop3A_783 = tpu.memref_squeeze %parallel_loop3A_782 : memref<1x1x8x1024xf32, #tpu.memory_space<vmem>> -> memref<8x1024xf32, #tpu.memory_space<vmem>>
          %parallel_loop3A_784 = arith.index_cast %parallel_loop3A_779 : i32 to index
          %parallel_loop3A_785 = arith.index_cast %parallel_loop3A_264 : i32 to index
          %parallel_loop3A_786 = tpu.vector_load %parallel_loop3A_783[%parallel_loop3A_784, %parallel_loop3A_785] {strides = array<i32>} : memref<8x1024xf32, #tpu.memory_space<vmem>>, vector<1x16xf32>,
          %parallel_loop3A_787 = vector.shape_cast %parallel_loop3A_786 : vector<1x16xf32> to vector<16xf32>
          %parallel_loop3A_788 = arith.addf %parallel_loop3A_787, %parallel_loop3A_718 : vector<16xf32>
          %parallel_loop3A_789 = arith.constant 5 : i32
          %parallel_loop3A_790 = arith.constant 0 : i32
          %parallel_loop3A_791 = arith.constant 0 : i32
          %parallel_loop3A_792 = tpu.memref_slice %arg5[%parallel_loop3A_232, %parallel_loop3A_233, %parallel_loop3A_790, %parallel_loop3A_791] : memref<3x4x8x1024xf32, #tpu.memory_space<vmem>> -> memref<1x1x8x1024xf32, #tpu.memory_space<vmem>>
          %parallel_loop3A_793 = tpu.memref_squeeze %parallel_loop3A_792 : memref<1x1x8x1024xf32, #tpu.memory_space<vmem>> -> memref<8x1024xf32, #tpu.memory_space<vmem>>
          %parallel_loop3A_794 = arith.index_cast %parallel_loop3A_789 : i32 to index
          %parallel_loop3A_795 = arith.index_cast %parallel_loop3A_264 : i32 to index
          %parallel_loop3A_796 = tpu.vector_load %parallel_loop3A_793[%parallel_loop3A_794, %parallel_loop3A_795] {strides = array<i32>} : memref<8x1024xf32, #tpu.memory_space<vmem>>, vector<1x16xf32>,
          %parallel_loop3A_797 = vector.shape_cast %parallel_loop3A_796 : vector<1x16xf32> to vector<16xf32>
          %parallel_loop3A_798 = vector.shape_cast %parallel_loop3A_788 : vector<16xf32> to vector<1x16xf32>
          tpu.vector_store %parallel_loop3A_793[%parallel_loop3A_794, %parallel_loop3A_795], %parallel_loop3A_798 {strides = array<i32>} : memref<8x1024xf32, #tpu.memory_space<vmem>>, vector<1x16xf32>,
          %parallel_loop3A_799 = arith.constant 6 : i32
          %parallel_loop3A_800 = arith.constant 0 : i32
          %parallel_loop3A_801 = arith.constant 0 : i32
          %parallel_loop3A_802 = tpu.memref_slice %arg6[%parallel_loop3A_225, %parallel_loop3A_800, %parallel_loop3A_801] : memref<3x8x1024xf32, #tpu.memory_space<vmem>> -> memref<1x8x1024xf32, #tpu.memory_space<vmem>>
          %parallel_loop3A_803 = tpu.memref_squeeze %parallel_loop3A_802 : memref<1x8x1024xf32, #tpu.memory_space<vmem>> -> memref<8x1024xf32, #tpu.memory_space<vmem>>
          %parallel_loop3A_804 = arith.index_cast %parallel_loop3A_799 : i32 to index
          %parallel_loop3A_805 = arith.index_cast %parallel_loop3A_264 : i32 to index
          %parallel_loop3A_806 = tpu.vector_load %parallel_loop3A_803[%parallel_loop3A_804, %parallel_loop3A_805] {strides = array<i32>} : memref<8x1024xf32, #tpu.memory_space<vmem>>, vector<1x16xf32>,
          %parallel_loop3A_807 = vector.shape_cast %parallel_loop3A_806 : vector<1x16xf32> to vector<16xf32>
          %parallel_loop3A_808 = arith.constant 6 : i32
          %parallel_loop3A_809 = arith.constant 0 : i32
          %parallel_loop3A_810 = arith.constant 0 : i32
          %parallel_loop3A_811 = tpu.memref_slice %arg5[%parallel_loop3A_226, %parallel_loop3A_227, %parallel_loop3A_809, %parallel_loop3A_810] : memref<3x4x8x1024xf32, #tpu.memory_space<vmem>> -> memref<1x1x8x1024xf32, #tpu.memory_space<vmem>>
          %parallel_loop3A_812 = tpu.memref_squeeze %parallel_loop3A_811 : memref<1x1x8x1024xf32, #tpu.memory_space<vmem>> -> memref<8x1024xf32, #tpu.memory_space<vmem>>
          %parallel_loop3A_813 = arith.index_cast %parallel_loop3A_808 : i32 to index
          %parallel_loop3A_814 = arith.index_cast %parallel_loop3A_264 : i32 to index
          %parallel_loop3A_815 = tpu.vector_load %parallel_loop3A_812[%parallel_loop3A_813, %parallel_loop3A_814] {strides = array<i32>} : memref<8x1024xf32, #tpu.memory_space<vmem>>, vector<1x16xf32>,
          %parallel_loop3A_816 = vector.shape_cast %parallel_loop3A_815 : vector<1x16xf32> to vector<16xf32>
          %parallel_loop3A_817 = arith.addf %parallel_loop3A_816, %parallel_loop3A_807 : vector<16xf32>
          %parallel_loop3A_818 = arith.constant 6 : i32
          %parallel_loop3A_819 = arith.constant 0 : i32
          %parallel_loop3A_820 = arith.constant 0 : i32
          %parallel_loop3A_821 = tpu.memref_slice %arg5[%parallel_loop3A_226, %parallel_loop3A_227, %parallel_loop3A_819, %parallel_loop3A_820] : memref<3x4x8x1024xf32, #tpu.memory_space<vmem>> -> memref<1x1x8x1024xf32, #tpu.memory_space<vmem>>
          %parallel_loop3A_822 = tpu.memref_squeeze %parallel_loop3A_821 : memref<1x1x8x1024xf32, #tpu.memory_space<vmem>> -> memref<8x1024xf32, #tpu.memory_space<vmem>>
          %parallel_loop3A_823 = arith.index_cast %parallel_loop3A_818 : i32 to index
          %parallel_loop3A_824 = arith.index_cast %parallel_loop3A_264 : i32 to index
          %parallel_loop3A_825 = tpu.vector_load %parallel_loop3A_822[%parallel_loop3A_823, %parallel_loop3A_824] {strides = array<i32>} : memref<8x1024xf32, #tpu.memory_space<vmem>>, vector<1x16xf32>,
          %parallel_loop3A_826 = vector.shape_cast %parallel_loop3A_825 : vector<1x16xf32> to vector<16xf32>
          %parallel_loop3A_827 = vector.shape_cast %parallel_loop3A_817 : vector<16xf32> to vector<1x16xf32>
          tpu.vector_store %parallel_loop3A_822[%parallel_loop3A_823, %parallel_loop3A_824], %parallel_loop3A_827 {strides = array<i32>} : memref<8x1024xf32, #tpu.memory_space<vmem>>, vector<1x16xf32>,
          %parallel_loop3A_828 = arith.constant 6 : i32
          %parallel_loop3A_829 = arith.constant 0 : i32
          %parallel_loop3A_830 = arith.constant 0 : i32
          %parallel_loop3A_831 = tpu.memref_slice %arg5[%parallel_loop3A_228, %parallel_loop3A_229, %parallel_loop3A_829, %parallel_loop3A_830] : memref<3x4x8x1024xf32, #tpu.memory_space<vmem>> -> memref<1x1x8x1024xf32, #tpu.memory_space<vmem>>
          %parallel_loop3A_832 = tpu.memref_squeeze %parallel_loop3A_831 : memref<1x1x8x1024xf32, #tpu.memory_space<vmem>> -> memref<8x1024xf32, #tpu.memory_space<vmem>>
          %parallel_loop3A_833 = arith.index_cast %parallel_loop3A_828 : i32 to index
          %parallel_loop3A_834 = arith.index_cast %parallel_loop3A_264 : i32 to index
          %parallel_loop3A_835 = tpu.vector_load %parallel_loop3A_832[%parallel_loop3A_833, %parallel_loop3A_834] {strides = array<i32>} : memref<8x1024xf32, #tpu.memory_space<vmem>>, vector<1x16xf32>,
          %parallel_loop3A_836 = vector.shape_cast %parallel_loop3A_835 : vector<1x16xf32> to vector<16xf32>
          %parallel_loop3A_837 = arith.addf %parallel_loop3A_836, %parallel_loop3A_807 : vector<16xf32>
          %parallel_loop3A_838 = arith.constant 6 : i32
          %parallel_loop3A_839 = arith.constant 0 : i32
          %parallel_loop3A_840 = arith.constant 0 : i32
          %parallel_loop3A_841 = tpu.memref_slice %arg5[%parallel_loop3A_228, %parallel_loop3A_229, %parallel_loop3A_839, %parallel_loop3A_840] : memref<3x4x8x1024xf32, #tpu.memory_space<vmem>> -> memref<1x1x8x1024xf32, #tpu.memory_space<vmem>>
          %parallel_loop3A_842 = tpu.memref_squeeze %parallel_loop3A_841 : memref<1x1x8x1024xf32, #tpu.memory_space<vmem>> -> memref<8x1024xf32, #tpu.memory_space<vmem>>
          %parallel_loop3A_843 = arith.index_cast %parallel_loop3A_838 : i32 to index
          %parallel_loop3A_844 = arith.index_cast %parallel_loop3A_264 : i32 to index
          %parallel_loop3A_845 = tpu.vector_load %parallel_loop3A_842[%parallel_loop3A_843, %parallel_loop3A_844] {strides = array<i32>} : memref<8x1024xf32, #tpu.memory_space<vmem>>, vector<1x16xf32>,
          %parallel_loop3A_846 = vector.shape_cast %parallel_loop3A_845 : vector<1x16xf32> to vector<16xf32>
          %parallel_loop3A_847 = vector.shape_cast %parallel_loop3A_837 : vector<16xf32> to vector<1x16xf32>
          tpu.vector_store %parallel_loop3A_842[%parallel_loop3A_843, %parallel_loop3A_844], %parallel_loop3A_847 {strides = array<i32>} : memref<8x1024xf32, #tpu.memory_space<vmem>>, vector<1x16xf32>,
          %parallel_loop3A_848 = arith.constant 6 : i32
          %parallel_loop3A_849 = arith.constant 0 : i32
          %parallel_loop3A_850 = arith.constant 0 : i32
          %parallel_loop3A_851 = tpu.memref_slice %arg5[%parallel_loop3A_230, %parallel_loop3A_231, %parallel_loop3A_849, %parallel_loop3A_850] : memref<3x4x8x1024xf32, #tpu.memory_space<vmem>> -> memref<1x1x8x1024xf32, #tpu.memory_space<vmem>>
          %parallel_loop3A_852 = tpu.memref_squeeze %parallel_loop3A_851 : memref<1x1x8x1024xf32, #tpu.memory_space<vmem>> -> memref<8x1024xf32, #tpu.memory_space<vmem>>
          %parallel_loop3A_853 = arith.index_cast %parallel_loop3A_848 : i32 to index
          %parallel_loop3A_854 = arith.index_cast %parallel_loop3A_264 : i32 to index
          %parallel_loop3A_855 = tpu.vector_load %parallel_loop3A_852[%parallel_loop3A_853, %parallel_loop3A_854] {strides = array<i32>} : memref<8x1024xf32, #tpu.memory_space<vmem>>, vector<1x16xf32>,
          %parallel_loop3A_856 = vector.shape_cast %parallel_loop3A_855 : vector<1x16xf32> to vector<16xf32>
          %parallel_loop3A_857 = arith.addf %parallel_loop3A_856, %parallel_loop3A_807 : vector<16xf32>
          %parallel_loop3A_858 = arith.constant 6 : i32
          %parallel_loop3A_859 = arith.constant 0 : i32
          %parallel_loop3A_860 = arith.constant 0 : i32
          %parallel_loop3A_861 = tpu.memref_slice %arg5[%parallel_loop3A_230, %parallel_loop3A_231, %parallel_loop3A_859, %parallel_loop3A_860] : memref<3x4x8x1024xf32, #tpu.memory_space<vmem>> -> memref<1x1x8x1024xf32, #tpu.memory_space<vmem>>
          %parallel_loop3A_862 = tpu.memref_squeeze %parallel_loop3A_861 : memref<1x1x8x1024xf32, #tpu.memory_space<vmem>> -> memref<8x1024xf32, #tpu.memory_space<vmem>>
          %parallel_loop3A_863 = arith.index_cast %parallel_loop3A_858 : i32 to index
          %parallel_loop3A_864 = arith.index_cast %parallel_loop3A_264 : i32 to index
          %parallel_loop3A_865 = tpu.vector_load %parallel_loop3A_862[%parallel_loop3A_863, %parallel_loop3A_864] {strides = array<i32>} : memref<8x1024xf32, #tpu.memory_space<vmem>>, vector<1x16xf32>,
          %parallel_loop3A_866 = vector.shape_cast %parallel_loop3A_865 : vector<1x16xf32> to vector<16xf32>
          %parallel_loop3A_867 = vector.shape_cast %parallel_loop3A_857 : vector<16xf32> to vector<1x16xf32>
          tpu.vector_store %parallel_loop3A_862[%parallel_loop3A_863, %parallel_loop3A_864], %parallel_loop3A_867 {strides = array<i32>} : memref<8x1024xf32, #tpu.memory_space<vmem>>, vector<1x16xf32>,
          %parallel_loop3A_868 = arith.constant 6 : i32
          %parallel_loop3A_869 = arith.constant 0 : i32
          %parallel_loop3A_870 = arith.constant 0 : i32
          %parallel_loop3A_871 = tpu.memref_slice %arg5[%parallel_loop3A_232, %parallel_loop3A_233, %parallel_loop3A_869, %parallel_loop3A_870] : memref<3x4x8x1024xf32, #tpu.memory_space<vmem>> -> memref<1x1x8x1024xf32, #tpu.memory_space<vmem>>
          %parallel_loop3A_872 = tpu.memref_squeeze %parallel_loop3A_871 : memref<1x1x8x1024xf32, #tpu.memory_space<vmem>> -> memref<8x1024xf32, #tpu.memory_space<vmem>>
          %parallel_loop3A_873 = arith.index_cast %parallel_loop3A_868 : i32 to index
          %parallel_loop3A_874 = arith.index_cast %parallel_loop3A_264 : i32 to index
          %parallel_loop3A_875 = tpu.vector_load %parallel_loop3A_872[%parallel_loop3A_873, %parallel_loop3A_874] {strides = array<i32>} : memref<8x1024xf32, #tpu.memory_space<vmem>>, vector<1x16xf32>,
          %parallel_loop3A_876 = vector.shape_cast %parallel_loop3A_875 : vector<1x16xf32> to vector<16xf32>
          %parallel_loop3A_877 = arith.addf %parallel_loop3A_876, %parallel_loop3A_807 : vector<16xf32>
          %parallel_loop3A_878 = arith.constant 6 : i32
          %parallel_loop3A_879 = arith.constant 0 : i32
          %parallel_loop3A_880 = arith.constant 0 : i32
          %parallel_loop3A_881 = tpu.memref_slice %arg5[%parallel_loop3A_232, %parallel_loop3A_233, %parallel_loop3A_879, %parallel_loop3A_880] : memref<3x4x8x1024xf32, #tpu.memory_space<vmem>> -> memref<1x1x8x1024xf32, #tpu.memory_space<vmem>>
          %parallel_loop3A_882 = tpu.memref_squeeze %parallel_loop3A_881 : memref<1x1x8x1024xf32, #tpu.memory_space<vmem>> -> memref<8x1024xf32, #tpu.memory_space<vmem>>
          %parallel_loop3A_883 = arith.index_cast %parallel_loop3A_878 : i32 to index
          %parallel_loop3A_884 = arith.index_cast %parallel_loop3A_264 : i32 to index
          %parallel_loop3A_885 = tpu.vector_load %parallel_loop3A_882[%parallel_loop3A_883, %parallel_loop3A_884] {strides = array<i32>} : memref<8x1024xf32, #tpu.memory_space<vmem>>, vector<1x16xf32>,
          %parallel_loop3A_886 = vector.shape_cast %parallel_loop3A_885 : vector<1x16xf32> to vector<16xf32>
          %parallel_loop3A_887 = vector.shape_cast %parallel_loop3A_877 : vector<16xf32> to vector<1x16xf32>
          tpu.vector_store %parallel_loop3A_882[%parallel_loop3A_883, %parallel_loop3A_884], %parallel_loop3A_887 {strides = array<i32>} : memref<8x1024xf32, #tpu.memory_space<vmem>>, vector<1x16xf32>,
          %parallel_loop3A_888 = arith.constant 7 : i32
          %parallel_loop3A_889 = arith.constant 0 : i32
          %parallel_loop3A_890 = arith.constant 0 : i32
          %parallel_loop3A_891 = tpu.memref_slice %arg6[%parallel_loop3A_225, %parallel_loop3A_889, %parallel_loop3A_890] : memref<3x8x1024xf32, #tpu.memory_space<vmem>> -> memref<1x8x1024xf32, #tpu.memory_space<vmem>>
          %parallel_loop3A_892 = tpu.memref_squeeze %parallel_loop3A_891 : memref<1x8x1024xf32, #tpu.memory_space<vmem>> -> memref<8x1024xf32, #tpu.memory_space<vmem>>
          %parallel_loop3A_893 = arith.index_cast %parallel_loop3A_888 : i32 to index
          %parallel_loop3A_894 = arith.index_cast %parallel_loop3A_264 : i32 to index
          %parallel_loop3A_895 = tpu.vector_load %parallel_loop3A_892[%parallel_loop3A_893, %parallel_loop3A_894] {strides = array<i32>} : memref<8x1024xf32, #tpu.memory_space<vmem>>, vector<1x16xf32>,
          %parallel_loop3A_896 = vector.shape_cast %parallel_loop3A_895 : vector<1x16xf32> to vector<16xf32>
          %parallel_loop3A_897 = arith.constant 7 : i32
          %parallel_loop3A_898 = arith.constant 0 : i32
          %parallel_loop3A_899 = arith.constant 0 : i32
          %parallel_loop3A_900 = tpu.memref_slice %arg5[%parallel_loop3A_226, %parallel_loop3A_227, %parallel_loop3A_898, %parallel_loop3A_899] : memref<3x4x8x1024xf32, #tpu.memory_space<vmem>> -> memref<1x1x8x1024xf32, #tpu.memory_space<vmem>>
          %parallel_loop3A_901 = tpu.memref_squeeze %parallel_loop3A_900 : memref<1x1x8x1024xf32, #tpu.memory_space<vmem>> -> memref<8x1024xf32, #tpu.memory_space<vmem>>
          %parallel_loop3A_902 = arith.index_cast %parallel_loop3A_897 : i32 to index
          %parallel_loop3A_903 = arith.index_cast %parallel_loop3A_264 : i32 to index
          %parallel_loop3A_904 = tpu.vector_load %parallel_loop3A_901[%parallel_loop3A_902, %parallel_loop3A_903] {strides = array<i32>} : memref<8x1024xf32, #tpu.memory_space<vmem>>, vector<1x16xf32>,
          %parallel_loop3A_905 = vector.shape_cast %parallel_loop3A_904 : vector<1x16xf32> to vector<16xf32>
          %parallel_loop3A_906 = arith.addf %parallel_loop3A_905, %parallel_loop3A_896 : vector<16xf32>
          %parallel_loop3A_907 = arith.constant 7 : i32
          %parallel_loop3A_908 = arith.constant 0 : i32
          %parallel_loop3A_909 = arith.constant 0 : i32
          %parallel_loop3A_910 = tpu.memref_slice %arg5[%parallel_loop3A_226, %parallel_loop3A_227, %parallel_loop3A_908, %parallel_loop3A_909] : memref<3x4x8x1024xf32, #tpu.memory_space<vmem>> -> memref<1x1x8x1024xf32, #tpu.memory_space<vmem>>
          %parallel_loop3A_911 = tpu.memref_squeeze %parallel_loop3A_910 : memref<1x1x8x1024xf32, #tpu.memory_space<vmem>> -> memref<8x1024xf32, #tpu.memory_space<vmem>>
          %parallel_loop3A_912 = arith.index_cast %parallel_loop3A_907 : i32 to index
          %parallel_loop3A_913 = arith.index_cast %parallel_loop3A_264 : i32 to index
          %parallel_loop3A_914 = tpu.vector_load %parallel_loop3A_911[%parallel_loop3A_912, %parallel_loop3A_913] {strides = array<i32>} : memref<8x1024xf32, #tpu.memory_space<vmem>>, vector<1x16xf32>,
          %parallel_loop3A_915 = vector.shape_cast %parallel_loop3A_914 : vector<1x16xf32> to vector<16xf32>
          %parallel_loop3A_916 = vector.shape_cast %parallel_loop3A_906 : vector<16xf32> to vector<1x16xf32>
          tpu.vector_store %parallel_loop3A_911[%parallel_loop3A_912, %parallel_loop3A_913], %parallel_loop3A_916 {strides = array<i32>} : memref<8x1024xf32, #tpu.memory_space<vmem>>, vector<1x16xf32>,
          %parallel_loop3A_917 = arith.constant 7 : i32
          %parallel_loop3A_918 = arith.constant 0 : i32
          %parallel_loop3A_919 = arith.constant 0 : i32
          %parallel_loop3A_920 = tpu.memref_slice %arg5[%parallel_loop3A_228, %parallel_loop3A_229, %parallel_loop3A_918, %parallel_loop3A_919] : memref<3x4x8x1024xf32, #tpu.memory_space<vmem>> -> memref<1x1x8x1024xf32, #tpu.memory_space<vmem>>
          %parallel_loop3A_921 = tpu.memref_squeeze %parallel_loop3A_920 : memref<1x1x8x1024xf32, #tpu.memory_space<vmem>> -> memref<8x1024xf32, #tpu.memory_space<vmem>>
          %parallel_loop3A_922 = arith.index_cast %parallel_loop3A_917 : i32 to index
          %parallel_loop3A_923 = arith.index_cast %parallel_loop3A_264 : i32 to index
          %parallel_loop3A_924 = tpu.vector_load %parallel_loop3A_921[%parallel_loop3A_922, %parallel_loop3A_923] {strides = array<i32>} : memref<8x1024xf32, #tpu.memory_space<vmem>>, vector<1x16xf32>,
          %parallel_loop3A_925 = vector.shape_cast %parallel_loop3A_924 : vector<1x16xf32> to vector<16xf32>
          %parallel_loop3A_926 = arith.addf %parallel_loop3A_925, %parallel_loop3A_896 : vector<16xf32>
          %parallel_loop3A_927 = arith.constant 7 : i32
          %parallel_loop3A_928 = arith.constant 0 : i32
          %parallel_loop3A_929 = arith.constant 0 : i32
          %parallel_loop3A_930 = tpu.memref_slice %arg5[%parallel_loop3A_228, %parallel_loop3A_229, %parallel_loop3A_928, %parallel_loop3A_929] : memref<3x4x8x1024xf32, #tpu.memory_space<vmem>> -> memref<1x1x8x1024xf32, #tpu.memory_space<vmem>>
          %parallel_loop3A_931 = tpu.memref_squeeze %parallel_loop3A_930 : memref<1x1x8x1024xf32, #tpu.memory_space<vmem>> -> memref<8x1024xf32, #tpu.memory_space<vmem>>
          %parallel_loop3A_932 = arith.index_cast %parallel_loop3A_927 : i32 to index
          %parallel_loop3A_933 = arith.index_cast %parallel_loop3A_264 : i32 to index
          %parallel_loop3A_934 = tpu.vector_load %parallel_loop3A_931[%parallel_loop3A_932, %parallel_loop3A_933] {strides = array<i32>} : memref<8x1024xf32, #tpu.memory_space<vmem>>, vector<1x16xf32>,
          %parallel_loop3A_935 = vector.shape_cast %parallel_loop3A_934 : vector<1x16xf32> to vector<16xf32>
          %parallel_loop3A_936 = vector.shape_cast %parallel_loop3A_926 : vector<16xf32> to vector<1x16xf32>
          tpu.vector_store %parallel_loop3A_931[%parallel_loop3A_932, %parallel_loop3A_933], %parallel_loop3A_936 {strides = array<i32>} : memref<8x1024xf32, #tpu.memory_space<vmem>>, vector<1x16xf32>,
          %parallel_loop3A_937 = arith.constant 7 : i32
          %parallel_loop3A_938 = arith.constant 0 : i32
          %parallel_loop3A_939 = arith.constant 0 : i32
          %parallel_loop3A_940 = tpu.memref_slice %arg5[%parallel_loop3A_230, %parallel_loop3A_231, %parallel_loop3A_938, %parallel_loop3A_939] : memref<3x4x8x1024xf32, #tpu.memory_space<vmem>> -> memref<1x1x8x1024xf32, #tpu.memory_space<vmem>>
          %parallel_loop3A_941 = tpu.memref_squeeze %parallel_loop3A_940 : memref<1x1x8x1024xf32, #tpu.memory_space<vmem>> -> memref<8x1024xf32, #tpu.memory_space<vmem>>
          %parallel_loop3A_942 = arith.index_cast %parallel_loop3A_937 : i32 to index
          %parallel_loop3A_943 = arith.index_cast %parallel_loop3A_264 : i32 to index
          %parallel_loop3A_944 = tpu.vector_load %parallel_loop3A_941[%parallel_loop3A_942, %parallel_loop3A_943] {strides = array<i32>} : memref<8x1024xf32, #tpu.memory_space<vmem>>, vector<1x16xf32>,
          %parallel_loop3A_945 = vector.shape_cast %parallel_loop3A_944 : vector<1x16xf32> to vector<16xf32>
          %parallel_loop3A_946 = arith.addf %parallel_loop3A_945, %parallel_loop3A_896 : vector<16xf32>
          %parallel_loop3A_947 = arith.constant 7 : i32
          %parallel_loop3A_948 = arith.constant 0 : i32
          %parallel_loop3A_949 = arith.constant 0 : i32
          %parallel_loop3A_950 = tpu.memref_slice %arg5[%parallel_loop3A_230, %parallel_loop3A_231, %parallel_loop3A_948, %parallel_loop3A_949] : memref<3x4x8x1024xf32, #tpu.memory_space<vmem>> -> memref<1x1x8x1024xf32, #tpu.memory_space<vmem>>
          %parallel_loop3A_951 = tpu.memref_squeeze %parallel_loop3A_950 : memref<1x1x8x1024xf32, #tpu.memory_space<vmem>> -> memref<8x1024xf32, #tpu.memory_space<vmem>>
          %parallel_loop3A_952 = arith.index_cast %parallel_loop3A_947 : i32 to index
          %parallel_loop3A_953 = arith.index_cast %parallel_loop3A_264 : i32 to index
          %parallel_loop3A_954 = tpu.vector_load %parallel_loop3A_951[%parallel_loop3A_952, %parallel_loop3A_953] {strides = array<i32>} : memref<8x1024xf32, #tpu.memory_space<vmem>>, vector<1x16xf32>,
          %parallel_loop3A_955 = vector.shape_cast %parallel_loop3A_954 : vector<1x16xf32> to vector<16xf32>
          %parallel_loop3A_956 = vector.shape_cast %parallel_loop3A_946 : vector<16xf32> to vector<1x16xf32>
          tpu.vector_store %parallel_loop3A_951[%parallel_loop3A_952, %parallel_loop3A_953], %parallel_loop3A_956 {strides = array<i32>} : memref<8x1024xf32, #tpu.memory_space<vmem>>, vector<1x16xf32>,
          %parallel_loop3A_957 = arith.constant 7 : i32
          %parallel_loop3A_958 = arith.constant 0 : i32
          %parallel_loop3A_959 = arith.constant 0 : i32
          %parallel_loop3A_960 = tpu.memref_slice %arg5[%parallel_loop3A_232, %parallel_loop3A_233, %parallel_loop3A_958, %parallel_loop3A_959] : memref<3x4x8x1024xf32, #tpu.memory_space<vmem>> -> memref<1x1x8x1024xf32, #tpu.memory_space<vmem>>
          %parallel_loop3A_961 = tpu.memref_squeeze %parallel_loop3A_960 : memref<1x1x8x1024xf32, #tpu.memory_space<vmem>> -> memref<8x1024xf32, #tpu.memory_space<vmem>>
          %parallel_loop3A_962 = arith.index_cast %parallel_loop3A_957 : i32 to index
          %parallel_loop3A_963 = arith.index_cast %parallel_loop3A_264 : i32 to index
          %parallel_loop3A_964 = tpu.vector_load %parallel_loop3A_961[%parallel_loop3A_962, %parallel_loop3A_963] {strides = array<i32>} : memref<8x1024xf32, #tpu.memory_space<vmem>>, vector<1x16xf32>,
          %parallel_loop3A_965 = vector.shape_cast %parallel_loop3A_964 : vector<1x16xf32> to vector<16xf32>
          %parallel_loop3A_966 = arith.addf %parallel_loop3A_965, %parallel_loop3A_896 : vector<16xf32>
          %parallel_loop3A_967 = arith.constant 7 : i32
          %parallel_loop3A_968 = arith.constant 0 : i32
          %parallel_loop3A_969 = arith.constant 0 : i32
          %parallel_loop3A_970 = tpu.memref_slice %arg5[%parallel_loop3A_232, %parallel_loop3A_233, %parallel_loop3A_968, %parallel_loop3A_969] : memref<3x4x8x1024xf32, #tpu.memory_space<vmem>> -> memref<1x1x8x1024xf32, #tpu.memory_space<vmem>>
          %parallel_loop3A_971 = tpu.memref_squeeze %parallel_loop3A_970 : memref<1x1x8x1024xf32, #tpu.memory_space<vmem>> -> memref<8x1024xf32, #tpu.memory_space<vmem>>
          %parallel_loop3A_972 = arith.index_cast %parallel_loop3A_967 : i32 to index
          %parallel_loop3A_973 = arith.index_cast %parallel_loop3A_264 : i32 to index
          %parallel_loop3A_974 = tpu.vector_load %parallel_loop3A_971[%parallel_loop3A_972, %parallel_loop3A_973] {strides = array<i32>} : memref<8x1024xf32, #tpu.memory_space<vmem>>, vector<1x16xf32>,
          %parallel_loop3A_975 = vector.shape_cast %parallel_loop3A_974 : vector<1x16xf32> to vector<16xf32>
          %parallel_loop3A_976 = vector.shape_cast %parallel_loop3A_966 : vector<16xf32> to vector<1x16xf32>
          tpu.vector_store %parallel_loop3A_971[%parallel_loop3A_972, %parallel_loop3A_973], %parallel_loop3A_976 {strides = array<i32>} : memref<8x1024xf32, #tpu.memory_space<vmem>>, vector<1x16xf32>,
        } {sc.loop_unroll_factor = 4 : i64, sc.parallel_access}
        %mul3A_234 = arith.constant 8 : i32
        %mul3A_235 = arith.muli %add3A_168, %mul3A_234 : i32
        %add3A_236 = arith.addi %mul3A_2, %mul3A_235 : i32
        %multiple_of3A_237 = tpu.assume_multiple %add3A_236, 8 : i32
        %dma_start3A_238 = arith.constant 0 : i32
        %dma_start3A_239 = arith.constant 0 : i32
        %dma_start3A_240 = arith.constant 0 : i32
        %dma_start3A_241 = arith.constant 0 : i32
        %dma_start3A_242 = tpu.memref_slice %arg5[%dma_start3A_238, %dma_start3A_239, %dma_start3A_240, %dma_start3A_241] : memref<3x4x8x1024xf32, #tpu.memory_space<vmem>> -> memref<1x4x8x1024xf32, #tpu.memory_space<vmem>>
        %dma_start3A_243 = tpu.memref_squeeze %dma_start3A_242 : memref<1x4x8x1024xf32, #tpu.memory_space<vmem>> -> memref<4x8x1024xf32, #tpu.memory_space<vmem>>
        %dma_start3A_244 = arith.constant 0 : i32
        %dma_start3A_245 = arith.constant 0 : i32
        %dma_start3A_246 = tpu.memref_slice %arg4[%dma_start3A_244, %multiple_of3A_237, %dma_start3A_245] : memref<4x8192x1024xf32, #tpu.memory_space<hbm>> -> memref<4x8x1024xf32, #tpu.memory_space<hbm>>
        %dma_start3A_247 = arith.constant 0 : i32
        %dma_start3A_248 = arith.constant 0 : i32
        %dma_start3A_249 = tpu.memref_slice %arg4[%dma_start3A_247, %multiple_of3A_237, %dma_start3A_248] : memref<4x8192x1024xf32, #tpu.memory_space<hbm>> -> memref<4x8x1024xf32, #tpu.memory_space<hbm>>
        %dma_start3A_250 = arith.constant 0 : i32
        %dma_start3A_251 = arith.constant 0 : i32
        %dma_start3A_252 = arith.constant 0 : i32
        %dma_start3A_253 = tpu.memref_slice %arg5[%dma_start3A_238, %dma_start3A_250, %dma_start3A_251, %dma_start3A_252] : memref<3x4x8x1024xf32, #tpu.memory_space<vmem>> -> memref<1x4x8x1024xf32, #tpu.memory_space<vmem>>
        %dma_start3A_254 = tpu.memref_squeeze %dma_start3A_253 : memref<1x4x8x1024xf32, #tpu.memory_space<vmem>> -> memref<4x8x1024xf32, #tpu.memory_space<vmem>>
        tpu.enqueue_dma source(%dma_start3A_254 : memref<4x8x1024xf32, #tpu.memory_space<vmem>>) target(%dma_start3A_249 : memref<4x8x1024xf32, #tpu.memory_space<hbm>>) target_semaphore(%arg10 : memref<!tpu.dma_semaphore, #tpu.memory_space<semaphore_mem>>)
        %sub3A = arith.constant 1 : i32
        %sub3A_255 = arith.subi %add3A_168, %sub3A : i32
        %ge3A = arith.constant 0 : i32
        %ge3A_256 = arith.cmpi sge, %sub3A_255, %ge3A : i32
        %add3A_257 = arith.constant 3 : i32
        %add3A_258 = arith.addi %sub3A_255, %add3A_257 : i32
        %lt3A_259 = arith.constant 32 : i32
        %lt3A_260 = arith.cmpi slt, %add3A_258, %lt3A_259 : i32
        %and3A = arith.andi %ge3A_256, %lt3A_260 : i1
        %convert_element_type3A_261 = arith.extui %and3A : i1 to i32
        %cond3A_262 = arith.constant 0 : i32
        %cond3A_263 = arith.cmpi ne, %convert_element_type3A_261, %cond3A_262 : i32
        scf.if %cond3A_263 {
          %mul3A_264 = arith.constant 8 : i32
          %mul3A_265 = arith.muli %sub3A_255, %mul3A_264 : i32
          %add3A_266 = arith.addi %mul3A_2, %mul3A_265 : i32
          %multiple_of3A_267 = tpu.assume_multiple %add3A_266, 8 : i32
          %dma_wait3A_268 = arith.constant 2 : i32
          %dma_wait3A_269 = arith.constant 0 : i32
          %dma_wait3A_270 = arith.constant 0 : i32
          %dma_wait3A_271 = arith.constant 0 : i32
          %dma_wait3A_272 = tpu.memref_slice %arg5[%dma_wait3A_268, %dma_wait3A_269, %dma_wait3A_270, %dma_wait3A_271] : memref<3x4x8x1024xf32, #tpu.memory_space<vmem>> -> memref<1x4x8x1024xf32, #tpu.memory_space<vmem>>
          %dma_wait3A_273 = tpu.memref_squeeze %dma_wait3A_272 : memref<1x4x8x1024xf32, #tpu.memory_space<vmem>> -> memref<4x8x1024xf32, #tpu.memory_space<vmem>>
          %dma_wait3A_274 = arith.constant 0 : i32
          %dma_wait3A_275 = arith.constant 0 : i32
          %dma_wait3A_276 = tpu.memref_slice %arg4[%dma_wait3A_274, %multiple_of3A_267, %dma_wait3A_275] : memref<4x8192x1024xf32, #tpu.memory_space<hbm>> -> memref<4x8x1024xf32, #tpu.memory_space<hbm>>
          %dma_wait3A_277 = arith.constant 0 : i32
          %dma_wait3A_278 = arith.constant 0 : i32
          %dma_wait3A_279 = tpu.memref_slice %arg4[%dma_wait3A_277, %multiple_of3A_267, %dma_wait3A_278] : memref<4x8192x1024xf32, #tpu.memory_space<hbm>> -> memref<4x8x1024xf32, #tpu.memory_space<hbm>>
          %dma_wait3A_280 = arith.constant 0 : i32
          %dma_wait3A_281 = arith.constant 0 : i32
          %dma_wait3A_282 = arith.constant 0 : i32
          %dma_wait3A_283 = tpu.memref_slice %arg5[%dma_wait3A_268, %dma_wait3A_280, %dma_wait3A_281, %dma_wait3A_282] : memref<3x4x8x1024xf32, #tpu.memory_space<vmem>> -> memref<1x4x8x1024xf32, #tpu.memory_space<vmem>>
          %dma_wait3A_284 = tpu.memref_squeeze %dma_wait3A_283 : memref<1x4x8x1024xf32, #tpu.memory_space<vmem>> -> memref<4x8x1024xf32, #tpu.memory_space<vmem>>
          tpu.wait_dma2 semaphore(%arg12 : memref<!tpu.dma_semaphore, #tpu.memory_space<semaphore_mem>>) src(%dma_wait3A_284 : memref<4x8x1024xf32, #tpu.memory_space<vmem>>) dst(%dma_wait3A_279 : memref<4x8x1024xf32, #tpu.memory_space<hbm>>)
          %add3A_285 = arith.constant 3 : i32
          %add3A_286 = arith.addi %sub3A_255, %add3A_285 : i32
          %mul3A_287 = arith.constant 8 : i32
          %mul3A_288 = arith.muli %add3A_286, %mul3A_287 : i32
          %add3A_289 = arith.addi %mul3A_2, %mul3A_288 : i32
          %multiple_of3A_290 = tpu.assume_multiple %add3A_289, 8 : i32
          %dma_start3A_291 = arith.constant 2 : i32
          %dma_start3A_292 = arith.constant 0 : i32
          %dma_start3A_293 = arith.constant 0 : i32
          %dma_start3A_294 = tpu.memref_slice %arg6[%dma_start3A_291, %dma_start3A_292, %dma_start3A_293] : memref<3x8x1024xf32, #tpu.memory_space<vmem>> -> memref<1x8x1024xf32, #tpu.memory_space<vmem>>
          %dma_start3A_295 = tpu.memref_squeeze %dma_start3A_294 : memref<1x8x1024xf32, #tpu.memory_space<vmem>> -> memref<8x1024xf32, #tpu.memory_space<vmem>>
          %dma_start3A_296 = arith.constant 0 : i32
          %dma_start3A_297 = tpu.memref_slice %arg3[%multiple_of3A_290, %dma_start3A_296] : memref<8192x1024xf32, #tpu.memory_space<hbm>> -> memref<8x1024xf32, #tpu.memory_space<hbm>>
          %dma_start3A_298 = arith.constant 0 : i32
          %dma_start3A_299 = arith.constant 0 : i32
          %dma_start3A_300 = tpu.memref_slice %arg6[%dma_start3A_291, %dma_start3A_298, %dma_start3A_299] : memref<3x8x1024xf32, #tpu.memory_space<vmem>> -> memref<1x8x1024xf32, #tpu.memory_space<vmem>>
          %dma_start3A_301 = tpu.memref_squeeze %dma_start3A_300 : memref<1x8x1024xf32, #tpu.memory_space<vmem>> -> memref<8x1024xf32, #tpu.memory_space<vmem>>
          %dma_start3A_302 = arith.constant 0 : i32
          %dma_start3A_303 = tpu.memref_slice %arg3[%multiple_of3A_290, %dma_start3A_302] : memref<8192x1024xf32, #tpu.memory_space<hbm>> -> memref<8x1024xf32, #tpu.memory_space<hbm>>
          tpu.enqueue_dma source(%dma_start3A_303 : memref<8x1024xf32, #tpu.memory_space<hbm>>) target(%dma_start3A_301 : memref<8x1024xf32, #tpu.memory_space<vmem>>) target_semaphore(%arg9 : memref<!tpu.dma_semaphore, #tpu.memory_space<semaphore_mem>>)
          %dma_start3A_304 = arith.constant 2 : i32
          %dma_start3A_305 = arith.constant 0 : i32
          %dma_start3A_306 = arith.constant 0 : i32
          %dma_start3A_307 = arith.constant 0 : i32
          %dma_start3A_308 = tpu.memref_slice %arg5[%dma_start3A_304, %dma_start3A_305, %dma_start3A_306, %dma_start3A_307] : memref<3x4x8x1024xf32, #tpu.memory_space<vmem>> -> memref<1x4x8x1024xf32, #tpu.memory_space<vmem>>
          %dma_start3A_309 = tpu.memref_squeeze %dma_start3A_308 : memref<1x4x8x1024xf32, #tpu.memory_space<vmem>> -> memref<4x8x1024xf32, #tpu.memory_space<vmem>>
          %dma_start3A_310 = arith.constant 0 : i32
          %dma_start3A_311 = arith.constant 0 : i32
          %dma_start3A_312 = tpu.memref_slice %arg2[%dma_start3A_310, %multiple_of3A_290, %dma_start3A_311] : memref<4x8192x1024xf32, #tpu.memory_space<hbm>> -> memref<4x8x1024xf32, #tpu.memory_space<hbm>>
          %dma_start3A_313 = arith.constant 0 : i32
          %dma_start3A_314 = arith.constant 0 : i32
          %dma_start3A_315 = arith.constant 0 : i32
          %dma_start3A_316 = tpu.memref_slice %arg5[%dma_start3A_304, %dma_start3A_313, %dma_start3A_314, %dma_start3A_315] : memref<3x4x8x1024xf32, #tpu.memory_space<vmem>> -> memref<1x4x8x1024xf32, #tpu.memory_space<vmem>>
          %dma_start3A_317 = tpu.memref_squeeze %dma_start3A_316 : memref<1x4x8x1024xf32, #tpu.memory_space<vmem>> -> memref<4x8x1024xf32, #tpu.memory_space<vmem>>
          %dma_start3A_318 = arith.constant 0 : i32
          %dma_start3A_319 = arith.constant 0 : i32
          %dma_start3A_320 = tpu.memref_slice %arg2[%dma_start3A_318, %multiple_of3A_290, %dma_start3A_319] : memref<4x8192x1024xf32, #tpu.memory_space<hbm>> -> memref<4x8x1024xf32, #tpu.memory_space<hbm>>
          tpu.enqueue_dma source(%dma_start3A_320 : memref<4x8x1024xf32, #tpu.memory_space<hbm>>) target(%dma_start3A_317 : memref<4x8x1024xf32, #tpu.memory_space<vmem>>) target_semaphore(%arg9 : memref<!tpu.dma_semaphore, #tpu.memory_space<semaphore_mem>>)
        } else {
        }
      } else {
      }
      %mul3A_171 = arith.constant 3 : i32
      %mul3A_172 = arith.muli %mul3A_171, %scan3A_164 : i32
      %add3A_173 = arith.constant 1 : i32
      %add3A_174 = arith.addi %mul3A_172, %add3A_173 : i32
      %lt3A_175 = arith.constant 32 : i32
      %lt3A_176 = arith.cmpi slt, %add3A_174, %lt3A_175 : i32
      %convert_element_type3A_177 = arith.extui %lt3A_176 : i1 to i32
      %cond3A_178 = arith.constant 0 : i32
      %cond3A_179 = arith.cmpi ne, %convert_element_type3A_177, %cond3A_178 : i32
      scf.if %cond3A_179 {
        %mul3A_189 = arith.constant 8 : i32
        %mul3A_190 = arith.muli %add3A_174, %mul3A_189 : i32
        %add3A_191 = arith.addi %mul3A_2, %mul3A_190 : i32
        %multiple_of3A_192 = tpu.assume_multiple %add3A_191, 8 : i32
        %dma_wait3A_193 = arith.constant 1 : i32
        %dma_wait3A_194 = arith.constant 0 : i32
        %dma_wait3A_195 = arith.constant 0 : i32
        %dma_wait3A_196 = tpu.memref_slice %arg6[%dma_wait3A_193, %dma_wait3A_194, %dma_wait3A_195] : memref<3x8x1024xf32, #tpu.memory_space<vmem>> -> memref<1x8x1024xf32, #tpu.memory_space<vmem>>
        %dma_wait3A_197 = tpu.memref_squeeze %dma_wait3A_196 : memref<1x8x1024xf32, #tpu.memory_space<vmem>> -> memref<8x1024xf32, #tpu.memory_space<vmem>>
        %dma_wait3A_198 = arith.constant 0 : i32
        %dma_wait3A_199 = tpu.memref_slice %arg3[%multiple_of3A_192, %dma_wait3A_198] : memref<8192x1024xf32, #tpu.memory_space<hbm>> -> memref<8x1024xf32, #tpu.memory_space<hbm>>
        %dma_wait3A_200 = arith.constant 0 : i32
        %dma_wait3A_201 = arith.constant 0 : i32
        %dma_wait3A_202 = tpu.memref_slice %arg6[%dma_wait3A_193, %dma_wait3A_200, %dma_wait3A_201] : memref<3x8x1024xf32, #tpu.memory_space<vmem>> -> memref<1x8x1024xf32, #tpu.memory_space<vmem>>
        %dma_wait3A_203 = tpu.memref_squeeze %dma_wait3A_202 : memref<1x8x1024xf32, #tpu.memory_space<vmem>> -> memref<8x1024xf32, #tpu.memory_space<vmem>>
        %dma_wait3A_204 = arith.constant 0 : i32
        %dma_wait3A_205 = tpu.memref_slice %arg3[%multiple_of3A_192, %dma_wait3A_204] : memref<8192x1024xf32, #tpu.memory_space<hbm>> -> memref<8x1024xf32, #tpu.memory_space<hbm>>
        tpu.wait_dma2 semaphore(%arg8 : memref<!tpu.dma_semaphore, #tpu.memory_space<semaphore_mem>>) src(%dma_wait3A_205 : memref<8x1024xf32, #tpu.memory_space<hbm>>) dst(%dma_wait3A_203 : memref<8x1024xf32, #tpu.memory_space<vmem>>)
        %dma_wait3A_206 = arith.constant 1 : i32
        %dma_wait3A_207 = arith.constant 0 : i32
        %dma_wait3A_208 = arith.constant 0 : i32
        %dma_wait3A_209 = arith.constant 0 : i32
        %dma_wait3A_210 = tpu.memref_slice %arg5[%dma_wait3A_206, %dma_wait3A_207, %dma_wait3A_208, %dma_wait3A_209] : memref<3x4x8x1024xf32, #tpu.memory_space<vmem>> -> memref<1x4x8x1024xf32, #tpu.memory_space<vmem>>
        %dma_wait3A_211 = tpu.memref_squeeze %dma_wait3A_210 : memref<1x4x8x1024xf32, #tpu.memory_space<vmem>> -> memref<4x8x1024xf32, #tpu.memory_space<vmem>>
        %dma_wait3A_212 = arith.constant 0 : i32
        %dma_wait3A_213 = arith.constant 0 : i32
        %dma_wait3A_214 = tpu.memref_slice %arg2[%dma_wait3A_212, %multiple_of3A_192, %dma_wait3A_213] : memref<4x8192x1024xf32, #tpu.memory_space<hbm>> -> memref<4x8x1024xf32, #tpu.memory_space<hbm>>
        %dma_wait3A_215 = arith.constant 0 : i32
        %dma_wait3A_216 = arith.constant 0 : i32
        %dma_wait3A_217 = arith.constant 0 : i32
        %dma_wait3A_218 = tpu.memref_slice %arg5[%dma_wait3A_206, %dma_wait3A_215, %dma_wait3A_216, %dma_wait3A_217] : memref<3x4x8x1024xf32, #tpu.memory_space<vmem>> -> memref<1x4x8x1024xf32, #tpu.memory_space<vmem>>
        %dma_wait3A_219 = tpu.memref_squeeze %dma_wait3A_218 : memref<1x4x8x1024xf32, #tpu.memory_space<vmem>> -> memref<4x8x1024xf32, #tpu.memory_space<vmem>>
        %dma_wait3A_220 = arith.constant 0 : i32
        %dma_wait3A_221 = arith.constant 0 : i32
        %dma_wait3A_222 = tpu.memref_slice %arg2[%dma_wait3A_220, %multiple_of3A_192, %dma_wait3A_221] : memref<4x8192x1024xf32, #tpu.memory_space<hbm>> -> memref<4x8x1024xf32, #tpu.memory_space<hbm>>
        tpu.wait_dma2 semaphore(%arg8 : memref<!tpu.dma_semaphore, #tpu.memory_space<semaphore_mem>>) src(%dma_wait3A_222 : memref<4x8x1024xf32, #tpu.memory_space<hbm>>) dst(%dma_wait3A_219 : memref<4x8x1024xf32, #tpu.memory_space<vmem>>)
        %parallel_loop3A = arith.constant 0 : i32
        %parallel_loop3A_223 = arith.constant 1024 : i32
        %parallel_loop3A_224 = arith.constant 16 : i32
        %parallel_loop3A_225 = arith.constant 1 : i32
        %parallel_loop3A_226 = arith.constant 1 : i32
        %parallel_loop3A_227 = arith.constant 0 : i32
        %parallel_loop3A_228 = arith.constant 1 : i32
        %parallel_loop3A_229 = arith.constant 1 : i32
        %parallel_loop3A_230 = arith.constant 1 : i32
        %parallel_loop3A_231 = arith.constant 2 : i32
        %parallel_loop3A_232 = arith.constant 1 : i32
        %parallel_loop3A_233 = arith.constant 3 : i32
        scf.for %parallel_loop3A_264 = %parallel_loop3A to %parallel_loop3A_223 step %parallel_loop3A_224  : i32 {
          %parallel_loop3A_265 = arith.constant 0 : i32
          %parallel_loop3A_266 = arith.constant 0 : i32
          %parallel_loop3A_267 = arith.constant 0 : i32
          %parallel_loop3A_268 = tpu.memref_slice %arg6[%parallel_loop3A_225, %parallel_loop3A_266, %parallel_loop3A_267] : memref<3x8x1024xf32, #tpu.memory_space<vmem>> -> memref<1x8x1024xf32, #tpu.memory_space<vmem>>
          %parallel_loop3A_269 = tpu.memref_squeeze %parallel_loop3A_268 : memref<1x8x1024xf32, #tpu.memory_space<vmem>> -> memref<8x1024xf32, #tpu.memory_space<vmem>>
          %parallel_loop3A_270 = arith.index_cast %parallel_loop3A_265 : i32 to index
          %parallel_loop3A_271 = arith.index_cast %parallel_loop3A_264 : i32 to index
          %parallel_loop3A_272 = tpu.vector_load %parallel_loop3A_269[%parallel_loop3A_270, %parallel_loop3A_271] {strides = array<i32>} : memref<8x1024xf32, #tpu.memory_space<vmem>>, vector<1x16xf32>,
          %parallel_loop3A_273 = vector.shape_cast %parallel_loop3A_272 : vector<1x16xf32> to vector<16xf32>
          %parallel_loop3A_274 = arith.constant 0 : i32
          %parallel_loop3A_275 = arith.constant 0 : i32
          %parallel_loop3A_276 = arith.constant 0 : i32
          %parallel_loop3A_277 = tpu.memref_slice %arg5[%parallel_loop3A_226, %parallel_loop3A_227, %parallel_loop3A_275, %parallel_loop3A_276] : memref<3x4x8x1024xf32, #tpu.memory_space<vmem>> -> memref<1x1x8x1024xf32, #tpu.memory_space<vmem>>
          %parallel_loop3A_278 = tpu.memref_squeeze %parallel_loop3A_277 : memref<1x1x8x1024xf32, #tpu.memory_space<vmem>> -> memref<8x1024xf32, #tpu.memory_space<vmem>>
          %parallel_loop3A_279 = arith.index_cast %parallel_loop3A_274 : i32 to index
          %parallel_loop3A_280 = arith.index_cast %parallel_loop3A_264 : i32 to index
          %parallel_loop3A_281 = tpu.vector_load %parallel_loop3A_278[%parallel_loop3A_279, %parallel_loop3A_280] {strides = array<i32>} : memref<8x1024xf32, #tpu.memory_space<vmem>>, vector<1x16xf32>,
          %parallel_loop3A_282 = vector.shape_cast %parallel_loop3A_281 : vector<1x16xf32> to vector<16xf32>
          %parallel_loop3A_283 = arith.addf %parallel_loop3A_282, %parallel_loop3A_273 : vector<16xf32>
          %parallel_loop3A_284 = arith.constant 0 : i32
          %parallel_loop3A_285 = arith.constant 0 : i32
          %parallel_loop3A_286 = arith.constant 0 : i32
          %parallel_loop3A_287 = tpu.memref_slice %arg5[%parallel_loop3A_226, %parallel_loop3A_227, %parallel_loop3A_285, %parallel_loop3A_286] : memref<3x4x8x1024xf32, #tpu.memory_space<vmem>> -> memref<1x1x8x1024xf32, #tpu.memory_space<vmem>>
          %parallel_loop3A_288 = tpu.memref_squeeze %parallel_loop3A_287 : memref<1x1x8x1024xf32, #tpu.memory_space<vmem>> -> memref<8x1024xf32, #tpu.memory_space<vmem>>
          %parallel_loop3A_289 = arith.index_cast %parallel_loop3A_284 : i32 to index
          %parallel_loop3A_290 = arith.index_cast %parallel_loop3A_264 : i32 to index
          %parallel_loop3A_291 = tpu.vector_load %parallel_loop3A_288[%parallel_loop3A_289, %parallel_loop3A_290] {strides = array<i32>} : memref<8x1024xf32, #tpu.memory_space<vmem>>, vector<1x16xf32>,
          %parallel_loop3A_292 = vector.shape_cast %parallel_loop3A_291 : vector<1x16xf32> to vector<16xf32>
          %parallel_loop3A_293 = vector.shape_cast %parallel_loop3A_283 : vector<16xf32> to vector<1x16xf32>
          tpu.vector_store %parallel_loop3A_288[%parallel_loop3A_289, %parallel_loop3A_290], %parallel_loop3A_293 {strides = array<i32>} : memref<8x1024xf32, #tpu.memory_space<vmem>>, vector<1x16xf32>,
          %parallel_loop3A_294 = arith.constant 0 : i32
          %parallel_loop3A_295 = arith.constant 0 : i32
          %parallel_loop3A_296 = arith.constant 0 : i32
          %parallel_loop3A_297 = tpu.memref_slice %arg5[%parallel_loop3A_228, %parallel_loop3A_229, %parallel_loop3A_295, %parallel_loop3A_296] : memref<3x4x8x1024xf32, #tpu.memory_space<vmem>> -> memref<1x1x8x1024xf32, #tpu.memory_space<vmem>>
          %parallel_loop3A_298 = tpu.memref_squeeze %parallel_loop3A_297 : memref<1x1x8x1024xf32, #tpu.memory_space<vmem>> -> memref<8x1024xf32, #tpu.memory_space<vmem>>
          %parallel_loop3A_299 = arith.index_cast %parallel_loop3A_294 : i32 to index
          %parallel_loop3A_300 = arith.index_cast %parallel_loop3A_264 : i32 to index
          %parallel_loop3A_301 = tpu.vector_load %parallel_loop3A_298[%parallel_loop3A_299, %parallel_loop3A_300] {strides = array<i32>} : memref<8x1024xf32, #tpu.memory_space<vmem>>, vector<1x16xf32>,
          %parallel_loop3A_302 = vector.shape_cast %parallel_loop3A_301 : vector<1x16xf32> to vector<16xf32>
          %parallel_loop3A_303 = arith.addf %parallel_loop3A_302, %parallel_loop3A_273 : vector<16xf32>
          %parallel_loop3A_304 = arith.constant 0 : i32
          %parallel_loop3A_305 = arith.constant 0 : i32
          %parallel_loop3A_306 = arith.constant 0 : i32
          %parallel_loop3A_307 = tpu.memref_slice %arg5[%parallel_loop3A_228, %parallel_loop3A_229, %parallel_loop3A_305, %parallel_loop3A_306] : memref<3x4x8x1024xf32, #tpu.memory_space<vmem>> -> memref<1x1x8x1024xf32, #tpu.memory_space<vmem>>
          %parallel_loop3A_308 = tpu.memref_squeeze %parallel_loop3A_307 : memref<1x1x8x1024xf32, #tpu.memory_space<vmem>> -> memref<8x1024xf32, #tpu.memory_space<vmem>>
          %parallel_loop3A_309 = arith.index_cast %parallel_loop3A_304 : i32 to index
          %parallel_loop3A_310 = arith.index_cast %parallel_loop3A_264 : i32 to index
          %parallel_loop3A_311 = tpu.vector_load %parallel_loop3A_308[%parallel_loop3A_309, %parallel_loop3A_310] {strides = array<i32>} : memref<8x1024xf32, #tpu.memory_space<vmem>>, vector<1x16xf32>,
          %parallel_loop3A_312 = vector.shape_cast %parallel_loop3A_311 : vector<1x16xf32> to vector<16xf32>
          %parallel_loop3A_313 = vector.shape_cast %parallel_loop3A_303 : vector<16xf32> to vector<1x16xf32>
          tpu.vector_store %parallel_loop3A_308[%parallel_loop3A_309, %parallel_loop3A_310], %parallel_loop3A_313 {strides = array<i32>} : memref<8x1024xf32, #tpu.memory_space<vmem>>, vector<1x16xf32>,
          %parallel_loop3A_314 = arith.constant 0 : i32
          %parallel_loop3A_315 = arith.constant 0 : i32
          %parallel_loop3A_316 = arith.constant 0 : i32
          %parallel_loop3A_317 = tpu.memref_slice %arg5[%parallel_loop3A_230, %parallel_loop3A_231, %parallel_loop3A_315, %parallel_loop3A_316] : memref<3x4x8x1024xf32, #tpu.memory_space<vmem>> -> memref<1x1x8x1024xf32, #tpu.memory_space<vmem>>
          %parallel_loop3A_318 = tpu.memref_squeeze %parallel_loop3A_317 : memref<1x1x8x1024xf32, #tpu.memory_space<vmem>> -> memref<8x1024xf32, #tpu.memory_space<vmem>>
          %parallel_loop3A_319 = arith.index_cast %parallel_loop3A_314 : i32 to index
          %parallel_loop3A_320 = arith.index_cast %parallel_loop3A_264 : i32 to index
          %parallel_loop3A_321 = tpu.vector_load %parallel_loop3A_318[%parallel_loop3A_319, %parallel_loop3A_320] {strides = array<i32>} : memref<8x1024xf32, #tpu.memory_space<vmem>>, vector<1x16xf32>,
          %parallel_loop3A_322 = vector.shape_cast %parallel_loop3A_321 : vector<1x16xf32> to vector<16xf32>
          %parallel_loop3A_323 = arith.addf %parallel_loop3A_322, %parallel_loop3A_273 : vector<16xf32>
          %parallel_loop3A_324 = arith.constant 0 : i32
          %parallel_loop3A_325 = arith.constant 0 : i32
          %parallel_loop3A_326 = arith.constant 0 : i32
          %parallel_loop3A_327 = tpu.memref_slice %arg5[%parallel_loop3A_230, %parallel_loop3A_231, %parallel_loop3A_325, %parallel_loop3A_326] : memref<3x4x8x1024xf32, #tpu.memory_space<vmem>> -> memref<1x1x8x1024xf32, #tpu.memory_space<vmem>>
          %parallel_loop3A_328 = tpu.memref_squeeze %parallel_loop3A_327 : memref<1x1x8x1024xf32, #tpu.memory_space<vmem>> -> memref<8x1024xf32, #tpu.memory_space<vmem>>
          %parallel_loop3A_329 = arith.index_cast %parallel_loop3A_324 : i32 to index
          %parallel_loop3A_330 = arith.index_cast %parallel_loop3A_264 : i32 to index
          %parallel_loop3A_331 = tpu.vector_load %parallel_loop3A_328[%parallel_loop3A_329, %parallel_loop3A_330] {strides = array<i32>} : memref<8x1024xf32, #tpu.memory_space<vmem>>, vector<1x16xf32>,
          %parallel_loop3A_332 = vector.shape_cast %parallel_loop3A_331 : vector<1x16xf32> to vector<16xf32>
          %parallel_loop3A_333 = vector.shape_cast %parallel_loop3A_323 : vector<16xf32> to vector<1x16xf32>
          tpu.vector_store %parallel_loop3A_328[%parallel_loop3A_329, %parallel_loop3A_330], %parallel_loop3A_333 {strides = array<i32>} : memref<8x1024xf32, #tpu.memory_space<vmem>>, vector<1x16xf32>,
          %parallel_loop3A_334 = arith.constant 0 : i32
          %parallel_loop3A_335 = arith.constant 0 : i32
          %parallel_loop3A_336 = arith.constant 0 : i32
          %parallel_loop3A_337 = tpu.memref_slice %arg5[%parallel_loop3A_232, %parallel_loop3A_233, %parallel_loop3A_335, %parallel_loop3A_336] : memref<3x4x8x1024xf32, #tpu.memory_space<vmem>> -> memref<1x1x8x1024xf32, #tpu.memory_space<vmem>>
          %parallel_loop3A_338 = tpu.memref_squeeze %parallel_loop3A_337 : memref<1x1x8x1024xf32, #tpu.memory_space<vmem>> -> memref<8x1024xf32, #tpu.memory_space<vmem>>
          %parallel_loop3A_339 = arith.index_cast %parallel_loop3A_334 : i32 to index
          %parallel_loop3A_340 = arith.index_cast %parallel_loop3A_264 : i32 to index
          %parallel_loop3A_341 = tpu.vector_load %parallel_loop3A_338[%parallel_loop3A_339, %parallel_loop3A_340] {strides = array<i32>} : memref<8x1024xf32, #tpu.memory_space<vmem>>, vector<1x16xf32>,
          %parallel_loop3A_342 = vector.shape_cast %parallel_loop3A_341 : vector<1x16xf32> to vector<16xf32>
          %parallel_loop3A_343 = arith.addf %parallel_loop3A_342, %parallel_loop3A_273 : vector<16xf32>
          %parallel_loop3A_344 = arith.constant 0 : i32
          %parallel_loop3A_345 = arith.constant 0 : i32
          %parallel_loop3A_346 = arith.constant 0 : i32
          %parallel_loop3A_347 = tpu.memref_slice %arg5[%parallel_loop3A_232, %parallel_loop3A_233, %parallel_loop3A_345, %parallel_loop3A_346] : memref<3x4x8x1024xf32, #tpu.memory_space<vmem>> -> memref<1x1x8x1024xf32, #tpu.memory_space<vmem>>
          %parallel_loop3A_348 = tpu.memref_squeeze %parallel_loop3A_347 : memref<1x1x8x1024xf32, #tpu.memory_space<vmem>> -> memref<8x1024xf32, #tpu.memory_space<vmem>>
          %parallel_loop3A_349 = arith.index_cast %parallel_loop3A_344 : i32 to index
          %parallel_loop3A_350 = arith.index_cast %parallel_loop3A_264 : i32 to index
          %parallel_loop3A_351 = tpu.vector_load %parallel_loop3A_348[%parallel_loop3A_349, %parallel_loop3A_350] {strides = array<i32>} : memref<8x1024xf32, #tpu.memory_space<vmem>>, vector<1x16xf32>,
          %parallel_loop3A_352 = vector.shape_cast %parallel_loop3A_351 : vector<1x16xf32> to vector<16xf32>
          %parallel_loop3A_353 = vector.shape_cast %parallel_loop3A_343 : vector<16xf32> to vector<1x16xf32>
          tpu.vector_store %parallel_loop3A_348[%parallel_loop3A_349, %parallel_loop3A_350], %parallel_loop3A_353 {strides = array<i32>} : memref<8x1024xf32, #tpu.memory_space<vmem>>, vector<1x16xf32>,
          %parallel_loop3A_354 = arith.constant 1 : i32
          %parallel_loop3A_355 = arith.constant 0 : i32
          %parallel_loop3A_356 = arith.constant 0 : i32
          %parallel_loop3A_357 = tpu.memref_slice %arg6[%parallel_loop3A_225, %parallel_loop3A_355, %parallel_loop3A_356] : memref<3x8x1024xf32, #tpu.memory_space<vmem>> -> memref<1x8x1024xf32, #tpu.memory_space<vmem>>
          %parallel_loop3A_358 = tpu.memref_squeeze %parallel_loop3A_357 : memref<1x8x1024xf32, #tpu.memory_space<vmem>> -> memref<8x1024xf32, #tpu.memory_space<vmem>>
          %parallel_loop3A_359 = arith.index_cast %parallel_loop3A_354 : i32 to index
          %parallel_loop3A_360 = arith.index_cast %parallel_loop3A_264 : i32 to index
          %parallel_loop3A_361 = tpu.vector_load %parallel_loop3A_358[%parallel_loop3A_359, %parallel_loop3A_360] {strides = array<i32>} : memref<8x1024xf32, #tpu.memory_space<vmem>>, vector<1x16xf32>,
          %parallel_loop3A_362 = vector.shape_cast %parallel_loop3A_361 : vector<1x16xf32> to vector<16xf32>
          %parallel_loop3A_363 = arith.constant 1 : i32
          %parallel_loop3A_364 = arith.constant 0 : i32
          %parallel_loop3A_365 = arith.constant 0 : i32
          %parallel_loop3A_366 = tpu.memref_slice %arg5[%parallel_loop3A_226, %parallel_loop3A_227, %parallel_loop3A_364, %parallel_loop3A_365] : memref<3x4x8x1024xf32, #tpu.memory_space<vmem>> -> memref<1x1x8x1024xf32, #tpu.memory_space<vmem>>
          %parallel_loop3A_367 = tpu.memref_squeeze %parallel_loop3A_366 : memref<1x1x8x1024xf32, #tpu.memory_space<vmem>> -> memref<8x1024xf32, #tpu.memory_space<vmem>>
          %parallel_loop3A_368 = arith.index_cast %parallel_loop3A_363 : i32 to index
          %parallel_loop3A_369 = arith.index_cast %parallel_loop3A_264 : i32 to index
          %parallel_loop3A_370 = tpu.vector_load %parallel_loop3A_367[%parallel_loop3A_368, %parallel_loop3A_369] {strides = array<i32>} : memref<8x1024xf32, #tpu.memory_space<vmem>>, vector<1x16xf32>,
          %parallel_loop3A_371 = vector.shape_cast %parallel_loop3A_370 : vector<1x16xf32> to vector<16xf32>
          %parallel_loop3A_372 = arith.addf %parallel_loop3A_371, %parallel_loop3A_362 : vector<16xf32>
          %parallel_loop3A_373 = arith.constant 1 : i32
          %parallel_loop3A_374 = arith.constant 0 : i32
          %parallel_loop3A_375 = arith.constant 0 : i32
          %parallel_loop3A_376 = tpu.memref_slice %arg5[%parallel_loop3A_226, %parallel_loop3A_227, %parallel_loop3A_374, %parallel_loop3A_375] : memref<3x4x8x1024xf32, #tpu.memory_space<vmem>> -> memref<1x1x8x1024xf32, #tpu.memory_space<vmem>>
          %parallel_loop3A_377 = tpu.memref_squeeze %parallel_loop3A_376 : memref<1x1x8x1024xf32, #tpu.memory_space<vmem>> -> memref<8x1024xf32, #tpu.memory_space<vmem>>
          %parallel_loop3A_378 = arith.index_cast %parallel_loop3A_373 : i32 to index
          %parallel_loop3A_379 = arith.index_cast %parallel_loop3A_264 : i32 to index
          %parallel_loop3A_380 = tpu.vector_load %parallel_loop3A_377[%parallel_loop3A_378, %parallel_loop3A_379] {strides = array<i32>} : memref<8x1024xf32, #tpu.memory_space<vmem>>, vector<1x16xf32>,
          %parallel_loop3A_381 = vector.shape_cast %parallel_loop3A_380 : vector<1x16xf32> to vector<16xf32>
          %parallel_loop3A_382 = vector.shape_cast %parallel_loop3A_372 : vector<16xf32> to vector<1x16xf32>
          tpu.vector_store %parallel_loop3A_377[%parallel_loop3A_378, %parallel_loop3A_379], %parallel_loop3A_382 {strides = array<i32>} : memref<8x1024xf32, #tpu.memory_space<vmem>>, vector<1x16xf32>,
          %parallel_loop3A_383 = arith.constant 1 : i32
          %parallel_loop3A_384 = arith.constant 0 : i32
          %parallel_loop3A_385 = arith.constant 0 : i32
          %parallel_loop3A_386 = tpu.memref_slice %arg5[%parallel_loop3A_228, %parallel_loop3A_229, %parallel_loop3A_384, %parallel_loop3A_385] : memref<3x4x8x1024xf32, #tpu.memory_space<vmem>> -> memref<1x1x8x1024xf32, #tpu.memory_space<vmem>>
          %parallel_loop3A_387 = tpu.memref_squeeze %parallel_loop3A_386 : memref<1x1x8x1024xf32, #tpu.memory_space<vmem>> -> memref<8x1024xf32, #tpu.memory_space<vmem>>
          %parallel_loop3A_388 = arith.index_cast %parallel_loop3A_383 : i32 to index
          %parallel_loop3A_389 = arith.index_cast %parallel_loop3A_264 : i32 to index
          %parallel_loop3A_390 = tpu.vector_load %parallel_loop3A_387[%parallel_loop3A_388, %parallel_loop3A_389] {strides = array<i32>} : memref<8x1024xf32, #tpu.memory_space<vmem>>, vector<1x16xf32>,
          %parallel_loop3A_391 = vector.shape_cast %parallel_loop3A_390 : vector<1x16xf32> to vector<16xf32>
          %parallel_loop3A_392 = arith.addf %parallel_loop3A_391, %parallel_loop3A_362 : vector<16xf32>
          %parallel_loop3A_393 = arith.constant 1 : i32
          %parallel_loop3A_394 = arith.constant 0 : i32
          %parallel_loop3A_395 = arith.constant 0 : i32
          %parallel_loop3A_396 = tpu.memref_slice %arg5[%parallel_loop3A_228, %parallel_loop3A_229, %parallel_loop3A_394, %parallel_loop3A_395] : memref<3x4x8x1024xf32, #tpu.memory_space<vmem>> -> memref<1x1x8x1024xf32, #tpu.memory_space<vmem>>
          %parallel_loop3A_397 = tpu.memref_squeeze %parallel_loop3A_396 : memref<1x1x8x1024xf32, #tpu.memory_space<vmem>> -> memref<8x1024xf32, #tpu.memory_space<vmem>>
          %parallel_loop3A_398 = arith.index_cast %parallel_loop3A_393 : i32 to index
          %parallel_loop3A_399 = arith.index_cast %parallel_loop3A_264 : i32 to index
          %parallel_loop3A_400 = tpu.vector_load %parallel_loop3A_397[%parallel_loop3A_398, %parallel_loop3A_399] {strides = array<i32>} : memref<8x1024xf32, #tpu.memory_space<vmem>>, vector<1x16xf32>,
          %parallel_loop3A_401 = vector.shape_cast %parallel_loop3A_400 : vector<1x16xf32> to vector<16xf32>
          %parallel_loop3A_402 = vector.shape_cast %parallel_loop3A_392 : vector<16xf32> to vector<1x16xf32>
          tpu.vector_store %parallel_loop3A_397[%parallel_loop3A_398, %parallel_loop3A_399], %parallel_loop3A_402 {strides = array<i32>} : memref<8x1024xf32, #tpu.memory_space<vmem>>, vector<1x16xf32>,
          %parallel_loop3A_403 = arith.constant 1 : i32
          %parallel_loop3A_404 = arith.constant 0 : i32
          %parallel_loop3A_405 = arith.constant 0 : i32
          %parallel_loop3A_406 = tpu.memref_slice %arg5[%parallel_loop3A_230, %parallel_loop3A_231, %parallel_loop3A_404, %parallel_loop3A_405] : memref<3x4x8x1024xf32, #tpu.memory_space<vmem>> -> memref<1x1x8x1024xf32, #tpu.memory_space<vmem>>
          %parallel_loop3A_407 = tpu.memref_squeeze %parallel_loop3A_406 : memref<1x1x8x1024xf32, #tpu.memory_space<vmem>> -> memref<8x1024xf32, #tpu.memory_space<vmem>>
          %parallel_loop3A_408 = arith.index_cast %parallel_loop3A_403 : i32 to index
          %parallel_loop3A_409 = arith.index_cast %parallel_loop3A_264 : i32 to index
          %parallel_loop3A_410 = tpu.vector_load %parallel_loop3A_407[%parallel_loop3A_408, %parallel_loop3A_409] {strides = array<i32>} : memref<8x1024xf32, #tpu.memory_space<vmem>>, vector<1x16xf32>,
          %parallel_loop3A_411 = vector.shape_cast %parallel_loop3A_410 : vector<1x16xf32> to vector<16xf32>
          %parallel_loop3A_412 = arith.addf %parallel_loop3A_411, %parallel_loop3A_362 : vector<16xf32>
          %parallel_loop3A_413 = arith.constant 1 : i32
          %parallel_loop3A_414 = arith.constant 0 : i32
          %parallel_loop3A_415 = arith.constant 0 : i32
          %parallel_loop3A_416 = tpu.memref_slice %arg5[%parallel_loop3A_230, %parallel_loop3A_231, %parallel_loop3A_414, %parallel_loop3A_415] : memref<3x4x8x1024xf32, #tpu.memory_space<vmem>> -> memref<1x1x8x1024xf32, #tpu.memory_space<vmem>>
          %parallel_loop3A_417 = tpu.memref_squeeze %parallel_loop3A_416 : memref<1x1x8x1024xf32, #tpu.memory_space<vmem>> -> memref<8x1024xf32, #tpu.memory_space<vmem>>
          %parallel_loop3A_418 = arith.index_cast %parallel_loop3A_413 : i32 to index
          %parallel_loop3A_419 = arith.index_cast %parallel_loop3A_264 : i32 to index
          %parallel_loop3A_420 = tpu.vector_load %parallel_loop3A_417[%parallel_loop3A_418, %parallel_loop3A_419] {strides = array<i32>} : memref<8x1024xf32, #tpu.memory_space<vmem>>, vector<1x16xf32>,
          %parallel_loop3A_421 = vector.shape_cast %parallel_loop3A_420 : vector<1x16xf32> to vector<16xf32>
          %parallel_loop3A_422 = vector.shape_cast %parallel_loop3A_412 : vector<16xf32> to vector<1x16xf32>
          tpu.vector_store %parallel_loop3A_417[%parallel_loop3A_418, %parallel_loop3A_419], %parallel_loop3A_422 {strides = array<i32>} : memref<8x1024xf32, #tpu.memory_space<vmem>>, vector<1x16xf32>,
          %parallel_loop3A_423 = arith.constant 1 : i32
          %parallel_loop3A_424 = arith.constant 0 : i32
          %parallel_loop3A_425 = arith.constant 0 : i32
          %parallel_loop3A_426 = tpu.memref_slice %arg5[%parallel_loop3A_232, %parallel_loop3A_233, %parallel_loop3A_424, %parallel_loop3A_425] : memref<3x4x8x1024xf32, #tpu.memory_space<vmem>> -> memref<1x1x8x1024xf32, #tpu.memory_space<vmem>>
          %parallel_loop3A_427 = tpu.memref_squeeze %parallel_loop3A_426 : memref<1x1x8x1024xf32, #tpu.memory_space<vmem>> -> memref<8x1024xf32, #tpu.memory_space<vmem>>
          %parallel_loop3A_428 = arith.index_cast %parallel_loop3A_423 : i32 to index
          %parallel_loop3A_429 = arith.index_cast %parallel_loop3A_264 : i32 to index
          %parallel_loop3A_430 = tpu.vector_load %parallel_loop3A_427[%parallel_loop3A_428, %parallel_loop3A_429] {strides = array<i32>} : memref<8x1024xf32, #tpu.memory_space<vmem>>, vector<1x16xf32>,
          %parallel_loop3A_431 = vector.shape_cast %parallel_loop3A_430 : vector<1x16xf32> to vector<16xf32>
          %parallel_loop3A_432 = arith.addf %parallel_loop3A_431, %parallel_loop3A_362 : vector<16xf32>
          %parallel_loop3A_433 = arith.constant 1 : i32
          %parallel_loop3A_434 = arith.constant 0 : i32
          %parallel_loop3A_435 = arith.constant 0 : i32
          %parallel_loop3A_436 = tpu.memref_slice %arg5[%parallel_loop3A_232, %parallel_loop3A_233, %parallel_loop3A_434, %parallel_loop3A_435] : memref<3x4x8x1024xf32, #tpu.memory_space<vmem>> -> memref<1x1x8x1024xf32, #tpu.memory_space<vmem>>
          %parallel_loop3A_437 = tpu.memref_squeeze %parallel_loop3A_436 : memref<1x1x8x1024xf32, #tpu.memory_space<vmem>> -> memref<8x1024xf32, #tpu.memory_space<vmem>>
          %parallel_loop3A_438 = arith.index_cast %parallel_loop3A_433 : i32 to index
          %parallel_loop3A_439 = arith.index_cast %parallel_loop3A_264 : i32 to index
          %parallel_loop3A_440 = tpu.vector_load %parallel_loop3A_437[%parallel_loop3A_438, %parallel_loop3A_439] {strides = array<i32>} : memref<8x1024xf32, #tpu.memory_space<vmem>>, vector<1x16xf32>,
          %parallel_loop3A_441 = vector.shape_cast %parallel_loop3A_440 : vector<1x16xf32> to vector<16xf32>
          %parallel_loop3A_442 = vector.shape_cast %parallel_loop3A_432 : vector<16xf32> to vector<1x16xf32>
          tpu.vector_store %parallel_loop3A_437[%parallel_loop3A_438, %parallel_loop3A_439], %parallel_loop3A_442 {strides = array<i32>} : memref<8x1024xf32, #tpu.memory_space<vmem>>, vector<1x16xf32>,
          %parallel_loop3A_443 = arith.constant 2 : i32
          %parallel_loop3A_444 = arith.constant 0 : i32
          %parallel_loop3A_445 = arith.constant 0 : i32
          %parallel_loop3A_446 = tpu.memref_slice %arg6[%parallel_loop3A_225, %parallel_loop3A_444, %parallel_loop3A_445] : memref<3x8x1024xf32, #tpu.memory_space<vmem>> -> memref<1x8x1024xf32, #tpu.memory_space<vmem>>
          %parallel_loop3A_447 = tpu.memref_squeeze %parallel_loop3A_446 : memref<1x8x1024xf32, #tpu.memory_space<vmem>> -> memref<8x1024xf32, #tpu.memory_space<vmem>>
          %parallel_loop3A_448 = arith.index_cast %parallel_loop3A_443 : i32 to index
          %parallel_loop3A_449 = arith.index_cast %parallel_loop3A_264 : i32 to index
          %parallel_loop3A_450 = tpu.vector_load %parallel_loop3A_447[%parallel_loop3A_448, %parallel_loop3A_449] {strides = array<i32>} : memref<8x1024xf32, #tpu.memory_space<vmem>>, vector<1x16xf32>,
          %parallel_loop3A_451 = vector.shape_cast %parallel_loop3A_450 : vector<1x16xf32> to vector<16xf32>
          %parallel_loop3A_452 = arith.constant 2 : i32
          %parallel_loop3A_453 = arith.constant 0 : i32
          %parallel_loop3A_454 = arith.constant 0 : i32
          %parallel_loop3A_455 = tpu.memref_slice %arg5[%parallel_loop3A_226, %parallel_loop3A_227, %parallel_loop3A_453, %parallel_loop3A_454] : memref<3x4x8x1024xf32, #tpu.memory_space<vmem>> -> memref<1x1x8x1024xf32, #tpu.memory_space<vmem>>
          %parallel_loop3A_456 = tpu.memref_squeeze %parallel_loop3A_455 : memref<1x1x8x1024xf32, #tpu.memory_space<vmem>> -> memref<8x1024xf32, #tpu.memory_space<vmem>>
          %parallel_loop3A_457 = arith.index_cast %parallel_loop3A_452 : i32 to index
          %parallel_loop3A_458 = arith.index_cast %parallel_loop3A_264 : i32 to index
          %parallel_loop3A_459 = tpu.vector_load %parallel_loop3A_456[%parallel_loop3A_457, %parallel_loop3A_458] {strides = array<i32>} : memref<8x1024xf32, #tpu.memory_space<vmem>>, vector<1x16xf32>,
          %parallel_loop3A_460 = vector.shape_cast %parallel_loop3A_459 : vector<1x16xf32> to vector<16xf32>
          %parallel_loop3A_461 = arith.addf %parallel_loop3A_460, %parallel_loop3A_451 : vector<16xf32>
          %parallel_loop3A_462 = arith.constant 2 : i32
          %parallel_loop3A_463 = arith.constant 0 : i32
          %parallel_loop3A_464 = arith.constant 0 : i32
          %parallel_loop3A_465 = tpu.memref_slice %arg5[%parallel_loop3A_226, %parallel_loop3A_227, %parallel_loop3A_463, %parallel_loop3A_464] : memref<3x4x8x1024xf32, #tpu.memory_space<vmem>> -> memref<1x1x8x1024xf32, #tpu.memory_space<vmem>>
          %parallel_loop3A_466 = tpu.memref_squeeze %parallel_loop3A_465 : memref<1x1x8x1024xf32, #tpu.memory_space<vmem>> -> memref<8x1024xf32, #tpu.memory_space<vmem>>
          %parallel_loop3A_467 = arith.index_cast %parallel_loop3A_462 : i32 to index
          %parallel_loop3A_468 = arith.index_cast %parallel_loop3A_264 : i32 to index
          %parallel_loop3A_469 = tpu.vector_load %parallel_loop3A_466[%parallel_loop3A_467, %parallel_loop3A_468] {strides = array<i32>} : memref<8x1024xf32, #tpu.memory_space<vmem>>, vector<1x16xf32>,
          %parallel_loop3A_470 = vector.shape_cast %parallel_loop3A_469 : vector<1x16xf32> to vector<16xf32>
          %parallel_loop3A_471 = vector.shape_cast %parallel_loop3A_461 : vector<16xf32> to vector<1x16xf32>
          tpu.vector_store %parallel_loop3A_466[%parallel_loop3A_467, %parallel_loop3A_468], %parallel_loop3A_471 {strides = array<i32>} : memref<8x1024xf32, #tpu.memory_space<vmem>>, vector<1x16xf32>,
          %parallel_loop3A_472 = arith.constant 2 : i32
          %parallel_loop3A_473 = arith.constant 0 : i32
          %parallel_loop3A_474 = arith.constant 0 : i32
          %parallel_loop3A_475 = tpu.memref_slice %arg5[%parallel_loop3A_228, %parallel_loop3A_229, %parallel_loop3A_473, %parallel_loop3A_474] : memref<3x4x8x1024xf32, #tpu.memory_space<vmem>> -> memref<1x1x8x1024xf32, #tpu.memory_space<vmem>>
          %parallel_loop3A_476 = tpu.memref_squeeze %parallel_loop3A_475 : memref<1x1x8x1024xf32, #tpu.memory_space<vmem>> -> memref<8x1024xf32, #tpu.memory_space<vmem>>
          %parallel_loop3A_477 = arith.index_cast %parallel_loop3A_472 : i32 to index
          %parallel_loop3A_478 = arith.index_cast %parallel_loop3A_264 : i32 to index
          %parallel_loop3A_479 = tpu.vector_load %parallel_loop3A_476[%parallel_loop3A_477, %parallel_loop3A_478] {strides = array<i32>} : memref<8x1024xf32, #tpu.memory_space<vmem>>, vector<1x16xf32>,
          %parallel_loop3A_480 = vector.shape_cast %parallel_loop3A_479 : vector<1x16xf32> to vector<16xf32>
          %parallel_loop3A_481 = arith.addf %parallel_loop3A_480, %parallel_loop3A_451 : vector<16xf32>
          %parallel_loop3A_482 = arith.constant 2 : i32
          %parallel_loop3A_483 = arith.constant 0 : i32
          %parallel_loop3A_484 = arith.constant 0 : i32
          %parallel_loop3A_485 = tpu.memref_slice %arg5[%parallel_loop3A_228, %parallel_loop3A_229, %parallel_loop3A_483, %parallel_loop3A_484] : memref<3x4x8x1024xf32, #tpu.memory_space<vmem>> -> memref<1x1x8x1024xf32, #tpu.memory_space<vmem>>
          %parallel_loop3A_486 = tpu.memref_squeeze %parallel_loop3A_485 : memref<1x1x8x1024xf32, #tpu.memory_space<vmem>> -> memref<8x1024xf32, #tpu.memory_space<vmem>>
          %parallel_loop3A_487 = arith.index_cast %parallel_loop3A_482 : i32 to index
          %parallel_loop3A_488 = arith.index_cast %parallel_loop3A_264 : i32 to index
          %parallel_loop3A_489 = tpu.vector_load %parallel_loop3A_486[%parallel_loop3A_487, %parallel_loop3A_488] {strides = array<i32>} : memref<8x1024xf32, #tpu.memory_space<vmem>>, vector<1x16xf32>,
          %parallel_loop3A_490 = vector.shape_cast %parallel_loop3A_489 : vector<1x16xf32> to vector<16xf32>
          %parallel_loop3A_491 = vector.shape_cast %parallel_loop3A_481 : vector<16xf32> to vector<1x16xf32>
          tpu.vector_store %parallel_loop3A_486[%parallel_loop3A_487, %parallel_loop3A_488], %parallel_loop3A_491 {strides = array<i32>} : memref<8x1024xf32, #tpu.memory_space<vmem>>, vector<1x16xf32>,
          %parallel_loop3A_492 = arith.constant 2 : i32
          %parallel_loop3A_493 = arith.constant 0 : i32
          %parallel_loop3A_494 = arith.constant 0 : i32
          %parallel_loop3A_495 = tpu.memref_slice %arg5[%parallel_loop3A_230, %parallel_loop3A_231, %parallel_loop3A_493, %parallel_loop3A_494] : memref<3x4x8x1024xf32, #tpu.memory_space<vmem>> -> memref<1x1x8x1024xf32, #tpu.memory_space<vmem>>
          %parallel_loop3A_496 = tpu.memref_squeeze %parallel_loop3A_495 : memref<1x1x8x1024xf32, #tpu.memory_space<vmem>> -> memref<8x1024xf32, #tpu.memory_space<vmem>>
          %parallel_loop3A_497 = arith.index_cast %parallel_loop3A_492 : i32 to index
          %parallel_loop3A_498 = arith.index_cast %parallel_loop3A_264 : i32 to index
          %parallel_loop3A_499 = tpu.vector_load %parallel_loop3A_496[%parallel_loop3A_497, %parallel_loop3A_498] {strides = array<i32>} : memref<8x1024xf32, #tpu.memory_space<vmem>>, vector<1x16xf32>,
          %parallel_loop3A_500 = vector.shape_cast %parallel_loop3A_499 : vector<1x16xf32> to vector<16xf32>
          %parallel_loop3A_501 = arith.addf %parallel_loop3A_500, %parallel_loop3A_451 : vector<16xf32>
          %parallel_loop3A_502 = arith.constant 2 : i32
          %parallel_loop3A_503 = arith.constant 0 : i32
          %parallel_loop3A_504 = arith.constant 0 : i32
          %parallel_loop3A_505 = tpu.memref_slice %arg5[%parallel_loop3A_230, %parallel_loop3A_231, %parallel_loop3A_503, %parallel_loop3A_504] : memref<3x4x8x1024xf32, #tpu.memory_space<vmem>> -> memref<1x1x8x1024xf32, #tpu.memory_space<vmem>>
          %parallel_loop3A_506 = tpu.memref_squeeze %parallel_loop3A_505 : memref<1x1x8x1024xf32, #tpu.memory_space<vmem>> -> memref<8x1024xf32, #tpu.memory_space<vmem>>
          %parallel_loop3A_507 = arith.index_cast %parallel_loop3A_502 : i32 to index
          %parallel_loop3A_508 = arith.index_cast %parallel_loop3A_264 : i32 to index
          %parallel_loop3A_509 = tpu.vector_load %parallel_loop3A_506[%parallel_loop3A_507, %parallel_loop3A_508] {strides = array<i32>} : memref<8x1024xf32, #tpu.memory_space<vmem>>, vector<1x16xf32>,
          %parallel_loop3A_510 = vector.shape_cast %parallel_loop3A_509 : vector<1x16xf32> to vector<16xf32>
          %parallel_loop3A_511 = vector.shape_cast %parallel_loop3A_501 : vector<16xf32> to vector<1x16xf32>
          tpu.vector_store %parallel_loop3A_506[%parallel_loop3A_507, %parallel_loop3A_508], %parallel_loop3A_511 {strides = array<i32>} : memref<8x1024xf32, #tpu.memory_space<vmem>>, vector<1x16xf32>,
          %parallel_loop3A_512 = arith.constant 2 : i32
          %parallel_loop3A_513 = arith.constant 0 : i32
          %parallel_loop3A_514 = arith.constant 0 : i32
          %parallel_loop3A_515 = tpu.memref_slice %arg5[%parallel_loop3A_232, %parallel_loop3A_233, %parallel_loop3A_513, %parallel_loop3A_514] : memref<3x4x8x1024xf32, #tpu.memory_space<vmem>> -> memref<1x1x8x1024xf32, #tpu.memory_space<vmem>>
          %parallel_loop3A_516 = tpu.memref_squeeze %parallel_loop3A_515 : memref<1x1x8x1024xf32, #tpu.memory_space<vmem>> -> memref<8x1024xf32, #tpu.memory_space<vmem>>
          %parallel_loop3A_517 = arith.index_cast %parallel_loop3A_512 : i32 to index
          %parallel_loop3A_518 = arith.index_cast %parallel_loop3A_264 : i32 to index
          %parallel_loop3A_519 = tpu.vector_load %parallel_loop3A_516[%parallel_loop3A_517, %parallel_loop3A_518] {strides = array<i32>} : memref<8x1024xf32, #tpu.memory_space<vmem>>, vector<1x16xf32>,
          %parallel_loop3A_520 = vector.shape_cast %parallel_loop3A_519 : vector<1x16xf32> to vector<16xf32>
          %parallel_loop3A_521 = arith.addf %parallel_loop3A_520, %parallel_loop3A_451 : vector<16xf32>
          %parallel_loop3A_522 = arith.constant 2 : i32
          %parallel_loop3A_523 = arith.constant 0 : i32
          %parallel_loop3A_524 = arith.constant 0 : i32
          %parallel_loop3A_525 = tpu.memref_slice %arg5[%parallel_loop3A_232, %parallel_loop3A_233, %parallel_loop3A_523, %parallel_loop3A_524] : memref<3x4x8x1024xf32, #tpu.memory_space<vmem>> -> memref<1x1x8x1024xf32, #tpu.memory_space<vmem>>
          %parallel_loop3A_526 = tpu.memref_squeeze %parallel_loop3A_525 : memref<1x1x8x1024xf32, #tpu.memory_space<vmem>> -> memref<8x1024xf32, #tpu.memory_space<vmem>>
          %parallel_loop3A_527 = arith.index_cast %parallel_loop3A_522 : i32 to index
          %parallel_loop3A_528 = arith.index_cast %parallel_loop3A_264 : i32 to index
          %parallel_loop3A_529 = tpu.vector_load %parallel_loop3A_526[%parallel_loop3A_527, %parallel_loop3A_528] {strides = array<i32>} : memref<8x1024xf32, #tpu.memory_space<vmem>>, vector<1x16xf32>,
          %parallel_loop3A_530 = vector.shape_cast %parallel_loop3A_529 : vector<1x16xf32> to vector<16xf32>
          %parallel_loop3A_531 = vector.shape_cast %parallel_loop3A_521 : vector<16xf32> to vector<1x16xf32>
          tpu.vector_store %parallel_loop3A_526[%parallel_loop3A_527, %parallel_loop3A_528], %parallel_loop3A_531 {strides = array<i32>} : memref<8x1024xf32, #tpu.memory_space<vmem>>, vector<1x16xf32>,
          %parallel_loop3A_532 = arith.constant 3 : i32
          %parallel_loop3A_533 = arith.constant 0 : i32
          %parallel_loop3A_534 = arith.constant 0 : i32
          %parallel_loop3A_535 = tpu.memref_slice %arg6[%parallel_loop3A_225, %parallel_loop3A_533, %parallel_loop3A_534] : memref<3x8x1024xf32, #tpu.memory_space<vmem>> -> memref<1x8x1024xf32, #tpu.memory_space<vmem>>
          %parallel_loop3A_536 = tpu.memref_squeeze %parallel_loop3A_535 : memref<1x8x1024xf32, #tpu.memory_space<vmem>> -> memref<8x1024xf32, #tpu.memory_space<vmem>>
          %parallel_loop3A_537 = arith.index_cast %parallel_loop3A_532 : i32 to index
          %parallel_loop3A_538 = arith.index_cast %parallel_loop3A_264 : i32 to index
          %parallel_loop3A_539 = tpu.vector_load %parallel_loop3A_536[%parallel_loop3A_537, %parallel_loop3A_538] {strides = array<i32>} : memref<8x1024xf32, #tpu.memory_space<vmem>>, vector<1x16xf32>,
          %parallel_loop3A_540 = vector.shape_cast %parallel_loop3A_539 : vector<1x16xf32> to vector<16xf32>
          %parallel_loop3A_541 = arith.constant 3 : i32
          %parallel_loop3A_542 = arith.constant 0 : i32
          %parallel_loop3A_543 = arith.constant 0 : i32
          %parallel_loop3A_544 = tpu.memref_slice %arg5[%parallel_loop3A_226, %parallel_loop3A_227, %parallel_loop3A_542, %parallel_loop3A_543] : memref<3x4x8x1024xf32, #tpu.memory_space<vmem>> -> memref<1x1x8x1024xf32, #tpu.memory_space<vmem>>
          %parallel_loop3A_545 = tpu.memref_squeeze %parallel_loop3A_544 : memref<1x1x8x1024xf32, #tpu.memory_space<vmem>> -> memref<8x1024xf32, #tpu.memory_space<vmem>>
          %parallel_loop3A_546 = arith.index_cast %parallel_loop3A_541 : i32 to index
          %parallel_loop3A_547 = arith.index_cast %parallel_loop3A_264 : i32 to index
          %parallel_loop3A_548 = tpu.vector_load %parallel_loop3A_545[%parallel_loop3A_546, %parallel_loop3A_547] {strides = array<i32>} : memref<8x1024xf32, #tpu.memory_space<vmem>>, vector<1x16xf32>,
          %parallel_loop3A_549 = vector.shape_cast %parallel_loop3A_548 : vector<1x16xf32> to vector<16xf32>
          %parallel_loop3A_550 = arith.addf %parallel_loop3A_549, %parallel_loop3A_540 : vector<16xf32>
          %parallel_loop3A_551 = arith.constant 3 : i32
          %parallel_loop3A_552 = arith.constant 0 : i32
          %parallel_loop3A_553 = arith.constant 0 : i32
          %parallel_loop3A_554 = tpu.memref_slice %arg5[%parallel_loop3A_226, %parallel_loop3A_227, %parallel_loop3A_552, %parallel_loop3A_553] : memref<3x4x8x1024xf32, #tpu.memory_space<vmem>> -> memref<1x1x8x1024xf32, #tpu.memory_space<vmem>>
          %parallel_loop3A_555 = tpu.memref_squeeze %parallel_loop3A_554 : memref<1x1x8x1024xf32, #tpu.memory_space<vmem>> -> memref<8x1024xf32, #tpu.memory_space<vmem>>
          %parallel_loop3A_556 = arith.index_cast %parallel_loop3A_551 : i32 to index
          %parallel_loop3A_557 = arith.index_cast %parallel_loop3A_264 : i32 to index
          %parallel_loop3A_558 = tpu.vector_load %parallel_loop3A_555[%parallel_loop3A_556, %parallel_loop3A_557] {strides = array<i32>} : memref<8x1024xf32, #tpu.memory_space<vmem>>, vector<1x16xf32>,
          %parallel_loop3A_559 = vector.shape_cast %parallel_loop3A_558 : vector<1x16xf32> to vector<16xf32>
          %parallel_loop3A_560 = vector.shape_cast %parallel_loop3A_550 : vector<16xf32> to vector<1x16xf32>
          tpu.vector_store %parallel_loop3A_555[%parallel_loop3A_556, %parallel_loop3A_557], %parallel_loop3A_560 {strides = array<i32>} : memref<8x1024xf32, #tpu.memory_space<vmem>>, vector<1x16xf32>,
          %parallel_loop3A_561 = arith.constant 3 : i32
          %parallel_loop3A_562 = arith.constant 0 : i32
          %parallel_loop3A_563 = arith.constant 0 : i32
          %parallel_loop3A_564 = tpu.memref_slice %arg5[%parallel_loop3A_228, %parallel_loop3A_229, %parallel_loop3A_562, %parallel_loop3A_563] : memref<3x4x8x1024xf32, #tpu.memory_space<vmem>> -> memref<1x1x8x1024xf32, #tpu.memory_space<vmem>>
          %parallel_loop3A_565 = tpu.memref_squeeze %parallel_loop3A_564 : memref<1x1x8x1024xf32, #tpu.memory_space<vmem>> -> memref<8x1024xf32, #tpu.memory_space<vmem>>
          %parallel_loop3A_566 = arith.index_cast %parallel_loop3A_561 : i32 to index
          %parallel_loop3A_567 = arith.index_cast %parallel_loop3A_264 : i32 to index
          %parallel_loop3A_568 = tpu.vector_load %parallel_loop3A_565[%parallel_loop3A_566, %parallel_loop3A_567] {strides = array<i32>} : memref<8x1024xf32, #tpu.memory_space<vmem>>, vector<1x16xf32>,
          %parallel_loop3A_569 = vector.shape_cast %parallel_loop3A_568 : vector<1x16xf32> to vector<16xf32>
          %parallel_loop3A_570 = arith.addf %parallel_loop3A_569, %parallel_loop3A_540 : vector<16xf32>
          %parallel_loop3A_571 = arith.constant 3 : i32
          %parallel_loop3A_572 = arith.constant 0 : i32
          %parallel_loop3A_573 = arith.constant 0 : i32
          %parallel_loop3A_574 = tpu.memref_slice %arg5[%parallel_loop3A_228, %parallel_loop3A_229, %parallel_loop3A_572, %parallel_loop3A_573] : memref<3x4x8x1024xf32, #tpu.memory_space<vmem>> -> memref<1x1x8x1024xf32, #tpu.memory_space<vmem>>
          %parallel_loop3A_575 = tpu.memref_squeeze %parallel_loop3A_574 : memref<1x1x8x1024xf32, #tpu.memory_space<vmem>> -> memref<8x1024xf32, #tpu.memory_space<vmem>>
          %parallel_loop3A_576 = arith.index_cast %parallel_loop3A_571 : i32 to index
          %parallel_loop3A_577 = arith.index_cast %parallel_loop3A_264 : i32 to index
          %parallel_loop3A_578 = tpu.vector_load %parallel_loop3A_575[%parallel_loop3A_576, %parallel_loop3A_577] {strides = array<i32>} : memref<8x1024xf32, #tpu.memory_space<vmem>>, vector<1x16xf32>,
          %parallel_loop3A_579 = vector.shape_cast %parallel_loop3A_578 : vector<1x16xf32> to vector<16xf32>
          %parallel_loop3A_580 = vector.shape_cast %parallel_loop3A_570 : vector<16xf32> to vector<1x16xf32>
          tpu.vector_store %parallel_loop3A_575[%parallel_loop3A_576, %parallel_loop3A_577], %parallel_loop3A_580 {strides = array<i32>} : memref<8x1024xf32, #tpu.memory_space<vmem>>, vector<1x16xf32>,
          %parallel_loop3A_581 = arith.constant 3 : i32
          %parallel_loop3A_582 = arith.constant 0 : i32
          %parallel_loop3A_583 = arith.constant 0 : i32
          %parallel_loop3A_584 = tpu.memref_slice %arg5[%parallel_loop3A_230, %parallel_loop3A_231, %parallel_loop3A_582, %parallel_loop3A_583] : memref<3x4x8x1024xf32, #tpu.memory_space<vmem>> -> memref<1x1x8x1024xf32, #tpu.memory_space<vmem>>
          %parallel_loop3A_585 = tpu.memref_squeeze %parallel_loop3A_584 : memref<1x1x8x1024xf32, #tpu.memory_space<vmem>> -> memref<8x1024xf32, #tpu.memory_space<vmem>>
          %parallel_loop3A_586 = arith.index_cast %parallel_loop3A_581 : i32 to index
          %parallel_loop3A_587 = arith.index_cast %parallel_loop3A_264 : i32 to index
          %parallel_loop3A_588 = tpu.vector_load %parallel_loop3A_585[%parallel_loop3A_586, %parallel_loop3A_587] {strides = array<i32>} : memref<8x1024xf32, #tpu.memory_space<vmem>>, vector<1x16xf32>,
          %parallel_loop3A_589 = vector.shape_cast %parallel_loop3A_588 : vector<1x16xf32> to vector<16xf32>
          %parallel_loop3A_590 = arith.addf %parallel_loop3A_589, %parallel_loop3A_540 : vector<16xf32>
          %parallel_loop3A_591 = arith.constant 3 : i32
          %parallel_loop3A_592 = arith.constant 0 : i32
          %parallel_loop3A_593 = arith.constant 0 : i32
          %parallel_loop3A_594 = tpu.memref_slice %arg5[%parallel_loop3A_230, %parallel_loop3A_231, %parallel_loop3A_592, %parallel_loop3A_593] : memref<3x4x8x1024xf32, #tpu.memory_space<vmem>> -> memref<1x1x8x1024xf32, #tpu.memory_space<vmem>>
          %parallel_loop3A_595 = tpu.memref_squeeze %parallel_loop3A_594 : memref<1x1x8x1024xf32, #tpu.memory_space<vmem>> -> memref<8x1024xf32, #tpu.memory_space<vmem>>
          %parallel_loop3A_596 = arith.index_cast %parallel_loop3A_591 : i32 to index
          %parallel_loop3A_597 = arith.index_cast %parallel_loop3A_264 : i32 to index
          %parallel_loop3A_598 = tpu.vector_load %parallel_loop3A_595[%parallel_loop3A_596, %parallel_loop3A_597] {strides = array<i32>} : memref<8x1024xf32, #tpu.memory_space<vmem>>, vector<1x16xf32>,
          %parallel_loop3A_599 = vector.shape_cast %parallel_loop3A_598 : vector<1x16xf32> to vector<16xf32>
          %parallel_loop3A_600 = vector.shape_cast %parallel_loop3A_590 : vector<16xf32> to vector<1x16xf32>
          tpu.vector_store %parallel_loop3A_595[%parallel_loop3A_596, %parallel_loop3A_597], %parallel_loop3A_600 {strides = array<i32>} : memref<8x1024xf32, #tpu.memory_space<vmem>>, vector<1x16xf32>,
          %parallel_loop3A_601 = arith.constant 3 : i32
          %parallel_loop3A_602 = arith.constant 0 : i32
          %parallel_loop3A_603 = arith.constant 0 : i32
          %parallel_loop3A_604 = tpu.memref_slice %arg5[%parallel_loop3A_232, %parallel_loop3A_233, %parallel_loop3A_602, %parallel_loop3A_603] : memref<3x4x8x1024xf32, #tpu.memory_space<vmem>> -> memref<1x1x8x1024xf32, #tpu.memory_space<vmem>>
          %parallel_loop3A_605 = tpu.memref_squeeze %parallel_loop3A_604 : memref<1x1x8x1024xf32, #tpu.memory_space<vmem>> -> memref<8x1024xf32, #tpu.memory_space<vmem>>
          %parallel_loop3A_606 = arith.index_cast %parallel_loop3A_601 : i32 to index
          %parallel_loop3A_607 = arith.index_cast %parallel_loop3A_264 : i32 to index
          %parallel_loop3A_608 = tpu.vector_load %parallel_loop3A_605[%parallel_loop3A_606, %parallel_loop3A_607] {strides = array<i32>} : memref<8x1024xf32, #tpu.memory_space<vmem>>, vector<1x16xf32>,
          %parallel_loop3A_609 = vector.shape_cast %parallel_loop3A_608 : vector<1x16xf32> to vector<16xf32>
          %parallel_loop3A_610 = arith.addf %parallel_loop3A_609, %parallel_loop3A_540 : vector<16xf32>
          %parallel_loop3A_611 = arith.constant 3 : i32
          %parallel_loop3A_612 = arith.constant 0 : i32
          %parallel_loop3A_613 = arith.constant 0 : i32
          %parallel_loop3A_614 = tpu.memref_slice %arg5[%parallel_loop3A_232, %parallel_loop3A_233, %parallel_loop3A_612, %parallel_loop3A_613] : memref<3x4x8x1024xf32, #tpu.memory_space<vmem>> -> memref<1x1x8x1024xf32, #tpu.memory_space<vmem>>
          %parallel_loop3A_615 = tpu.memref_squeeze %parallel_loop3A_614 : memref<1x1x8x1024xf32, #tpu.memory_space<vmem>> -> memref<8x1024xf32, #tpu.memory_space<vmem>>
          %parallel_loop3A_616 = arith.index_cast %parallel_loop3A_611 : i32 to index
          %parallel_loop3A_617 = arith.index_cast %parallel_loop3A_264 : i32 to index
          %parallel_loop3A_618 = tpu.vector_load %parallel_loop3A_615[%parallel_loop3A_616, %parallel_loop3A_617] {strides = array<i32>} : memref<8x1024xf32, #tpu.memory_space<vmem>>, vector<1x16xf32>,
          %parallel_loop3A_619 = vector.shape_cast %parallel_loop3A_618 : vector<1x16xf32> to vector<16xf32>
          %parallel_loop3A_620 = vector.shape_cast %parallel_loop3A_610 : vector<16xf32> to vector<1x16xf32>
          tpu.vector_store %parallel_loop3A_615[%parallel_loop3A_616, %parallel_loop3A_617], %parallel_loop3A_620 {strides = array<i32>} : memref<8x1024xf32, #tpu.memory_space<vmem>>, vector<1x16xf32>,
          %parallel_loop3A_621 = arith.constant 4 : i32
          %parallel_loop3A_622 = arith.constant 0 : i32
          %parallel_loop3A_623 = arith.constant 0 : i32
          %parallel_loop3A_624 = tpu.memref_slice %arg6[%parallel_loop3A_225, %parallel_loop3A_622, %parallel_loop3A_623] : memref<3x8x1024xf32, #tpu.memory_space<vmem>> -> memref<1x8x1024xf32, #tpu.memory_space<vmem>>
          %parallel_loop3A_625 = tpu.memref_squeeze %parallel_loop3A_624 : memref<1x8x1024xf32, #tpu.memory_space<vmem>> -> memref<8x1024xf32, #tpu.memory_space<vmem>>
          %parallel_loop3A_626 = arith.index_cast %parallel_loop3A_621 : i32 to index
          %parallel_loop3A_627 = arith.index_cast %parallel_loop3A_264 : i32 to index
          %parallel_loop3A_628 = tpu.vector_load %parallel_loop3A_625[%parallel_loop3A_626, %parallel_loop3A_627] {strides = array<i32>} : memref<8x1024xf32, #tpu.memory_space<vmem>>, vector<1x16xf32>,
          %parallel_loop3A_629 = vector.shape_cast %parallel_loop3A_628 : vector<1x16xf32> to vector<16xf32>
          %parallel_loop3A_630 = arith.constant 4 : i32
          %parallel_loop3A_631 = arith.constant 0 : i32
          %parallel_loop3A_632 = arith.constant 0 : i32
          %parallel_loop3A_633 = tpu.memref_slice %arg5[%parallel_loop3A_226, %parallel_loop3A_227, %parallel_loop3A_631, %parallel_loop3A_632] : memref<3x4x8x1024xf32, #tpu.memory_space<vmem>> -> memref<1x1x8x1024xf32, #tpu.memory_space<vmem>>
          %parallel_loop3A_634 = tpu.memref_squeeze %parallel_loop3A_633 : memref<1x1x8x1024xf32, #tpu.memory_space<vmem>> -> memref<8x1024xf32, #tpu.memory_space<vmem>>
          %parallel_loop3A_635 = arith.index_cast %parallel_loop3A_630 : i32 to index
          %parallel_loop3A_636 = arith.index_cast %parallel_loop3A_264 : i32 to index
          %parallel_loop3A_637 = tpu.vector_load %parallel_loop3A_634[%parallel_loop3A_635, %parallel_loop3A_636] {strides = array<i32>} : memref<8x1024xf32, #tpu.memory_space<vmem>>, vector<1x16xf32>,
          %parallel_loop3A_638 = vector.shape_cast %parallel_loop3A_637 : vector<1x16xf32> to vector<16xf32>
          %parallel_loop3A_639 = arith.addf %parallel_loop3A_638, %parallel_loop3A_629 : vector<16xf32>
          %parallel_loop3A_640 = arith.constant 4 : i32
          %parallel_loop3A_641 = arith.constant 0 : i32
          %parallel_loop3A_642 = arith.constant 0 : i32
          %parallel_loop3A_643 = tpu.memref_slice %arg5[%parallel_loop3A_226, %parallel_loop3A_227, %parallel_loop3A_641, %parallel_loop3A_642] : memref<3x4x8x1024xf32, #tpu.memory_space<vmem>> -> memref<1x1x8x1024xf32, #tpu.memory_space<vmem>>
          %parallel_loop3A_644 = tpu.memref_squeeze %parallel_loop3A_643 : memref<1x1x8x1024xf32, #tpu.memory_space<vmem>> -> memref<8x1024xf32, #tpu.memory_space<vmem>>
          %parallel_loop3A_645 = arith.index_cast %parallel_loop3A_640 : i32 to index
          %parallel_loop3A_646 = arith.index_cast %parallel_loop3A_264 : i32 to index
          %parallel_loop3A_647 = tpu.vector_load %parallel_loop3A_644[%parallel_loop3A_645, %parallel_loop3A_646] {strides = array<i32>} : memref<8x1024xf32, #tpu.memory_space<vmem>>, vector<1x16xf32>,
          %parallel_loop3A_648 = vector.shape_cast %parallel_loop3A_647 : vector<1x16xf32> to vector<16xf32>
          %parallel_loop3A_649 = vector.shape_cast %parallel_loop3A_639 : vector<16xf32> to vector<1x16xf32>
          tpu.vector_store %parallel_loop3A_644[%parallel_loop3A_645, %parallel_loop3A_646], %parallel_loop3A_649 {strides = array<i32>} : memref<8x1024xf32, #tpu.memory_space<vmem>>, vector<1x16xf32>,
          %parallel_loop3A_650 = arith.constant 4 : i32
          %parallel_loop3A_651 = arith.constant 0 : i32
          %parallel_loop3A_652 = arith.constant 0 : i32
          %parallel_loop3A_653 = tpu.memref_slice %arg5[%parallel_loop3A_228, %parallel_loop3A_229, %parallel_loop3A_651, %parallel_loop3A_652] : memref<3x4x8x1024xf32, #tpu.memory_space<vmem>> -> memref<1x1x8x1024xf32, #tpu.memory_space<vmem>>
          %parallel_loop3A_654 = tpu.memref_squeeze %parallel_loop3A_653 : memref<1x1x8x1024xf32, #tpu.memory_space<vmem>> -> memref<8x1024xf32, #tpu.memory_space<vmem>>
          %parallel_loop3A_655 = arith.index_cast %parallel_loop3A_650 : i32 to index
          %parallel_loop3A_656 = arith.index_cast %parallel_loop3A_264 : i32 to index
          %parallel_loop3A_657 = tpu.vector_load %parallel_loop3A_654[%parallel_loop3A_655, %parallel_loop3A_656] {strides = array<i32>} : memref<8x1024xf32, #tpu.memory_space<vmem>>, vector<1x16xf32>,
          %parallel_loop3A_658 = vector.shape_cast %parallel_loop3A_657 : vector<1x16xf32> to vector<16xf32>
          %parallel_loop3A_659 = arith.addf %parallel_loop3A_658, %parallel_loop3A_629 : vector<16xf32>
          %parallel_loop3A_660 = arith.constant 4 : i32
          %parallel_loop3A_661 = arith.constant 0 : i32
          %parallel_loop3A_662 = arith.constant 0 : i32
          %parallel_loop3A_663 = tpu.memref_slice %arg5[%parallel_loop3A_228, %parallel_loop3A_229, %parallel_loop3A_661, %parallel_loop3A_662] : memref<3x4x8x1024xf32, #tpu.memory_space<vmem>> -> memref<1x1x8x1024xf32, #tpu.memory_space<vmem>>
          %parallel_loop3A_664 = tpu.memref_squeeze %parallel_loop3A_663 : memref<1x1x8x1024xf32, #tpu.memory_space<vmem>> -> memref<8x1024xf32, #tpu.memory_space<vmem>>
          %parallel_loop3A_665 = arith.index_cast %parallel_loop3A_660 : i32 to index
          %parallel_loop3A_666 = arith.index_cast %parallel_loop3A_264 : i32 to index
          %parallel_loop3A_667 = tpu.vector_load %parallel_loop3A_664[%parallel_loop3A_665, %parallel_loop3A_666] {strides = array<i32>} : memref<8x1024xf32, #tpu.memory_space<vmem>>, vector<1x16xf32>,
          %parallel_loop3A_668 = vector.shape_cast %parallel_loop3A_667 : vector<1x16xf32> to vector<16xf32>
          %parallel_loop3A_669 = vector.shape_cast %parallel_loop3A_659 : vector<16xf32> to vector<1x16xf32>
          tpu.vector_store %parallel_loop3A_664[%parallel_loop3A_665, %parallel_loop3A_666], %parallel_loop3A_669 {strides = array<i32>} : memref<8x1024xf32, #tpu.memory_space<vmem>>, vector<1x16xf32>,
          %parallel_loop3A_670 = arith.constant 4 : i32
          %parallel_loop3A_671 = arith.constant 0 : i32
          %parallel_loop3A_672 = arith.constant 0 : i32
          %parallel_loop3A_673 = tpu.memref_slice %arg5[%parallel_loop3A_230, %parallel_loop3A_231, %parallel_loop3A_671, %parallel_loop3A_672] : memref<3x4x8x1024xf32, #tpu.memory_space<vmem>> -> memref<1x1x8x1024xf32, #tpu.memory_space<vmem>>
          %parallel_loop3A_674 = tpu.memref_squeeze %parallel_loop3A_673 : memref<1x1x8x1024xf32, #tpu.memory_space<vmem>> -> memref<8x1024xf32, #tpu.memory_space<vmem>>
          %parallel_loop3A_675 = arith.index_cast %parallel_loop3A_670 : i32 to index
          %parallel_loop3A_676 = arith.index_cast %parallel_loop3A_264 : i32 to index
          %parallel_loop3A_677 = tpu.vector_load %parallel_loop3A_674[%parallel_loop3A_675, %parallel_loop3A_676] {strides = array<i32>} : memref<8x1024xf32, #tpu.memory_space<vmem>>, vector<1x16xf32>,
          %parallel_loop3A_678 = vector.shape_cast %parallel_loop3A_677 : vector<1x16xf32> to vector<16xf32>
          %parallel_loop3A_679 = arith.addf %parallel_loop3A_678, %parallel_loop3A_629 : vector<16xf32>
          %parallel_loop3A_680 = arith.constant 4 : i32
          %parallel_loop3A_681 = arith.constant 0 : i32
          %parallel_loop3A_682 = arith.constant 0 : i32
          %parallel_loop3A_683 = tpu.memref_slice %arg5[%parallel_loop3A_230, %parallel_loop3A_231, %parallel_loop3A_681, %parallel_loop3A_682] : memref<3x4x8x1024xf32, #tpu.memory_space<vmem>> -> memref<1x1x8x1024xf32, #tpu.memory_space<vmem>>
          %parallel_loop3A_684 = tpu.memref_squeeze %parallel_loop3A_683 : memref<1x1x8x1024xf32, #tpu.memory_space<vmem>> -> memref<8x1024xf32, #tpu.memory_space<vmem>>
          %parallel_loop3A_685 = arith.index_cast %parallel_loop3A_680 : i32 to index
          %parallel_loop3A_686 = arith.index_cast %parallel_loop3A_264 : i32 to index
          %parallel_loop3A_687 = tpu.vector_load %parallel_loop3A_684[%parallel_loop3A_685, %parallel_loop3A_686] {strides = array<i32>} : memref<8x1024xf32, #tpu.memory_space<vmem>>, vector<1x16xf32>,
          %parallel_loop3A_688 = vector.shape_cast %parallel_loop3A_687 : vector<1x16xf32> to vector<16xf32>
          %parallel_loop3A_689 = vector.shape_cast %parallel_loop3A_679 : vector<16xf32> to vector<1x16xf32>
          tpu.vector_store %parallel_loop3A_684[%parallel_loop3A_685, %parallel_loop3A_686], %parallel_loop3A_689 {strides = array<i32>} : memref<8x1024xf32, #tpu.memory_space<vmem>>, vector<1x16xf32>,
          %parallel_loop3A_690 = arith.constant 4 : i32
          %parallel_loop3A_691 = arith.constant 0 : i32
          %parallel_loop3A_692 = arith.constant 0 : i32
          %parallel_loop3A_693 = tpu.memref_slice %arg5[%parallel_loop3A_232, %parallel_loop3A_233, %parallel_loop3A_691, %parallel_loop3A_692] : memref<3x4x8x1024xf32, #tpu.memory_space<vmem>> -> memref<1x1x8x1024xf32, #tpu.memory_space<vmem>>
          %parallel_loop3A_694 = tpu.memref_squeeze %parallel_loop3A_693 : memref<1x1x8x1024xf32, #tpu.memory_space<vmem>> -> memref<8x1024xf32, #tpu.memory_space<vmem>>
          %parallel_loop3A_695 = arith.index_cast %parallel_loop3A_690 : i32 to index
          %parallel_loop3A_696 = arith.index_cast %parallel_loop3A_264 : i32 to index
          %parallel_loop3A_697 = tpu.vector_load %parallel_loop3A_694[%parallel_loop3A_695, %parallel_loop3A_696] {strides = array<i32>} : memref<8x1024xf32, #tpu.memory_space<vmem>>, vector<1x16xf32>,
          %parallel_loop3A_698 = vector.shape_cast %parallel_loop3A_697 : vector<1x16xf32> to vector<16xf32>
          %parallel_loop3A_699 = arith.addf %parallel_loop3A_698, %parallel_loop3A_629 : vector<16xf32>
          %parallel_loop3A_700 = arith.constant 4 : i32
          %parallel_loop3A_701 = arith.constant 0 : i32
          %parallel_loop3A_702 = arith.constant 0 : i32
          %parallel_loop3A_703 = tpu.memref_slice %arg5[%parallel_loop3A_232, %parallel_loop3A_233, %parallel_loop3A_701, %parallel_loop3A_702] : memref<3x4x8x1024xf32, #tpu.memory_space<vmem>> -> memref<1x1x8x1024xf32, #tpu.memory_space<vmem>>
          %parallel_loop3A_704 = tpu.memref_squeeze %parallel_loop3A_703 : memref<1x1x8x1024xf32, #tpu.memory_space<vmem>> -> memref<8x1024xf32, #tpu.memory_space<vmem>>
          %parallel_loop3A_705 = arith.index_cast %parallel_loop3A_700 : i32 to index
          %parallel_loop3A_706 = arith.index_cast %parallel_loop3A_264 : i32 to index
          %parallel_loop3A_707 = tpu.vector_load %parallel_loop3A_704[%parallel_loop3A_705, %parallel_loop3A_706] {strides = array<i32>} : memref<8x1024xf32, #tpu.memory_space<vmem>>, vector<1x16xf32>,
          %parallel_loop3A_708 = vector.shape_cast %parallel_loop3A_707 : vector<1x16xf32> to vector<16xf32>
          %parallel_loop3A_709 = vector.shape_cast %parallel_loop3A_699 : vector<16xf32> to vector<1x16xf32>
          tpu.vector_store %parallel_loop3A_704[%parallel_loop3A_705, %parallel_loop3A_706], %parallel_loop3A_709 {strides = array<i32>} : memref<8x1024xf32, #tpu.memory_space<vmem>>, vector<1x16xf32>,
          %parallel_loop3A_710 = arith.constant 5 : i32
          %parallel_loop3A_711 = arith.constant 0 : i32
          %parallel_loop3A_712 = arith.constant 0 : i32
          %parallel_loop3A_713 = tpu.memref_slice %arg6[%parallel_loop3A_225, %parallel_loop3A_711, %parallel_loop3A_712] : memref<3x8x1024xf32, #tpu.memory_space<vmem>> -> memref<1x8x1024xf32, #tpu.memory_space<vmem>>
          %parallel_loop3A_714 = tpu.memref_squeeze %parallel_loop3A_713 : memref<1x8x1024xf32, #tpu.memory_space<vmem>> -> memref<8x1024xf32, #tpu.memory_space<vmem>>
          %parallel_loop3A_715 = arith.index_cast %parallel_loop3A_710 : i32 to index
          %parallel_loop3A_716 = arith.index_cast %parallel_loop3A_264 : i32 to index
          %parallel_loop3A_717 = tpu.vector_load %parallel_loop3A_714[%parallel_loop3A_715, %parallel_loop3A_716] {strides = array<i32>} : memref<8x1024xf32, #tpu.memory_space<vmem>>, vector<1x16xf32>,
          %parallel_loop3A_718 = vector.shape_cast %parallel_loop3A_717 : vector<1x16xf32> to vector<16xf32>
          %parallel_loop3A_719 = arith.constant 5 : i32
          %parallel_loop3A_720 = arith.constant 0 : i32
          %parallel_loop3A_721 = arith.constant 0 : i32
          %parallel_loop3A_722 = tpu.memref_slice %arg5[%parallel_loop3A_226, %parallel_loop3A_227, %parallel_loop3A_720, %parallel_loop3A_721] : memref<3x4x8x1024xf32, #tpu.memory_space<vmem>> -> memref<1x1x8x1024xf32, #tpu.memory_space<vmem>>
          %parallel_loop3A_723 = tpu.memref_squeeze %parallel_loop3A_722 : memref<1x1x8x1024xf32, #tpu.memory_space<vmem>> -> memref<8x1024xf32, #tpu.memory_space<vmem>>
          %parallel_loop3A_724 = arith.index_cast %parallel_loop3A_719 : i32 to index
          %parallel_loop3A_725 = arith.index_cast %parallel_loop3A_264 : i32 to index
          %parallel_loop3A_726 = tpu.vector_load %parallel_loop3A_723[%parallel_loop3A_724, %parallel_loop3A_725] {strides = array<i32>} : memref<8x1024xf32, #tpu.memory_space<vmem>>, vector<1x16xf32>,
          %parallel_loop3A_727 = vector.shape_cast %parallel_loop3A_726 : vector<1x16xf32> to vector<16xf32>
          %parallel_loop3A_728 = arith.addf %parallel_loop3A_727, %parallel_loop3A_718 : vector<16xf32>
          %parallel_loop3A_729 = arith.constant 5 : i32
          %parallel_loop3A_730 = arith.constant 0 : i32
          %parallel_loop3A_731 = arith.constant 0 : i32
          %parallel_loop3A_732 = tpu.memref_slice %arg5[%parallel_loop3A_226, %parallel_loop3A_227, %parallel_loop3A_730, %parallel_loop3A_731] : memref<3x4x8x1024xf32, #tpu.memory_space<vmem>> -> memref<1x1x8x1024xf32, #tpu.memory_space<vmem>>
          %parallel_loop3A_733 = tpu.memref_squeeze %parallel_loop3A_732 : memref<1x1x8x1024xf32, #tpu.memory_space<vmem>> -> memref<8x1024xf32, #tpu.memory_space<vmem>>
          %parallel_loop3A_734 = arith.index_cast %parallel_loop3A_729 : i32 to index
          %parallel_loop3A_735 = arith.index_cast %parallel_loop3A_264 : i32 to index
          %parallel_loop3A_736 = tpu.vector_load %parallel_loop3A_733[%parallel_loop3A_734, %parallel_loop3A_735] {strides = array<i32>} : memref<8x1024xf32, #tpu.memory_space<vmem>>, vector<1x16xf32>,
          %parallel_loop3A_737 = vector.shape_cast %parallel_loop3A_736 : vector<1x16xf32> to vector<16xf32>
          %parallel_loop3A_738 = vector.shape_cast %parallel_loop3A_728 : vector<16xf32> to vector<1x16xf32>
          tpu.vector_store %parallel_loop3A_733[%parallel_loop3A_734, %parallel_loop3A_735], %parallel_loop3A_738 {strides = array<i32>} : memref<8x1024xf32, #tpu.memory_space<vmem>>, vector<1x16xf32>,
          %parallel_loop3A_739 = arith.constant 5 : i32
          %parallel_loop3A_740 = arith.constant 0 : i32
          %parallel_loop3A_741 = arith.constant 0 : i32
          %parallel_loop3A_742 = tpu.memref_slice %arg5[%parallel_loop3A_228, %parallel_loop3A_229, %parallel_loop3A_740, %parallel_loop3A_741] : memref<3x4x8x1024xf32, #tpu.memory_space<vmem>> -> memref<1x1x8x1024xf32, #tpu.memory_space<vmem>>
          %parallel_loop3A_743 = tpu.memref_squeeze %parallel_loop3A_742 : memref<1x1x8x1024xf32, #tpu.memory_space<vmem>> -> memref<8x1024xf32, #tpu.memory_space<vmem>>
          %parallel_loop3A_744 = arith.index_cast %parallel_loop3A_739 : i32 to index
          %parallel_loop3A_745 = arith.index_cast %parallel_loop3A_264 : i32 to index
          %parallel_loop3A_746 = tpu.vector_load %parallel_loop3A_743[%parallel_loop3A_744, %parallel_loop3A_745] {strides = array<i32>} : memref<8x1024xf32, #tpu.memory_space<vmem>>, vector<1x16xf32>,
          %parallel_loop3A_747 = vector.shape_cast %parallel_loop3A_746 : vector<1x16xf32> to vector<16xf32>
          %parallel_loop3A_748 = arith.addf %parallel_loop3A_747, %parallel_loop3A_718 : vector<16xf32>
          %parallel_loop3A_749 = arith.constant 5 : i32
          %parallel_loop3A_750 = arith.constant 0 : i32
          %parallel_loop3A_751 = arith.constant 0 : i32
          %parallel_loop3A_752 = tpu.memref_slice %arg5[%parallel_loop3A_228, %parallel_loop3A_229, %parallel_loop3A_750, %parallel_loop3A_751] : memref<3x4x8x1024xf32, #tpu.memory_space<vmem>> -> memref<1x1x8x1024xf32, #tpu.memory_space<vmem>>
          %parallel_loop3A_753 = tpu.memref_squeeze %parallel_loop3A_752 : memref<1x1x8x1024xf32, #tpu.memory_space<vmem>> -> memref<8x1024xf32, #tpu.memory_space<vmem>>
          %parallel_loop3A_754 = arith.index_cast %parallel_loop3A_749 : i32 to index
          %parallel_loop3A_755 = arith.index_cast %parallel_loop3A_264 : i32 to index
          %parallel_loop3A_756 = tpu.vector_load %parallel_loop3A_753[%parallel_loop3A_754, %parallel_loop3A_755] {strides = array<i32>} : memref<8x1024xf32, #tpu.memory_space<vmem>>, vector<1x16xf32>,
          %parallel_loop3A_757 = vector.shape_cast %parallel_loop3A_756 : vector<1x16xf32> to vector<16xf32>
          %parallel_loop3A_758 = vector.shape_cast %parallel_loop3A_748 : vector<16xf32> to vector<1x16xf32>
          tpu.vector_store %parallel_loop3A_753[%parallel_loop3A_754, %parallel_loop3A_755], %parallel_loop3A_758 {strides = array<i32>} : memref<8x1024xf32, #tpu.memory_space<vmem>>, vector<1x16xf32>,
          %parallel_loop3A_759 = arith.constant 5 : i32
          %parallel_loop3A_760 = arith.constant 0 : i32
          %parallel_loop3A_761 = arith.constant 0 : i32
          %parallel_loop3A_762 = tpu.memref_slice %arg5[%parallel_loop3A_230, %parallel_loop3A_231, %parallel_loop3A_760, %parallel_loop3A_761] : memref<3x4x8x1024xf32, #tpu.memory_space<vmem>> -> memref<1x1x8x1024xf32, #tpu.memory_space<vmem>>
          %parallel_loop3A_763 = tpu.memref_squeeze %parallel_loop3A_762 : memref<1x1x8x1024xf32, #tpu.memory_space<vmem>> -> memref<8x1024xf32, #tpu.memory_space<vmem>>
          %parallel_loop3A_764 = arith.index_cast %parallel_loop3A_759 : i32 to index
          %parallel_loop3A_765 = arith.index_cast %parallel_loop3A_264 : i32 to index
          %parallel_loop3A_766 = tpu.vector_load %parallel_loop3A_763[%parallel_loop3A_764, %parallel_loop3A_765] {strides = array<i32>} : memref<8x1024xf32, #tpu.memory_space<vmem>>, vector<1x16xf32>,
          %parallel_loop3A_767 = vector.shape_cast %parallel_loop3A_766 : vector<1x16xf32> to vector<16xf32>
          %parallel_loop3A_768 = arith.addf %parallel_loop3A_767, %parallel_loop3A_718 : vector<16xf32>
          %parallel_loop3A_769 = arith.constant 5 : i32
          %parallel_loop3A_770 = arith.constant 0 : i32
          %parallel_loop3A_771 = arith.constant 0 : i32
          %parallel_loop3A_772 = tpu.memref_slice %arg5[%parallel_loop3A_230, %parallel_loop3A_231, %parallel_loop3A_770, %parallel_loop3A_771] : memref<3x4x8x1024xf32, #tpu.memory_space<vmem>> -> memref<1x1x8x1024xf32, #tpu.memory_space<vmem>>
          %parallel_loop3A_773 = tpu.memref_squeeze %parallel_loop3A_772 : memref<1x1x8x1024xf32, #tpu.memory_space<vmem>> -> memref<8x1024xf32, #tpu.memory_space<vmem>>
          %parallel_loop3A_774 = arith.index_cast %parallel_loop3A_769 : i32 to index
          %parallel_loop3A_775 = arith.index_cast %parallel_loop3A_264 : i32 to index
          %parallel_loop3A_776 = tpu.vector_load %parallel_loop3A_773[%parallel_loop3A_774, %parallel_loop3A_775] {strides = array<i32>} : memref<8x1024xf32, #tpu.memory_space<vmem>>, vector<1x16xf32>,
          %parallel_loop3A_777 = vector.shape_cast %parallel_loop3A_776 : vector<1x16xf32> to vector<16xf32>
          %parallel_loop3A_778 = vector.shape_cast %parallel_loop3A_768 : vector<16xf32> to vector<1x16xf32>
          tpu.vector_store %parallel_loop3A_773[%parallel_loop3A_774, %parallel_loop3A_775], %parallel_loop3A_778 {strides = array<i32>} : memref<8x1024xf32, #tpu.memory_space<vmem>>, vector<1x16xf32>,
          %parallel_loop3A_779 = arith.constant 5 : i32
          %parallel_loop3A_780 = arith.constant 0 : i32
          %parallel_loop3A_781 = arith.constant 0 : i32
          %parallel_loop3A_782 = tpu.memref_slice %arg5[%parallel_loop3A_232, %parallel_loop3A_233, %parallel_loop3A_780, %parallel_loop3A_781] : memref<3x4x8x1024xf32, #tpu.memory_space<vmem>> -> memref<1x1x8x1024xf32, #tpu.memory_space<vmem>>
          %parallel_loop3A_783 = tpu.memref_squeeze %parallel_loop3A_782 : memref<1x1x8x1024xf32, #tpu.memory_space<vmem>> -> memref<8x1024xf32, #tpu.memory_space<vmem>>
          %parallel_loop3A_784 = arith.index_cast %parallel_loop3A_779 : i32 to index
          %parallel_loop3A_785 = arith.index_cast %parallel_loop3A_264 : i32 to index
          %parallel_loop3A_786 = tpu.vector_load %parallel_loop3A_783[%parallel_loop3A_784, %parallel_loop3A_785] {strides = array<i32>} : memref<8x1024xf32, #tpu.memory_space<vmem>>, vector<1x16xf32>,
          %parallel_loop3A_787 = vector.shape_cast %parallel_loop3A_786 : vector<1x16xf32> to vector<16xf32>
          %parallel_loop3A_788 = arith.addf %parallel_loop3A_787, %parallel_loop3A_718 : vector<16xf32>
          %parallel_loop3A_789 = arith.constant 5 : i32
          %parallel_loop3A_790 = arith.constant 0 : i32
          %parallel_loop3A_791 = arith.constant 0 : i32
          %parallel_loop3A_792 = tpu.memref_slice %arg5[%parallel_loop3A_232, %parallel_loop3A_233, %parallel_loop3A_790, %parallel_loop3A_791] : memref<3x4x8x1024xf32, #tpu.memory_space<vmem>> -> memref<1x1x8x1024xf32, #tpu.memory_space<vmem>>
          %parallel_loop3A_793 = tpu.memref_squeeze %parallel_loop3A_792 : memref<1x1x8x1024xf32, #tpu.memory_space<vmem>> -> memref<8x1024xf32, #tpu.memory_space<vmem>>
          %parallel_loop3A_794 = arith.index_cast %parallel_loop3A_789 : i32 to index
          %parallel_loop3A_795 = arith.index_cast %parallel_loop3A_264 : i32 to index
          %parallel_loop3A_796 = tpu.vector_load %parallel_loop3A_793[%parallel_loop3A_794, %parallel_loop3A_795] {strides = array<i32>} : memref<8x1024xf32, #tpu.memory_space<vmem>>, vector<1x16xf32>,
          %parallel_loop3A_797 = vector.shape_cast %parallel_loop3A_796 : vector<1x16xf32> to vector<16xf32>
          %parallel_loop3A_798 = vector.shape_cast %parallel_loop3A_788 : vector<16xf32> to vector<1x16xf32>
          tpu.vector_store %parallel_loop3A_793[%parallel_loop3A_794, %parallel_loop3A_795], %parallel_loop3A_798 {strides = array<i32>} : memref<8x1024xf32, #tpu.memory_space<vmem>>, vector<1x16xf32>,
          %parallel_loop3A_799 = arith.constant 6 : i32
          %parallel_loop3A_800 = arith.constant 0 : i32
          %parallel_loop3A_801 = arith.constant 0 : i32
          %parallel_loop3A_802 = tpu.memref_slice %arg6[%parallel_loop3A_225, %parallel_loop3A_800, %parallel_loop3A_801] : memref<3x8x1024xf32, #tpu.memory_space<vmem>> -> memref<1x8x1024xf32, #tpu.memory_space<vmem>>
          %parallel_loop3A_803 = tpu.memref_squeeze %parallel_loop3A_802 : memref<1x8x1024xf32, #tpu.memory_space<vmem>> -> memref<8x1024xf32, #tpu.memory_space<vmem>>
          %parallel_loop3A_804 = arith.index_cast %parallel_loop3A_799 : i32 to index
          %parallel_loop3A_805 = arith.index_cast %parallel_loop3A_264 : i32 to index
          %parallel_loop3A_806 = tpu.vector_load %parallel_loop3A_803[%parallel_loop3A_804, %parallel_loop3A_805] {strides = array<i32>} : memref<8x1024xf32, #tpu.memory_space<vmem>>, vector<1x16xf32>,
          %parallel_loop3A_807 = vector.shape_cast %parallel_loop3A_806 : vector<1x16xf32> to vector<16xf32>
          %parallel_loop3A_808 = arith.constant 6 : i32
          %parallel_loop3A_809 = arith.constant 0 : i32
          %parallel_loop3A_810 = arith.constant 0 : i32
          %parallel_loop3A_811 = tpu.memref_slice %arg5[%parallel_loop3A_226, %parallel_loop3A_227, %parallel_loop3A_809, %parallel_loop3A_810] : memref<3x4x8x1024xf32, #tpu.memory_space<vmem>> -> memref<1x1x8x1024xf32, #tpu.memory_space<vmem>>
          %parallel_loop3A_812 = tpu.memref_squeeze %parallel_loop3A_811 : memref<1x1x8x1024xf32, #tpu.memory_space<vmem>> -> memref<8x1024xf32, #tpu.memory_space<vmem>>
          %parallel_loop3A_813 = arith.index_cast %parallel_loop3A_808 : i32 to index
          %parallel_loop3A_814 = arith.index_cast %parallel_loop3A_264 : i32 to index
          %parallel_loop3A_815 = tpu.vector_load %parallel_loop3A_812[%parallel_loop3A_813, %parallel_loop3A_814] {strides = array<i32>} : memref<8x1024xf32, #tpu.memory_space<vmem>>, vector<1x16xf32>,
          %parallel_loop3A_816 = vector.shape_cast %parallel_loop3A_815 : vector<1x16xf32> to vector<16xf32>
          %parallel_loop3A_817 = arith.addf %parallel_loop3A_816, %parallel_loop3A_807 : vector<16xf32>
          %parallel_loop3A_818 = arith.constant 6 : i32
          %parallel_loop3A_819 = arith.constant 0 : i32
          %parallel_loop3A_820 = arith.constant 0 : i32
          %parallel_loop3A_821 = tpu.memref_slice %arg5[%parallel_loop3A_226, %parallel_loop3A_227, %parallel_loop3A_819, %parallel_loop3A_820] : memref<3x4x8x1024xf32, #tpu.memory_space<vmem>> -> memref<1x1x8x1024xf32, #tpu.memory_space<vmem>>
          %parallel_loop3A_822 = tpu.memref_squeeze %parallel_loop3A_821 : memref<1x1x8x1024xf32, #tpu.memory_space<vmem>> -> memref<8x1024xf32, #tpu.memory_space<vmem>>
          %parallel_loop3A_823 = arith.index_cast %parallel_loop3A_818 : i32 to index
          %parallel_loop3A_824 = arith.index_cast %parallel_loop3A_264 : i32 to index
          %parallel_loop3A_825 = tpu.vector_load %parallel_loop3A_822[%parallel_loop3A_823, %parallel_loop3A_824] {strides = array<i32>} : memref<8x1024xf32, #tpu.memory_space<vmem>>, vector<1x16xf32>,
          %parallel_loop3A_826 = vector.shape_cast %parallel_loop3A_825 : vector<1x16xf32> to vector<16xf32>
          %parallel_loop3A_827 = vector.shape_cast %parallel_loop3A_817 : vector<16xf32> to vector<1x16xf32>
          tpu.vector_store %parallel_loop3A_822[%parallel_loop3A_823, %parallel_loop3A_824], %parallel_loop3A_827 {strides = array<i32>} : memref<8x1024xf32, #tpu.memory_space<vmem>>, vector<1x16xf32>,
          %parallel_loop3A_828 = arith.constant 6 : i32
          %parallel_loop3A_829 = arith.constant 0 : i32
          %parallel_loop3A_830 = arith.constant 0 : i32
          %parallel_loop3A_831 = tpu.memref_slice %arg5[%parallel_loop3A_228, %parallel_loop3A_229, %parallel_loop3A_829, %parallel_loop3A_830] : memref<3x4x8x1024xf32, #tpu.memory_space<vmem>> -> memref<1x1x8x1024xf32, #tpu.memory_space<vmem>>
          %parallel_loop3A_832 = tpu.memref_squeeze %parallel_loop3A_831 : memref<1x1x8x1024xf32, #tpu.memory_space<vmem>> -> memref<8x1024xf32, #tpu.memory_space<vmem>>
          %parallel_loop3A_833 = arith.index_cast %parallel_loop3A_828 : i32 to index
          %parallel_loop3A_834 = arith.index_cast %parallel_loop3A_264 : i32 to index
          %parallel_loop3A_835 = tpu.vector_load %parallel_loop3A_832[%parallel_loop3A_833, %parallel_loop3A_834] {strides = array<i32>} : memref<8x1024xf32, #tpu.memory_space<vmem>>, vector<1x16xf32>,
          %parallel_loop3A_836 = vector.shape_cast %parallel_loop3A_835 : vector<1x16xf32> to vector<16xf32>
          %parallel_loop3A_837 = arith.addf %parallel_loop3A_836, %parallel_loop3A_807 : vector<16xf32>
          %parallel_loop3A_838 = arith.constant 6 : i32
          %parallel_loop3A_839 = arith.constant 0 : i32
          %parallel_loop3A_840 = arith.constant 0 : i32
          %parallel_loop3A_841 = tpu.memref_slice %arg5[%parallel_loop3A_228, %parallel_loop3A_229, %parallel_loop3A_839, %parallel_loop3A_840] : memref<3x4x8x1024xf32, #tpu.memory_space<vmem>> -> memref<1x1x8x1024xf32, #tpu.memory_space<vmem>>
          %parallel_loop3A_842 = tpu.memref_squeeze %parallel_loop3A_841 : memref<1x1x8x1024xf32, #tpu.memory_space<vmem>> -> memref<8x1024xf32, #tpu.memory_space<vmem>>
          %parallel_loop3A_843 = arith.index_cast %parallel_loop3A_838 : i32 to index
          %parallel_loop3A_844 = arith.index_cast %parallel_loop3A_264 : i32 to index
          %parallel_loop3A_845 = tpu.vector_load %parallel_loop3A_842[%parallel_loop3A_843, %parallel_loop3A_844] {strides = array<i32>} : memref<8x1024xf32, #tpu.memory_space<vmem>>, vector<1x16xf32>,
          %parallel_loop3A_846 = vector.shape_cast %parallel_loop3A_845 : vector<1x16xf32> to vector<16xf32>
          %parallel_loop3A_847 = vector.shape_cast %parallel_loop3A_837 : vector<16xf32> to vector<1x16xf32>
          tpu.vector_store %parallel_loop3A_842[%parallel_loop3A_843, %parallel_loop3A_844], %parallel_loop3A_847 {strides = array<i32>} : memref<8x1024xf32, #tpu.memory_space<vmem>>, vector<1x16xf32>,
          %parallel_loop3A_848 = arith.constant 6 : i32
          %parallel_loop3A_849 = arith.constant 0 : i32
          %parallel_loop3A_850 = arith.constant 0 : i32
          %parallel_loop3A_851 = tpu.memref_slice %arg5[%parallel_loop3A_230, %parallel_loop3A_231, %parallel_loop3A_849, %parallel_loop3A_850] : memref<3x4x8x1024xf32, #tpu.memory_space<vmem>> -> memref<1x1x8x1024xf32, #tpu.memory_space<vmem>>
          %parallel_loop3A_852 = tpu.memref_squeeze %parallel_loop3A_851 : memref<1x1x8x1024xf32, #tpu.memory_space<vmem>> -> memref<8x1024xf32, #tpu.memory_space<vmem>>
          %parallel_loop3A_853 = arith.index_cast %parallel_loop3A_848 : i32 to index
          %parallel_loop3A_854 = arith.index_cast %parallel_loop3A_264 : i32 to index
          %parallel_loop3A_855 = tpu.vector_load %parallel_loop3A_852[%parallel_loop3A_853, %parallel_loop3A_854] {strides = array<i32>} : memref<8x1024xf32, #tpu.memory_space<vmem>>, vector<1x16xf32>,
          %parallel_loop3A_856 = vector.shape_cast %parallel_loop3A_855 : vector<1x16xf32> to vector<16xf32>
          %parallel_loop3A_857 = arith.addf %parallel_loop3A_856, %parallel_loop3A_807 : vector<16xf32>
          %parallel_loop3A_858 = arith.constant 6 : i32
          %parallel_loop3A_859 = arith.constant 0 : i32
          %parallel_loop3A_860 = arith.constant 0 : i32
          %parallel_loop3A_861 = tpu.memref_slice %arg5[%parallel_loop3A_230, %parallel_loop3A_231, %parallel_loop3A_859, %parallel_loop3A_860] : memref<3x4x8x1024xf32, #tpu.memory_space<vmem>> -> memref<1x1x8x1024xf32, #tpu.memory_space<vmem>>
          %parallel_loop3A_862 = tpu.memref_squeeze %parallel_loop3A_861 : memref<1x1x8x1024xf32, #tpu.memory_space<vmem>> -> memref<8x1024xf32, #tpu.memory_space<vmem>>
          %parallel_loop3A_863 = arith.index_cast %parallel_loop3A_858 : i32 to index
          %parallel_loop3A_864 = arith.index_cast %parallel_loop3A_264 : i32 to index
          %parallel_loop3A_865 = tpu.vector_load %parallel_loop3A_862[%parallel_loop3A_863, %parallel_loop3A_864] {strides = array<i32>} : memref<8x1024xf32, #tpu.memory_space<vmem>>, vector<1x16xf32>,
          %parallel_loop3A_866 = vector.shape_cast %parallel_loop3A_865 : vector<1x16xf32> to vector<16xf32>
          %parallel_loop3A_867 = vector.shape_cast %parallel_loop3A_857 : vector<16xf32> to vector<1x16xf32>
          tpu.vector_store %parallel_loop3A_862[%parallel_loop3A_863, %parallel_loop3A_864], %parallel_loop3A_867 {strides = array<i32>} : memref<8x1024xf32, #tpu.memory_space<vmem>>, vector<1x16xf32>,
          %parallel_loop3A_868 = arith.constant 6 : i32
          %parallel_loop3A_869 = arith.constant 0 : i32
          %parallel_loop3A_870 = arith.constant 0 : i32
          %parallel_loop3A_871 = tpu.memref_slice %arg5[%parallel_loop3A_232, %parallel_loop3A_233, %parallel_loop3A_869, %parallel_loop3A_870] : memref<3x4x8x1024xf32, #tpu.memory_space<vmem>> -> memref<1x1x8x1024xf32, #tpu.memory_space<vmem>>
          %parallel_loop3A_872 = tpu.memref_squeeze %parallel_loop3A_871 : memref<1x1x8x1024xf32, #tpu.memory_space<vmem>> -> memref<8x1024xf32, #tpu.memory_space<vmem>>
          %parallel_loop3A_873 = arith.index_cast %parallel_loop3A_868 : i32 to index
          %parallel_loop3A_874 = arith.index_cast %parallel_loop3A_264 : i32 to index
          %parallel_loop3A_875 = tpu.vector_load %parallel_loop3A_872[%parallel_loop3A_873, %parallel_loop3A_874] {strides = array<i32>} : memref<8x1024xf32, #tpu.memory_space<vmem>>, vector<1x16xf32>,
          %parallel_loop3A_876 = vector.shape_cast %parallel_loop3A_875 : vector<1x16xf32> to vector<16xf32>
          %parallel_loop3A_877 = arith.addf %parallel_loop3A_876, %parallel_loop3A_807 : vector<16xf32>
          %parallel_loop3A_878 = arith.constant 6 : i32
          %parallel_loop3A_879 = arith.constant 0 : i32
          %parallel_loop3A_880 = arith.constant 0 : i32
          %parallel_loop3A_881 = tpu.memref_slice %arg5[%parallel_loop3A_232, %parallel_loop3A_233, %parallel_loop3A_879, %parallel_loop3A_880] : memref<3x4x8x1024xf32, #tpu.memory_space<vmem>> -> memref<1x1x8x1024xf32, #tpu.memory_space<vmem>>
          %parallel_loop3A_882 = tpu.memref_squeeze %parallel_loop3A_881 : memref<1x1x8x1024xf32, #tpu.memory_space<vmem>> -> memref<8x1024xf32, #tpu.memory_space<vmem>>
          %parallel_loop3A_883 = arith.index_cast %parallel_loop3A_878 : i32 to index
          %parallel_loop3A_884 = arith.index_cast %parallel_loop3A_264 : i32 to index
          %parallel_loop3A_885 = tpu.vector_load %parallel_loop3A_882[%parallel_loop3A_883, %parallel_loop3A_884] {strides = array<i32>} : memref<8x1024xf32, #tpu.memory_space<vmem>>, vector<1x16xf32>,
          %parallel_loop3A_886 = vector.shape_cast %parallel_loop3A_885 : vector<1x16xf32> to vector<16xf32>
          %parallel_loop3A_887 = vector.shape_cast %parallel_loop3A_877 : vector<16xf32> to vector<1x16xf32>
          tpu.vector_store %parallel_loop3A_882[%parallel_loop3A_883, %parallel_loop3A_884], %parallel_loop3A_887 {strides = array<i32>} : memref<8x1024xf32, #tpu.memory_space<vmem>>, vector<1x16xf32>,
          %parallel_loop3A_888 = arith.constant 7 : i32
          %parallel_loop3A_889 = arith.constant 0 : i32
          %parallel_loop3A_890 = arith.constant 0 : i32
          %parallel_loop3A_891 = tpu.memref_slice %arg6[%parallel_loop3A_225, %parallel_loop3A_889, %parallel_loop3A_890] : memref<3x8x1024xf32, #tpu.memory_space<vmem>> -> memref<1x8x1024xf32, #tpu.memory_space<vmem>>
          %parallel_loop3A_892 = tpu.memref_squeeze %parallel_loop3A_891 : memref<1x8x1024xf32, #tpu.memory_space<vmem>> -> memref<8x1024xf32, #tpu.memory_space<vmem>>
          %parallel_loop3A_893 = arith.index_cast %parallel_loop3A_888 : i32 to index
          %parallel_loop3A_894 = arith.index_cast %parallel_loop3A_264 : i32 to index
          %parallel_loop3A_895 = tpu.vector_load %parallel_loop3A_892[%parallel_loop3A_893, %parallel_loop3A_894] {strides = array<i32>} : memref<8x1024xf32, #tpu.memory_space<vmem>>, vector<1x16xf32>,
          %parallel_loop3A_896 = vector.shape_cast %parallel_loop3A_895 : vector<1x16xf32> to vector<16xf32>
          %parallel_loop3A_897 = arith.constant 7 : i32
          %parallel_loop3A_898 = arith.constant 0 : i32
          %parallel_loop3A_899 = arith.constant 0 : i32
          %parallel_loop3A_900 = tpu.memref_slice %arg5[%parallel_loop3A_226, %parallel_loop3A_227, %parallel_loop3A_898, %parallel_loop3A_899] : memref<3x4x8x1024xf32, #tpu.memory_space<vmem>> -> memref<1x1x8x1024xf32, #tpu.memory_space<vmem>>
          %parallel_loop3A_901 = tpu.memref_squeeze %parallel_loop3A_900 : memref<1x1x8x1024xf32, #tpu.memory_space<vmem>> -> memref<8x1024xf32, #tpu.memory_space<vmem>>
          %parallel_loop3A_902 = arith.index_cast %parallel_loop3A_897 : i32 to index
          %parallel_loop3A_903 = arith.index_cast %parallel_loop3A_264 : i32 to index
          %parallel_loop3A_904 = tpu.vector_load %parallel_loop3A_901[%parallel_loop3A_902, %parallel_loop3A_903] {strides = array<i32>} : memref<8x1024xf32, #tpu.memory_space<vmem>>, vector<1x16xf32>,
          %parallel_loop3A_905 = vector.shape_cast %parallel_loop3A_904 : vector<1x16xf32> to vector<16xf32>
          %parallel_loop3A_906 = arith.addf %parallel_loop3A_905, %parallel_loop3A_896 : vector<16xf32>
          %parallel_loop3A_907 = arith.constant 7 : i32
          %parallel_loop3A_908 = arith.constant 0 : i32
          %parallel_loop3A_909 = arith.constant 0 : i32
          %parallel_loop3A_910 = tpu.memref_slice %arg5[%parallel_loop3A_226, %parallel_loop3A_227, %parallel_loop3A_908, %parallel_loop3A_909] : memref<3x4x8x1024xf32, #tpu.memory_space<vmem>> -> memref<1x1x8x1024xf32, #tpu.memory_space<vmem>>
          %parallel_loop3A_911 = tpu.memref_squeeze %parallel_loop3A_910 : memref<1x1x8x1024xf32, #tpu.memory_space<vmem>> -> memref<8x1024xf32, #tpu.memory_space<vmem>>
          %parallel_loop3A_912 = arith.index_cast %parallel_loop3A_907 : i32 to index
          %parallel_loop3A_913 = arith.index_cast %parallel_loop3A_264 : i32 to index
          %parallel_loop3A_914 = tpu.vector_load %parallel_loop3A_911[%parallel_loop3A_912, %parallel_loop3A_913] {strides = array<i32>} : memref<8x1024xf32, #tpu.memory_space<vmem>>, vector<1x16xf32>,
          %parallel_loop3A_915 = vector.shape_cast %parallel_loop3A_914 : vector<1x16xf32> to vector<16xf32>
          %parallel_loop3A_916 = vector.shape_cast %parallel_loop3A_906 : vector<16xf32> to vector<1x16xf32>
          tpu.vector_store %parallel_loop3A_911[%parallel_loop3A_912, %parallel_loop3A_913], %parallel_loop3A_916 {strides = array<i32>} : memref<8x1024xf32, #tpu.memory_space<vmem>>, vector<1x16xf32>,
          %parallel_loop3A_917 = arith.constant 7 : i32
          %parallel_loop3A_918 = arith.constant 0 : i32
          %parallel_loop3A_919 = arith.constant 0 : i32
          %parallel_loop3A_920 = tpu.memref_slice %arg5[%parallel_loop3A_228, %parallel_loop3A_229, %parallel_loop3A_918, %parallel_loop3A_919] : memref<3x4x8x1024xf32, #tpu.memory_space<vmem>> -> memref<1x1x8x1024xf32, #tpu.memory_space<vmem>>
          %parallel_loop3A_921 = tpu.memref_squeeze %parallel_loop3A_920 : memref<1x1x8x1024xf32, #tpu.memory_space<vmem>> -> memref<8x1024xf32, #tpu.memory_space<vmem>>
          %parallel_loop3A_922 = arith.index_cast %parallel_loop3A_917 : i32 to index
          %parallel_loop3A_923 = arith.index_cast %parallel_loop3A_264 : i32 to index
          %parallel_loop3A_924 = tpu.vector_load %parallel_loop3A_921[%parallel_loop3A_922, %parallel_loop3A_923] {strides = array<i32>} : memref<8x1024xf32, #tpu.memory_space<vmem>>, vector<1x16xf32>,
          %parallel_loop3A_925 = vector.shape_cast %parallel_loop3A_924 : vector<1x16xf32> to vector<16xf32>
          %parallel_loop3A_926 = arith.addf %parallel_loop3A_925, %parallel_loop3A_896 : vector<16xf32>
          %parallel_loop3A_927 = arith.constant 7 : i32
          %parallel_loop3A_928 = arith.constant 0 : i32
          %parallel_loop3A_929 = arith.constant 0 : i32
          %parallel_loop3A_930 = tpu.memref_slice %arg5[%parallel_loop3A_228, %parallel_loop3A_229, %parallel_loop3A_928, %parallel_loop3A_929] : memref<3x4x8x1024xf32, #tpu.memory_space<vmem>> -> memref<1x1x8x1024xf32, #tpu.memory_space<vmem>>
          %parallel_loop3A_931 = tpu.memref_squeeze %parallel_loop3A_930 : memref<1x1x8x1024xf32, #tpu.memory_space<vmem>> -> memref<8x1024xf32, #tpu.memory_space<vmem>>
          %parallel_loop3A_932 = arith.index_cast %parallel_loop3A_927 : i32 to index
          %parallel_loop3A_933 = arith.index_cast %parallel_loop3A_264 : i32 to index
          %parallel_loop3A_934 = tpu.vector_load %parallel_loop3A_931[%parallel_loop3A_932, %parallel_loop3A_933] {strides = array<i32>} : memref<8x1024xf32, #tpu.memory_space<vmem>>, vector<1x16xf32>,
          %parallel_loop3A_935 = vector.shape_cast %parallel_loop3A_934 : vector<1x16xf32> to vector<16xf32>
          %parallel_loop3A_936 = vector.shape_cast %parallel_loop3A_926 : vector<16xf32> to vector<1x16xf32>
          tpu.vector_store %parallel_loop3A_931[%parallel_loop3A_932, %parallel_loop3A_933], %parallel_loop3A_936 {strides = array<i32>} : memref<8x1024xf32, #tpu.memory_space<vmem>>, vector<1x16xf32>,
          %parallel_loop3A_937 = arith.constant 7 : i32
          %parallel_loop3A_938 = arith.constant 0 : i32
          %parallel_loop3A_939 = arith.constant 0 : i32
          %parallel_loop3A_940 = tpu.memref_slice %arg5[%parallel_loop3A_230, %parallel_loop3A_231, %parallel_loop3A_938, %parallel_loop3A_939] : memref<3x4x8x1024xf32, #tpu.memory_space<vmem>> -> memref<1x1x8x1024xf32, #tpu.memory_space<vmem>>
          %parallel_loop3A_941 = tpu.memref_squeeze %parallel_loop3A_940 : memref<1x1x8x1024xf32, #tpu.memory_space<vmem>> -> memref<8x1024xf32, #tpu.memory_space<vmem>>
          %parallel_loop3A_942 = arith.index_cast %parallel_loop3A_937 : i32 to index
          %parallel_loop3A_943 = arith.index_cast %parallel_loop3A_264 : i32 to index
          %parallel_loop3A_944 = tpu.vector_load %parallel_loop3A_941[%parallel_loop3A_942, %parallel_loop3A_943] {strides = array<i32>} : memref<8x1024xf32, #tpu.memory_space<vmem>>, vector<1x16xf32>,
          %parallel_loop3A_945 = vector.shape_cast %parallel_loop3A_944 : vector<1x16xf32> to vector<16xf32>
          %parallel_loop3A_946 = arith.addf %parallel_loop3A_945, %parallel_loop3A_896 : vector<16xf32>
          %parallel_loop3A_947 = arith.constant 7 : i32
          %parallel_loop3A_948 = arith.constant 0 : i32
          %parallel_loop3A_949 = arith.constant 0 : i32
          %parallel_loop3A_950 = tpu.memref_slice %arg5[%parallel_loop3A_230, %parallel_loop3A_231, %parallel_loop3A_948, %parallel_loop3A_949] : memref<3x4x8x1024xf32, #tpu.memory_space<vmem>> -> memref<1x1x8x1024xf32, #tpu.memory_space<vmem>>
          %parallel_loop3A_951 = tpu.memref_squeeze %parallel_loop3A_950 : memref<1x1x8x1024xf32, #tpu.memory_space<vmem>> -> memref<8x1024xf32, #tpu.memory_space<vmem>>
          %parallel_loop3A_952 = arith.index_cast %parallel_loop3A_947 : i32 to index
          %parallel_loop3A_953 = arith.index_cast %parallel_loop3A_264 : i32 to index
          %parallel_loop3A_954 = tpu.vector_load %parallel_loop3A_951[%parallel_loop3A_952, %parallel_loop3A_953] {strides = array<i32>} : memref<8x1024xf32, #tpu.memory_space<vmem>>, vector<1x16xf32>,
          %parallel_loop3A_955 = vector.shape_cast %parallel_loop3A_954 : vector<1x16xf32> to vector<16xf32>
          %parallel_loop3A_956 = vector.shape_cast %parallel_loop3A_946 : vector<16xf32> to vector<1x16xf32>
          tpu.vector_store %parallel_loop3A_951[%parallel_loop3A_952, %parallel_loop3A_953], %parallel_loop3A_956 {strides = array<i32>} : memref<8x1024xf32, #tpu.memory_space<vmem>>, vector<1x16xf32>,
          %parallel_loop3A_957 = arith.constant 7 : i32
          %parallel_loop3A_958 = arith.constant 0 : i32
          %parallel_loop3A_959 = arith.constant 0 : i32
          %parallel_loop3A_960 = tpu.memref_slice %arg5[%parallel_loop3A_232, %parallel_loop3A_233, %parallel_loop3A_958, %parallel_loop3A_959] : memref<3x4x8x1024xf32, #tpu.memory_space<vmem>> -> memref<1x1x8x1024xf32, #tpu.memory_space<vmem>>
          %parallel_loop3A_961 = tpu.memref_squeeze %parallel_loop3A_960 : memref<1x1x8x1024xf32, #tpu.memory_space<vmem>> -> memref<8x1024xf32, #tpu.memory_space<vmem>>
          %parallel_loop3A_962 = arith.index_cast %parallel_loop3A_957 : i32 to index
          %parallel_loop3A_963 = arith.index_cast %parallel_loop3A_264 : i32 to index
          %parallel_loop3A_964 = tpu.vector_load %parallel_loop3A_961[%parallel_loop3A_962, %parallel_loop3A_963] {strides = array<i32>} : memref<8x1024xf32, #tpu.memory_space<vmem>>, vector<1x16xf32>,
          %parallel_loop3A_965 = vector.shape_cast %parallel_loop3A_964 : vector<1x16xf32> to vector<16xf32>
          %parallel_loop3A_966 = arith.addf %parallel_loop3A_965, %parallel_loop3A_896 : vector<16xf32>
          %parallel_loop3A_967 = arith.constant 7 : i32
          %parallel_loop3A_968 = arith.constant 0 : i32
          %parallel_loop3A_969 = arith.constant 0 : i32
          %parallel_loop3A_970 = tpu.memref_slice %arg5[%parallel_loop3A_232, %parallel_loop3A_233, %parallel_loop3A_968, %parallel_loop3A_969] : memref<3x4x8x1024xf32, #tpu.memory_space<vmem>> -> memref<1x1x8x1024xf32, #tpu.memory_space<vmem>>
          %parallel_loop3A_971 = tpu.memref_squeeze %parallel_loop3A_970 : memref<1x1x8x1024xf32, #tpu.memory_space<vmem>> -> memref<8x1024xf32, #tpu.memory_space<vmem>>
          %parallel_loop3A_972 = arith.index_cast %parallel_loop3A_967 : i32 to index
          %parallel_loop3A_973 = arith.index_cast %parallel_loop3A_264 : i32 to index
          %parallel_loop3A_974 = tpu.vector_load %parallel_loop3A_971[%parallel_loop3A_972, %parallel_loop3A_973] {strides = array<i32>} : memref<8x1024xf32, #tpu.memory_space<vmem>>, vector<1x16xf32>,
          %parallel_loop3A_975 = vector.shape_cast %parallel_loop3A_974 : vector<1x16xf32> to vector<16xf32>
          %parallel_loop3A_976 = vector.shape_cast %parallel_loop3A_966 : vector<16xf32> to vector<1x16xf32>
          tpu.vector_store %parallel_loop3A_971[%parallel_loop3A_972, %parallel_loop3A_973], %parallel_loop3A_976 {strides = array<i32>} : memref<8x1024xf32, #tpu.memory_space<vmem>>, vector<1x16xf32>,
        } {sc.loop_unroll_factor = 4 : i64, sc.parallel_access}
        %mul3A_234 = arith.constant 8 : i32
        %mul3A_235 = arith.muli %add3A_174, %mul3A_234 : i32
        %add3A_236 = arith.addi %mul3A_2, %mul3A_235 : i32
        %multiple_of3A_237 = tpu.assume_multiple %add3A_236, 8 : i32
        %dma_start3A_238 = arith.constant 1 : i32
        %dma_start3A_239 = arith.constant 0 : i32
        %dma_start3A_240 = arith.constant 0 : i32
        %dma_start3A_241 = arith.constant 0 : i32
        %dma_start3A_242 = tpu.memref_slice %arg5[%dma_start3A_238, %dma_start3A_239, %dma_start3A_240, %dma_start3A_241] : memref<3x4x8x1024xf32, #tpu.memory_space<vmem>> -> memref<1x4x8x1024xf32, #tpu.memory_space<vmem>>
        %dma_start3A_243 = tpu.memref_squeeze %dma_start3A_242 : memref<1x4x8x1024xf32, #tpu.memory_space<vmem>> -> memref<4x8x1024xf32, #tpu.memory_space<vmem>>
        %dma_start3A_244 = arith.constant 0 : i32
        %dma_start3A_245 = arith.constant 0 : i32
        %dma_start3A_246 = tpu.memref_slice %arg4[%dma_start3A_244, %multiple_of3A_237, %dma_start3A_245] : memref<4x8192x1024xf32, #tpu.memory_space<hbm>> -> memref<4x8x1024xf32, #tpu.memory_space<hbm>>
        %dma_start3A_247 = arith.constant 0 : i32
        %dma_start3A_248 = arith.constant 0 : i32
        %dma_start3A_249 = tpu.memref_slice %arg4[%dma_start3A_247, %multiple_of3A_237, %dma_start3A_248] : memref<4x8192x1024xf32, #tpu.memory_space<hbm>> -> memref<4x8x1024xf32, #tpu.memory_space<hbm>>
        %dma_start3A_250 = arith.constant 0 : i32
        %dma_start3A_251 = arith.constant 0 : i32
        %dma_start3A_252 = arith.constant 0 : i32
        %dma_start3A_253 = tpu.memref_slice %arg5[%dma_start3A_238, %dma_start3A_250, %dma_start3A_251, %dma_start3A_252] : memref<3x4x8x1024xf32, #tpu.memory_space<vmem>> -> memref<1x4x8x1024xf32, #tpu.memory_space<vmem>>
        %dma_start3A_254 = tpu.memref_squeeze %dma_start3A_253 : memref<1x4x8x1024xf32, #tpu.memory_space<vmem>> -> memref<4x8x1024xf32, #tpu.memory_space<vmem>>
        tpu.enqueue_dma source(%dma_start3A_254 : memref<4x8x1024xf32, #tpu.memory_space<vmem>>) target(%dma_start3A_249 : memref<4x8x1024xf32, #tpu.memory_space<hbm>>) target_semaphore(%arg11 : memref<!tpu.dma_semaphore, #tpu.memory_space<semaphore_mem>>)
        %sub3A = arith.constant 1 : i32
        %sub3A_255 = arith.subi %add3A_174, %sub3A : i32
        %ge3A = arith.constant 0 : i32
        %ge3A_256 = arith.cmpi sge, %sub3A_255, %ge3A : i32
        %add3A_257 = arith.constant 3 : i32
        %add3A_258 = arith.addi %sub3A_255, %add3A_257 : i32
        %lt3A_259 = arith.constant 32 : i32
        %lt3A_260 = arith.cmpi slt, %add3A_258, %lt3A_259 : i32
        %and3A = arith.andi %ge3A_256, %lt3A_260 : i1
        %convert_element_type3A_261 = arith.extui %and3A : i1 to i32
        %cond3A_262 = arith.constant 0 : i32
        %cond3A_263 = arith.cmpi ne, %convert_element_type3A_261, %cond3A_262 : i32
        scf.if %cond3A_263 {
          %mul3A_264 = arith.constant 8 : i32
          %mul3A_265 = arith.muli %sub3A_255, %mul3A_264 : i32
          %add3A_266 = arith.addi %mul3A_2, %mul3A_265 : i32
          %multiple_of3A_267 = tpu.assume_multiple %add3A_266, 8 : i32
          %dma_wait3A_268 = arith.constant 0 : i32
          %dma_wait3A_269 = arith.constant 0 : i32
          %dma_wait3A_270 = arith.constant 0 : i32
          %dma_wait3A_271 = arith.constant 0 : i32
          %dma_wait3A_272 = tpu.memref_slice %arg5[%dma_wait3A_268, %dma_wait3A_269, %dma_wait3A_270, %dma_wait3A_271] : memref<3x4x8x1024xf32, #tpu.memory_space<vmem>> -> memref<1x4x8x1024xf32, #tpu.memory_space<vmem>>
          %dma_wait3A_273 = tpu.memref_squeeze %dma_wait3A_272 : memref<1x4x8x1024xf32, #tpu.memory_space<vmem>> -> memref<4x8x1024xf32, #tpu.memory_space<vmem>>
          %dma_wait3A_274 = arith.constant 0 : i32
          %dma_wait3A_275 = arith.constant 0 : i32
          %dma_wait3A_276 = tpu.memref_slice %arg4[%dma_wait3A_274, %multiple_of3A_267, %dma_wait3A_275] : memref<4x8192x1024xf32, #tpu.memory_space<hbm>> -> memref<4x8x1024xf32, #tpu.memory_space<hbm>>
          %dma_wait3A_277 = arith.constant 0 : i32
          %dma_wait3A_278 = arith.constant 0 : i32
          %dma_wait3A_279 = tpu.memref_slice %arg4[%dma_wait3A_277, %multiple_of3A_267, %dma_wait3A_278] : memref<4x8192x1024xf32, #tpu.memory_space<hbm>> -> memref<4x8x1024xf32, #tpu.memory_space<hbm>>
          %dma_wait3A_280 = arith.constant 0 : i32
          %dma_wait3A_281 = arith.constant 0 : i32
          %dma_wait3A_282 = arith.constant 0 : i32
          %dma_wait3A_283 = tpu.memref_slice %arg5[%dma_wait3A_268, %dma_wait3A_280, %dma_wait3A_281, %dma_wait3A_282] : memref<3x4x8x1024xf32, #tpu.memory_space<vmem>> -> memref<1x4x8x1024xf32, #tpu.memory_space<vmem>>
          %dma_wait3A_284 = tpu.memref_squeeze %dma_wait3A_283 : memref<1x4x8x1024xf32, #tpu.memory_space<vmem>> -> memref<4x8x1024xf32, #tpu.memory_space<vmem>>
          tpu.wait_dma2 semaphore(%arg10 : memref<!tpu.dma_semaphore, #tpu.memory_space<semaphore_mem>>) src(%dma_wait3A_284 : memref<4x8x1024xf32, #tpu.memory_space<vmem>>) dst(%dma_wait3A_279 : memref<4x8x1024xf32, #tpu.memory_space<hbm>>)
          %add3A_285 = arith.constant 3 : i32
          %add3A_286 = arith.addi %sub3A_255, %add3A_285 : i32
          %mul3A_287 = arith.constant 8 : i32
          %mul3A_288 = arith.muli %add3A_286, %mul3A_287 : i32
          %add3A_289 = arith.addi %mul3A_2, %mul3A_288 : i32
          %multiple_of3A_290 = tpu.assume_multiple %add3A_289, 8 : i32
          %dma_start3A_291 = arith.constant 0 : i32
          %dma_start3A_292 = arith.constant 0 : i32
          %dma_start3A_293 = arith.constant 0 : i32
          %dma_start3A_294 = tpu.memref_slice %arg6[%dma_start3A_291, %dma_start3A_292, %dma_start3A_293] : memref<3x8x1024xf32, #tpu.memory_space<vmem>> -> memref<1x8x1024xf32, #tpu.memory_space<vmem>>
          %dma_start3A_295 = tpu.memref_squeeze %dma_start3A_294 : memref<1x8x1024xf32, #tpu.memory_space<vmem>> -> memref<8x1024xf32, #tpu.memory_space<vmem>>
          %dma_start3A_296 = arith.constant 0 : i32
          %dma_start3A_297 = tpu.memref_slice %arg3[%multiple_of3A_290, %dma_start3A_296] : memref<8192x1024xf32, #tpu.memory_space<hbm>> -> memref<8x1024xf32, #tpu.memory_space<hbm>>
          %dma_start3A_298 = arith.constant 0 : i32
          %dma_start3A_299 = arith.constant 0 : i32
          %dma_start3A_300 = tpu.memref_slice %arg6[%dma_start3A_291, %dma_start3A_298, %dma_start3A_299] : memref<3x8x1024xf32, #tpu.memory_space<vmem>> -> memref<1x8x1024xf32, #tpu.memory_space<vmem>>
          %dma_start3A_301 = tpu.memref_squeeze %dma_start3A_300 : memref<1x8x1024xf32, #tpu.memory_space<vmem>> -> memref<8x1024xf32, #tpu.memory_space<vmem>>
          %dma_start3A_302 = arith.constant 0 : i32
          %dma_start3A_303 = tpu.memref_slice %arg3[%multiple_of3A_290, %dma_start3A_302] : memref<8192x1024xf32, #tpu.memory_space<hbm>> -> memref<8x1024xf32, #tpu.memory_space<hbm>>
          tpu.enqueue_dma source(%dma_start3A_303 : memref<8x1024xf32, #tpu.memory_space<hbm>>) target(%dma_start3A_301 : memref<8x1024xf32, #tpu.memory_space<vmem>>) target_semaphore(%arg7 : memref<!tpu.dma_semaphore, #tpu.memory_space<semaphore_mem>>)
          %dma_start3A_304 = arith.constant 0 : i32
          %dma_start3A_305 = arith.constant 0 : i32
          %dma_start3A_306 = arith.constant 0 : i32
          %dma_start3A_307 = arith.constant 0 : i32
          %dma_start3A_308 = tpu.memref_slice %arg5[%dma_start3A_304, %dma_start3A_305, %dma_start3A_306, %dma_start3A_307] : memref<3x4x8x1024xf32, #tpu.memory_space<vmem>> -> memref<1x4x8x1024xf32, #tpu.memory_space<vmem>>
          %dma_start3A_309 = tpu.memref_squeeze %dma_start3A_308 : memref<1x4x8x1024xf32, #tpu.memory_space<vmem>> -> memref<4x8x1024xf32, #tpu.memory_space<vmem>>
          %dma_start3A_310 = arith.constant 0 : i32
          %dma_start3A_311 = arith.constant 0 : i32
          %dma_start3A_312 = tpu.memref_slice %arg2[%dma_start3A_310, %multiple_of3A_290, %dma_start3A_311] : memref<4x8192x1024xf32, #tpu.memory_space<hbm>> -> memref<4x8x1024xf32, #tpu.memory_space<hbm>>
          %dma_start3A_313 = arith.constant 0 : i32
          %dma_start3A_314 = arith.constant 0 : i32
          %dma_start3A_315 = arith.constant 0 : i32
          %dma_start3A_316 = tpu.memref_slice %arg5[%dma_start3A_304, %dma_start3A_313, %dma_start3A_314, %dma_start3A_315] : memref<3x4x8x1024xf32, #tpu.memory_space<vmem>> -> memref<1x4x8x1024xf32, #tpu.memory_space<vmem>>
          %dma_start3A_317 = tpu.memref_squeeze %dma_start3A_316 : memref<1x4x8x1024xf32, #tpu.memory_space<vmem>> -> memref<4x8x1024xf32, #tpu.memory_space<vmem>>
          %dma_start3A_318 = arith.constant 0 : i32
          %dma_start3A_319 = arith.constant 0 : i32
          %dma_start3A_320 = tpu.memref_slice %arg2[%dma_start3A_318, %multiple_of3A_290, %dma_start3A_319] : memref<4x8192x1024xf32, #tpu.memory_space<hbm>> -> memref<4x8x1024xf32, #tpu.memory_space<hbm>>
          tpu.enqueue_dma source(%dma_start3A_320 : memref<4x8x1024xf32, #tpu.memory_space<hbm>>) target(%dma_start3A_317 : memref<4x8x1024xf32, #tpu.memory_space<vmem>>) target_semaphore(%arg7 : memref<!tpu.dma_semaphore, #tpu.memory_space<semaphore_mem>>)
        } else {
        }
      } else {
      }
      %mul3A_180 = arith.constant 3 : i32
      %mul3A_181 = arith.muli %mul3A_180, %scan3A_164 : i32
      %add3A_182 = arith.constant 2 : i32
      %add3A_183 = arith.addi %mul3A_181, %add3A_182 : i32
      %lt3A_184 = arith.constant 32 : i32
      %lt3A_185 = arith.cmpi slt, %add3A_183, %lt3A_184 : i32
      %convert_element_type3A_186 = arith.extui %lt3A_185 : i1 to i32
      %cond3A_187 = arith.constant 0 : i32
      %cond3A_188 = arith.cmpi ne, %convert_element_type3A_186, %cond3A_187 : i32
      scf.if %cond3A_188 {
        %mul3A_189 = arith.constant 8 : i32
        %mul3A_190 = arith.muli %add3A_183, %mul3A_189 : i32
        %add3A_191 = arith.addi %mul3A_2, %mul3A_190 : i32
        %multiple_of3A_192 = tpu.assume_multiple %add3A_191, 8 : i32
        %dma_wait3A_193 = arith.constant 2 : i32
        %dma_wait3A_194 = arith.constant 0 : i32
        %dma_wait3A_195 = arith.constant 0 : i32
        %dma_wait3A_196 = tpu.memref_slice %arg6[%dma_wait3A_193, %dma_wait3A_194, %dma_wait3A_195] : memref<3x8x1024xf32, #tpu.memory_space<vmem>> -> memref<1x8x1024xf32, #tpu.memory_space<vmem>>
        %dma_wait3A_197 = tpu.memref_squeeze %dma_wait3A_196 : memref<1x8x1024xf32, #tpu.memory_space<vmem>> -> memref<8x1024xf32, #tpu.memory_space<vmem>>
        %dma_wait3A_198 = arith.constant 0 : i32
        %dma_wait3A_199 = tpu.memref_slice %arg3[%multiple_of3A_192, %dma_wait3A_198] : memref<8192x1024xf32, #tpu.memory_space<hbm>> -> memref<8x1024xf32, #tpu.memory_space<hbm>>
        %dma_wait3A_200 = arith.constant 0 : i32
        %dma_wait3A_201 = arith.constant 0 : i32
        %dma_wait3A_202 = tpu.memref_slice %arg6[%dma_wait3A_193, %dma_wait3A_200, %dma_wait3A_201] : memref<3x8x1024xf32, #tpu.memory_space<vmem>> -> memref<1x8x1024xf32, #tpu.memory_space<vmem>>
        %dma_wait3A_203 = tpu.memref_squeeze %dma_wait3A_202 : memref<1x8x1024xf32, #tpu.memory_space<vmem>> -> memref<8x1024xf32, #tpu.memory_space<vmem>>
        %dma_wait3A_204 = arith.constant 0 : i32
        %dma_wait3A_205 = tpu.memref_slice %arg3[%multiple_of3A_192, %dma_wait3A_204] : memref<8192x1024xf32, #tpu.memory_space<hbm>> -> memref<8x1024xf32, #tpu.memory_space<hbm>>
        tpu.wait_dma2 semaphore(%arg9 : memref<!tpu.dma_semaphore, #tpu.memory_space<semaphore_mem>>) src(%dma_wait3A_205 : memref<8x1024xf32, #tpu.memory_space<hbm>>) dst(%dma_wait3A_203 : memref<8x1024xf32, #tpu.memory_space<vmem>>)
        %dma_wait3A_206 = arith.constant 2 : i32
        %dma_wait3A_207 = arith.constant 0 : i32
        %dma_wait3A_208 = arith.constant 0 : i32
        %dma_wait3A_209 = arith.constant 0 : i32
        %dma_wait3A_210 = tpu.memref_slice %arg5[%dma_wait3A_206, %dma_wait3A_207, %dma_wait3A_208, %dma_wait3A_209] : memref<3x4x8x1024xf32, #tpu.memory_space<vmem>> -> memref<1x4x8x1024xf32, #tpu.memory_space<vmem>>
        %dma_wait3A_211 = tpu.memref_squeeze %dma_wait3A_210 : memref<1x4x8x1024xf32, #tpu.memory_space<vmem>> -> memref<4x8x1024xf32, #tpu.memory_space<vmem>>
        %dma_wait3A_212 = arith.constant 0 : i32
        %dma_wait3A_213 = arith.constant 0 : i32
        %dma_wait3A_214 = tpu.memref_slice %arg2[%dma_wait3A_212, %multiple_of3A_192, %dma_wait3A_213] : memref<4x8192x1024xf32, #tpu.memory_space<hbm>> -> memref<4x8x1024xf32, #tpu.memory_space<hbm>>
        %dma_wait3A_215 = arith.constant 0 : i32
        %dma_wait3A_216 = arith.constant 0 : i32
        %dma_wait3A_217 = arith.constant 0 : i32
        %dma_wait3A_218 = tpu.memref_slice %arg5[%dma_wait3A_206, %dma_wait3A_215, %dma_wait3A_216, %dma_wait3A_217] : memref<3x4x8x1024xf32, #tpu.memory_space<vmem>> -> memref<1x4x8x1024xf32, #tpu.memory_space<vmem>>
        %dma_wait3A_219 = tpu.memref_squeeze %dma_wait3A_218 : memref<1x4x8x1024xf32, #tpu.memory_space<vmem>> -> memref<4x8x1024xf32, #tpu.memory_space<vmem>>
        %dma_wait3A_220 = arith.constant 0 : i32
        %dma_wait3A_221 = arith.constant 0 : i32
        %dma_wait3A_222 = tpu.memref_slice %arg2[%dma_wait3A_220, %multiple_of3A_192, %dma_wait3A_221] : memref<4x8192x1024xf32, #tpu.memory_space<hbm>> -> memref<4x8x1024xf32, #tpu.memory_space<hbm>>
        tpu.wait_dma2 semaphore(%arg9 : memref<!tpu.dma_semaphore, #tpu.memory_space<semaphore_mem>>) src(%dma_wait3A_222 : memref<4x8x1024xf32, #tpu.memory_space<hbm>>) dst(%dma_wait3A_219 : memref<4x8x1024xf32, #tpu.memory_space<vmem>>)
        %parallel_loop3A = arith.constant 0 : i32
        %parallel_loop3A_223 = arith.constant 1024 : i32
        %parallel_loop3A_224 = arith.constant 16 : i32
        %parallel_loop3A_225 = arith.constant 2 : i32
        %parallel_loop3A_226 = arith.constant 2 : i32
        %parallel_loop3A_227 = arith.constant 0 : i32
        %parallel_loop3A_228 = arith.constant 2 : i32
        %parallel_loop3A_229 = arith.constant 1 : i32
        %parallel_loop3A_230 = arith.constant 2 : i32
        %parallel_loop3A_231 = arith.constant 2 : i32
        %parallel_loop3A_232 = arith.constant 2 : i32
        %parallel_loop3A_233 = arith.constant 3 : i32
        scf.for %parallel_loop3A_264 = %parallel_loop3A to %parallel_loop3A_223 step %parallel_loop3A_224  : i32 {
          %parallel_loop3A_265 = arith.constant 0 : i32
          %parallel_loop3A_266 = arith.constant 0 : i32
          %parallel_loop3A_267 = arith.constant 0 : i32
          %parallel_loop3A_268 = tpu.memref_slice %arg6[%parallel_loop3A_225, %parallel_loop3A_266, %parallel_loop3A_267] : memref<3x8x1024xf32, #tpu.memory_space<vmem>> -> memref<1x8x1024xf32, #tpu.memory_space<vmem>>
          %parallel_loop3A_269 = tpu.memref_squeeze %parallel_loop3A_268 : memref<1x8x1024xf32, #tpu.memory_space<vmem>> -> memref<8x1024xf32, #tpu.memory_space<vmem>>
          %parallel_loop3A_270 = arith.index_cast %parallel_loop3A_265 : i32 to index
          %parallel_loop3A_271 = arith.index_cast %parallel_loop3A_264 : i32 to index
          %parallel_loop3A_272 = tpu.vector_load %parallel_loop3A_269[%parallel_loop3A_270, %parallel_loop3A_271] {strides = array<i32>} : memref<8x1024xf32, #tpu.memory_space<vmem>>, vector<1x16xf32>,
          %parallel_loop3A_273 = vector.shape_cast %parallel_loop3A_272 : vector<1x16xf32> to vector<16xf32>
          %parallel_loop3A_274 = arith.constant 0 : i32
          %parallel_loop3A_275 = arith.constant 0 : i32
          %parallel_loop3A_276 = arith.constant 0 : i32
          %parallel_loop3A_277 = tpu.memref_slice %arg5[%parallel_loop3A_226, %parallel_loop3A_227, %parallel_loop3A_275, %parallel_loop3A_276] : memref<3x4x8x1024xf32, #tpu.memory_space<vmem>> -> memref<1x1x8x1024xf32, #tpu.memory_space<vmem>>
          %parallel_loop3A_278 = tpu.memref_squeeze %parallel_loop3A_277 : memref<1x1x8x1024xf32, #tpu.memory_space<vmem>> -> memref<8x1024xf32, #tpu.memory_space<vmem>>
          %parallel_loop3A_279 = arith.index_cast %parallel_loop3A_274 : i32 to index
          %parallel_loop3A_280 = arith.index_cast %parallel_loop3A_264 : i32 to index
          %parallel_loop3A_281 = tpu.vector_load %parallel_loop3A_278[%parallel_loop3A_279, %parallel_loop3A_280] {strides = array<i32>} : memref<8x1024xf32, #tpu.memory_space<vmem>>, vector<1x16xf32>,
          %parallel_loop3A_282 = vector.shape_cast %parallel_loop3A_281 : vector<1x16xf32> to vector<16xf32>
          %parallel_loop3A_283 = arith.addf %parallel_loop3A_282, %parallel_loop3A_273 : vector<16xf32>
          %parallel_loop3A_284 = arith.constant 0 : i32
          %parallel_loop3A_285 = arith.constant 0 : i32
          %parallel_loop3A_286 = arith.constant 0 : i32
          %parallel_loop3A_287 = tpu.memref_slice %arg5[%parallel_loop3A_226, %parallel_loop3A_227, %parallel_loop3A_285, %parallel_loop3A_286] : memref<3x4x8x1024xf32, #tpu.memory_space<vmem>> -> memref<1x1x8x1024xf32, #tpu.memory_space<vmem>>
          %parallel_loop3A_288 = tpu.memref_squeeze %parallel_loop3A_287 : memref<1x1x8x1024xf32, #tpu.memory_space<vmem>> -> memref<8x1024xf32, #tpu.memory_space<vmem>>
          %parallel_loop3A_289 = arith.index_cast %parallel_loop3A_284 : i32 to index
          %parallel_loop3A_290 = arith.index_cast %parallel_loop3A_264 : i32 to index
          %parallel_loop3A_291 = tpu.vector_load %parallel_loop3A_288[%parallel_loop3A_289, %parallel_loop3A_290] {strides = array<i32>} : memref<8x1024xf32, #tpu.memory_space<vmem>>, vector<1x16xf32>,
          %parallel_loop3A_292 = vector.shape_cast %parallel_loop3A_291 : vector<1x16xf32> to vector<16xf32>
          %parallel_loop3A_293 = vector.shape_cast %parallel_loop3A_283 : vector<16xf32> to vector<1x16xf32>
          tpu.vector_store %parallel_loop3A_288[%parallel_loop3A_289, %parallel_loop3A_290], %parallel_loop3A_293 {strides = array<i32>} : memref<8x1024xf32, #tpu.memory_space<vmem>>, vector<1x16xf32>,
          %parallel_loop3A_294 = arith.constant 0 : i32
          %parallel_loop3A_295 = arith.constant 0 : i32
          %parallel_loop3A_296 = arith.constant 0 : i32
          %parallel_loop3A_297 = tpu.memref_slice %arg5[%parallel_loop3A_228, %parallel_loop3A_229, %parallel_loop3A_295, %parallel_loop3A_296] : memref<3x4x8x1024xf32, #tpu.memory_space<vmem>> -> memref<1x1x8x1024xf32, #tpu.memory_space<vmem>>
          %parallel_loop3A_298 = tpu.memref_squeeze %parallel_loop3A_297 : memref<1x1x8x1024xf32, #tpu.memory_space<vmem>> -> memref<8x1024xf32, #tpu.memory_space<vmem>>
          %parallel_loop3A_299 = arith.index_cast %parallel_loop3A_294 : i32 to index
          %parallel_loop3A_300 = arith.index_cast %parallel_loop3A_264 : i32 to index
          %parallel_loop3A_301 = tpu.vector_load %parallel_loop3A_298[%parallel_loop3A_299, %parallel_loop3A_300] {strides = array<i32>} : memref<8x1024xf32, #tpu.memory_space<vmem>>, vector<1x16xf32>,
          %parallel_loop3A_302 = vector.shape_cast %parallel_loop3A_301 : vector<1x16xf32> to vector<16xf32>
          %parallel_loop3A_303 = arith.addf %parallel_loop3A_302, %parallel_loop3A_273 : vector<16xf32>
          %parallel_loop3A_304 = arith.constant 0 : i32
          %parallel_loop3A_305 = arith.constant 0 : i32
          %parallel_loop3A_306 = arith.constant 0 : i32
          %parallel_loop3A_307 = tpu.memref_slice %arg5[%parallel_loop3A_228, %parallel_loop3A_229, %parallel_loop3A_305, %parallel_loop3A_306] : memref<3x4x8x1024xf32, #tpu.memory_space<vmem>> -> memref<1x1x8x1024xf32, #tpu.memory_space<vmem>>
          %parallel_loop3A_308 = tpu.memref_squeeze %parallel_loop3A_307 : memref<1x1x8x1024xf32, #tpu.memory_space<vmem>> -> memref<8x1024xf32, #tpu.memory_space<vmem>>
          %parallel_loop3A_309 = arith.index_cast %parallel_loop3A_304 : i32 to index
          %parallel_loop3A_310 = arith.index_cast %parallel_loop3A_264 : i32 to index
          %parallel_loop3A_311 = tpu.vector_load %parallel_loop3A_308[%parallel_loop3A_309, %parallel_loop3A_310] {strides = array<i32>} : memref<8x1024xf32, #tpu.memory_space<vmem>>, vector<1x16xf32>,
          %parallel_loop3A_312 = vector.shape_cast %parallel_loop3A_311 : vector<1x16xf32> to vector<16xf32>
          %parallel_loop3A_313 = vector.shape_cast %parallel_loop3A_303 : vector<16xf32> to vector<1x16xf32>
          tpu.vector_store %parallel_loop3A_308[%parallel_loop3A_309, %parallel_loop3A_310], %parallel_loop3A_313 {strides = array<i32>} : memref<8x1024xf32, #tpu.memory_space<vmem>>, vector<1x16xf32>,
          %parallel_loop3A_314 = arith.constant 0 : i32
          %parallel_loop3A_315 = arith.constant 0 : i32
          %parallel_loop3A_316 = arith.constant 0 : i32
          %parallel_loop3A_317 = tpu.memref_slice %arg5[%parallel_loop3A_230, %parallel_loop3A_231, %parallel_loop3A_315, %parallel_loop3A_316] : memref<3x4x8x1024xf32, #tpu.memory_space<vmem>> -> memref<1x1x8x1024xf32, #tpu.memory_space<vmem>>
          %parallel_loop3A_318 = tpu.memref_squeeze %parallel_loop3A_317 : memref<1x1x8x1024xf32, #tpu.memory_space<vmem>> -> memref<8x1024xf32, #tpu.memory_space<vmem>>
          %parallel_loop3A_319 = arith.index_cast %parallel_loop3A_314 : i32 to index
          %parallel_loop3A_320 = arith.index_cast %parallel_loop3A_264 : i32 to index
          %parallel_loop3A_321 = tpu.vector_load %parallel_loop3A_318[%parallel_loop3A_319, %parallel_loop3A_320] {strides = array<i32>} : memref<8x1024xf32, #tpu.memory_space<vmem>>, vector<1x16xf32>,
          %parallel_loop3A_322 = vector.shape_cast %parallel_loop3A_321 : vector<1x16xf32> to vector<16xf32>
          %parallel_loop3A_323 = arith.addf %parallel_loop3A_322, %parallel_loop3A_273 : vector<16xf32>
          %parallel_loop3A_324 = arith.constant 0 : i32
          %parallel_loop3A_325 = arith.constant 0 : i32
          %parallel_loop3A_326 = arith.constant 0 : i32
          %parallel_loop3A_327 = tpu.memref_slice %arg5[%parallel_loop3A_230, %parallel_loop3A_231, %parallel_loop3A_325, %parallel_loop3A_326] : memref<3x4x8x1024xf32, #tpu.memory_space<vmem>> -> memref<1x1x8x1024xf32, #tpu.memory_space<vmem>>
          %parallel_loop3A_328 = tpu.memref_squeeze %parallel_loop3A_327 : memref<1x1x8x1024xf32, #tpu.memory_space<vmem>> -> memref<8x1024xf32, #tpu.memory_space<vmem>>
          %parallel_loop3A_329 = arith.index_cast %parallel_loop3A_324 : i32 to index
          %parallel_loop3A_330 = arith.index_cast %parallel_loop3A_264 : i32 to index
          %parallel_loop3A_331 = tpu.vector_load %parallel_loop3A_328[%parallel_loop3A_329, %parallel_loop3A_330] {strides = array<i32>} : memref<8x1024xf32, #tpu.memory_space<vmem>>, vector<1x16xf32>,
          %parallel_loop3A_332 = vector.shape_cast %parallel_loop3A_331 : vector<1x16xf32> to vector<16xf32>
          %parallel_loop3A_333 = vector.shape_cast %parallel_loop3A_323 : vector<16xf32> to vector<1x16xf32>
          tpu.vector_store %parallel_loop3A_328[%parallel_loop3A_329, %parallel_loop3A_330], %parallel_loop3A_333 {strides = array<i32>} : memref<8x1024xf32, #tpu.memory_space<vmem>>, vector<1x16xf32>,
          %parallel_loop3A_334 = arith.constant 0 : i32
          %parallel_loop3A_335 = arith.constant 0 : i32
          %parallel_loop3A_336 = arith.constant 0 : i32
          %parallel_loop3A_337 = tpu.memref_slice %arg5[%parallel_loop3A_232, %parallel_loop3A_233, %parallel_loop3A_335, %parallel_loop3A_336] : memref<3x4x8x1024xf32, #tpu.memory_space<vmem>> -> memref<1x1x8x1024xf32, #tpu.memory_space<vmem>>
          %parallel_loop3A_338 = tpu.memref_squeeze %parallel_loop3A_337 : memref<1x1x8x1024xf32, #tpu.memory_space<vmem>> -> memref<8x1024xf32, #tpu.memory_space<vmem>>
          %parallel_loop3A_339 = arith.index_cast %parallel_loop3A_334 : i32 to index
          %parallel_loop3A_340 = arith.index_cast %parallel_loop3A_264 : i32 to index
          %parallel_loop3A_341 = tpu.vector_load %parallel_loop3A_338[%parallel_loop3A_339, %parallel_loop3A_340] {strides = array<i32>} : memref<8x1024xf32, #tpu.memory_space<vmem>>, vector<1x16xf32>,
          %parallel_loop3A_342 = vector.shape_cast %parallel_loop3A_341 : vector<1x16xf32> to vector<16xf32>
          %parallel_loop3A_343 = arith.addf %parallel_loop3A_342, %parallel_loop3A_273 : vector<16xf32>
          %parallel_loop3A_344 = arith.constant 0 : i32
          %parallel_loop3A_345 = arith.constant 0 : i32
          %parallel_loop3A_346 = arith.constant 0 : i32
          %parallel_loop3A_347 = tpu.memref_slice %arg5[%parallel_loop3A_232, %parallel_loop3A_233, %parallel_loop3A_345, %parallel_loop3A_346] : memref<3x4x8x1024xf32, #tpu.memory_space<vmem>> -> memref<1x1x8x1024xf32, #tpu.memory_space<vmem>>
          %parallel_loop3A_348 = tpu.memref_squeeze %parallel_loop3A_347 : memref<1x1x8x1024xf32, #tpu.memory_space<vmem>> -> memref<8x1024xf32, #tpu.memory_space<vmem>>
          %parallel_loop3A_349 = arith.index_cast %parallel_loop3A_344 : i32 to index
          %parallel_loop3A_350 = arith.index_cast %parallel_loop3A_264 : i32 to index
          %parallel_loop3A_351 = tpu.vector_load %parallel_loop3A_348[%parallel_loop3A_349, %parallel_loop3A_350] {strides = array<i32>} : memref<8x1024xf32, #tpu.memory_space<vmem>>, vector<1x16xf32>,
          %parallel_loop3A_352 = vector.shape_cast %parallel_loop3A_351 : vector<1x16xf32> to vector<16xf32>
          %parallel_loop3A_353 = vector.shape_cast %parallel_loop3A_343 : vector<16xf32> to vector<1x16xf32>
          tpu.vector_store %parallel_loop3A_348[%parallel_loop3A_349, %parallel_loop3A_350], %parallel_loop3A_353 {strides = array<i32>} : memref<8x1024xf32, #tpu.memory_space<vmem>>, vector<1x16xf32>,
          %parallel_loop3A_354 = arith.constant 1 : i32
          %parallel_loop3A_355 = arith.constant 0 : i32
          %parallel_loop3A_356 = arith.constant 0 : i32
          %parallel_loop3A_357 = tpu.memref_slice %arg6[%parallel_loop3A_225, %parallel_loop3A_355, %parallel_loop3A_356] : memref<3x8x1024xf32, #tpu.memory_space<vmem>> -> memref<1x8x1024xf32, #tpu.memory_space<vmem>>
          %parallel_loop3A_358 = tpu.memref_squeeze %parallel_loop3A_357 : memref<1x8x1024xf32, #tpu.memory_space<vmem>> -> memref<8x1024xf32, #tpu.memory_space<vmem>>
          %parallel_loop3A_359 = arith.index_cast %parallel_loop3A_354 : i32 to index
          %parallel_loop3A_360 = arith.index_cast %parallel_loop3A_264 : i32 to index
          %parallel_loop3A_361 = tpu.vector_load %parallel_loop3A_358[%parallel_loop3A_359, %parallel_loop3A_360] {strides = array<i32>} : memref<8x1024xf32, #tpu.memory_space<vmem>>, vector<1x16xf32>,
          %parallel_loop3A_362 = vector.shape_cast %parallel_loop3A_361 : vector<1x16xf32> to vector<16xf32>
          %parallel_loop3A_363 = arith.constant 1 : i32
          %parallel_loop3A_364 = arith.constant 0 : i32
          %parallel_loop3A_365 = arith.constant 0 : i32
          %parallel_loop3A_366 = tpu.memref_slice %arg5[%parallel_loop3A_226, %parallel_loop3A_227, %parallel_loop3A_364, %parallel_loop3A_365] : memref<3x4x8x1024xf32, #tpu.memory_space<vmem>> -> memref<1x1x8x1024xf32, #tpu.memory_space<vmem>>
          %parallel_loop3A_367 = tpu.memref_squeeze %parallel_loop3A_366 : memref<1x1x8x1024xf32, #tpu.memory_space<vmem>> -> memref<8x1024xf32, #tpu.memory_space<vmem>>
          %parallel_loop3A_368 = arith.index_cast %parallel_loop3A_363 : i32 to index
          %parallel_loop3A_369 = arith.index_cast %parallel_loop3A_264 : i32 to index
          %parallel_loop3A_370 = tpu.vector_load %parallel_loop3A_367[%parallel_loop3A_368, %parallel_loop3A_369] {strides = array<i32>} : memref<8x1024xf32, #tpu.memory_space<vmem>>, vector<1x16xf32>,
          %parallel_loop3A_371 = vector.shape_cast %parallel_loop3A_370 : vector<1x16xf32> to vector<16xf32>
          %parallel_loop3A_372 = arith.addf %parallel_loop3A_371, %parallel_loop3A_362 : vector<16xf32>
          %parallel_loop3A_373 = arith.constant 1 : i32
          %parallel_loop3A_374 = arith.constant 0 : i32
          %parallel_loop3A_375 = arith.constant 0 : i32
          %parallel_loop3A_376 = tpu.memref_slice %arg5[%parallel_loop3A_226, %parallel_loop3A_227, %parallel_loop3A_374, %parallel_loop3A_375] : memref<3x4x8x1024xf32, #tpu.memory_space<vmem>> -> memref<1x1x8x1024xf32, #tpu.memory_space<vmem>>
          %parallel_loop3A_377 = tpu.memref_squeeze %parallel_loop3A_376 : memref<1x1x8x1024xf32, #tpu.memory_space<vmem>> -> memref<8x1024xf32, #tpu.memory_space<vmem>>
          %parallel_loop3A_378 = arith.index_cast %parallel_loop3A_373 : i32 to index
          %parallel_loop3A_379 = arith.index_cast %parallel_loop3A_264 : i32 to index
          %parallel_loop3A_380 = tpu.vector_load %parallel_loop3A_377[%parallel_loop3A_378, %parallel_loop3A_379] {strides = array<i32>} : memref<8x1024xf32, #tpu.memory_space<vmem>>, vector<1x16xf32>,
          %parallel_loop3A_381 = vector.shape_cast %parallel_loop3A_380 : vector<1x16xf32> to vector<16xf32>
          %parallel_loop3A_382 = vector.shape_cast %parallel_loop3A_372 : vector<16xf32> to vector<1x16xf32>
          tpu.vector_store %parallel_loop3A_377[%parallel_loop3A_378, %parallel_loop3A_379], %parallel_loop3A_382 {strides = array<i32>} : memref<8x1024xf32, #tpu.memory_space<vmem>>, vector<1x16xf32>,
          %parallel_loop3A_383 = arith.constant 1 : i32
          %parallel_loop3A_384 = arith.constant 0 : i32
          %parallel_loop3A_385 = arith.constant 0 : i32
          %parallel_loop3A_386 = tpu.memref_slice %arg5[%parallel_loop3A_228, %parallel_loop3A_229, %parallel_loop3A_384, %parallel_loop3A_385] : memref<3x4x8x1024xf32, #tpu.memory_space<vmem>> -> memref<1x1x8x1024xf32, #tpu.memory_space<vmem>>
          %parallel_loop3A_387 = tpu.memref_squeeze %parallel_loop3A_386 : memref<1x1x8x1024xf32, #tpu.memory_space<vmem>> -> memref<8x1024xf32, #tpu.memory_space<vmem>>
          %parallel_loop3A_388 = arith.index_cast %parallel_loop3A_383 : i32 to index
          %parallel_loop3A_389 = arith.index_cast %parallel_loop3A_264 : i32 to index
          %parallel_loop3A_390 = tpu.vector_load %parallel_loop3A_387[%parallel_loop3A_388, %parallel_loop3A_389] {strides = array<i32>} : memref<8x1024xf32, #tpu.memory_space<vmem>>, vector<1x16xf32>,
          %parallel_loop3A_391 = vector.shape_cast %parallel_loop3A_390 : vector<1x16xf32> to vector<16xf32>
          %parallel_loop3A_392 = arith.addf %parallel_loop3A_391, %parallel_loop3A_362 : vector<16xf32>
          %parallel_loop3A_393 = arith.constant 1 : i32
          %parallel_loop3A_394 = arith.constant 0 : i32
          %parallel_loop3A_395 = arith.constant 0 : i32
          %parallel_loop3A_396 = tpu.memref_slice %arg5[%parallel_loop3A_228, %parallel_loop3A_229, %parallel_loop3A_394, %parallel_loop3A_395] : memref<3x4x8x1024xf32, #tpu.memory_space<vmem>> -> memref<1x1x8x1024xf32, #tpu.memory_space<vmem>>
          %parallel_loop3A_397 = tpu.memref_squeeze %parallel_loop3A_396 : memref<1x1x8x1024xf32, #tpu.memory_space<vmem>> -> memref<8x1024xf32, #tpu.memory_space<vmem>>
          %parallel_loop3A_398 = arith.index_cast %parallel_loop3A_393 : i32 to index
          %parallel_loop3A_399 = arith.index_cast %parallel_loop3A_264 : i32 to index
          %parallel_loop3A_400 = tpu.vector_load %parallel_loop3A_397[%parallel_loop3A_398, %parallel_loop3A_399] {strides = array<i32>} : memref<8x1024xf32, #tpu.memory_space<vmem>>, vector<1x16xf32>,
          %parallel_loop3A_401 = vector.shape_cast %parallel_loop3A_400 : vector<1x16xf32> to vector<16xf32>
          %parallel_loop3A_402 = vector.shape_cast %parallel_loop3A_392 : vector<16xf32> to vector<1x16xf32>
          tpu.vector_store %parallel_loop3A_397[%parallel_loop3A_398, %parallel_loop3A_399], %parallel_loop3A_402 {strides = array<i32>} : memref<8x1024xf32, #tpu.memory_space<vmem>>, vector<1x16xf32>,
          %parallel_loop3A_403 = arith.constant 1 : i32
          %parallel_loop3A_404 = arith.constant 0 : i32
          %parallel_loop3A_405 = arith.constant 0 : i32
          %parallel_loop3A_406 = tpu.memref_slice %arg5[%parallel_loop3A_230, %parallel_loop3A_231, %parallel_loop3A_404, %parallel_loop3A_405] : memref<3x4x8x1024xf32, #tpu.memory_space<vmem>> -> memref<1x1x8x1024xf32, #tpu.memory_space<vmem>>
          %parallel_loop3A_407 = tpu.memref_squeeze %parallel_loop3A_406 : memref<1x1x8x1024xf32, #tpu.memory_space<vmem>> -> memref<8x1024xf32, #tpu.memory_space<vmem>>
          %parallel_loop3A_408 = arith.index_cast %parallel_loop3A_403 : i32 to index
          %parallel_loop3A_409 = arith.index_cast %parallel_loop3A_264 : i32 to index
          %parallel_loop3A_410 = tpu.vector_load %parallel_loop3A_407[%parallel_loop3A_408, %parallel_loop3A_409] {strides = array<i32>} : memref<8x1024xf32, #tpu.memory_space<vmem>>, vector<1x16xf32>,
          %parallel_loop3A_411 = vector.shape_cast %parallel_loop3A_410 : vector<1x16xf32> to vector<16xf32>
          %parallel_loop3A_412 = arith.addf %parallel_loop3A_411, %parallel_loop3A_362 : vector<16xf32>
          %parallel_loop3A_413 = arith.constant 1 : i32
          %parallel_loop3A_414 = arith.constant 0 : i32
          %parallel_loop3A_415 = arith.constant 0 : i32
          %parallel_loop3A_416 = tpu.memref_slice %arg5[%parallel_loop3A_230, %parallel_loop3A_231, %parallel_loop3A_414, %parallel_loop3A_415] : memref<3x4x8x1024xf32, #tpu.memory_space<vmem>> -> memref<1x1x8x1024xf32, #tpu.memory_space<vmem>>
          %parallel_loop3A_417 = tpu.memref_squeeze %parallel_loop3A_416 : memref<1x1x8x1024xf32, #tpu.memory_space<vmem>> -> memref<8x1024xf32, #tpu.memory_space<vmem>>
          %parallel_loop3A_418 = arith.index_cast %parallel_loop3A_413 : i32 to index
          %parallel_loop3A_419 = arith.index_cast %parallel_loop3A_264 : i32 to index
          %parallel_loop3A_420 = tpu.vector_load %parallel_loop3A_417[%parallel_loop3A_418, %parallel_loop3A_419] {strides = array<i32>} : memref<8x1024xf32, #tpu.memory_space<vmem>>, vector<1x16xf32>,
          %parallel_loop3A_421 = vector.shape_cast %parallel_loop3A_420 : vector<1x16xf32> to vector<16xf32>
          %parallel_loop3A_422 = vector.shape_cast %parallel_loop3A_412 : vector<16xf32> to vector<1x16xf32>
          tpu.vector_store %parallel_loop3A_417[%parallel_loop3A_418, %parallel_loop3A_419], %parallel_loop3A_422 {strides = array<i32>} : memref<8x1024xf32, #tpu.memory_space<vmem>>, vector<1x16xf32>,
          %parallel_loop3A_423 = arith.constant 1 : i32
          %parallel_loop3A_424 = arith.constant 0 : i32
          %parallel_loop3A_425 = arith.constant 0 : i32
          %parallel_loop3A_426 = tpu.memref_slice %arg5[%parallel_loop3A_232, %parallel_loop3A_233, %parallel_loop3A_424, %parallel_loop3A_425] : memref<3x4x8x1024xf32, #tpu.memory_space<vmem>> -> memref<1x1x8x1024xf32, #tpu.memory_space<vmem>>
          %parallel_loop3A_427 = tpu.memref_squeeze %parallel_loop3A_426 : memref<1x1x8x1024xf32, #tpu.memory_space<vmem>> -> memref<8x1024xf32, #tpu.memory_space<vmem>>
          %parallel_loop3A_428 = arith.index_cast %parallel_loop3A_423 : i32 to index
          %parallel_loop3A_429 = arith.index_cast %parallel_loop3A_264 : i32 to index
          %parallel_loop3A_430 = tpu.vector_load %parallel_loop3A_427[%parallel_loop3A_428, %parallel_loop3A_429] {strides = array<i32>} : memref<8x1024xf32, #tpu.memory_space<vmem>>, vector<1x16xf32>,
          %parallel_loop3A_431 = vector.shape_cast %parallel_loop3A_430 : vector<1x16xf32> to vector<16xf32>
          %parallel_loop3A_432 = arith.addf %parallel_loop3A_431, %parallel_loop3A_362 : vector<16xf32>
          %parallel_loop3A_433 = arith.constant 1 : i32
          %parallel_loop3A_434 = arith.constant 0 : i32
          %parallel_loop3A_435 = arith.constant 0 : i32
          %parallel_loop3A_436 = tpu.memref_slice %arg5[%parallel_loop3A_232, %parallel_loop3A_233, %parallel_loop3A_434, %parallel_loop3A_435] : memref<3x4x8x1024xf32, #tpu.memory_space<vmem>> -> memref<1x1x8x1024xf32, #tpu.memory_space<vmem>>
          %parallel_loop3A_437 = tpu.memref_squeeze %parallel_loop3A_436 : memref<1x1x8x1024xf32, #tpu.memory_space<vmem>> -> memref<8x1024xf32, #tpu.memory_space<vmem>>
          %parallel_loop3A_438 = arith.index_cast %parallel_loop3A_433 : i32 to index
          %parallel_loop3A_439 = arith.index_cast %parallel_loop3A_264 : i32 to index
          %parallel_loop3A_440 = tpu.vector_load %parallel_loop3A_437[%parallel_loop3A_438, %parallel_loop3A_439] {strides = array<i32>} : memref<8x1024xf32, #tpu.memory_space<vmem>>, vector<1x16xf32>,
          %parallel_loop3A_441 = vector.shape_cast %parallel_loop3A_440 : vector<1x16xf32> to vector<16xf32>
          %parallel_loop3A_442 = vector.shape_cast %parallel_loop3A_432 : vector<16xf32> to vector<1x16xf32>
          tpu.vector_store %parallel_loop3A_437[%parallel_loop3A_438, %parallel_loop3A_439], %parallel_loop3A_442 {strides = array<i32>} : memref<8x1024xf32, #tpu.memory_space<vmem>>, vector<1x16xf32>,
          %parallel_loop3A_443 = arith.constant 2 : i32
          %parallel_loop3A_444 = arith.constant 0 : i32
          %parallel_loop3A_445 = arith.constant 0 : i32
          %parallel_loop3A_446 = tpu.memref_slice %arg6[%parallel_loop3A_225, %parallel_loop3A_444, %parallel_loop3A_445] : memref<3x8x1024xf32, #tpu.memory_space<vmem>> -> memref<1x8x1024xf32, #tpu.memory_space<vmem>>
          %parallel_loop3A_447 = tpu.memref_squeeze %parallel_loop3A_446 : memref<1x8x1024xf32, #tpu.memory_space<vmem>> -> memref<8x1024xf32, #tpu.memory_space<vmem>>
          %parallel_loop3A_448 = arith.index_cast %parallel_loop3A_443 : i32 to index
          %parallel_loop3A_449 = arith.index_cast %parallel_loop3A_264 : i32 to index
          %parallel_loop3A_450 = tpu.vector_load %parallel_loop3A_447[%parallel_loop3A_448, %parallel_loop3A_449] {strides = array<i32>} : memref<8x1024xf32, #tpu.memory_space<vmem>>, vector<1x16xf32>,
          %parallel_loop3A_451 = vector.shape_cast %parallel_loop3A_450 : vector<1x16xf32> to vector<16xf32>
          %parallel_loop3A_452 = arith.constant 2 : i32
          %parallel_loop3A_453 = arith.constant 0 : i32
          %parallel_loop3A_454 = arith.constant 0 : i32
          %parallel_loop3A_455 = tpu.memref_slice %arg5[%parallel_loop3A_226, %parallel_loop3A_227, %parallel_loop3A_453, %parallel_loop3A_454] : memref<3x4x8x1024xf32, #tpu.memory_space<vmem>> -> memref<1x1x8x1024xf32, #tpu.memory_space<vmem>>
          %parallel_loop3A_456 = tpu.memref_squeeze %parallel_loop3A_455 : memref<1x1x8x1024xf32, #tpu.memory_space<vmem>> -> memref<8x1024xf32, #tpu.memory_space<vmem>>
          %parallel_loop3A_457 = arith.index_cast %parallel_loop3A_452 : i32 to index
          %parallel_loop3A_458 = arith.index_cast %parallel_loop3A_264 : i32 to index
          %parallel_loop3A_459 = tpu.vector_load %parallel_loop3A_456[%parallel_loop3A_457, %parallel_loop3A_458] {strides = array<i32>} : memref<8x1024xf32, #tpu.memory_space<vmem>>, vector<1x16xf32>,
          %parallel_loop3A_460 = vector.shape_cast %parallel_loop3A_459 : vector<1x16xf32> to vector<16xf32>
          %parallel_loop3A_461 = arith.addf %parallel_loop3A_460, %parallel_loop3A_451 : vector<16xf32>
          %parallel_loop3A_462 = arith.constant 2 : i32
          %parallel_loop3A_463 = arith.constant 0 : i32
          %parallel_loop3A_464 = arith.constant 0 : i32
          %parallel_loop3A_465 = tpu.memref_slice %arg5[%parallel_loop3A_226, %parallel_loop3A_227, %parallel_loop3A_463, %parallel_loop3A_464] : memref<3x4x8x1024xf32, #tpu.memory_space<vmem>> -> memref<1x1x8x1024xf32, #tpu.memory_space<vmem>>
          %parallel_loop3A_466 = tpu.memref_squeeze %parallel_loop3A_465 : memref<1x1x8x1024xf32, #tpu.memory_space<vmem>> -> memref<8x1024xf32, #tpu.memory_space<vmem>>
          %parallel_loop3A_467 = arith.index_cast %parallel_loop3A_462 : i32 to index
          %parallel_loop3A_468 = arith.index_cast %parallel_loop3A_264 : i32 to index
          %parallel_loop3A_469 = tpu.vector_load %parallel_loop3A_466[%parallel_loop3A_467, %parallel_loop3A_468] {strides = array<i32>} : memref<8x1024xf32, #tpu.memory_space<vmem>>, vector<1x16xf32>,
          %parallel_loop3A_470 = vector.shape_cast %parallel_loop3A_469 : vector<1x16xf32> to vector<16xf32>
          %parallel_loop3A_471 = vector.shape_cast %parallel_loop3A_461 : vector<16xf32> to vector<1x16xf32>
          tpu.vector_store %parallel_loop3A_466[%parallel_loop3A_467, %parallel_loop3A_468], %parallel_loop3A_471 {strides = array<i32>} : memref<8x1024xf32, #tpu.memory_space<vmem>>, vector<1x16xf32>,
          %parallel_loop3A_472 = arith.constant 2 : i32
          %parallel_loop3A_473 = arith.constant 0 : i32
          %parallel_loop3A_474 = arith.constant 0 : i32
          %parallel_loop3A_475 = tpu.memref_slice %arg5[%parallel_loop3A_228, %parallel_loop3A_229, %parallel_loop3A_473, %parallel_loop3A_474] : memref<3x4x8x1024xf32, #tpu.memory_space<vmem>> -> memref<1x1x8x1024xf32, #tpu.memory_space<vmem>>
          %parallel_loop3A_476 = tpu.memref_squeeze %parallel_loop3A_475 : memref<1x1x8x1024xf32, #tpu.memory_space<vmem>> -> memref<8x1024xf32, #tpu.memory_space<vmem>>
          %parallel_loop3A_477 = arith.index_cast %parallel_loop3A_472 : i32 to index
          %parallel_loop3A_478 = arith.index_cast %parallel_loop3A_264 : i32 to index
          %parallel_loop3A_479 = tpu.vector_load %parallel_loop3A_476[%parallel_loop3A_477, %parallel_loop3A_478] {strides = array<i32>} : memref<8x1024xf32, #tpu.memory_space<vmem>>, vector<1x16xf32>,
          %parallel_loop3A_480 = vector.shape_cast %parallel_loop3A_479 : vector<1x16xf32> to vector<16xf32>
          %parallel_loop3A_481 = arith.addf %parallel_loop3A_480, %parallel_loop3A_451 : vector<16xf32>
          %parallel_loop3A_482 = arith.constant 2 : i32
          %parallel_loop3A_483 = arith.constant 0 : i32
          %parallel_loop3A_484 = arith.constant 0 : i32
          %parallel_loop3A_485 = tpu.memref_slice %arg5[%parallel_loop3A_228, %parallel_loop3A_229, %parallel_loop3A_483, %parallel_loop3A_484] : memref<3x4x8x1024xf32, #tpu.memory_space<vmem>> -> memref<1x1x8x1024xf32, #tpu.memory_space<vmem>>
          %parallel_loop3A_486 = tpu.memref_squeeze %parallel_loop3A_485 : memref<1x1x8x1024xf32, #tpu.memory_space<vmem>> -> memref<8x1024xf32, #tpu.memory_space<vmem>>
          %parallel_loop3A_487 = arith.index_cast %parallel_loop3A_482 : i32 to index
          %parallel_loop3A_488 = arith.index_cast %parallel_loop3A_264 : i32 to index
          %parallel_loop3A_489 = tpu.vector_load %parallel_loop3A_486[%parallel_loop3A_487, %parallel_loop3A_488] {strides = array<i32>} : memref<8x1024xf32, #tpu.memory_space<vmem>>, vector<1x16xf32>,
          %parallel_loop3A_490 = vector.shape_cast %parallel_loop3A_489 : vector<1x16xf32> to vector<16xf32>
          %parallel_loop3A_491 = vector.shape_cast %parallel_loop3A_481 : vector<16xf32> to vector<1x16xf32>
          tpu.vector_store %parallel_loop3A_486[%parallel_loop3A_487, %parallel_loop3A_488], %parallel_loop3A_491 {strides = array<i32>} : memref<8x1024xf32, #tpu.memory_space<vmem>>, vector<1x16xf32>,
          %parallel_loop3A_492 = arith.constant 2 : i32
          %parallel_loop3A_493 = arith.constant 0 : i32
          %parallel_loop3A_494 = arith.constant 0 : i32
          %parallel_loop3A_495 = tpu.memref_slice %arg5[%parallel_loop3A_230, %parallel_loop3A_231, %parallel_loop3A_493, %parallel_loop3A_494] : memref<3x4x8x1024xf32, #tpu.memory_space<vmem>> -> memref<1x1x8x1024xf32, #tpu.memory_space<vmem>>
          %parallel_loop3A_496 = tpu.memref_squeeze %parallel_loop3A_495 : memref<1x1x8x1024xf32, #tpu.memory_space<vmem>> -> memref<8x1024xf32, #tpu.memory_space<vmem>>
          %parallel_loop3A_497 = arith.index_cast %parallel_loop3A_492 : i32 to index
          %parallel_loop3A_498 = arith.index_cast %parallel_loop3A_264 : i32 to index
          %parallel_loop3A_499 = tpu.vector_load %parallel_loop3A_496[%parallel_loop3A_497, %parallel_loop3A_498] {strides = array<i32>} : memref<8x1024xf32, #tpu.memory_space<vmem>>, vector<1x16xf32>,
          %parallel_loop3A_500 = vector.shape_cast %parallel_loop3A_499 : vector<1x16xf32> to vector<16xf32>
          %parallel_loop3A_501 = arith.addf %parallel_loop3A_500, %parallel_loop3A_451 : vector<16xf32>
          %parallel_loop3A_502 = arith.constant 2 : i32
          %parallel_loop3A_503 = arith.constant 0 : i32
          %parallel_loop3A_504 = arith.constant 0 : i32
          %parallel_loop3A_505 = tpu.memref_slice %arg5[%parallel_loop3A_230, %parallel_loop3A_231, %parallel_loop3A_503, %parallel_loop3A_504] : memref<3x4x8x1024xf32, #tpu.memory_space<vmem>> -> memref<1x1x8x1024xf32, #tpu.memory_space<vmem>>
          %parallel_loop3A_506 = tpu.memref_squeeze %parallel_loop3A_505 : memref<1x1x8x1024xf32, #tpu.memory_space<vmem>> -> memref<8x1024xf32, #tpu.memory_space<vmem>>
          %parallel_loop3A_507 = arith.index_cast %parallel_loop3A_502 : i32 to index
          %parallel_loop3A_508 = arith.index_cast %parallel_loop3A_264 : i32 to index
          %parallel_loop3A_509 = tpu.vector_load %parallel_loop3A_506[%parallel_loop3A_507, %parallel_loop3A_508] {strides = array<i32>} : memref<8x1024xf32, #tpu.memory_space<vmem>>, vector<1x16xf32>,
          %parallel_loop3A_510 = vector.shape_cast %parallel_loop3A_509 : vector<1x16xf32> to vector<16xf32>
          %parallel_loop3A_511 = vector.shape_cast %parallel_loop3A_501 : vector<16xf32> to vector<1x16xf32>
          tpu.vector_store %parallel_loop3A_506[%parallel_loop3A_507, %parallel_loop3A_508], %parallel_loop3A_511 {strides = array<i32>} : memref<8x1024xf32, #tpu.memory_space<vmem>>, vector<1x16xf32>,
          %parallel_loop3A_512 = arith.constant 2 : i32
          %parallel_loop3A_513 = arith.constant 0 : i32
          %parallel_loop3A_514 = arith.constant 0 : i32
          %parallel_loop3A_515 = tpu.memref_slice %arg5[%parallel_loop3A_232, %parallel_loop3A_233, %parallel_loop3A_513, %parallel_loop3A_514] : memref<3x4x8x1024xf32, #tpu.memory_space<vmem>> -> memref<1x1x8x1024xf32, #tpu.memory_space<vmem>>
          %parallel_loop3A_516 = tpu.memref_squeeze %parallel_loop3A_515 : memref<1x1x8x1024xf32, #tpu.memory_space<vmem>> -> memref<8x1024xf32, #tpu.memory_space<vmem>>
          %parallel_loop3A_517 = arith.index_cast %parallel_loop3A_512 : i32 to index
          %parallel_loop3A_518 = arith.index_cast %parallel_loop3A_264 : i32 to index
          %parallel_loop3A_519 = tpu.vector_load %parallel_loop3A_516[%parallel_loop3A_517, %parallel_loop3A_518] {strides = array<i32>} : memref<8x1024xf32, #tpu.memory_space<vmem>>, vector<1x16xf32>,
          %parallel_loop3A_520 = vector.shape_cast %parallel_loop3A_519 : vector<1x16xf32> to vector<16xf32>
          %parallel_loop3A_521 = arith.addf %parallel_loop3A_520, %parallel_loop3A_451 : vector<16xf32>
          %parallel_loop3A_522 = arith.constant 2 : i32
          %parallel_loop3A_523 = arith.constant 0 : i32
          %parallel_loop3A_524 = arith.constant 0 : i32
          %parallel_loop3A_525 = tpu.memref_slice %arg5[%parallel_loop3A_232, %parallel_loop3A_233, %parallel_loop3A_523, %parallel_loop3A_524] : memref<3x4x8x1024xf32, #tpu.memory_space<vmem>> -> memref<1x1x8x1024xf32, #tpu.memory_space<vmem>>
          %parallel_loop3A_526 = tpu.memref_squeeze %parallel_loop3A_525 : memref<1x1x8x1024xf32, #tpu.memory_space<vmem>> -> memref<8x1024xf32, #tpu.memory_space<vmem>>
          %parallel_loop3A_527 = arith.index_cast %parallel_loop3A_522 : i32 to index
          %parallel_loop3A_528 = arith.index_cast %parallel_loop3A_264 : i32 to index
          %parallel_loop3A_529 = tpu.vector_load %parallel_loop3A_526[%parallel_loop3A_527, %parallel_loop3A_528] {strides = array<i32>} : memref<8x1024xf32, #tpu.memory_space<vmem>>, vector<1x16xf32>,
          %parallel_loop3A_530 = vector.shape_cast %parallel_loop3A_529 : vector<1x16xf32> to vector<16xf32>
          %parallel_loop3A_531 = vector.shape_cast %parallel_loop3A_521 : vector<16xf32> to vector<1x16xf32>
          tpu.vector_store %parallel_loop3A_526[%parallel_loop3A_527, %parallel_loop3A_528], %parallel_loop3A_531 {strides = array<i32>} : memref<8x1024xf32, #tpu.memory_space<vmem>>, vector<1x16xf32>,
          %parallel_loop3A_532 = arith.constant 3 : i32
          %parallel_loop3A_533 = arith.constant 0 : i32
          %parallel_loop3A_534 = arith.constant 0 : i32
          %parallel_loop3A_535 = tpu.memref_slice %arg6[%parallel_loop3A_225, %parallel_loop3A_533, %parallel_loop3A_534] : memref<3x8x1024xf32, #tpu.memory_space<vmem>> -> memref<1x8x1024xf32, #tpu.memory_space<vmem>>
          %parallel_loop3A_536 = tpu.memref_squeeze %parallel_loop3A_535 : memref<1x8x1024xf32, #tpu.memory_space<vmem>> -> memref<8x1024xf32, #tpu.memory_space<vmem>>
          %parallel_loop3A_537 = arith.index_cast %parallel_loop3A_532 : i32 to index
          %parallel_loop3A_538 = arith.index_cast %parallel_loop3A_264 : i32 to index
          %parallel_loop3A_539 = tpu.vector_load %parallel_loop3A_536[%parallel_loop3A_537, %parallel_loop3A_538] {strides = array<i32>} : memref<8x1024xf32, #tpu.memory_space<vmem>>, vector<1x16xf32>,
          %parallel_loop3A_540 = vector.shape_cast %parallel_loop3A_539 : vector<1x16xf32> to vector<16xf32>
          %parallel_loop3A_541 = arith.constant 3 : i32
          %parallel_loop3A_542 = arith.constant 0 : i32
          %parallel_loop3A_543 = arith.constant 0 : i32
          %parallel_loop3A_544 = tpu.memref_slice %arg5[%parallel_loop3A_226, %parallel_loop3A_227, %parallel_loop3A_542, %parallel_loop3A_543] : memref<3x4x8x1024xf32, #tpu.memory_space<vmem>> -> memref<1x1x8x1024xf32, #tpu.memory_space<vmem>>
          %parallel_loop3A_545 = tpu.memref_squeeze %parallel_loop3A_544 : memref<1x1x8x1024xf32, #tpu.memory_space<vmem>> -> memref<8x1024xf32, #tpu.memory_space<vmem>>
          %parallel_loop3A_546 = arith.index_cast %parallel_loop3A_541 : i32 to index
          %parallel_loop3A_547 = arith.index_cast %parallel_loop3A_264 : i32 to index
          %parallel_loop3A_548 = tpu.vector_load %parallel_loop3A_545[%parallel_loop3A_546, %parallel_loop3A_547] {strides = array<i32>} : memref<8x1024xf32, #tpu.memory_space<vmem>>, vector<1x16xf32>,
          %parallel_loop3A_549 = vector.shape_cast %parallel_loop3A_548 : vector<1x16xf32> to vector<16xf32>
          %parallel_loop3A_550 = arith.addf %parallel_loop3A_549, %parallel_loop3A_540 : vector<16xf32>
          %parallel_loop3A_551 = arith.constant 3 : i32
          %parallel_loop3A_552 = arith.constant 0 : i32
          %parallel_loop3A_553 = arith.constant 0 : i32
          %parallel_loop3A_554 = tpu.memref_slice %arg5[%parallel_loop3A_226, %parallel_loop3A_227, %parallel_loop3A_552, %parallel_loop3A_553] : memref<3x4x8x1024xf32, #tpu.memory_space<vmem>> -> memref<1x1x8x1024xf32, #tpu.memory_space<vmem>>
          %parallel_loop3A_555 = tpu.memref_squeeze %parallel_loop3A_554 : memref<1x1x8x1024xf32, #tpu.memory_space<vmem>> -> memref<8x1024xf32, #tpu.memory_space<vmem>>
          %parallel_loop3A_556 = arith.index_cast %parallel_loop3A_551 : i32 to index
          %parallel_loop3A_557 = arith.index_cast %parallel_loop3A_264 : i32 to index
          %parallel_loop3A_558 = tpu.vector_load %parallel_loop3A_555[%parallel_loop3A_556, %parallel_loop3A_557] {strides = array<i32>} : memref<8x1024xf32, #tpu.memory_space<vmem>>, vector<1x16xf32>,
          %parallel_loop3A_559 = vector.shape_cast %parallel_loop3A_558 : vector<1x16xf32> to vector<16xf32>
          %parallel_loop3A_560 = vector.shape_cast %parallel_loop3A_550 : vector<16xf32> to vector<1x16xf32>
          tpu.vector_store %parallel_loop3A_555[%parallel_loop3A_556, %parallel_loop3A_557], %parallel_loop3A_560 {strides = array<i32>} : memref<8x1024xf32, #tpu.memory_space<vmem>>, vector<1x16xf32>,
          %parallel_loop3A_561 = arith.constant 3 : i32
          %parallel_loop3A_562 = arith.constant 0 : i32
          %parallel_loop3A_563 = arith.constant 0 : i32
          %parallel_loop3A_564 = tpu.memref_slice %arg5[%parallel_loop3A_228, %parallel_loop3A_229, %parallel_loop3A_562, %parallel_loop3A_563] : memref<3x4x8x1024xf32, #tpu.memory_space<vmem>> -> memref<1x1x8x1024xf32, #tpu.memory_space<vmem>>
          %parallel_loop3A_565 = tpu.memref_squeeze %parallel_loop3A_564 : memref<1x1x8x1024xf32, #tpu.memory_space<vmem>> -> memref<8x1024xf32, #tpu.memory_space<vmem>>
          %parallel_loop3A_566 = arith.index_cast %parallel_loop3A_561 : i32 to index
          %parallel_loop3A_567 = arith.index_cast %parallel_loop3A_264 : i32 to index
          %parallel_loop3A_568 = tpu.vector_load %parallel_loop3A_565[%parallel_loop3A_566, %parallel_loop3A_567] {strides = array<i32>} : memref<8x1024xf32, #tpu.memory_space<vmem>>, vector<1x16xf32>,
          %parallel_loop3A_569 = vector.shape_cast %parallel_loop3A_568 : vector<1x16xf32> to vector<16xf32>
          %parallel_loop3A_570 = arith.addf %parallel_loop3A_569, %parallel_loop3A_540 : vector<16xf32>
          %parallel_loop3A_571 = arith.constant 3 : i32
          %parallel_loop3A_572 = arith.constant 0 : i32
          %parallel_loop3A_573 = arith.constant 0 : i32
          %parallel_loop3A_574 = tpu.memref_slice %arg5[%parallel_loop3A_228, %parallel_loop3A_229, %parallel_loop3A_572, %parallel_loop3A_573] : memref<3x4x8x1024xf32, #tpu.memory_space<vmem>> -> memref<1x1x8x1024xf32, #tpu.memory_space<vmem>>
          %parallel_loop3A_575 = tpu.memref_squeeze %parallel_loop3A_574 : memref<1x1x8x1024xf32, #tpu.memory_space<vmem>> -> memref<8x1024xf32, #tpu.memory_space<vmem>>
          %parallel_loop3A_576 = arith.index_cast %parallel_loop3A_571 : i32 to index
          %parallel_loop3A_577 = arith.index_cast %parallel_loop3A_264 : i32 to index
          %parallel_loop3A_578 = tpu.vector_load %parallel_loop3A_575[%parallel_loop3A_576, %parallel_loop3A_577] {strides = array<i32>} : memref<8x1024xf32, #tpu.memory_space<vmem>>, vector<1x16xf32>,
          %parallel_loop3A_579 = vector.shape_cast %parallel_loop3A_578 : vector<1x16xf32> to vector<16xf32>
          %parallel_loop3A_580 = vector.shape_cast %parallel_loop3A_570 : vector<16xf32> to vector<1x16xf32>
          tpu.vector_store %parallel_loop3A_575[%parallel_loop3A_576, %parallel_loop3A_577], %parallel_loop3A_580 {strides = array<i32>} : memref<8x1024xf32, #tpu.memory_space<vmem>>, vector<1x16xf32>,
          %parallel_loop3A_581 = arith.constant 3 : i32
          %parallel_loop3A_582 = arith.constant 0 : i32
          %parallel_loop3A_583 = arith.constant 0 : i32
          %parallel_loop3A_584 = tpu.memref_slice %arg5[%parallel_loop3A_230, %parallel_loop3A_231, %parallel_loop3A_582, %parallel_loop3A_583] : memref<3x4x8x1024xf32, #tpu.memory_space<vmem>> -> memref<1x1x8x1024xf32, #tpu.memory_space<vmem>>
          %parallel_loop3A_585 = tpu.memref_squeeze %parallel_loop3A_584 : memref<1x1x8x1024xf32, #tpu.memory_space<vmem>> -> memref<8x1024xf32, #tpu.memory_space<vmem>>
          %parallel_loop3A_586 = arith.index_cast %parallel_loop3A_581 : i32 to index
          %parallel_loop3A_587 = arith.index_cast %parallel_loop3A_264 : i32 to index
          %parallel_loop3A_588 = tpu.vector_load %parallel_loop3A_585[%parallel_loop3A_586, %parallel_loop3A_587] {strides = array<i32>} : memref<8x1024xf32, #tpu.memory_space<vmem>>, vector<1x16xf32>,
          %parallel_loop3A_589 = vector.shape_cast %parallel_loop3A_588 : vector<1x16xf32> to vector<16xf32>
          %parallel_loop3A_590 = arith.addf %parallel_loop3A_589, %parallel_loop3A_540 : vector<16xf32>
          %parallel_loop3A_591 = arith.constant 3 : i32
          %parallel_loop3A_592 = arith.constant 0 : i32
          %parallel_loop3A_593 = arith.constant 0 : i32
          %parallel_loop3A_594 = tpu.memref_slice %arg5[%parallel_loop3A_230, %parallel_loop3A_231, %parallel_loop3A_592, %parallel_loop3A_593] : memref<3x4x8x1024xf32, #tpu.memory_space<vmem>> -> memref<1x1x8x1024xf32, #tpu.memory_space<vmem>>
          %parallel_loop3A_595 = tpu.memref_squeeze %parallel_loop3A_594 : memref<1x1x8x1024xf32, #tpu.memory_space<vmem>> -> memref<8x1024xf32, #tpu.memory_space<vmem>>
          %parallel_loop3A_596 = arith.index_cast %parallel_loop3A_591 : i32 to index
          %parallel_loop3A_597 = arith.index_cast %parallel_loop3A_264 : i32 to index
          %parallel_loop3A_598 = tpu.vector_load %parallel_loop3A_595[%parallel_loop3A_596, %parallel_loop3A_597] {strides = array<i32>} : memref<8x1024xf32, #tpu.memory_space<vmem>>, vector<1x16xf32>,
          %parallel_loop3A_599 = vector.shape_cast %parallel_loop3A_598 : vector<1x16xf32> to vector<16xf32>
          %parallel_loop3A_600 = vector.shape_cast %parallel_loop3A_590 : vector<16xf32> to vector<1x16xf32>
          tpu.vector_store %parallel_loop3A_595[%parallel_loop3A_596, %parallel_loop3A_597], %parallel_loop3A_600 {strides = array<i32>} : memref<8x1024xf32, #tpu.memory_space<vmem>>, vector<1x16xf32>,
          %parallel_loop3A_601 = arith.constant 3 : i32
          %parallel_loop3A_602 = arith.constant 0 : i32
          %parallel_loop3A_603 = arith.constant 0 : i32
          %parallel_loop3A_604 = tpu.memref_slice %arg5[%parallel_loop3A_232, %parallel_loop3A_233, %parallel_loop3A_602, %parallel_loop3A_603] : memref<3x4x8x1024xf32, #tpu.memory_space<vmem>> -> memref<1x1x8x1024xf32, #tpu.memory_space<vmem>>
          %parallel_loop3A_605 = tpu.memref_squeeze %parallel_loop3A_604 : memref<1x1x8x1024xf32, #tpu.memory_space<vmem>> -> memref<8x1024xf32, #tpu.memory_space<vmem>>
          %parallel_loop3A_606 = arith.index_cast %parallel_loop3A_601 : i32 to index
          %parallel_loop3A_607 = arith.index_cast %parallel_loop3A_264 : i32 to index
          %parallel_loop3A_608 = tpu.vector_load %parallel_loop3A_605[%parallel_loop3A_606, %parallel_loop3A_607] {strides = array<i32>} : memref<8x1024xf32, #tpu.memory_space<vmem>>, vector<1x16xf32>,
          %parallel_loop3A_609 = vector.shape_cast %parallel_loop3A_608 : vector<1x16xf32> to vector<16xf32>
          %parallel_loop3A_610 = arith.addf %parallel_loop3A_609, %parallel_loop3A_540 : vector<16xf32>
          %parallel_loop3A_611 = arith.constant 3 : i32
          %parallel_loop3A_612 = arith.constant 0 : i32
          %parallel_loop3A_613 = arith.constant 0 : i32
          %parallel_loop3A_614 = tpu.memref_slice %arg5[%parallel_loop3A_232, %parallel_loop3A_233, %parallel_loop3A_612, %parallel_loop3A_613] : memref<3x4x8x1024xf32, #tpu.memory_space<vmem>> -> memref<1x1x8x1024xf32, #tpu.memory_space<vmem>>
          %parallel_loop3A_615 = tpu.memref_squeeze %parallel_loop3A_614 : memref<1x1x8x1024xf32, #tpu.memory_space<vmem>> -> memref<8x1024xf32, #tpu.memory_space<vmem>>
          %parallel_loop3A_616 = arith.index_cast %parallel_loop3A_611 : i32 to index
          %parallel_loop3A_617 = arith.index_cast %parallel_loop3A_264 : i32 to index
          %parallel_loop3A_618 = tpu.vector_load %parallel_loop3A_615[%parallel_loop3A_616, %parallel_loop3A_617] {strides = array<i32>} : memref<8x1024xf32, #tpu.memory_space<vmem>>, vector<1x16xf32>,
          %parallel_loop3A_619 = vector.shape_cast %parallel_loop3A_618 : vector<1x16xf32> to vector<16xf32>
          %parallel_loop3A_620 = vector.shape_cast %parallel_loop3A_610 : vector<16xf32> to vector<1x16xf32>
          tpu.vector_store %parallel_loop3A_615[%parallel_loop3A_616, %parallel_loop3A_617], %parallel_loop3A_620 {strides = array<i32>} : memref<8x1024xf32, #tpu.memory_space<vmem>>, vector<1x16xf32>,
          %parallel_loop3A_621 = arith.constant 4 : i32
          %parallel_loop3A_622 = arith.constant 0 : i32
          %parallel_loop3A_623 = arith.constant 0 : i32
          %parallel_loop3A_624 = tpu.memref_slice %arg6[%parallel_loop3A_225, %parallel_loop3A_622, %parallel_loop3A_623] : memref<3x8x1024xf32, #tpu.memory_space<vmem>> -> memref<1x8x1024xf32, #tpu.memory_space<vmem>>
          %parallel_loop3A_625 = tpu.memref_squeeze %parallel_loop3A_624 : memref<1x8x1024xf32, #tpu.memory_space<vmem>> -> memref<8x1024xf32, #tpu.memory_space<vmem>>
          %parallel_loop3A_626 = arith.index_cast %parallel_loop3A_621 : i32 to index
          %parallel_loop3A_627 = arith.index_cast %parallel_loop3A_264 : i32 to index
          %parallel_loop3A_628 = tpu.vector_load %parallel_loop3A_625[%parallel_loop3A_626, %parallel_loop3A_627] {strides = array<i32>} : memref<8x1024xf32, #tpu.memory_space<vmem>>, vector<1x16xf32>,
          %parallel_loop3A_629 = vector.shape_cast %parallel_loop3A_628 : vector<1x16xf32> to vector<16xf32>
          %parallel_loop3A_630 = arith.constant 4 : i32
          %parallel_loop3A_631 = arith.constant 0 : i32
          %parallel_loop3A_632 = arith.constant 0 : i32
          %parallel_loop3A_633 = tpu.memref_slice %arg5[%parallel_loop3A_226, %parallel_loop3A_227, %parallel_loop3A_631, %parallel_loop3A_632] : memref<3x4x8x1024xf32, #tpu.memory_space<vmem>> -> memref<1x1x8x1024xf32, #tpu.memory_space<vmem>>
          %parallel_loop3A_634 = tpu.memref_squeeze %parallel_loop3A_633 : memref<1x1x8x1024xf32, #tpu.memory_space<vmem>> -> memref<8x1024xf32, #tpu.memory_space<vmem>>
          %parallel_loop3A_635 = arith.index_cast %parallel_loop3A_630 : i32 to index
          %parallel_loop3A_636 = arith.index_cast %parallel_loop3A_264 : i32 to index
          %parallel_loop3A_637 = tpu.vector_load %parallel_loop3A_634[%parallel_loop3A_635, %parallel_loop3A_636] {strides = array<i32>} : memref<8x1024xf32, #tpu.memory_space<vmem>>, vector<1x16xf32>,
          %parallel_loop3A_638 = vector.shape_cast %parallel_loop3A_637 : vector<1x16xf32> to vector<16xf32>
          %parallel_loop3A_639 = arith.addf %parallel_loop3A_638, %parallel_loop3A_629 : vector<16xf32>
          %parallel_loop3A_640 = arith.constant 4 : i32
          %parallel_loop3A_641 = arith.constant 0 : i32
          %parallel_loop3A_642 = arith.constant 0 : i32
          %parallel_loop3A_643 = tpu.memref_slice %arg5[%parallel_loop3A_226, %parallel_loop3A_227, %parallel_loop3A_641, %parallel_loop3A_642] : memref<3x4x8x1024xf32, #tpu.memory_space<vmem>> -> memref<1x1x8x1024xf32, #tpu.memory_space<vmem>>
          %parallel_loop3A_644 = tpu.memref_squeeze %parallel_loop3A_643 : memref<1x1x8x1024xf32, #tpu.memory_space<vmem>> -> memref<8x1024xf32, #tpu.memory_space<vmem>>
          %parallel_loop3A_645 = arith.index_cast %parallel_loop3A_640 : i32 to index
          %parallel_loop3A_646 = arith.index_cast %parallel_loop3A_264 : i32 to index
          %parallel_loop3A_647 = tpu.vector_load %parallel_loop3A_644[%parallel_loop3A_645, %parallel_loop3A_646] {strides = array<i32>} : memref<8x1024xf32, #tpu.memory_space<vmem>>, vector<1x16xf32>,
          %parallel_loop3A_648 = vector.shape_cast %parallel_loop3A_647 : vector<1x16xf32> to vector<16xf32>
          %parallel_loop3A_649 = vector.shape_cast %parallel_loop3A_639 : vector<16xf32> to vector<1x16xf32>
          tpu.vector_store %parallel_loop3A_644[%parallel_loop3A_645, %parallel_loop3A_646], %parallel_loop3A_649 {strides = array<i32>} : memref<8x1024xf32, #tpu.memory_space<vmem>>, vector<1x16xf32>,
          %parallel_loop3A_650 = arith.constant 4 : i32
          %parallel_loop3A_651 = arith.constant 0 : i32
          %parallel_loop3A_652 = arith.constant 0 : i32
          %parallel_loop3A_653 = tpu.memref_slice %arg5[%parallel_loop3A_228, %parallel_loop3A_229, %parallel_loop3A_651, %parallel_loop3A_652] : memref<3x4x8x1024xf32, #tpu.memory_space<vmem>> -> memref<1x1x8x1024xf32, #tpu.memory_space<vmem>>
          %parallel_loop3A_654 = tpu.memref_squeeze %parallel_loop3A_653 : memref<1x1x8x1024xf32, #tpu.memory_space<vmem>> -> memref<8x1024xf32, #tpu.memory_space<vmem>>
          %parallel_loop3A_655 = arith.index_cast %parallel_loop3A_650 : i32 to index
          %parallel_loop3A_656 = arith.index_cast %parallel_loop3A_264 : i32 to index
          %parallel_loop3A_657 = tpu.vector_load %parallel_loop3A_654[%parallel_loop3A_655, %parallel_loop3A_656] {strides = array<i32>} : memref<8x1024xf32, #tpu.memory_space<vmem>>, vector<1x16xf32>,
          %parallel_loop3A_658 = vector.shape_cast %parallel_loop3A_657 : vector<1x16xf32> to vector<16xf32>
          %parallel_loop3A_659 = arith.addf %parallel_loop3A_658, %parallel_loop3A_629 : vector<16xf32>
          %parallel_loop3A_660 = arith.constant 4 : i32
          %parallel_loop3A_661 = arith.constant 0 : i32
          %parallel_loop3A_662 = arith.constant 0 : i32
          %parallel_loop3A_663 = tpu.memref_slice %arg5[%parallel_loop3A_228, %parallel_loop3A_229, %parallel_loop3A_661, %parallel_loop3A_662] : memref<3x4x8x1024xf32, #tpu.memory_space<vmem>> -> memref<1x1x8x1024xf32, #tpu.memory_space<vmem>>
          %parallel_loop3A_664 = tpu.memref_squeeze %parallel_loop3A_663 : memref<1x1x8x1024xf32, #tpu.memory_space<vmem>> -> memref<8x1024xf32, #tpu.memory_space<vmem>>
          %parallel_loop3A_665 = arith.index_cast %parallel_loop3A_660 : i32 to index
          %parallel_loop3A_666 = arith.index_cast %parallel_loop3A_264 : i32 to index
          %parallel_loop3A_667 = tpu.vector_load %parallel_loop3A_664[%parallel_loop3A_665, %parallel_loop3A_666] {strides = array<i32>} : memref<8x1024xf32, #tpu.memory_space<vmem>>, vector<1x16xf32>,
          %parallel_loop3A_668 = vector.shape_cast %parallel_loop3A_667 : vector<1x16xf32> to vector<16xf32>
          %parallel_loop3A_669 = vector.shape_cast %parallel_loop3A_659 : vector<16xf32> to vector<1x16xf32>
          tpu.vector_store %parallel_loop3A_664[%parallel_loop3A_665, %parallel_loop3A_666], %parallel_loop3A_669 {strides = array<i32>} : memref<8x1024xf32, #tpu.memory_space<vmem>>, vector<1x16xf32>,
          %parallel_loop3A_670 = arith.constant 4 : i32
          %parallel_loop3A_671 = arith.constant 0 : i32
          %parallel_loop3A_672 = arith.constant 0 : i32
          %parallel_loop3A_673 = tpu.memref_slice %arg5[%parallel_loop3A_230, %parallel_loop3A_231, %parallel_loop3A_671, %parallel_loop3A_672] : memref<3x4x8x1024xf32, #tpu.memory_space<vmem>> -> memref<1x1x8x1024xf32, #tpu.memory_space<vmem>>
          %parallel_loop3A_674 = tpu.memref_squeeze %parallel_loop3A_673 : memref<1x1x8x1024xf32, #tpu.memory_space<vmem>> -> memref<8x1024xf32, #tpu.memory_space<vmem>>
          %parallel_loop3A_675 = arith.index_cast %parallel_loop3A_670 : i32 to index
          %parallel_loop3A_676 = arith.index_cast %parallel_loop3A_264 : i32 to index
          %parallel_loop3A_677 = tpu.vector_load %parallel_loop3A_674[%parallel_loop3A_675, %parallel_loop3A_676] {strides = array<i32>} : memref<8x1024xf32, #tpu.memory_space<vmem>>, vector<1x16xf32>,
          %parallel_loop3A_678 = vector.shape_cast %parallel_loop3A_677 : vector<1x16xf32> to vector<16xf32>
          %parallel_loop3A_679 = arith.addf %parallel_loop3A_678, %parallel_loop3A_629 : vector<16xf32>
          %parallel_loop3A_680 = arith.constant 4 : i32
          %parallel_loop3A_681 = arith.constant 0 : i32
          %parallel_loop3A_682 = arith.constant 0 : i32
          %parallel_loop3A_683 = tpu.memref_slice %arg5[%parallel_loop3A_230, %parallel_loop3A_231, %parallel_loop3A_681, %parallel_loop3A_682] : memref<3x4x8x1024xf32, #tpu.memory_space<vmem>> -> memref<1x1x8x1024xf32, #tpu.memory_space<vmem>>
          %parallel_loop3A_684 = tpu.memref_squeeze %parallel_loop3A_683 : memref<1x1x8x1024xf32, #tpu.memory_space<vmem>> -> memref<8x1024xf32, #tpu.memory_space<vmem>>
          %parallel_loop3A_685 = arith.index_cast %parallel_loop3A_680 : i32 to index
          %parallel_loop3A_686 = arith.index_cast %parallel_loop3A_264 : i32 to index
          %parallel_loop3A_687 = tpu.vector_load %parallel_loop3A_684[%parallel_loop3A_685, %parallel_loop3A_686] {strides = array<i32>} : memref<8x1024xf32, #tpu.memory_space<vmem>>, vector<1x16xf32>,
          %parallel_loop3A_688 = vector.shape_cast %parallel_loop3A_687 : vector<1x16xf32> to vector<16xf32>
          %parallel_loop3A_689 = vector.shape_cast %parallel_loop3A_679 : vector<16xf32> to vector<1x16xf32>
          tpu.vector_store %parallel_loop3A_684[%parallel_loop3A_685, %parallel_loop3A_686], %parallel_loop3A_689 {strides = array<i32>} : memref<8x1024xf32, #tpu.memory_space<vmem>>, vector<1x16xf32>,
          %parallel_loop3A_690 = arith.constant 4 : i32
          %parallel_loop3A_691 = arith.constant 0 : i32
          %parallel_loop3A_692 = arith.constant 0 : i32
          %parallel_loop3A_693 = tpu.memref_slice %arg5[%parallel_loop3A_232, %parallel_loop3A_233, %parallel_loop3A_691, %parallel_loop3A_692] : memref<3x4x8x1024xf32, #tpu.memory_space<vmem>> -> memref<1x1x8x1024xf32, #tpu.memory_space<vmem>>
          %parallel_loop3A_694 = tpu.memref_squeeze %parallel_loop3A_693 : memref<1x1x8x1024xf32, #tpu.memory_space<vmem>> -> memref<8x1024xf32, #tpu.memory_space<vmem>>
          %parallel_loop3A_695 = arith.index_cast %parallel_loop3A_690 : i32 to index
          %parallel_loop3A_696 = arith.index_cast %parallel_loop3A_264 : i32 to index
          %parallel_loop3A_697 = tpu.vector_load %parallel_loop3A_694[%parallel_loop3A_695, %parallel_loop3A_696] {strides = array<i32>} : memref<8x1024xf32, #tpu.memory_space<vmem>>, vector<1x16xf32>,
          %parallel_loop3A_698 = vector.shape_cast %parallel_loop3A_697 : vector<1x16xf32> to vector<16xf32>
          %parallel_loop3A_699 = arith.addf %parallel_loop3A_698, %parallel_loop3A_629 : vector<16xf32>
          %parallel_loop3A_700 = arith.constant 4 : i32
          %parallel_loop3A_701 = arith.constant 0 : i32
          %parallel_loop3A_702 = arith.constant 0 : i32
          %parallel_loop3A_703 = tpu.memref_slice %arg5[%parallel_loop3A_232, %parallel_loop3A_233, %parallel_loop3A_701, %parallel_loop3A_702] : memref<3x4x8x1024xf32, #tpu.memory_space<vmem>> -> memref<1x1x8x1024xf32, #tpu.memory_space<vmem>>
          %parallel_loop3A_704 = tpu.memref_squeeze %parallel_loop3A_703 : memref<1x1x8x1024xf32, #tpu.memory_space<vmem>> -> memref<8x1024xf32, #tpu.memory_space<vmem>>
          %parallel_loop3A_705 = arith.index_cast %parallel_loop3A_700 : i32 to index
          %parallel_loop3A_706 = arith.index_cast %parallel_loop3A_264 : i32 to index
          %parallel_loop3A_707 = tpu.vector_load %parallel_loop3A_704[%parallel_loop3A_705, %parallel_loop3A_706] {strides = array<i32>} : memref<8x1024xf32, #tpu.memory_space<vmem>>, vector<1x16xf32>,
          %parallel_loop3A_708 = vector.shape_cast %parallel_loop3A_707 : vector<1x16xf32> to vector<16xf32>
          %parallel_loop3A_709 = vector.shape_cast %parallel_loop3A_699 : vector<16xf32> to vector<1x16xf32>
          tpu.vector_store %parallel_loop3A_704[%parallel_loop3A_705, %parallel_loop3A_706], %parallel_loop3A_709 {strides = array<i32>} : memref<8x1024xf32, #tpu.memory_space<vmem>>, vector<1x16xf32>,
          %parallel_loop3A_710 = arith.constant 5 : i32
          %parallel_loop3A_711 = arith.constant 0 : i32
          %parallel_loop3A_712 = arith.constant 0 : i32
          %parallel_loop3A_713 = tpu.memref_slice %arg6[%parallel_loop3A_225, %parallel_loop3A_711, %parallel_loop3A_712] : memref<3x8x1024xf32, #tpu.memory_space<vmem>> -> memref<1x8x1024xf32, #tpu.memory_space<vmem>>
          %parallel_loop3A_714 = tpu.memref_squeeze %parallel_loop3A_713 : memref<1x8x1024xf32, #tpu.memory_space<vmem>> -> memref<8x1024xf32, #tpu.memory_space<vmem>>
          %parallel_loop3A_715 = arith.index_cast %parallel_loop3A_710 : i32 to index
          %parallel_loop3A_716 = arith.index_cast %parallel_loop3A_264 : i32 to index
          %parallel_loop3A_717 = tpu.vector_load %parallel_loop3A_714[%parallel_loop3A_715, %parallel_loop3A_716] {strides = array<i32>} : memref<8x1024xf32, #tpu.memory_space<vmem>>, vector<1x16xf32>,
          %parallel_loop3A_718 = vector.shape_cast %parallel_loop3A_717 : vector<1x16xf32> to vector<16xf32>
          %parallel_loop3A_719 = arith.constant 5 : i32
          %parallel_loop3A_720 = arith.constant 0 : i32
          %parallel_loop3A_721 = arith.constant 0 : i32
          %parallel_loop3A_722 = tpu.memref_slice %arg5[%parallel_loop3A_226, %parallel_loop3A_227, %parallel_loop3A_720, %parallel_loop3A_721] : memref<3x4x8x1024xf32, #tpu.memory_space<vmem>> -> memref<1x1x8x1024xf32, #tpu.memory_space<vmem>>
          %parallel_loop3A_723 = tpu.memref_squeeze %parallel_loop3A_722 : memref<1x1x8x1024xf32, #tpu.memory_space<vmem>> -> memref<8x1024xf32, #tpu.memory_space<vmem>>
          %parallel_loop3A_724 = arith.index_cast %parallel_loop3A_719 : i32 to index
          %parallel_loop3A_725 = arith.index_cast %parallel_loop3A_264 : i32 to index
          %parallel_loop3A_726 = tpu.vector_load %parallel_loop3A_723[%parallel_loop3A_724, %parallel_loop3A_725] {strides = array<i32>} : memref<8x1024xf32, #tpu.memory_space<vmem>>, vector<1x16xf32>,
          %parallel_loop3A_727 = vector.shape_cast %parallel_loop3A_726 : vector<1x16xf32> to vector<16xf32>
          %parallel_loop3A_728 = arith.addf %parallel_loop3A_727, %parallel_loop3A_718 : vector<16xf32>
          %parallel_loop3A_729 = arith.constant 5 : i32
          %parallel_loop3A_730 = arith.constant 0 : i32
          %parallel_loop3A_731 = arith.constant 0 : i32
          %parallel_loop3A_732 = tpu.memref_slice %arg5[%parallel_loop3A_226, %parallel_loop3A_227, %parallel_loop3A_730, %parallel_loop3A_731] : memref<3x4x8x1024xf32, #tpu.memory_space<vmem>> -> memref<1x1x8x1024xf32, #tpu.memory_space<vmem>>
          %parallel_loop3A_733 = tpu.memref_squeeze %parallel_loop3A_732 : memref<1x1x8x1024xf32, #tpu.memory_space<vmem>> -> memref<8x1024xf32, #tpu.memory_space<vmem>>
          %parallel_loop3A_734 = arith.index_cast %parallel_loop3A_729 : i32 to index
          %parallel_loop3A_735 = arith.index_cast %parallel_loop3A_264 : i32 to index
          %parallel_loop3A_736 = tpu.vector_load %parallel_loop3A_733[%parallel_loop3A_734, %parallel_loop3A_735] {strides = array<i32>} : memref<8x1024xf32, #tpu.memory_space<vmem>>, vector<1x16xf32>,
          %parallel_loop3A_737 = vector.shape_cast %parallel_loop3A_736 : vector<1x16xf32> to vector<16xf32>
          %parallel_loop3A_738 = vector.shape_cast %parallel_loop3A_728 : vector<16xf32> to vector<1x16xf32>
          tpu.vector_store %parallel_loop3A_733[%parallel_loop3A_734, %parallel_loop3A_735], %parallel_loop3A_738 {strides = array<i32>} : memref<8x1024xf32, #tpu.memory_space<vmem>>, vector<1x16xf32>,
          %parallel_loop3A_739 = arith.constant 5 : i32
          %parallel_loop3A_740 = arith.constant 0 : i32
          %parallel_loop3A_741 = arith.constant 0 : i32
          %parallel_loop3A_742 = tpu.memref_slice %arg5[%parallel_loop3A_228, %parallel_loop3A_229, %parallel_loop3A_740, %parallel_loop3A_741] : memref<3x4x8x1024xf32, #tpu.memory_space<vmem>> -> memref<1x1x8x1024xf32, #tpu.memory_space<vmem>>
          %parallel_loop3A_743 = tpu.memref_squeeze %parallel_loop3A_742 : memref<1x1x8x1024xf32, #tpu.memory_space<vmem>> -> memref<8x1024xf32, #tpu.memory_space<vmem>>
          %parallel_loop3A_744 = arith.index_cast %parallel_loop3A_739 : i32 to index
          %parallel_loop3A_745 = arith.index_cast %parallel_loop3A_264 : i32 to index
          %parallel_loop3A_746 = tpu.vector_load %parallel_loop3A_743[%parallel_loop3A_744, %parallel_loop3A_745] {strides = array<i32>} : memref<8x1024xf32, #tpu.memory_space<vmem>>, vector<1x16xf32>,
          %parallel_loop3A_747 = vector.shape_cast %parallel_loop3A_746 : vector<1x16xf32> to vector<16xf32>
          %parallel_loop3A_748 = arith.addf %parallel_loop3A_747, %parallel_loop3A_718 : vector<16xf32>
          %parallel_loop3A_749 = arith.constant 5 : i32
          %parallel_loop3A_750 = arith.constant 0 : i32
          %parallel_loop3A_751 = arith.constant 0 : i32
          %parallel_loop3A_752 = tpu.memref_slice %arg5[%parallel_loop3A_228, %parallel_loop3A_229, %parallel_loop3A_750, %parallel_loop3A_751] : memref<3x4x8x1024xf32, #tpu.memory_space<vmem>> -> memref<1x1x8x1024xf32, #tpu.memory_space<vmem>>
          %parallel_loop3A_753 = tpu.memref_squeeze %parallel_loop3A_752 : memref<1x1x8x1024xf32, #tpu.memory_space<vmem>> -> memref<8x1024xf32, #tpu.memory_space<vmem>>
          %parallel_loop3A_754 = arith.index_cast %parallel_loop3A_749 : i32 to index
          %parallel_loop3A_755 = arith.index_cast %parallel_loop3A_264 : i32 to index
          %parallel_loop3A_756 = tpu.vector_load %parallel_loop3A_753[%parallel_loop3A_754, %parallel_loop3A_755] {strides = array<i32>} : memref<8x1024xf32, #tpu.memory_space<vmem>>, vector<1x16xf32>,
          %parallel_loop3A_757 = vector.shape_cast %parallel_loop3A_756 : vector<1x16xf32> to vector<16xf32>
          %parallel_loop3A_758 = vector.shape_cast %parallel_loop3A_748 : vector<16xf32> to vector<1x16xf32>
          tpu.vector_store %parallel_loop3A_753[%parallel_loop3A_754, %parallel_loop3A_755], %parallel_loop3A_758 {strides = array<i32>} : memref<8x1024xf32, #tpu.memory_space<vmem>>, vector<1x16xf32>,
          %parallel_loop3A_759 = arith.constant 5 : i32
          %parallel_loop3A_760 = arith.constant 0 : i32
          %parallel_loop3A_761 = arith.constant 0 : i32
          %parallel_loop3A_762 = tpu.memref_slice %arg5[%parallel_loop3A_230, %parallel_loop3A_231, %parallel_loop3A_760, %parallel_loop3A_761] : memref<3x4x8x1024xf32, #tpu.memory_space<vmem>> -> memref<1x1x8x1024xf32, #tpu.memory_space<vmem>>
          %parallel_loop3A_763 = tpu.memref_squeeze %parallel_loop3A_762 : memref<1x1x8x1024xf32, #tpu.memory_space<vmem>> -> memref<8x1024xf32, #tpu.memory_space<vmem>>
          %parallel_loop3A_764 = arith.index_cast %parallel_loop3A_759 : i32 to index
          %parallel_loop3A_765 = arith.index_cast %parallel_loop3A_264 : i32 to index
          %parallel_loop3A_766 = tpu.vector_load %parallel_loop3A_763[%parallel_loop3A_764, %parallel_loop3A_765] {strides = array<i32>} : memref<8x1024xf32, #tpu.memory_space<vmem>>, vector<1x16xf32>,
          %parallel_loop3A_767 = vector.shape_cast %parallel_loop3A_766 : vector<1x16xf32> to vector<16xf32>
          %parallel_loop3A_768 = arith.addf %parallel_loop3A_767, %parallel_loop3A_718 : vector<16xf32>
          %parallel_loop3A_769 = arith.constant 5 : i32
          %parallel_loop3A_770 = arith.constant 0 : i32
          %parallel_loop3A_771 = arith.constant 0 : i32
          %parallel_loop3A_772 = tpu.memref_slice %arg5[%parallel_loop3A_230, %parallel_loop3A_231, %parallel_loop3A_770, %parallel_loop3A_771] : memref<3x4x8x1024xf32, #tpu.memory_space<vmem>> -> memref<1x1x8x1024xf32, #tpu.memory_space<vmem>>
          %parallel_loop3A_773 = tpu.memref_squeeze %parallel_loop3A_772 : memref<1x1x8x1024xf32, #tpu.memory_space<vmem>> -> memref<8x1024xf32, #tpu.memory_space<vmem>>
          %parallel_loop3A_774 = arith.index_cast %parallel_loop3A_769 : i32 to index
          %parallel_loop3A_775 = arith.index_cast %parallel_loop3A_264 : i32 to index
          %parallel_loop3A_776 = tpu.vector_load %parallel_loop3A_773[%parallel_loop3A_774, %parallel_loop3A_775] {strides = array<i32>} : memref<8x1024xf32, #tpu.memory_space<vmem>>, vector<1x16xf32>,
          %parallel_loop3A_777 = vector.shape_cast %parallel_loop3A_776 : vector<1x16xf32> to vector<16xf32>
          %parallel_loop3A_778 = vector.shape_cast %parallel_loop3A_768 : vector<16xf32> to vector<1x16xf32>
          tpu.vector_store %parallel_loop3A_773[%parallel_loop3A_774, %parallel_loop3A_775], %parallel_loop3A_778 {strides = array<i32>} : memref<8x1024xf32, #tpu.memory_space<vmem>>, vector<1x16xf32>,
          %parallel_loop3A_779 = arith.constant 5 : i32
          %parallel_loop3A_780 = arith.constant 0 : i32
          %parallel_loop3A_781 = arith.constant 0 : i32
          %parallel_loop3A_782 = tpu.memref_slice %arg5[%parallel_loop3A_232, %parallel_loop3A_233, %parallel_loop3A_780, %parallel_loop3A_781] : memref<3x4x8x1024xf32, #tpu.memory_space<vmem>> -> memref<1x1x8x1024xf32, #tpu.memory_space<vmem>>
          %parallel_loop3A_783 = tpu.memref_squeeze %parallel_loop3A_782 : memref<1x1x8x1024xf32, #tpu.memory_space<vmem>> -> memref<8x1024xf32, #tpu.memory_space<vmem>>
          %parallel_loop3A_784 = arith.index_cast %parallel_loop3A_779 : i32 to index
          %parallel_loop3A_785 = arith.index_cast %parallel_loop3A_264 : i32 to index
          %parallel_loop3A_786 = tpu.vector_load %parallel_loop3A_783[%parallel_loop3A_784, %parallel_loop3A_785] {strides = array<i32>} : memref<8x1024xf32, #tpu.memory_space<vmem>>, vector<1x16xf32>,
          %parallel_loop3A_787 = vector.shape_cast %parallel_loop3A_786 : vector<1x16xf32> to vector<16xf32>
          %parallel_loop3A_788 = arith.addf %parallel_loop3A_787, %parallel_loop3A_718 : vector<16xf32>
          %parallel_loop3A_789 = arith.constant 5 : i32
          %parallel_loop3A_790 = arith.constant 0 : i32
          %parallel_loop3A_791 = arith.constant 0 : i32
          %parallel_loop3A_792 = tpu.memref_slice %arg5[%parallel_loop3A_232, %parallel_loop3A_233, %parallel_loop3A_790, %parallel_loop3A_791] : memref<3x4x8x1024xf32, #tpu.memory_space<vmem>> -> memref<1x1x8x1024xf32, #tpu.memory_space<vmem>>
          %parallel_loop3A_793 = tpu.memref_squeeze %parallel_loop3A_792 : memref<1x1x8x1024xf32, #tpu.memory_space<vmem>> -> memref<8x1024xf32, #tpu.memory_space<vmem>>
          %parallel_loop3A_794 = arith.index_cast %parallel_loop3A_789 : i32 to index
          %parallel_loop3A_795 = arith.index_cast %parallel_loop3A_264 : i32 to index
          %parallel_loop3A_796 = tpu.vector_load %parallel_loop3A_793[%parallel_loop3A_794, %parallel_loop3A_795] {strides = array<i32>} : memref<8x1024xf32, #tpu.memory_space<vmem>>, vector<1x16xf32>,
          %parallel_loop3A_797 = vector.shape_cast %parallel_loop3A_796 : vector<1x16xf32> to vector<16xf32>
          %parallel_loop3A_798 = vector.shape_cast %parallel_loop3A_788 : vector<16xf32> to vector<1x16xf32>
          tpu.vector_store %parallel_loop3A_793[%parallel_loop3A_794, %parallel_loop3A_795], %parallel_loop3A_798 {strides = array<i32>} : memref<8x1024xf32, #tpu.memory_space<vmem>>, vector<1x16xf32>,
          %parallel_loop3A_799 = arith.constant 6 : i32
          %parallel_loop3A_800 = arith.constant 0 : i32
          %parallel_loop3A_801 = arith.constant 0 : i32
          %parallel_loop3A_802 = tpu.memref_slice %arg6[%parallel_loop3A_225, %parallel_loop3A_800, %parallel_loop3A_801] : memref<3x8x1024xf32, #tpu.memory_space<vmem>> -> memref<1x8x1024xf32, #tpu.memory_space<vmem>>
          %parallel_loop3A_803 = tpu.memref_squeeze %parallel_loop3A_802 : memref<1x8x1024xf32, #tpu.memory_space<vmem>> -> memref<8x1024xf32, #tpu.memory_space<vmem>>
          %parallel_loop3A_804 = arith.index_cast %parallel_loop3A_799 : i32 to index
          %parallel_loop3A_805 = arith.index_cast %parallel_loop3A_264 : i32 to index
          %parallel_loop3A_806 = tpu.vector_load %parallel_loop3A_803[%parallel_loop3A_804, %parallel_loop3A_805] {strides = array<i32>} : memref<8x1024xf32, #tpu.memory_space<vmem>>, vector<1x16xf32>,
          %parallel_loop3A_807 = vector.shape_cast %parallel_loop3A_806 : vector<1x16xf32> to vector<16xf32>
          %parallel_loop3A_808 = arith.constant 6 : i32
          %parallel_loop3A_809 = arith.constant 0 : i32
          %parallel_loop3A_810 = arith.constant 0 : i32
          %parallel_loop3A_811 = tpu.memref_slice %arg5[%parallel_loop3A_226, %parallel_loop3A_227, %parallel_loop3A_809, %parallel_loop3A_810] : memref<3x4x8x1024xf32, #tpu.memory_space<vmem>> -> memref<1x1x8x1024xf32, #tpu.memory_space<vmem>>
          %parallel_loop3A_812 = tpu.memref_squeeze %parallel_loop3A_811 : memref<1x1x8x1024xf32, #tpu.memory_space<vmem>> -> memref<8x1024xf32, #tpu.memory_space<vmem>>
          %parallel_loop3A_813 = arith.index_cast %parallel_loop3A_808 : i32 to index
          %parallel_loop3A_814 = arith.index_cast %parallel_loop3A_264 : i32 to index
          %parallel_loop3A_815 = tpu.vector_load %parallel_loop3A_812[%parallel_loop3A_813, %parallel_loop3A_814] {strides = array<i32>} : memref<8x1024xf32, #tpu.memory_space<vmem>>, vector<1x16xf32>,
          %parallel_loop3A_816 = vector.shape_cast %parallel_loop3A_815 : vector<1x16xf32> to vector<16xf32>
          %parallel_loop3A_817 = arith.addf %parallel_loop3A_816, %parallel_loop3A_807 : vector<16xf32>
          %parallel_loop3A_818 = arith.constant 6 : i32
          %parallel_loop3A_819 = arith.constant 0 : i32
          %parallel_loop3A_820 = arith.constant 0 : i32
          %parallel_loop3A_821 = tpu.memref_slice %arg5[%parallel_loop3A_226, %parallel_loop3A_227, %parallel_loop3A_819, %parallel_loop3A_820] : memref<3x4x8x1024xf32, #tpu.memory_space<vmem>> -> memref<1x1x8x1024xf32, #tpu.memory_space<vmem>>
          %parallel_loop3A_822 = tpu.memref_squeeze %parallel_loop3A_821 : memref<1x1x8x1024xf32, #tpu.memory_space<vmem>> -> memref<8x1024xf32, #tpu.memory_space<vmem>>
          %parallel_loop3A_823 = arith.index_cast %parallel_loop3A_818 : i32 to index
          %parallel_loop3A_824 = arith.index_cast %parallel_loop3A_264 : i32 to index
          %parallel_loop3A_825 = tpu.vector_load %parallel_loop3A_822[%parallel_loop3A_823, %parallel_loop3A_824] {strides = array<i32>} : memref<8x1024xf32, #tpu.memory_space<vmem>>, vector<1x16xf32>,
          %parallel_loop3A_826 = vector.shape_cast %parallel_loop3A_825 : vector<1x16xf32> to vector<16xf32>
          %parallel_loop3A_827 = vector.shape_cast %parallel_loop3A_817 : vector<16xf32> to vector<1x16xf32>
          tpu.vector_store %parallel_loop3A_822[%parallel_loop3A_823, %parallel_loop3A_824], %parallel_loop3A_827 {strides = array<i32>} : memref<8x1024xf32, #tpu.memory_space<vmem>>, vector<1x16xf32>,
          %parallel_loop3A_828 = arith.constant 6 : i32
          %parallel_loop3A_829 = arith.constant 0 : i32
          %parallel_loop3A_830 = arith.constant 0 : i32
          %parallel_loop3A_831 = tpu.memref_slice %arg5[%parallel_loop3A_228, %parallel_loop3A_229, %parallel_loop3A_829, %parallel_loop3A_830] : memref<3x4x8x1024xf32, #tpu.memory_space<vmem>> -> memref<1x1x8x1024xf32, #tpu.memory_space<vmem>>
          %parallel_loop3A_832 = tpu.memref_squeeze %parallel_loop3A_831 : memref<1x1x8x1024xf32, #tpu.memory_space<vmem>> -> memref<8x1024xf32, #tpu.memory_space<vmem>>
          %parallel_loop3A_833 = arith.index_cast %parallel_loop3A_828 : i32 to index
          %parallel_loop3A_834 = arith.index_cast %parallel_loop3A_264 : i32 to index
          %parallel_loop3A_835 = tpu.vector_load %parallel_loop3A_832[%parallel_loop3A_833, %parallel_loop3A_834] {strides = array<i32>} : memref<8x1024xf32, #tpu.memory_space<vmem>>, vector<1x16xf32>,
          %parallel_loop3A_836 = vector.shape_cast %parallel_loop3A_835 : vector<1x16xf32> to vector<16xf32>
          %parallel_loop3A_837 = arith.addf %parallel_loop3A_836, %parallel_loop3A_807 : vector<16xf32>
          %parallel_loop3A_838 = arith.constant 6 : i32
          %parallel_loop3A_839 = arith.constant 0 : i32
          %parallel_loop3A_840 = arith.constant 0 : i32
          %parallel_loop3A_841 = tpu.memref_slice %arg5[%parallel_loop3A_228, %parallel_loop3A_229, %parallel_loop3A_839, %parallel_loop3A_840] : memref<3x4x8x1024xf32, #tpu.memory_space<vmem>> -> memref<1x1x8x1024xf32, #tpu.memory_space<vmem>>
          %parallel_loop3A_842 = tpu.memref_squeeze %parallel_loop3A_841 : memref<1x1x8x1024xf32, #tpu.memory_space<vmem>> -> memref<8x1024xf32, #tpu.memory_space<vmem>>
          %parallel_loop3A_843 = arith.index_cast %parallel_loop3A_838 : i32 to index
          %parallel_loop3A_844 = arith.index_cast %parallel_loop3A_264 : i32 to index
          %parallel_loop3A_845 = tpu.vector_load %parallel_loop3A_842[%parallel_loop3A_843, %parallel_loop3A_844] {strides = array<i32>} : memref<8x1024xf32, #tpu.memory_space<vmem>>, vector<1x16xf32>,
          %parallel_loop3A_846 = vector.shape_cast %parallel_loop3A_845 : vector<1x16xf32> to vector<16xf32>
          %parallel_loop3A_847 = vector.shape_cast %parallel_loop3A_837 : vector<16xf32> to vector<1x16xf32>
          tpu.vector_store %parallel_loop3A_842[%parallel_loop3A_843, %parallel_loop3A_844], %parallel_loop3A_847 {strides = array<i32>} : memref<8x1024xf32, #tpu.memory_space<vmem>>, vector<1x16xf32>,
          %parallel_loop3A_848 = arith.constant 6 : i32
          %parallel_loop3A_849 = arith.constant 0 : i32
          %parallel_loop3A_850 = arith.constant 0 : i32
          %parallel_loop3A_851 = tpu.memref_slice %arg5[%parallel_loop3A_230, %parallel_loop3A_231, %parallel_loop3A_849, %parallel_loop3A_850] : memref<3x4x8x1024xf32, #tpu.memory_space<vmem>> -> memref<1x1x8x1024xf32, #tpu.memory_space<vmem>>
          %parallel_loop3A_852 = tpu.memref_squeeze %parallel_loop3A_851 : memref<1x1x8x1024xf32, #tpu.memory_space<vmem>> -> memref<8x1024xf32, #tpu.memory_space<vmem>>
          %parallel_loop3A_853 = arith.index_cast %parallel_loop3A_848 : i32 to index
          %parallel_loop3A_854 = arith.index_cast %parallel_loop3A_264 : i32 to index
          %parallel_loop3A_855 = tpu.vector_load %parallel_loop3A_852[%parallel_loop3A_853, %parallel_loop3A_854] {strides = array<i32>} : memref<8x1024xf32, #tpu.memory_space<vmem>>, vector<1x16xf32>,
          %parallel_loop3A_856 = vector.shape_cast %parallel_loop3A_855 : vector<1x16xf32> to vector<16xf32>
          %parallel_loop3A_857 = arith.addf %parallel_loop3A_856, %parallel_loop3A_807 : vector<16xf32>
          %parallel_loop3A_858 = arith.constant 6 : i32
          %parallel_loop3A_859 = arith.constant 0 : i32
          %parallel_loop3A_860 = arith.constant 0 : i32
          %parallel_loop3A_861 = tpu.memref_slice %arg5[%parallel_loop3A_230, %parallel_loop3A_231, %parallel_loop3A_859, %parallel_loop3A_860] : memref<3x4x8x1024xf32, #tpu.memory_space<vmem>> -> memref<1x1x8x1024xf32, #tpu.memory_space<vmem>>
          %parallel_loop3A_862 = tpu.memref_squeeze %parallel_loop3A_861 : memref<1x1x8x1024xf32, #tpu.memory_space<vmem>> -> memref<8x1024xf32, #tpu.memory_space<vmem>>
          %parallel_loop3A_863 = arith.index_cast %parallel_loop3A_858 : i32 to index
          %parallel_loop3A_864 = arith.index_cast %parallel_loop3A_264 : i32 to index
          %parallel_loop3A_865 = tpu.vector_load %parallel_loop3A_862[%parallel_loop3A_863, %parallel_loop3A_864] {strides = array<i32>} : memref<8x1024xf32, #tpu.memory_space<vmem>>, vector<1x16xf32>,
          %parallel_loop3A_866 = vector.shape_cast %parallel_loop3A_865 : vector<1x16xf32> to vector<16xf32>
          %parallel_loop3A_867 = vector.shape_cast %parallel_loop3A_857 : vector<16xf32> to vector<1x16xf32>
          tpu.vector_store %parallel_loop3A_862[%parallel_loop3A_863, %parallel_loop3A_864], %parallel_loop3A_867 {strides = array<i32>} : memref<8x1024xf32, #tpu.memory_space<vmem>>, vector<1x16xf32>,
          %parallel_loop3A_868 = arith.constant 6 : i32
          %parallel_loop3A_869 = arith.constant 0 : i32
          %parallel_loop3A_870 = arith.constant 0 : i32
          %parallel_loop3A_871 = tpu.memref_slice %arg5[%parallel_loop3A_232, %parallel_loop3A_233, %parallel_loop3A_869, %parallel_loop3A_870] : memref<3x4x8x1024xf32, #tpu.memory_space<vmem>> -> memref<1x1x8x1024xf32, #tpu.memory_space<vmem>>
          %parallel_loop3A_872 = tpu.memref_squeeze %parallel_loop3A_871 : memref<1x1x8x1024xf32, #tpu.memory_space<vmem>> -> memref<8x1024xf32, #tpu.memory_space<vmem>>
          %parallel_loop3A_873 = arith.index_cast %parallel_loop3A_868 : i32 to index
          %parallel_loop3A_874 = arith.index_cast %parallel_loop3A_264 : i32 to index
          %parallel_loop3A_875 = tpu.vector_load %parallel_loop3A_872[%parallel_loop3A_873, %parallel_loop3A_874] {strides = array<i32>} : memref<8x1024xf32, #tpu.memory_space<vmem>>, vector<1x16xf32>,
          %parallel_loop3A_876 = vector.shape_cast %parallel_loop3A_875 : vector<1x16xf32> to vector<16xf32>
          %parallel_loop3A_877 = arith.addf %parallel_loop3A_876, %parallel_loop3A_807 : vector<16xf32>
          %parallel_loop3A_878 = arith.constant 6 : i32
          %parallel_loop3A_879 = arith.constant 0 : i32
          %parallel_loop3A_880 = arith.constant 0 : i32
          %parallel_loop3A_881 = tpu.memref_slice %arg5[%parallel_loop3A_232, %parallel_loop3A_233, %parallel_loop3A_879, %parallel_loop3A_880] : memref<3x4x8x1024xf32, #tpu.memory_space<vmem>> -> memref<1x1x8x1024xf32, #tpu.memory_space<vmem>>
          %parallel_loop3A_882 = tpu.memref_squeeze %parallel_loop3A_881 : memref<1x1x8x1024xf32, #tpu.memory_space<vmem>> -> memref<8x1024xf32, #tpu.memory_space<vmem>>
          %parallel_loop3A_883 = arith.index_cast %parallel_loop3A_878 : i32 to index
          %parallel_loop3A_884 = arith.index_cast %parallel_loop3A_264 : i32 to index
          %parallel_loop3A_885 = tpu.vector_load %parallel_loop3A_882[%parallel_loop3A_883, %parallel_loop3A_884] {strides = array<i32>} : memref<8x1024xf32, #tpu.memory_space<vmem>>, vector<1x16xf32>,
          %parallel_loop3A_886 = vector.shape_cast %parallel_loop3A_885 : vector<1x16xf32> to vector<16xf32>
          %parallel_loop3A_887 = vector.shape_cast %parallel_loop3A_877 : vector<16xf32> to vector<1x16xf32>
          tpu.vector_store %parallel_loop3A_882[%parallel_loop3A_883, %parallel_loop3A_884], %parallel_loop3A_887 {strides = array<i32>} : memref<8x1024xf32, #tpu.memory_space<vmem>>, vector<1x16xf32>,
          %parallel_loop3A_888 = arith.constant 7 : i32
          %parallel_loop3A_889 = arith.constant 0 : i32
          %parallel_loop3A_890 = arith.constant 0 : i32
          %parallel_loop3A_891 = tpu.memref_slice %arg6[%parallel_loop3A_225, %parallel_loop3A_889, %parallel_loop3A_890] : memref<3x8x1024xf32, #tpu.memory_space<vmem>> -> memref<1x8x1024xf32, #tpu.memory_space<vmem>>
          %parallel_loop3A_892 = tpu.memref_squeeze %parallel_loop3A_891 : memref<1x8x1024xf32, #tpu.memory_space<vmem>> -> memref<8x1024xf32, #tpu.memory_space<vmem>>
          %parallel_loop3A_893 = arith.index_cast %parallel_loop3A_888 : i32 to index
          %parallel_loop3A_894 = arith.index_cast %parallel_loop3A_264 : i32 to index
          %parallel_loop3A_895 = tpu.vector_load %parallel_loop3A_892[%parallel_loop3A_893, %parallel_loop3A_894] {strides = array<i32>} : memref<8x1024xf32, #tpu.memory_space<vmem>>, vector<1x16xf32>,
          %parallel_loop3A_896 = vector.shape_cast %parallel_loop3A_895 : vector<1x16xf32> to vector<16xf32>
          %parallel_loop3A_897 = arith.constant 7 : i32
          %parallel_loop3A_898 = arith.constant 0 : i32
          %parallel_loop3A_899 = arith.constant 0 : i32
          %parallel_loop3A_900 = tpu.memref_slice %arg5[%parallel_loop3A_226, %parallel_loop3A_227, %parallel_loop3A_898, %parallel_loop3A_899] : memref<3x4x8x1024xf32, #tpu.memory_space<vmem>> -> memref<1x1x8x1024xf32, #tpu.memory_space<vmem>>
          %parallel_loop3A_901 = tpu.memref_squeeze %parallel_loop3A_900 : memref<1x1x8x1024xf32, #tpu.memory_space<vmem>> -> memref<8x1024xf32, #tpu.memory_space<vmem>>
          %parallel_loop3A_902 = arith.index_cast %parallel_loop3A_897 : i32 to index
          %parallel_loop3A_903 = arith.index_cast %parallel_loop3A_264 : i32 to index
          %parallel_loop3A_904 = tpu.vector_load %parallel_loop3A_901[%parallel_loop3A_902, %parallel_loop3A_903] {strides = array<i32>} : memref<8x1024xf32, #tpu.memory_space<vmem>>, vector<1x16xf32>,
          %parallel_loop3A_905 = vector.shape_cast %parallel_loop3A_904 : vector<1x16xf32> to vector<16xf32>
          %parallel_loop3A_906 = arith.addf %parallel_loop3A_905, %parallel_loop3A_896 : vector<16xf32>
          %parallel_loop3A_907 = arith.constant 7 : i32
          %parallel_loop3A_908 = arith.constant 0 : i32
          %parallel_loop3A_909 = arith.constant 0 : i32
          %parallel_loop3A_910 = tpu.memref_slice %arg5[%parallel_loop3A_226, %parallel_loop3A_227, %parallel_loop3A_908, %parallel_loop3A_909] : memref<3x4x8x1024xf32, #tpu.memory_space<vmem>> -> memref<1x1x8x1024xf32, #tpu.memory_space<vmem>>
          %parallel_loop3A_911 = tpu.memref_squeeze %parallel_loop3A_910 : memref<1x1x8x1024xf32, #tpu.memory_space<vmem>> -> memref<8x1024xf32, #tpu.memory_space<vmem>>
          %parallel_loop3A_912 = arith.index_cast %parallel_loop3A_907 : i32 to index
          %parallel_loop3A_913 = arith.index_cast %parallel_loop3A_264 : i32 to index
          %parallel_loop3A_914 = tpu.vector_load %parallel_loop3A_911[%parallel_loop3A_912, %parallel_loop3A_913] {strides = array<i32>} : memref<8x1024xf32, #tpu.memory_space<vmem>>, vector<1x16xf32>,
          %parallel_loop3A_915 = vector.shape_cast %parallel_loop3A_914 : vector<1x16xf32> to vector<16xf32>
          %parallel_loop3A_916 = vector.shape_cast %parallel_loop3A_906 : vector<16xf32> to vector<1x16xf32>
          tpu.vector_store %parallel_loop3A_911[%parallel_loop3A_912, %parallel_loop3A_913], %parallel_loop3A_916 {strides = array<i32>} : memref<8x1024xf32, #tpu.memory_space<vmem>>, vector<1x16xf32>,
          %parallel_loop3A_917 = arith.constant 7 : i32
          %parallel_loop3A_918 = arith.constant 0 : i32
          %parallel_loop3A_919 = arith.constant 0 : i32
          %parallel_loop3A_920 = tpu.memref_slice %arg5[%parallel_loop3A_228, %parallel_loop3A_229, %parallel_loop3A_918, %parallel_loop3A_919] : memref<3x4x8x1024xf32, #tpu.memory_space<vmem>> -> memref<1x1x8x1024xf32, #tpu.memory_space<vmem>>
          %parallel_loop3A_921 = tpu.memref_squeeze %parallel_loop3A_920 : memref<1x1x8x1024xf32, #tpu.memory_space<vmem>> -> memref<8x1024xf32, #tpu.memory_space<vmem>>
          %parallel_loop3A_922 = arith.index_cast %parallel_loop3A_917 : i32 to index
          %parallel_loop3A_923 = arith.index_cast %parallel_loop3A_264 : i32 to index
          %parallel_loop3A_924 = tpu.vector_load %parallel_loop3A_921[%parallel_loop3A_922, %parallel_loop3A_923] {strides = array<i32>} : memref<8x1024xf32, #tpu.memory_space<vmem>>, vector<1x16xf32>,
          %parallel_loop3A_925 = vector.shape_cast %parallel_loop3A_924 : vector<1x16xf32> to vector<16xf32>
          %parallel_loop3A_926 = arith.addf %parallel_loop3A_925, %parallel_loop3A_896 : vector<16xf32>
          %parallel_loop3A_927 = arith.constant 7 : i32
          %parallel_loop3A_928 = arith.constant 0 : i32
          %parallel_loop3A_929 = arith.constant 0 : i32
          %parallel_loop3A_930 = tpu.memref_slice %arg5[%parallel_loop3A_228, %parallel_loop3A_229, %parallel_loop3A_928, %parallel_loop3A_929] : memref<3x4x8x1024xf32, #tpu.memory_space<vmem>> -> memref<1x1x8x1024xf32, #tpu.memory_space<vmem>>
          %parallel_loop3A_931 = tpu.memref_squeeze %parallel_loop3A_930 : memref<1x1x8x1024xf32, #tpu.memory_space<vmem>> -> memref<8x1024xf32, #tpu.memory_space<vmem>>
          %parallel_loop3A_932 = arith.index_cast %parallel_loop3A_927 : i32 to index
          %parallel_loop3A_933 = arith.index_cast %parallel_loop3A_264 : i32 to index
          %parallel_loop3A_934 = tpu.vector_load %parallel_loop3A_931[%parallel_loop3A_932, %parallel_loop3A_933] {strides = array<i32>} : memref<8x1024xf32, #tpu.memory_space<vmem>>, vector<1x16xf32>,
          %parallel_loop3A_935 = vector.shape_cast %parallel_loop3A_934 : vector<1x16xf32> to vector<16xf32>
          %parallel_loop3A_936 = vector.shape_cast %parallel_loop3A_926 : vector<16xf32> to vector<1x16xf32>
          tpu.vector_store %parallel_loop3A_931[%parallel_loop3A_932, %parallel_loop3A_933], %parallel_loop3A_936 {strides = array<i32>} : memref<8x1024xf32, #tpu.memory_space<vmem>>, vector<1x16xf32>,
          %parallel_loop3A_937 = arith.constant 7 : i32
          %parallel_loop3A_938 = arith.constant 0 : i32
          %parallel_loop3A_939 = arith.constant 0 : i32
          %parallel_loop3A_940 = tpu.memref_slice %arg5[%parallel_loop3A_230, %parallel_loop3A_231, %parallel_loop3A_938, %parallel_loop3A_939] : memref<3x4x8x1024xf32, #tpu.memory_space<vmem>> -> memref<1x1x8x1024xf32, #tpu.memory_space<vmem>>
          %parallel_loop3A_941 = tpu.memref_squeeze %parallel_loop3A_940 : memref<1x1x8x1024xf32, #tpu.memory_space<vmem>> -> memref<8x1024xf32, #tpu.memory_space<vmem>>
          %parallel_loop3A_942 = arith.index_cast %parallel_loop3A_937 : i32 to index
          %parallel_loop3A_943 = arith.index_cast %parallel_loop3A_264 : i32 to index
          %parallel_loop3A_944 = tpu.vector_load %parallel_loop3A_941[%parallel_loop3A_942, %parallel_loop3A_943] {strides = array<i32>} : memref<8x1024xf32, #tpu.memory_space<vmem>>, vector<1x16xf32>,
          %parallel_loop3A_945 = vector.shape_cast %parallel_loop3A_944 : vector<1x16xf32> to vector<16xf32>
          %parallel_loop3A_946 = arith.addf %parallel_loop3A_945, %parallel_loop3A_896 : vector<16xf32>
          %parallel_loop3A_947 = arith.constant 7 : i32
          %parallel_loop3A_948 = arith.constant 0 : i32
          %parallel_loop3A_949 = arith.constant 0 : i32
          %parallel_loop3A_950 = tpu.memref_slice %arg5[%parallel_loop3A_230, %parallel_loop3A_231, %parallel_loop3A_948, %parallel_loop3A_949] : memref<3x4x8x1024xf32, #tpu.memory_space<vmem>> -> memref<1x1x8x1024xf32, #tpu.memory_space<vmem>>
          %parallel_loop3A_951 = tpu.memref_squeeze %parallel_loop3A_950 : memref<1x1x8x1024xf32, #tpu.memory_space<vmem>> -> memref<8x1024xf32, #tpu.memory_space<vmem>>
          %parallel_loop3A_952 = arith.index_cast %parallel_loop3A_947 : i32 to index
          %parallel_loop3A_953 = arith.index_cast %parallel_loop3A_264 : i32 to index
          %parallel_loop3A_954 = tpu.vector_load %parallel_loop3A_951[%parallel_loop3A_952, %parallel_loop3A_953] {strides = array<i32>} : memref<8x1024xf32, #tpu.memory_space<vmem>>, vector<1x16xf32>,
          %parallel_loop3A_955 = vector.shape_cast %parallel_loop3A_954 : vector<1x16xf32> to vector<16xf32>
          %parallel_loop3A_956 = vector.shape_cast %parallel_loop3A_946 : vector<16xf32> to vector<1x16xf32>
          tpu.vector_store %parallel_loop3A_951[%parallel_loop3A_952, %parallel_loop3A_953], %parallel_loop3A_956 {strides = array<i32>} : memref<8x1024xf32, #tpu.memory_space<vmem>>, vector<1x16xf32>,
          %parallel_loop3A_957 = arith.constant 7 : i32
          %parallel_loop3A_958 = arith.constant 0 : i32
          %parallel_loop3A_959 = arith.constant 0 : i32
          %parallel_loop3A_960 = tpu.memref_slice %arg5[%parallel_loop3A_232, %parallel_loop3A_233, %parallel_loop3A_958, %parallel_loop3A_959] : memref<3x4x8x1024xf32, #tpu.memory_space<vmem>> -> memref<1x1x8x1024xf32, #tpu.memory_space<vmem>>
          %parallel_loop3A_961 = tpu.memref_squeeze %parallel_loop3A_960 : memref<1x1x8x1024xf32, #tpu.memory_space<vmem>> -> memref<8x1024xf32, #tpu.memory_space<vmem>>
          %parallel_loop3A_962 = arith.index_cast %parallel_loop3A_957 : i32 to index
          %parallel_loop3A_963 = arith.index_cast %parallel_loop3A_264 : i32 to index
          %parallel_loop3A_964 = tpu.vector_load %parallel_loop3A_961[%parallel_loop3A_962, %parallel_loop3A_963] {strides = array<i32>} : memref<8x1024xf32, #tpu.memory_space<vmem>>, vector<1x16xf32>,
          %parallel_loop3A_965 = vector.shape_cast %parallel_loop3A_964 : vector<1x16xf32> to vector<16xf32>
          %parallel_loop3A_966 = arith.addf %parallel_loop3A_965, %parallel_loop3A_896 : vector<16xf32>
          %parallel_loop3A_967 = arith.constant 7 : i32
          %parallel_loop3A_968 = arith.constant 0 : i32
          %parallel_loop3A_969 = arith.constant 0 : i32
          %parallel_loop3A_970 = tpu.memref_slice %arg5[%parallel_loop3A_232, %parallel_loop3A_233, %parallel_loop3A_968, %parallel_loop3A_969] : memref<3x4x8x1024xf32, #tpu.memory_space<vmem>> -> memref<1x1x8x1024xf32, #tpu.memory_space<vmem>>
          %parallel_loop3A_971 = tpu.memref_squeeze %parallel_loop3A_970 : memref<1x1x8x1024xf32, #tpu.memory_space<vmem>> -> memref<8x1024xf32, #tpu.memory_space<vmem>>
          %parallel_loop3A_972 = arith.index_cast %parallel_loop3A_967 : i32 to index
          %parallel_loop3A_973 = arith.index_cast %parallel_loop3A_264 : i32 to index
          %parallel_loop3A_974 = tpu.vector_load %parallel_loop3A_971[%parallel_loop3A_972, %parallel_loop3A_973] {strides = array<i32>} : memref<8x1024xf32, #tpu.memory_space<vmem>>, vector<1x16xf32>,
          %parallel_loop3A_975 = vector.shape_cast %parallel_loop3A_974 : vector<1x16xf32> to vector<16xf32>
          %parallel_loop3A_976 = vector.shape_cast %parallel_loop3A_966 : vector<16xf32> to vector<1x16xf32>
          tpu.vector_store %parallel_loop3A_971[%parallel_loop3A_972, %parallel_loop3A_973], %parallel_loop3A_976 {strides = array<i32>} : memref<8x1024xf32, #tpu.memory_space<vmem>>, vector<1x16xf32>,
        } {sc.loop_unroll_factor = 4 : i64, sc.parallel_access}
        %mul3A_234 = arith.constant 8 : i32
        %mul3A_235 = arith.muli %add3A_183, %mul3A_234 : i32
        %add3A_236 = arith.addi %mul3A_2, %mul3A_235 : i32
        %multiple_of3A_237 = tpu.assume_multiple %add3A_236, 8 : i32
        %dma_start3A_238 = arith.constant 2 : i32
        %dma_start3A_239 = arith.constant 0 : i32
        %dma_start3A_240 = arith.constant 0 : i32
        %dma_start3A_241 = arith.constant 0 : i32
        %dma_start3A_242 = tpu.memref_slice %arg5[%dma_start3A_238, %dma_start3A_239, %dma_start3A_240, %dma_start3A_241] : memref<3x4x8x1024xf32, #tpu.memory_space<vmem>> -> memref<1x4x8x1024xf32, #tpu.memory_space<vmem>>
        %dma_start3A_243 = tpu.memref_squeeze %dma_start3A_242 : memref<1x4x8x1024xf32, #tpu.memory_space<vmem>> -> memref<4x8x1024xf32, #tpu.memory_space<vmem>>
        %dma_start3A_244 = arith.constant 0 : i32
        %dma_start3A_245 = arith.constant 0 : i32
        %dma_start3A_246 = tpu.memref_slice %arg4[%dma_start3A_244, %multiple_of3A_237, %dma_start3A_245] : memref<4x8192x1024xf32, #tpu.memory_space<hbm>> -> memref<4x8x1024xf32, #tpu.memory_space<hbm>>
        %dma_start3A_247 = arith.constant 0 : i32
        %dma_start3A_248 = arith.constant 0 : i32
        %dma_start3A_249 = tpu.memref_slice %arg4[%dma_start3A_247, %multiple_of3A_237, %dma_start3A_248] : memref<4x8192x1024xf32, #tpu.memory_space<hbm>> -> memref<4x8x1024xf32, #tpu.memory_space<hbm>>
        %dma_start3A_250 = arith.constant 0 : i32
        %dma_start3A_251 = arith.constant 0 : i32
        %dma_start3A_252 = arith.constant 0 : i32
        %dma_start3A_253 = tpu.memref_slice %arg5[%dma_start3A_238, %dma_start3A_250, %dma_start3A_251, %dma_start3A_252] : memref<3x4x8x1024xf32, #tpu.memory_space<vmem>> -> memref<1x4x8x1024xf32, #tpu.memory_space<vmem>>
        %dma_start3A_254 = tpu.memref_squeeze %dma_start3A_253 : memref<1x4x8x1024xf32, #tpu.memory_space<vmem>> -> memref<4x8x1024xf32, #tpu.memory_space<vmem>>
        tpu.enqueue_dma source(%dma_start3A_254 : memref<4x8x1024xf32, #tpu.memory_space<vmem>>) target(%dma_start3A_249 : memref<4x8x1024xf32, #tpu.memory_space<hbm>>) target_semaphore(%arg12 : memref<!tpu.dma_semaphore, #tpu.memory_space<semaphore_mem>>)
        %sub3A = arith.constant 1 : i32
        %sub3A_255 = arith.subi %add3A_183, %sub3A : i32
        %ge3A = arith.constant 0 : i32
        %ge3A_256 = arith.cmpi sge, %sub3A_255, %ge3A : i32
        %add3A_257 = arith.constant 3 : i32
        %add3A_258 = arith.addi %sub3A_255, %add3A_257 : i32
        %lt3A_259 = arith.constant 32 : i32
        %lt3A_260 = arith.cmpi slt, %add3A_258, %lt3A_259 : i32
        %and3A = arith.andi %ge3A_256, %lt3A_260 : i1
        %convert_element_type3A_261 = arith.extui %and3A : i1 to i32
        %cond3A_262 = arith.constant 0 : i32
        %cond3A_263 = arith.cmpi ne, %convert_element_type3A_261, %cond3A_262 : i32
        scf.if %cond3A_263 {
          %mul3A_264 = arith.constant 8 : i32
          %mul3A_265 = arith.muli %sub3A_255, %mul3A_264 : i32
          %add3A_266 = arith.addi %mul3A_2, %mul3A_265 : i32
          %multiple_of3A_267 = tpu.assume_multiple %add3A_266, 8 : i32
          %dma_wait3A_268 = arith.constant 1 : i32
          %dma_wait3A_269 = arith.constant 0 : i32
          %dma_wait3A_270 = arith.constant 0 : i32
          %dma_wait3A_271 = arith.constant 0 : i32
          %dma_wait3A_272 = tpu.memref_slice %arg5[%dma_wait3A_268, %dma_wait3A_269, %dma_wait3A_270, %dma_wait3A_271] : memref<3x4x8x1024xf32, #tpu.memory_space<vmem>> -> memref<1x4x8x1024xf32, #tpu.memory_space<vmem>>
          %dma_wait3A_273 = tpu.memref_squeeze %dma_wait3A_272 : memref<1x4x8x1024xf32, #tpu.memory_space<vmem>> -> memref<4x8x1024xf32, #tpu.memory_space<vmem>>
          %dma_wait3A_274 = arith.constant 0 : i32
          %dma_wait3A_275 = arith.constant 0 : i32
          %dma_wait3A_276 = tpu.memref_slice %arg4[%dma_wait3A_274, %multiple_of3A_267, %dma_wait3A_275] : memref<4x8192x1024xf32, #tpu.memory_space<hbm>> -> memref<4x8x1024xf32, #tpu.memory_space<hbm>>
          %dma_wait3A_277 = arith.constant 0 : i32
          %dma_wait3A_278 = arith.constant 0 : i32
          %dma_wait3A_279 = tpu.memref_slice %arg4[%dma_wait3A_277, %multiple_of3A_267, %dma_wait3A_278] : memref<4x8192x1024xf32, #tpu.memory_space<hbm>> -> memref<4x8x1024xf32, #tpu.memory_space<hbm>>
          %dma_wait3A_280 = arith.constant 0 : i32
          %dma_wait3A_281 = arith.constant 0 : i32
          %dma_wait3A_282 = arith.constant 0 : i32
          %dma_wait3A_283 = tpu.memref_slice %arg5[%dma_wait3A_268, %dma_wait3A_280, %dma_wait3A_281, %dma_wait3A_282] : memref<3x4x8x1024xf32, #tpu.memory_space<vmem>> -> memref<1x4x8x1024xf32, #tpu.memory_space<vmem>>
          %dma_wait3A_284 = tpu.memref_squeeze %dma_wait3A_283 : memref<1x4x8x1024xf32, #tpu.memory_space<vmem>> -> memref<4x8x1024xf32, #tpu.memory_space<vmem>>
          tpu.wait_dma2 semaphore(%arg11 : memref<!tpu.dma_semaphore, #tpu.memory_space<semaphore_mem>>) src(%dma_wait3A_284 : memref<4x8x1024xf32, #tpu.memory_space<vmem>>) dst(%dma_wait3A_279 : memref<4x8x1024xf32, #tpu.memory_space<hbm>>)
          %add3A_285 = arith.constant 3 : i32
          %add3A_286 = arith.addi %sub3A_255, %add3A_285 : i32
          %mul3A_287 = arith.constant 8 : i32
          %mul3A_288 = arith.muli %add3A_286, %mul3A_287 : i32
          %add3A_289 = arith.addi %mul3A_2, %mul3A_288 : i32
          %multiple_of3A_290 = tpu.assume_multiple %add3A_289, 8 : i32
          %dma_start3A_291 = arith.constant 1 : i32
          %dma_start3A_292 = arith.constant 0 : i32
          %dma_start3A_293 = arith.constant 0 : i32
          %dma_start3A_294 = tpu.memref_slice %arg6[%dma_start3A_291, %dma_start3A_292, %dma_start3A_293] : memref<3x8x1024xf32, #tpu.memory_space<vmem>> -> memref<1x8x1024xf32, #tpu.memory_space<vmem>>
          %dma_start3A_295 = tpu.memref_squeeze %dma_start3A_294 : memref<1x8x1024xf32, #tpu.memory_space<vmem>> -> memref<8x1024xf32, #tpu.memory_space<vmem>>
          %dma_start3A_296 = arith.constant 0 : i32
          %dma_start3A_297 = tpu.memref_slice %arg3[%multiple_of3A_290, %dma_start3A_296] : memref<8192x1024xf32, #tpu.memory_space<hbm>> -> memref<8x1024xf32, #tpu.memory_space<hbm>>
          %dma_start3A_298 = arith.constant 0 : i32
          %dma_start3A_299 = arith.constant 0 : i32
          %dma_start3A_300 = tpu.memref_slice %arg6[%dma_start3A_291, %dma_start3A_298, %dma_start3A_299] : memref<3x8x1024xf32, #tpu.memory_space<vmem>> -> memref<1x8x1024xf32, #tpu.memory_space<vmem>>
          %dma_start3A_301 = tpu.memref_squeeze %dma_start3A_300 : memref<1x8x1024xf32, #tpu.memory_space<vmem>> -> memref<8x1024xf32, #tpu.memory_space<vmem>>
          %dma_start3A_302 = arith.constant 0 : i32
          %dma_start3A_303 = tpu.memref_slice %arg3[%multiple_of3A_290, %dma_start3A_302] : memref<8192x1024xf32, #tpu.memory_space<hbm>> -> memref<8x1024xf32, #tpu.memory_space<hbm>>
          tpu.enqueue_dma source(%dma_start3A_303 : memref<8x1024xf32, #tpu.memory_space<hbm>>) target(%dma_start3A_301 : memref<8x1024xf32, #tpu.memory_space<vmem>>) target_semaphore(%arg8 : memref<!tpu.dma_semaphore, #tpu.memory_space<semaphore_mem>>)
          %dma_start3A_304 = arith.constant 1 : i32
          %dma_start3A_305 = arith.constant 0 : i32
          %dma_start3A_306 = arith.constant 0 : i32
          %dma_start3A_307 = arith.constant 0 : i32
          %dma_start3A_308 = tpu.memref_slice %arg5[%dma_start3A_304, %dma_start3A_305, %dma_start3A_306, %dma_start3A_307] : memref<3x4x8x1024xf32, #tpu.memory_space<vmem>> -> memref<1x4x8x1024xf32, #tpu.memory_space<vmem>>
          %dma_start3A_309 = tpu.memref_squeeze %dma_start3A_308 : memref<1x4x8x1024xf32, #tpu.memory_space<vmem>> -> memref<4x8x1024xf32, #tpu.memory_space<vmem>>
          %dma_start3A_310 = arith.constant 0 : i32
          %dma_start3A_311 = arith.constant 0 : i32
          %dma_start3A_312 = tpu.memref_slice %arg2[%dma_start3A_310, %multiple_of3A_290, %dma_start3A_311] : memref<4x8192x1024xf32, #tpu.memory_space<hbm>> -> memref<4x8x1024xf32, #tpu.memory_space<hbm>>
          %dma_start3A_313 = arith.constant 0 : i32
          %dma_start3A_314 = arith.constant 0 : i32
          %dma_start3A_315 = arith.constant 0 : i32
          %dma_start3A_316 = tpu.memref_slice %arg5[%dma_start3A_304, %dma_start3A_313, %dma_start3A_314, %dma_start3A_315] : memref<3x4x8x1024xf32, #tpu.memory_space<vmem>> -> memref<1x4x8x1024xf32, #tpu.memory_space<vmem>>
          %dma_start3A_317 = tpu.memref_squeeze %dma_start3A_316 : memref<1x4x8x1024xf32, #tpu.memory_space<vmem>> -> memref<4x8x1024xf32, #tpu.memory_space<vmem>>
          %dma_start3A_318 = arith.constant 0 : i32
          %dma_start3A_319 = arith.constant 0 : i32
          %dma_start3A_320 = tpu.memref_slice %arg2[%dma_start3A_318, %multiple_of3A_290, %dma_start3A_319] : memref<4x8192x1024xf32, #tpu.memory_space<hbm>> -> memref<4x8x1024xf32, #tpu.memory_space<hbm>>
          tpu.enqueue_dma source(%dma_start3A_320 : memref<4x8x1024xf32, #tpu.memory_space<hbm>>) target(%dma_start3A_317 : memref<4x8x1024xf32, #tpu.memory_space<vmem>>) target_semaphore(%arg8 : memref<!tpu.dma_semaphore, #tpu.memory_space<semaphore_mem>>)
        } else {
        }
      } else {
      }
    }
    %scan3A_104 = arith.constant 11 : i32
    %add3A_105 = arith.constant 232 : i32
    %add3A_106 = arith.addi %mul3A_2, %add3A_105 : i32
    %multiple_of3A_107 = tpu.assume_multiple %add3A_106, 8 : i32
    %dma_wait3A = arith.constant 2 : i32
    %dma_wait3A_108 = arith.constant 0 : i32
    %dma_wait3A_109 = arith.constant 0 : i32
    %dma_wait3A_110 = arith.constant 0 : i32
    %dma_wait3A_111 = tpu.memref_slice %arg5[%dma_wait3A, %dma_wait3A_108, %dma_wait3A_109, %dma_wait3A_110] : memref<3x4x8x1024xf32, #tpu.memory_space<vmem>> -> memref<1x4x8x1024xf32, #tpu.memory_space<vmem>>
    %dma_wait3A_112 = tpu.memref_squeeze %dma_wait3A_111 : memref<1x4x8x1024xf32, #tpu.memory_space<vmem>> -> memref<4x8x1024xf32, #tpu.memory_space<vmem>>
    %dma_wait3A_113 = arith.constant 0 : i32
    %dma_wait3A_114 = arith.constant 0 : i32
    %dma_wait3A_115 = tpu.memref_slice %arg4[%dma_wait3A_113, %multiple_of3A_107, %dma_wait3A_114] : memref<4x8192x1024xf32, #tpu.memory_space<hbm>> -> memref<4x8x1024xf32, #tpu.memory_space<hbm>>
    %dma_wait3A_116 = arith.constant 0 : i32
    %dma_wait3A_117 = arith.constant 0 : i32
    %dma_wait3A_118 = tpu.memref_slice %arg4[%dma_wait3A_116, %multiple_of3A_107, %dma_wait3A_117] : memref<4x8192x1024xf32, #tpu.memory_space<hbm>> -> memref<4x8x1024xf32, #tpu.memory_space<hbm>>
    %dma_wait3A_119 = arith.constant 0 : i32
    %dma_wait3A_120 = arith.constant 0 : i32
    %dma_wait3A_121 = arith.constant 0 : i32
    %dma_wait3A_122 = tpu.memref_slice %arg5[%dma_wait3A, %dma_wait3A_119, %dma_wait3A_120, %dma_wait3A_121] : memref<3x4x8x1024xf32, #tpu.memory_space<vmem>> -> memref<1x4x8x1024xf32, #tpu.memory_space<vmem>>
    %dma_wait3A_123 = tpu.memref_squeeze %dma_wait3A_122 : memref<1x4x8x1024xf32, #tpu.memory_space<vmem>> -> memref<4x8x1024xf32, #tpu.memory_space<vmem>>
    tpu.wait_dma2 semaphore(%arg12 : memref<!tpu.dma_semaphore, #tpu.memory_space<semaphore_mem>>) src(%dma_wait3A_123 : memref<4x8x1024xf32, #tpu.memory_space<vmem>>) dst(%dma_wait3A_118 : memref<4x8x1024xf32, #tpu.memory_space<hbm>>)
    %add3A_124 = arith.constant 240 : i32
    %add3A_125 = arith.addi %mul3A_2, %add3A_124 : i32
    %multiple_of3A_126 = tpu.assume_multiple %add3A_125, 8 : i32
    %dma_wait3A_127 = arith.constant 0 : i32
    %dma_wait3A_128 = arith.constant 0 : i32
    %dma_wait3A_129 = arith.constant 0 : i32
    %dma_wait3A_130 = arith.constant 0 : i32
    %dma_wait3A_131 = tpu.memref_slice %arg5[%dma_wait3A_127, %dma_wait3A_128, %dma_wait3A_129, %dma_wait3A_130] : memref<3x4x8x1024xf32, #tpu.memory_space<vmem>> -> memref<1x4x8x1024xf32, #tpu.memory_space<vmem>>
    %dma_wait3A_132 = tpu.memref_squeeze %dma_wait3A_131 : memref<1x4x8x1024xf32, #tpu.memory_space<vmem>> -> memref<4x8x1024xf32, #tpu.memory_space<vmem>>
    %dma_wait3A_133 = arith.constant 0 : i32
    %dma_wait3A_134 = arith.constant 0 : i32
    %dma_wait3A_135 = tpu.memref_slice %arg4[%dma_wait3A_133, %multiple_of3A_126, %dma_wait3A_134] : memref<4x8192x1024xf32, #tpu.memory_space<hbm>> -> memref<4x8x1024xf32, #tpu.memory_space<hbm>>
    %dma_wait3A_136 = arith.constant 0 : i32
    %dma_wait3A_137 = arith.constant 0 : i32
    %dma_wait3A_138 = tpu.memref_slice %arg4[%dma_wait3A_136, %multiple_of3A_126, %dma_wait3A_137] : memref<4x8192x1024xf32, #tpu.memory_space<hbm>> -> memref<4x8x1024xf32, #tpu.memory_space<hbm>>
    %dma_wait3A_139 = arith.constant 0 : i32
    %dma_wait3A_140 = arith.constant 0 : i32
    %dma_wait3A_141 = arith.constant 0 : i32
    %dma_wait3A_142 = tpu.memref_slice %arg5[%dma_wait3A_127, %dma_wait3A_139, %dma_wait3A_140, %dma_wait3A_141] : memref<3x4x8x1024xf32, #tpu.memory_space<vmem>> -> memref<1x4x8x1024xf32, #tpu.memory_space<vmem>>
    %dma_wait3A_143 = tpu.memref_squeeze %dma_wait3A_142 : memref<1x4x8x1024xf32, #tpu.memory_space<vmem>> -> memref<4x8x1024xf32, #tpu.memory_space<vmem>>
    tpu.wait_dma2 semaphore(%arg10 : memref<!tpu.dma_semaphore, #tpu.memory_space<semaphore_mem>>) src(%dma_wait3A_143 : memref<4x8x1024xf32, #tpu.memory_space<vmem>>) dst(%dma_wait3A_138 : memref<4x8x1024xf32, #tpu.memory_space<hbm>>)
    %add3A_144 = arith.constant 248 : i32
    %add3A_145 = arith.addi %mul3A_2, %add3A_144 : i32
    %multiple_of3A_146 = tpu.assume_multiple %add3A_145, 8 : i32
    %dma_wait3A_147 = arith.constant 1 : i32
    %dma_wait3A_148 = arith.constant 0 : i32
    %dma_wait3A_149 = arith.constant 0 : i32
    %dma_wait3A_150 = arith.constant 0 : i32
    %dma_wait3A_151 = tpu.memref_slice %arg5[%dma_wait3A_147, %dma_wait3A_148, %dma_wait3A_149, %dma_wait3A_150] : memref<3x4x8x1024xf32, #tpu.memory_space<vmem>> -> memref<1x4x8x1024xf32, #tpu.memory_space<vmem>>
    %dma_wait3A_152 = tpu.memref_squeeze %dma_wait3A_151 : memref<1x4x8x1024xf32, #tpu.memory_space<vmem>> -> memref<4x8x1024xf32, #tpu.memory_space<vmem>>
    %dma_wait3A_153 = arith.constant 0 : i32
    %dma_wait3A_154 = arith.constant 0 : i32
    %dma_wait3A_155 = tpu.memref_slice %arg4[%dma_wait3A_153, %multiple_of3A_146, %dma_wait3A_154] : memref<4x8192x1024xf32, #tpu.memory_space<hbm>> -> memref<4x8x1024xf32, #tpu.memory_space<hbm>>
    %dma_wait3A_156 = arith.constant 0 : i32
    %dma_wait3A_157 = arith.constant 0 : i32
    %dma_wait3A_158 = tpu.memref_slice %arg4[%dma_wait3A_156, %multiple_of3A_146, %dma_wait3A_157] : memref<4x8192x1024xf32, #tpu.memory_space<hbm>> -> memref<4x8x1024xf32, #tpu.memory_space<hbm>>
    %dma_wait3A_159 = arith.constant 0 : i32
    %dma_wait3A_160 = arith.constant 0 : i32
    %dma_wait3A_161 = arith.constant 0 : i32
    %dma_wait3A_162 = tpu.memref_slice %arg5[%dma_wait3A_147, %dma_wait3A_159, %dma_wait3A_160, %dma_wait3A_161] : memref<3x4x8x1024xf32, #tpu.memory_space<vmem>> -> memref<1x4x8x1024xf32, #tpu.memory_space<vmem>>
    %dma_wait3A_163 = tpu.memref_squeeze %dma_wait3A_162 : memref<1x4x8x1024xf32, #tpu.memory_space<vmem>> -> memref<4x8x1024xf32, #tpu.memory_space<vmem>>
    tpu.wait_dma2 semaphore(%arg11 : memref<!tpu.dma_semaphore, #tpu.memory_space<semaphore_mem>>) src(%dma_wait3A_163 : memref<4x8x1024xf32, #tpu.memory_space<vmem>>) dst(%dma_wait3A_158 : memref<4x8x1024xf32, #tpu.memory_space<hbm>>)
    return
  }
}

</mosaic_0001>

<sc_bundles>
// kernel: kernel.3.cloned.1.call-start
scs
__scs_entry_jumppad:
0x0: {  	(pc) =	sbr.rel $0x88, $3  }
0x1: {  	(tag) =	ssettag $0x0;
	lr =	simm.s32 $0x1  }
0x2: {  	[smem:$0x3F9F] =	sst lr;
	_ =	strace $0xD0000000  }
0x3: {  	_ = 	snop  }
0x4: {  	_ = 	snop  }
0x5: {  	_ = 	snop  }
0x6: {  	_ = 	snop  }
0x7: {  	_ = 	snop  }
__scs_overlays_trampoline_lowered:
0x8: {  	[smem:$0x3FAE] =	sst s0  }
0x9: {  	[smem:$0x3FAF] =	sst s1  }
0xa: {  	[smem:$0x3FB0] =	sst s2  }
0xb: {  	[smem:$0x3FB1] =	sst s3  }
0xc: {  	[smem:$0x3FB2] =	sst s4  }
0xd: {  	[smem:$0x3FB3] =	sst s5  }
0xe: {  	[smem:$0x3FB4] =	sst s6  }
0xf: {  	[smem:$0x3FB5] =	sst s7  }
0x10: {  	[smem:$0x3FB6] =	sst s8  }
0x11: {  	[smem:$0x3FB7] =	sst s9;
	s0 =	simm.s32 @!p0 $0x0  }
0x12: {  	s1 =	sld [smem:$0x3F9D];
	s0 =	simm.s32 @p0 $0x1  }
0x13: {  	[smem:$0x3FB8] =	sst s0;
	s0 =	simm.s32 @!p1 $0x0  }
0x14: {  	s2 =	sld [smem:$0x3F9C];
	s0 =	simm.s32 @p1 $0x1  }
0x15: {  	[smem:$0x3FB9] =	sst s0;
	s0 =	simm.s32 @!p2 $0x0  }
0x16: {  	s3 =	sld [smem:$0x3FDB];
	s0 =	simm.s32 @p2 $0x1  }
0x17: {  	s4 =	simm.s32 $0x1BF5;
	[smem:$0x3FBB] =	sst s0  }
0x18: {  	s0 =	sld [smem:$0x3F9E];
	_ =	swait.ge [sflag:s4], $0x0  }
0x19: {  	s7 =	sld [smem:$0x3F9F]  }
0x1a: {  	s8 =	sadd.s32 $0xFFFFE003, lr  }
0x1b: {  	s9 =	sadd.s32 $0xFFFFFEF7, lr;
	s5 =	simm.s32 $0xFFFFFFFF;
	p2 =	slt.u32 s8, $0xFFFFF086  }
0x1c: {  	p1 =	slt.u32 s9, $0xF7A;
	s5 =	simm.s32 @!p2 $0x0  }
0x1d: {  	s5 =	simm.s32 @p1 $0x1;
	p0 =	seq.s32 s7, s2  }
0x1e: {  	s7 =	smul.u32 @!p0 $0xF7A, s2;
	p2 =	seq.s32 @!p0 s5, $0x0  }
0x1f: {  	s9 =	smul.u32 $0xF7A, s1;
	s8 =	simm.s32 @!p0 $0x1BF5;
	p2 =	por !p2, p0  }
0x20: {  	[sflag:s8] =	ssyncset.s32 @!p0 $0xFFFFF086;
	s6 =	sadd.s32 @!p0 s3, s7;
	s7 =	simm.s32 @!p0 $0x108  }
0x21: {  	s3 =	sadd.s32 s3, s9;
	s6 =	sadd.s32 @!p0 $0x88, s6;
	s7 =	simm.s32 @p2 $0x1082  }
0x22: {  	[simem:s7], [sflag:s8] =	dma.local @!p0 [hbm:s6], $0xF7A  }
0x23: {  	s9 =	sor.u32 $0xD0000000, s2;
	s6 =	simm.s32 $0x108;
	_ =	swait.ge @!p0 [sflag:s8], $0x0  }
0x24: {  	s3 =	sadd.s32 $0x88, s3;
	s6 =	simm.s32 @!p1 $0x1082;
	[sflag:s4] =	ssyncset.s32 $0xFFFFF086  }
0x25: {  	[simem:s6], [sflag:s4] =	dma.local [hbm:s3], $0xF7A  }
0x26: {  	[smem:$0x3F9F] =	sst s1;
	(tag) =	ssettag s2;
	_ =	strace s9  }
0x27: {  	s1 =	sld [smem:$0x3FAF]  }
0x28: {  	s2 =	sld [smem:$0x3FB0]  }
0x29: {  	s4 =	sld [smem:$0x3FB2]  }
0x2a: {  	p0 =	seq.s32 s5, $0x0;
	s5 =	sld [smem:$0x3FB3]  }
0x2b: {  	s6 =	sld [smem:$0x3FB4]  }
0x2c: {  	s7 =	sld [smem:$0x3FB5]  }
0x2d: {  	s3 =	simm.s32 $0x108;
	s8 =	sld [smem:$0x3FB6]  }
0x2e: {  	s3 =	simm.s32 @!p0 $0x1082;
	s9 =	sld [smem:$0x3FB7]  }
0x2f: {  	lr =	sadd.s32 s0, s3;
	s0 =	sld [smem:$0x3FAE]  }
0x30: {  	s3 =	sld [smem:$0x3FB1]  }
0x31: {  	[smem:$0x3FBA] =	sst s10  }
0x32: {  	s10 =	sld [smem:$0x3FB8];
	_ =	sdelay $0x3  }
0x33: {  	p0 =	seq.s32 s10, $0x1;
	s10 =	sld [smem:$0x3FBA];
	_ =	sdelay $0x3  }
0x34: {  	[smem:$0x3FBA] =	sst s10  }
0x35: {  	s10 =	sld [smem:$0x3FB9];
	_ =	sdelay $0x3  }
0x36: {  	p1 =	seq.s32 s10, $0x1;
	s10 =	sld [smem:$0x3FBA];
	_ =	sdelay $0x3  }
0x37: {  	[smem:$0x3FBA] =	sst s10  }
0x38: {  	s10 =	sld [smem:$0x3FBB]  }
0x39: {  	_ = 	snop;
	(pc) =	sbr.ind lr, $3  }
0x3a: {  	_ = 	snop  }
0x3b: {  	_ = 	snop  }
0x3c: {  	p2 =	seq.s32 s10, $0x1;
	s10 =	sld [smem:$0x3FBA]  }
0x3d: {  	_ =	shalt  }
0x3e: {  	_ =	shalt  }
0x3f: {  	_ =	shalt  }
0x40: {  	_ =	shalt  }
0x41: {  	_ =	shalt  }
0x42: {  	_ =	shalt  }
0x43: {  	_ =	shalt  }
0x44: {  	_ =	shalt  }
0x45: {  	_ =	shalt  }
0x46: {  	_ =	shalt  }
0x47: {  	_ =	shalt  }
0x48: {  	_ =	shalt  }
0x49: {  	_ =	shalt  }
0x4a: {  	_ =	shalt  }
0x4b: {  	_ =	shalt  }
0x4c: {  	_ =	shalt  }
0x4d: {  	_ =	shalt  }
0x4e: {  	_ =	shalt  }
0x4f: {  	_ =	shalt  }
0x50: {  	_ =	shalt  }
0x51: {  	_ =	shalt  }
0x52: {  	_ =	shalt  }
0x53: {  	_ =	shalt  }
0x54: {  	_ =	shalt  }
0x55: {  	_ =	shalt  }
0x56: {  	_ =	shalt  }
0x57: {  	_ =	shalt  }
0x58: {  	_ =	shalt  }
0x59: {  	_ =	shalt  }
0x5a: {  	_ =	shalt  }
0x5b: {  	_ =	shalt  }
0x5c: {  	_ =	shalt  }
0x5d: {  	_ =	shalt  }
0x5e: {  	_ =	shalt  }
0x5f: {  	_ =	shalt  }
0x60: {  	_ =	shalt  }
0x61: {  	_ =	shalt  }
0x62: {  	_ =	shalt  }
0x63: {  	_ =	shalt  }
0x64: {  	_ =	shalt  }
0x65: {  	_ =	shalt  }
0x66: {  	_ =	shalt  }
0x67: {  	_ =	shalt  }
0x68: {  	_ =	shalt  }
0x69: {  	_ =	shalt  }
0x6a: {  	_ =	shalt  }
0x6b: {  	_ =	shalt  }
0x6c: {  	_ =	shalt  }
0x6d: {  	_ =	shalt  }
0x6e: {  	_ =	shalt  }
0x6f: {  	_ =	shalt  }
0x70: {  	_ =	shalt  }
0x71: {  	_ =	shalt  }
0x72: {  	_ =	shalt  }
0x73: {  	_ =	shalt  }
0x74: {  	_ =	shalt  }
0x75: {  	_ =	shalt  }
0x76: {  	_ =	shalt  }
0x77: {  	_ =	shalt  }
0x78: {  	_ =	shalt  }
0x79: {  	_ =	shalt  }
0x7a: {  	_ =	shalt  }
0x7b: {  	_ =	shalt  }
0x7c: {  	_ =	shalt  }
0x7d: {  	_ =	shalt  }
0x7e: {  	_ =	shalt  }
0x7f: {  	_ =	shalt  }
0x80: {  	_ =	shalt  }
0x81: {  	_ =	shalt  }
0x82: {  	_ =	shalt  }
0x83: {  	_ =	shalt  }
0x84: {  	_ =	shalt  }
0x85: {  	_ =	shalt  }
0x86: {  	_ =	shalt  }
0x87: {  	_ =	shalt  }
.Lfunc_end0:
.L_simem_size_0:
called_computation_lowered:
.L_overlay_start_0:
0x88: {  	s2 =	sld [smem:$0x3FD9]  }
0x89: {  	s3 =	sld [smem:$0x3FFE];
	_ =	sdelay $0x1  }
0x8a: {  	s1 =	srdreg.scid  }
0x8b: {  	s0 =	sand.u32 $0x1, s1  }
0x8c: {  	s18 =	sshll.u32 s0, $0xA;
	s2 =	sadd.s32 s3, s2  }
0x8d: {  	s2 =	sadd.s32 s2, s18  }
0x8e: {  	[smem:$0x3FC6] =	sst s2  }
0x8f: {  	_ = 	snop  }
0x90: {  	s2 =	sld [smem:$0x3FC9]  }
0x91: {  	s19 =	sld [smem:$0x3FC8]  }
0x92: {  	s4 =	sld [smem:$0x3FD0];
	(tm) =	ssettm $0x1  }
0x93: {  	s5 =	sld [smem:$0x3FFB];
	_ =	sdelay $0x3  }
0x94: {  	_ =	strace s5  }
0x95: {  	s5 =	sld [smem:$0x3FFC];
	_ =	sdelay $0x3  }
0x96: {  	_ =	strace s5  }
0x97: {  	s5 =	sld [smem:$0x3FFD];
	_ =	sdelay $0x3  }
0x98: {  	_ =	strace s5  }
0x99: {  	_ =	strace $0x8FFFFFFF  }
0x9a: {  	s20 =	sld [smem:$0x3FDB];
	_ =	sdelay $0x1  }
0x9b: {  	s6 =	simm.s32 $_scs_section_size  }
0x9c: {  	s7 =	simm.s32 $_size__tile_overlayer_lowered;
	s8 =	simm.s32 $_tile_overlayer_lowered  }
0x9d: {  	s23 =	simm.s32 $0x1BFF;
	s22 =	sshll.u32 s8, $0x1;
	s5 =	sadd.s32 s6, s20  }
0x9e: {  	s9 =	simm.s32 $0x0;
	s21 =	sshll.u32 s7, $0x1;
	s7 =	sadd.s32 s22, s5  }
0x9f: {  	[timem:s9], [sflag:s23] =	dma.local [hbm:s7], s21  }
0xa0: {  	_ =	swait.ge [sflag:s23], s21  }
0xa1: {  	s6 =	ssub.s32 $0x0, s21;
	[sflag:s23] =	ssyncset.done $0x0  }
0xa2: {  	[sflag:s23] =	ssyncadd.s32 s6;
	_ =	sdelay $0x1  }
0xa3: {  	s24 =	simm.s32 $0x1B8B  }
0xa4: {  	_ =	swait.ge [sflag:s24], $0x1  }
0xa5: {  	[sflag:s24] =	ssyncset.done $0x0  }
0xa6: {  	s25 =	simm.s32 $0x1B8E;
	[sflag:s24] =	ssyncadd.s32 $0xFFFFFFFF  }
0xa7: {  	s26 =	simm.s32 $execute0_lowered;
	[smem:$0x3FD2] =	sst s25  }
0xa8: {  	s6 =	sshll.u32 s26, $0x1;
	_ =	strace $0x80000046;
	[dreg:$0x1] =	wrdreg $0xFFFFFFFF  }
0xa9: {  	s28 =	simm.s32 $_size_execute0_lowered;
	s5 =	sadd.s32 s5, s6;
	[dreg:$0x0] =	wrdreg $0x0  }
0xaa: {  	s6 =	sshll.u32 s28, $0x1;
	[dreg:$0x2] =	wrdreg s5  }
0xab: {  	[dreg:$0x3] =	wrdreg s6  }
0xac: {  	[dreg:$0x4] =	wrdreg $0xC0  }
0xad: {  	_ =	task [dreg:s9], $0x5FFFF  }
0xae: {  	[dreg:$0x1] =	wrdreg $0xFFFFFFFF  }
0xaf: {  	[dreg:$0x0] =	wrdreg $0x60  }
0xb0: {  	[dreg:$0x2] =	wrdreg s2  }
0xb1: {  	[dreg:$0x3] =	wrdreg s19  }
0xb2: {  	[dreg:$0x4] =	wrdreg s4  }
0xb3: {  	[dreg:$0x5] =	wrdreg $0x9  }
0xb4: {  	_ =	task.clear_ibuf [dreg:s9], $0x6FFFF;
	_ =	strace $0x90000046  }
0xb5: {  	s29 =	simm.s32 $0x9;
	_ =	strace $0x80000048  }
0xb6: {  	_ =	swait.ge [sflag:s29], $0x1  }
0xb7: {  	[sflag:s29] =	ssyncadd.s32 $0xFFFFFFFF  }
0xb8: {  	_ =	strace $0x90000048  }
0xb9: {  	_ =	sfence  }
0xba: {  	s30 =	sld [smem:$0x0];
	_ =	sdelay $0x2  }
0xbb: {  	s31 =	sshll.u32 s1, $0xD;
	s1 =	sshrl.u32 s1, $0x2  }
0xbc: {  	s3 =	sand.u32 $0x4000, s31;
	s1 =	sadd.s32 s1, s30  }
0xbd: {  	s0 =	sor.u32 s3, s0;
	s1 =	sshll.u32 s1, $0x11  }
0xbe: {  	s0 =	sor.u32 s1, s0  }
0xbf: {  	s0 =	sadd.s32 $0x8F2B, s0  }
0xc0: {  	[sflag:s0] =	ssyncadd.remote.s32 $0x1  }
0xc1: {  	_ =	sfence.sel $0xFFFF  }
0xc2: {  	[dreg:$0x0] =	wrdreg $0xFFFFFFFF;
	(pc) =	sbr.abs _section_cstart, $3  }
0xc3: {  	[dreg:$0x1] =	wrdreg $0xFFFFFFFF  }
0xc4: {  	_ =	task.clear_ibuf [dreg:s9], $0x2FFFF;
	_ =	strace $0x9FFFFFFF  }
0xc5: {  	(tm) =	ssettm $0x7FFFFFFF  }
tec
execute0_lowered:
.L_overlay_start_1:
0x0: {  	(tag) =	ssettag $0x1  }
0x1: {  	s2 =	rddreg [dreg:$0x0]  }
0x2: {  	s3 =	rddreg [dreg:$0x1]  }
0x3: {  	s0 =	srdreg.scid;
	s1 =	stileid.u32;
	s5 =	simm.s32 $0x0  }
0x4: {  	s29 =	simm.s32 $0x4;
	s30 =	simm.s32 $0x5;
	s0 =	sand.u32 $0x1, s0  }
0x5: {  	s31 =	simm.s32 $0x3;
	s1 =	sshll.u32 s1, $0x9;
	s6 =	sshll.u32 s0, $0x8  }
0x6: {  	[smem:$0x7FF] =	sst s5;
	s0 =	ssub.s32 $0x2, s0;
	s4 =	sor.u32 s6, s1  }
0x7: {  	_ =	strace $0x80000047;
	s19 =	sshrl.u32 s0, $0x1;
	s6 =	sshll.u32 s4, $0x7  }
0x8: {  	s0 =	ssub.s32 s0, s19;
	[dreg:$0x4] =	wrdreg s4;
	s7 =	sadd.s32 s3, s6  }
0x9: {  	s24 =	sshrl.u32 s4, $0x3;
	s21 =	sadd.s32 s2, s6;
	[dreg:$0x5] =	wrdreg s7  }
0xa: {  	s4 =	smov.u32 s3;
	s25 =	sor.u32 $0x1, s24;
	[dreg:$0x6] =	wrdreg s21  }
0xb: {  	s19 =	simm.s32 $0x2000;
	s26 =	sor.u32 $0x3, s24;
	[dreg:$0xb] =	wrdreg s25  }
0xc: {  	s20 =	sor.u32 $0x400, s6;
	s28 =	sor.u32 $0x4, s24;
	[dreg:$0xc] =	wrdreg s26  }
0xd: {  	s23 =	sor.u32 $0x800, s6;
	s0 =	smax.u32 s0, $0x1;
	[dreg:$0xd] =	wrdreg s28  }
.Ltmp0:
0xe: {  	s22 =	sadd.s32 s3, s20;
	[dreg:$0xe] =	wrdreg s0;
	(pc) =	sbr.rel .LBB2_1-.Ltmp0, $4  }
0xf: {  	s13 =	sor.u32 $0x2, s24;
	s1 =	sadd.s32 s2, s20;
	[dreg:$0x7] =	wrdreg s22  }
0x10: {  	s3 =	sadd.s32 s3, s23;
	s20 =	simm.s32 $0x800000;
	[dreg:$0x8] =	wrdreg s1  }
0x11: {  	s25 =	simm.s32 $0x1;
	[dreg:$0x9] =	wrdreg s3;
	s1 =	sadd.s32 s2, s23  }
0x12: {  	s26 =	simm.s32 $0x2;
	[dreg:$0xa] =	wrdreg s1;
	s1 =	simm.s32 $0x0  }
.LBB2_10:
0x13: {  	s0 =	simm.s32 $0x6  }
0x14: {  	_ =	swait.ge [sflag:s0], $0x8000  }
0x15: {  	[sflag:s0] =	ssyncset.done $0x0  }
0x16: {  	[sflag:s0] =	ssyncadd.s32 $0xFFFF8000  }
0x17: {  	_ =	swait.ge [sflag:s29], $0x8000  }
0x18: {  	[sflag:s29] =	ssyncset.done $0x0  }
0x19: {  	[sflag:s29] =	ssyncadd.s32 $0xFFFF8000  }
0x1a: {  	_ =	swait.ge [sflag:s30], $0x8000  }
0x1b: {  	s1 =	rddreg [dreg:$0xf]  }
0x1c: {  	s28 =	rddreg [dreg:$0xe];
	s1 =	sadd.s32 $0x1, s1  }
0x1d: {  	p0 =	sne.s32 s1, s28  }
.Ltmp1:
0x1e: {  	_ = 	snop;
	(pc) =	sbr.rel @!p0 .LBB2_11-.Ltmp1, $3  }
0x1f: {  	_ =	sdelay $0x1  }
0x20: {  	[sflag:s30] =	ssyncset.done $0x0  }
0x21: {  	s5 =	simm.s32 $0x0;
	[sflag:s30] =	ssyncadd.s32 $0xFFFF8000  }
.LBB2_1:
0x22: {  	[dreg:$0xf] =	wrdreg s1  }
0x23: {  	s0 =	rddreg [dreg:$0x5];
	s14 =	simm.s32 $0x18000  }
0x24: {  	[tilespmem:s14], [sflag:$0x1] =	stream.linear.gather [hbm4b:s0+s5], $0x2000, $0x38;
	[tilespmem:$0x1E000] =	vst v63  }
0x25: {  	s15 =	rddreg [dreg:$0x6]  }
0x26: {  	[tilespmem:s5], [sflag:$0x1] =	stream.strided.gather [hbm4b:s15+s19], $0x8000, s20, s19, $0x38;
	[tilespmem:$0x1E000] =	vst v63  }
0x27: {  	s16 =	rddreg [dreg:$0x7];
	s17 =	simm.s32 $0x1A000  }
0x28: {  	[tilespmem:s17], [sflag:$0x2] =	stream.linear.gather [hbm4b:s16+s5], $0x2000, $0x38;
	[tilespmem:$0x1E000] =	vst v63  }
0x29: {  	s18 =	rddreg [dreg:$0x8];
	s21 =	simm.s32 $0x8000  }
0x2a: {  	[tilespmem:s21], [sflag:$0x2] =	stream.strided.gather [hbm4b:s18+s19], $0x8000, s20, s19, $0x38;
	[tilespmem:$0x1E000] =	vst v63  }
0x2b: {  	s22 =	rddreg [dreg:$0x9];
	s23 =	simm.s32 $0x1C000  }
0x2c: {  	[tilespmem:s23], [sflag:$0x3] =	stream.linear.gather [hbm4b:s22+s5], $0x2000, $0x38;
	[tilespmem:$0x1E000] =	vst v63  }
0x2d: {  	s24 =	rddreg [dreg:$0xa];
	s28 =	simm.s32 $0x10000;
	s1 =	simm.s32 $0x0  }
0x2e: {  	[tilespmem:s28], [sflag:$0x3] =	stream.strided.gather [hbm4b:s24+s19], $0x8000, s20, s19, $0x38;
	[tilespmem:$0x1E000] =	vst v63  }
.LBB2_2:
0x2f: {  	_ =	swait.ge [sflag:s25], $0x2000  }
0x30: {  	[sflag:s25] =	ssyncset.done $0x0  }
0x31: {  	[sflag:s25] =	ssyncadd.s32 $0xFFFFE000  }
0x32: {  	s7 =	simm.s32 $0x0;
	s23 =	simm.s32 $0x0;
	_ =	swait.ge [sflag:s25], $0x8000  }
0x33: {  	s0 =	sand.u32 $0x40, s23;
	s6 =	sand.u32 $0x1C00, s7;
	[sflag:s25] =	ssyncset.done $0x0  }
0x34: {  	s0 =	sor.u32 s0, s6;
	[sflag:s25] =	ssyncadd.s32 $0xFFFF8000  }
0x35: {  	v0 =	vld [tilespmem:s0+$0x18030]  }
0x36: {  	v1 =	vld [tilespmem:s0+$0x30]  }
0x37: {  	v2 =	vld [tilespmem:s0+$0x2030]  }
0x38: {  	v3 =	vld [tilespmem:s0+$0x4030]  }
0x39: {  	v4 =	vld [tilespmem:s0+$0x6030]  }
0x3a: {  	v5 =	vld [tilespmem:s0+$0x180B0]  }
0x3b: {  	v6 =	vld [tilespmem:s0+$0xB0]  }
0x3c: {  	v7 =	vld [tilespmem:s0+$0x20B0]  }
0x3d: {  	v8 =	vld [tilespmem:s0+$0x40B0]  }
0x3e: {  	v9 =	vld [tilespmem:s0+$0x60B0]  }
0x3f: {  	v10 =	vld [tilespmem:s0+$0x18130]  }
0x40: {  	v12 =	vld [tilespmem:s0+$0x2080]  }
0x41: {  	v13 =	vld [tilespmem:s0+$0x4080]  }
0x42: {  	v14 =	vld [tilespmem:s0+$0x6080]  }
0x43: {  	v15 =	vld [tilespmem:s0+$0x18100]  }
0x44: {  	v55 =	vld [tilespmem:s0+$0x100]  }
0x45: {  	v56 =	vld [tilespmem:s0+$0x2100]  }
0x46: {  	v19 =	vld [tilespmem:s0+$0x6100]  }
0x47: {  	v20 =	vld [tilespmem:s0+$0x18180]  }
0x48: {  	v21 =	vld [tilespmem:s0+$0x180];
	v1 =	vadd.f32 v1, v0  }
0x49: {  	v22 =	vld [tilespmem:s0+$0x2180];
	v2 =	vadd.f32 v2, v0  }
0x4a: {  	[tilespmem:s0+$0x30] =	vst v1;
	v1 =	vadd.f32 v3, v0;
	v3 =	vld [tilespmem:s0+$0x130]  }
0x4b: {  	[tilespmem:s0+$0x2030] =	vst v2;
	v0 =	vadd.f32 v4, v0;
	v2 =	vld [tilespmem:s0+$0x2130]  }
0x4c: {  	v4 =	vld [tilespmem:s0+$0x4130];
	[tilespmem:s0+$0x4030] =	vst v1;
	v1 =	vadd.f32 v6, v5  }
0x4d: {  	[tilespmem:s0+$0x6030] =	vst v0;
	v0 =	vadd.f32 v7, v5;
	v6 =	vld [tilespmem:s0+$0x6130]  }
0x4e: {  	v7 =	vld [tilespmem:s0+$0x181B0];
	[tilespmem:s0+$0xB0] =	vst v1;
	v1 =	vadd.f32 v8, v5  }
0x4f: {  	[tilespmem:s0+$0x20B0] =	vst v0;
	v0 =	vadd.f32 v9, v5;
	v5 =	vld [tilespmem:s0+$0x1B0]  }
0x50: {  	[tilespmem:s0+$0x40B0] =	vst v1;
	v1 =	vadd.f32 v3, v10;
	v3 =	vld [tilespmem:s0+$0x21B0]  }
0x51: {  	[tilespmem:s0+$0x60B0] =	vst v0;
	v0 =	vadd.f32 v2, v10;
	v2 =	vld [tilespmem:s0+$0x41B0]  }
0x52: {  	[tilespmem:s0+$0x130] =	vst v1;
	v1 =	vadd.f32 v4, v10;
	v4 =	vld [tilespmem:s0+$0x61B0]  }
0x53: {  	v59 =	vld [tilespmem:s0+$0x4180];
	[tilespmem:s0+$0x2130] =	vst v0;
	v0 =	vadd.f32 v6, v10  }
0x54: {  	p0 =	por $0x0, $0x0;
	s6 =	simm.s32 $0x1;
	v60 =	vld [tilespmem:s0+$0x6180];
	[tilespmem:s0+$0x4130] =	vst v1;
	v1 =	vadd.f32 v5, v7  }
0x55: {  	s6 =	simm.s32 @!p0 $0x0;
	v61 =	vld [tilespmem:s0+$0x18010];
	[tilespmem:s0+$0x6130] =	vst v0;
	v0 =	vadd.f32 v3, v7  }
0x56: {  	s6 =	sshll.u32 s6, $0x6;
	v25 =	vld [tilespmem:s0+$0x90];
	[tilespmem:s0+$0x1B0] =	vst v1;
	v1 =	vadd.f32 v2, v7  }
0x57: {  	s6 =	sadd.s32 $0x0, s6;
	v26 =	vld [tilespmem:s0+$0x2090];
	[tilespmem:s0+$0x21B0] =	vst v0;
	v0 =	vadd.f32 v4, v7  }
0x58: {  	s8 =	sadd.s32 $0x30, s6;
	v27 =	vld [tilespmem:s0+$0x4090];
	[tilespmem:s0+$0x41B0] =	vst v1  }
0x59: {  	v28 =	vld [tilespmem:s0+$0x6090];
	s9 =	sor.u32 $0x200, s8;
	[tilespmem:s0+$0x61B0] =	vst v0  }
0x5a: {  	v0 =	vld [tilespmem:s9+$0x18000]  }
0x5b: {  	v7 =	vld [tilespmem:s9+$0x0]  }
0x5c: {  	v53 =	vld [tilespmem:s9+$0x2000]  }
0x5d: {  	v54 =	vld [tilespmem:s9+$0x4000]  }
0x5e: {  	v11 =	vld [tilespmem:s9+$0x6000]  }
0x5f: {  	v29 =	vld [tilespmem:s0+$0x18110]  }
0x60: {  	v8 =	vld [tilespmem:s0+$0x18000];
	v7 =	vadd.f32 v7, v0  }
0x61: {  	v6 =	vld [tilespmem:s0+$0x0];
	v9 =	vadd.f32 v53, v0  }
0x62: {  	v5 =	vld [tilespmem:s0+$0x2000];
	[tilespmem:s9+$0x0] =	vst v7;
	v7 =	vadd.f32 v54, v0  }
0x63: {  	v3 =	vld [tilespmem:s0+$0x4000];
	[tilespmem:s9+$0x2000] =	vst v9;
	v0 =	vadd.f32 v11, v0  }
0x64: {  	v2 =	vld [tilespmem:s0+$0x6000];
	[tilespmem:s9+$0x4000] =	vst v7  }
0x65: {  	s12 =	sor.u32 $0x280, s8;
	v10 =	vadd.f32 v55, v15;
	v4 =	vld [tilespmem:s0+$0x18080];
	[tilespmem:s9+$0x6000] =	vst v0  }
0x66: {  	v6 =	vadd.f32 v6, v8;
	v0 =	vld [tilespmem:s12+$0x18000]  }
0x67: {  	[tilespmem:s0+$0x100] =	vst v10;
	v5 =	vadd.f32 v5, v8;
	v57 =	vld [tilespmem:s12+$0x0]  }
0x68: {  	[tilespmem:s0+$0x0] =	vst v6;
	v3 =	vadd.f32 v3, v8;
	v16 =	vld [tilespmem:s12+$0x2000]  }
0x69: {  	[tilespmem:s0+$0x2000] =	vst v5;
	v2 =	vadd.f32 v2, v8;
	v17 =	vld [tilespmem:s12+$0x4000]  }
0x6a: {  	[tilespmem:s0+$0x4000] =	vst v3;
	v12 =	vadd.f32 v12, v4;
	v18 =	vld [tilespmem:s12+$0x6000]  }
0x6b: {  	v1 =	vld [tilespmem:s0+$0x80];
	v13 =	vadd.f32 v13, v4;
	[tilespmem:s0+$0x6000] =	vst v2  }
0x6c: {  	v30 =	vld [tilespmem:s0+$0x110];
	[tilespmem:s0+$0x2080] =	vst v12;
	v11 =	vadd.f32 v57, v0  }
0x6d: {  	v31 =	vld [tilespmem:s0+$0x2110];
	[tilespmem:s0+$0x4080] =	vst v13;
	v16 =	vadd.f32 v16, v0  }
0x6e: {  	v5 =	vld [tilespmem:s0+$0x10];
	v58 =	vadd.f32 v17, v0;
	[tilespmem:s12+$0x0] =	vst v11  }
0x6f: {  	v3 =	vld [tilespmem:s0+$0x2010];
	v0 =	vadd.f32 v18, v0;
	[tilespmem:s12+$0x2000] =	vst v16  }
0x70: {  	v2 =	vld [tilespmem:s0+$0x4010];
	v1 =	vadd.f32 v1, v4;
	v4 =	vadd.f32 v14, v4;
	[tilespmem:s12+$0x4000] =	vst v58  }
0x71: {  	s14 =	sor.u32 $0x300, s8;
	v7 =	vld [tilespmem:s0+$0x4100];
	[tilespmem:s12+$0x6000] =	vst v0  }
0x72: {  	[tilespmem:s0+$0x6080] =	vst v4;
	v4 =	vadd.f32 v56, v15;
	v0 =	vld [tilespmem:s14+$0x18000]  }
0x73: {  	[tilespmem:s0+$0x80] =	vst v1;
	v5 =	vadd.f32 v5, v61;
	v62 =	vld [tilespmem:s14+$0x0]  }
0x74: {  	[tilespmem:s0+$0x2100] =	vst v4;
	v4 =	vadd.f32 v19, v15;
	v23 =	vld [tilespmem:s14+$0x2000]  }
0x75: {  	v3 =	vadd.f32 v3, v61;
	[tilespmem:s0+$0x10] =	vst v5;
	v24 =	vld [tilespmem:s14+$0x4000]  }
0x76: {  	[tilespmem:s0+$0x6100] =	vst v4;
	v4 =	vadd.f32 v22, v20;
	v6 =	vld [tilespmem:s14+$0x6000]  }
0x77: {  	v32 =	vld [tilespmem:s0+$0x4110];
	[tilespmem:s0+$0x2010] =	vst v3;
	v7 =	vadd.f32 v7, v15  }
0x78: {  	v33 =	vld [tilespmem:s0+$0x6110];
	v2 =	vadd.f32 v2, v61;
	[tilespmem:s0+$0x2180] =	vst v4  }
0x79: {  	v34 =	vld [tilespmem:s0+$0x18190];
	v4 =	vadd.f32 v60, v20;
	[tilespmem:s0+$0x4100] =	vst v7;
	v7 =	vadd.f32 v21, v20  }
0x7a: {  	v35 =	vld [tilespmem:s0+$0x18020];
	[tilespmem:s0+$0x4010] =	vst v2;
	v8 =	vadd.f32 v62, v0;
	v63 =	vadd.f32 v23, v0  }
0x7b: {  	[tilespmem:s0+$0x180] =	vst v7;
	v24 =	vadd.f32 v24, v0;
	v0 =	vadd.f32 v6, v0;
	v6 =	vld [tilespmem:s0+$0x18090]  }
0x7c: {  	v7 =	vadd.f32 v59, v20;
	[tilespmem:s14+$0x0] =	vst v8;
	v8 =	vld [tilespmem:s0+$0x6010]  }
0x7d: {  	v36 =	vld [tilespmem:s0+$0x20];
	[tilespmem:s0+$0x6180] =	vst v4  }
0x7e: {  	v37 =	vld [tilespmem:s0+$0x2020];
	[tilespmem:s0+$0x4180] =	vst v7  }
0x7f: {  	v38 =	vld [tilespmem:s0+$0x6020];
	[tilespmem:s14+$0x2000] =	vst v63  }
0x80: {  	v39 =	vld [tilespmem:s0+$0x180A0];
	[tilespmem:s14+$0x4000] =	vst v24;
	v2 =	vadd.f32 v25, v6  }
0x81: {  	v40 =	vld [tilespmem:s0+$0xA0];
	[tilespmem:s14+$0x6000] =	vst v0;
	v3 =	vadd.f32 v8, v61  }
0x82: {  	v41 =	vld [tilespmem:s0+$0x20A0];
	[tilespmem:s0+$0x90] =	vst v2;
	v2 =	vadd.f32 v27, v6  }
0x83: {  	v7 =	vld [tilespmem:s0+$0x190];
	[tilespmem:s0+$0x6010] =	vst v3;
	v3 =	vadd.f32 v26, v6  }
0x84: {  	v42 =	vld [tilespmem:s0+$0x2120];
	[tilespmem:s0+$0x4090] =	vst v2;
	v2 =	vadd.f32 v30, v29  }
0x85: {  	v5 =	vld [tilespmem:s0+$0x4190];
	[tilespmem:s0+$0x2090] =	vst v3;
	v3 =	vadd.f32 v28, v6  }
0x86: {  	v4 =	vld [tilespmem:s0+$0x2190];
	[tilespmem:s0+$0x110] =	vst v2;
	v2 =	vadd.f32 v32, v29  }
0x87: {  	v43 =	vld [tilespmem:s0+$0x4120];
	[tilespmem:s0+$0x6090] =	vst v3;
	v3 =	vadd.f32 v31, v29  }
0x88: {  	v8 =	vld [tilespmem:s0+$0x6190];
	[tilespmem:s0+$0x4110] =	vst v2;
	v2 =	vadd.f32 v7, v34  }
0x89: {  	v6 =	vld [tilespmem:s0+$0x4020];
	[tilespmem:s0+$0x2110] =	vst v3;
	v3 =	vadd.f32 v33, v29  }
0x8a: {  	v44 =	vld [tilespmem:s0+$0x181A0];
	[tilespmem:s0+$0x190] =	vst v2;
	v2 =	vadd.f32 v5, v34  }
0x8b: {  	v45 =	vld [tilespmem:s0+$0x1A0];
	[tilespmem:s0+$0x6110] =	vst v3;
	v3 =	vadd.f32 v4, v34  }
0x8c: {  	v46 =	vld [tilespmem:s0+$0x21A0];
	[tilespmem:s0+$0x4190] =	vst v2;
	v2 =	vadd.f32 v36, v35  }
0x8d: {  	v7 =	vld [tilespmem:s0+$0x40A0];
	[tilespmem:s0+$0x2190] =	vst v3;
	v3 =	vadd.f32 v8, v34  }
0x8e: {  	v5 =	vld [tilespmem:s0+$0x18120];
	[tilespmem:s0+$0x20] =	vst v2;
	v2 =	vadd.f32 v6, v35  }
0x8f: {  	v8 =	vld [tilespmem:s0+$0x120];
	[tilespmem:s0+$0x6190] =	vst v3;
	v3 =	vadd.f32 v37, v35  }
0x90: {  	s11 =	sor.u32 $0x200, s6;
	v4 =	vld [tilespmem:s0+$0x60A0];
	[tilespmem:s0+$0x4020] =	vst v2;
	v2 =	vadd.f32 v40, v39  }
0x91: {  	v47 =	vld [tilespmem:s11+$0x0];
	[tilespmem:s0+$0x2020] =	vst v3;
	v3 =	vadd.f32 v38, v35  }
0x92: {  	s8 =	sor.u32 $0x380, s8;
	v48 =	vld [tilespmem:s11+$0x2000];
	[tilespmem:s0+$0xA0] =	vst v2;
	v2 =	vadd.f32 v7, v39  }
0x93: {  	v0 =	vld [tilespmem:s8+$0x18000];
	[tilespmem:s0+$0x6020] =	vst v3;
	v3 =	vadd.f32 v41, v39  }
0x94: {  	v6 =	vld [tilespmem:s0+$0x6120];
	[tilespmem:s0+$0x40A0] =	vst v2;
	v2 =	vadd.f32 v8, v5  }
0x95: {  	s15 =	sadd.s32 $0x10, s6;
	v7 =	vld [tilespmem:s0+$0x41A0];
	[tilespmem:s0+$0x20A0] =	vst v3;
	v3 =	vadd.f32 v4, v39  }
0x96: {  	s12 =	sor.u32 $0x200, s15;
	v1 =	vld [tilespmem:s8+$0x6000];
	[tilespmem:s0+$0x120] =	vst v2;
	v2 =	vadd.f32 v43, v5  }
0x97: {  	v49 =	vld [tilespmem:s12+$0x18000];
	[tilespmem:s0+$0x60A0] =	vst v3;
	v3 =	vadd.f32 v42, v5  }
0x98: {  	v4 =	vld [tilespmem:s0+$0x61A0];
	[tilespmem:s0+$0x4120] =	vst v2;
	v2 =	vadd.f32 v45, v44  }
0x99: {  	v8 =	vld [tilespmem:s11+$0x18000];
	[tilespmem:s0+$0x2120] =	vst v3;
	v3 =	vadd.f32 v6, v5  }
0x9a: {  	v5 =	vld [tilespmem:s11+$0x4000];
	[tilespmem:s0+$0x1A0] =	vst v2;
	v2 =	vadd.f32 v7, v44  }
0x9b: {  	v6 =	vld [tilespmem:s11+$0x6000];
	[tilespmem:s0+$0x6120] =	vst v3;
	v3 =	vadd.f32 v46, v44  }
0x9c: {  	v7 =	vld [tilespmem:s12+$0x0];
	[tilespmem:s0+$0x41A0] =	vst v2  }
0x9d: {  	v2 =	vld [tilespmem:s12+$0x4000];
	[tilespmem:s0+$0x21A0] =	vst v3;
	v3 =	vadd.f32 v4, v44  }
0x9e: {  	s10 =	sadd.s32 $0x20, s6;
	v4 =	vld [tilespmem:s12+$0x2000]  }
0x9f: {  	s14 =	sor.u32 $0x200, s10;
	v50 =	vadd.f32 v47, v8;
	[tilespmem:s0+$0x61A0] =	vst v3;
	v3 =	vld [tilespmem:s12+$0x6000]  }
0xa0: {  	v51 =	vadd.f32 v48, v8;
	v52 =	vld [tilespmem:s14+$0x18000]  }
0xa1: {  	[tilespmem:s11+$0x0] =	vst v50;
	v5 =	vadd.f32 v5, v8;
	v53 =	vld [tilespmem:s14+$0x0]  }
0xa2: {  	[tilespmem:s11+$0x2000] =	vst v51;
	v6 =	vadd.f32 v6, v8;
	v8 =	vld [tilespmem:s14+$0x2000]  }
0xa3: {  	[tilespmem:s11+$0x4000] =	vst v5;
	v5 =	vld [tilespmem:s14+$0x4000]  }
0xa4: {  	s16 =	sor.u32 $0x280, s6;
	[tilespmem:s11+$0x6000] =	vst v6;
	v6 =	vadd.f32 v7, v49;
	v7 =	vld [tilespmem:s14+$0x6000]  }
0xa5: {  	v2 =	vadd.f32 v2, v49;
	v11 =	vld [tilespmem:s16+$0x18000]  }
0xa6: {  	v54 =	vld [tilespmem:s16+$0x6000];
	v4 =	vadd.f32 v4, v49;
	[tilespmem:s12+$0x0] =	vst v6  }
0xa7: {  	v6 =	vld [tilespmem:s16+$0x0];
	[tilespmem:s12+$0x4000] =	vst v2;
	v3 =	vadd.f32 v3, v49  }
0xa8: {  	v2 =	vld [tilespmem:s16+$0x4000];
	[tilespmem:s12+$0x2000] =	vst v4;
	v8 =	vadd.f32 v8, v52  }
0xa9: {  	s17 =	sor.u32 $0x280, s15;
	v4 =	vld [tilespmem:s16+$0x2000];
	v7 =	vadd.f32 v7, v52;
	[tilespmem:s12+$0x6000] =	vst v3  }
0xaa: {  	v3 =	vadd.f32 v53, v52;
	v55 =	vld [tilespmem:s17+$0x18000];
	[tilespmem:s14+$0x2000] =	vst v8  }
0xab: {  	v8 =	vld [tilespmem:s17+$0x2000];
	[tilespmem:s14+$0x6000] =	vst v7  }
0xac: {  	v7 =	vld [tilespmem:s17+$0x6000];
	[tilespmem:s14+$0x0] =	vst v3;
	v3 =	vadd.f32 v5, v52  }
0xad: {  	v5 =	vld [tilespmem:s17+$0x0]  }
0xae: {  	s18 =	sor.u32 $0x280, s10;
	v6 =	vadd.f32 v6, v11;
	[tilespmem:s14+$0x4000] =	vst v3;
	v3 =	vld [tilespmem:s17+$0x4000]  }
0xaf: {  	v4 =	vadd.f32 v4, v11;
	v56 =	vld [tilespmem:s18+$0x18000]  }
0xb0: {  	v2 =	vadd.f32 v2, v11;
	[tilespmem:s16+$0x0] =	vst v6;
	v6 =	vld [tilespmem:s18+$0x0]  }
0xb1: {  	[tilespmem:s16+$0x2000] =	vst v4;
	v4 =	vadd.f32 v54, v11;
	v57 =	vld [tilespmem:s18+$0x2000]  }
0xb2: {  	[tilespmem:s16+$0x4000] =	vst v2;
	v2 =	vld [tilespmem:s18+$0x4000]  }
0xb3: {  	s6 =	sor.u32 $0x300, s6;
	v8 =	vadd.f32 v8, v55;
	[tilespmem:s16+$0x6000] =	vst v4;
	v4 =	vadd.f32 v5, v55;
	v5 =	vld [tilespmem:s18+$0x6000]  }
0xb4: {  	v7 =	vadd.f32 v7, v55;
	v58 =	vld [tilespmem:s6+$0x18000]  }
0xb5: {  	[tilespmem:s17+$0x2000] =	vst v8;
	v8 =	vld [tilespmem:s6+$0x2000]  }
0xb6: {  	[tilespmem:s17+$0x6000] =	vst v7;
	v7 =	vld [tilespmem:s6+$0x6000];
	v3 =	vadd.f32 v3, v55  }
0xb7: {  	[tilespmem:s17+$0x0] =	vst v4;
	v4 =	vld [tilespmem:s6+$0x0]  }
0xb8: {  	s21 =	sor.u32 $0x300, s15;
	v6 =	vadd.f32 v6, v56;
	[tilespmem:s17+$0x4000] =	vst v3;
	v3 =	vld [tilespmem:s6+$0x4000]  }
0xb9: {  	v9 =	vadd.f32 v57, v56;
	v59 =	vld [tilespmem:s21+$0x18000]  }
0xba: {  	v2 =	vadd.f32 v2, v56;
	[tilespmem:s18+$0x0] =	vst v6;
	v6 =	vld [tilespmem:s21+$0x0]  }
0xbb: {  	[tilespmem:s18+$0x2000] =	vst v9;
	v5 =	vadd.f32 v5, v56;
	v60 =	vld [tilespmem:s21+$0x2000]  }
0xbc: {  	[tilespmem:s18+$0x4000] =	vst v2;
	v2 =	vld [tilespmem:s21+$0x4000]  }
0xbd: {  	s22 =	sor.u32 $0x300, s10;
	v8 =	vadd.f32 v8, v58;
	[tilespmem:s18+$0x6000] =	vst v5;
	v5 =	vld [tilespmem:s21+$0x6000]  }
0xbe: {  	v7 =	vadd.f32 v7, v58;
	v61 =	vld [tilespmem:s22+$0x18000]  }
0xbf: {  	v4 =	vadd.f32 v4, v58;
	[tilespmem:s6+$0x2000] =	vst v8;
	v8 =	vld [tilespmem:s22+$0x2000]  }
0xc0: {  	[tilespmem:s6+$0x6000] =	vst v7;
	v7 =	vld [tilespmem:s22+$0x6000];
	v3 =	vadd.f32 v3, v58  }
0xc1: {  	s24 =	sor.u32 s7, s23;
	v1 =	vadd.f32 v1, v0;
	[tilespmem:s6+$0x0] =	vst v4;
	v4 =	vld [tilespmem:s22+$0x0]  }
0xc2: {  	s28 =	sor.u32 $0x380, s24;
	v6 =	vadd.f32 v6, v59;
	[tilespmem:s6+$0x4000] =	vst v3;
	v3 =	vld [tilespmem:s22+$0x4000]  }
0xc3: {  	[tilespmem:s8+$0x6000] =	vst v1;
	v1 =	vadd.f32 v60, v59;
	v62 =	vld [tilespmem:s28+$0x18000]  }
0xc4: {  	v2 =	vadd.f32 v2, v59;
	[tilespmem:s21+$0x0] =	vst v6;
	v6 =	vld [tilespmem:s28+$0x0]  }
0xc5: {  	[tilespmem:s21+$0x2000] =	vst v1;
	v1 =	vadd.f32 v5, v59;
	v5 =	vld [tilespmem:s28+$0x2000]  }
0xc6: {  	[tilespmem:s21+$0x4000] =	vst v2;
	v2 =	vadd.f32 v4, v61;
	v4 =	vld [tilespmem:s28+$0x4000]  }
0xc7: {  	s11 =	sor.u32 $0x380, s15;
	[tilespmem:s21+$0x6000] =	vst v1;
	v1 =	vadd.f32 v8, v61;
	v8 =	vld [tilespmem:s28+$0x6000]  }
0xc8: {  	v63 =	vld [tilespmem:s11+$0x18000];
	[tilespmem:s22+$0x0] =	vst v2;
	v2 =	vadd.f32 v3, v61  }
0xc9: {  	[tilespmem:s22+$0x2000] =	vst v1;
	v1 =	vadd.f32 v7, v61;
	v3 =	vld [tilespmem:s11+$0x0]  }
0xca: {  	[tilespmem:s22+$0x4000] =	vst v2;
	v2 =	vadd.f32 v6, v62;
	v6 =	vld [tilespmem:s11+$0x2000]  }
0xcb: {  	v7 =	vld [tilespmem:s11+$0x4000];
	[tilespmem:s22+$0x6000] =	vst v1;
	v1 =	vadd.f32 v5, v62  }
0xcc: {  	s10 =	sor.u32 $0x380, s10;
	[tilespmem:s28+$0x0] =	vst v2;
	v2 =	vadd.f32 v4, v62;
	v4 =	vld [tilespmem:s11+$0x6000]  }
0xcd: {  	v8 =	vadd.f32 v8, v62;
	v5 =	vld [tilespmem:s10+$0x0];
	[tilespmem:s28+$0x2000] =	vst v1  }
0xce: {  	v1 =	vld [tilespmem:s10+$0x18000];
	[tilespmem:s28+$0x4000] =	vst v2;
	v2 =	vadd.f32 v3, v63  }
0xcf: {  	[tilespmem:s28+$0x6000] =	vst v8;
	v3 =	vld [tilespmem:s10+$0x2000];
	v6 =	vadd.f32 v6, v63  }
0xd0: {  	v7 =	vadd.f32 v7, v63;
	[tilespmem:s11+$0x0] =	vst v2;
	v2 =	vld [tilespmem:s10+$0x4000]  }
0xd1: {  	[tilespmem:s11+$0x2000] =	vst v6;
	v6 =	vadd.f32 v4, v63;
	v4 =	vld [tilespmem:s10+$0x6000]  }
.LBB2_3:
0xd2: {  	s23 =	sadd.s32 $0x40, s23;
	[tilespmem:s11+$0x4000] =	vst v7;
	v7 =	vld [tilespmem:s8+$0x0];
	s7 =	sadd.s32 $0x200, s7  }
0xd3: {  	s0 =	sand.u32 $0x40, s23;
	s6 =	sand.u32 $0x1C00, s7;
	s9 =	sor.u32 s7, s23;
	[tilespmem:s11+$0x6000] =	vst v6;
	v5 =	vadd.f32 v5, v1;
	v6 =	vld [tilespmem:s8+$0x2000]  }
0xd4: {  	p1 =	slt.u32 s23, $0x3C0;
	s28 =	sor.u32 s0, s6;
	s9 =	sor.u32 $0x380, s9;
	v3 =	vadd.f32 v3, v1;
	v8 =	vld [tilespmem:s8+$0x4000]  }
0xd5: {  	v9 =	vld [tilespmem:s28+$0x18030];
	[tilespmem:s10+$0x0] =	vst v5;
	v2 =	vadd.f32 v2, v1  }
0xd6: {  	v5 =	vld [tilespmem:s28+$0x30];
	[tilespmem:s10+$0x2000] =	vst v3;
	v1 =	vadd.f32 v4, v1  }
0xd7: {  	v3 =	vld [tilespmem:s28+$0x2030];
	[tilespmem:s10+$0x4000] =	vst v2;
	v2 =	vadd.f32 v7, v0  }
0xd8: {  	v4 =	vld [tilespmem:s28+$0x4030];
	[tilespmem:s10+$0x6000] =	vst v1;
	v1 =	vadd.f32 v6, v0  }
0xd9: {  	v6 =	vld [tilespmem:s28+$0x6030];
	[tilespmem:s8+$0x0] =	vst v2;
	v0 =	vadd.f32 v8, v0  }
0xda: {  	v2 =	vld [tilespmem:s28+$0x180B0];
	[tilespmem:s8+$0x2000] =	vst v1  }
0xdb: {  	v1 =	vld [tilespmem:s28+$0xB0];
	[tilespmem:s8+$0x4000] =	vst v0  }
0xdc: {  	v0 =	vld [tilespmem:s28+$0x20B0]  }
0xdd: {  	v7 =	vld [tilespmem:s28+$0x40B0]  }
0xde: {  	v5 =	vadd.f32 v5, v9;
	v8 =	vld [tilespmem:s28+$0x60B0]  }
0xdf: {  	v3 =	vadd.f32 v3, v9;
	v10 =	vld [tilespmem:s28+$0x18130]  }
0xe0: {  	v4 =	vadd.f32 v4, v9;
	[tilespmem:s28+$0x30] =	vst v5;
	v5 =	vld [tilespmem:s28+$0x130]  }
0xe1: {  	[tilespmem:s28+$0x2030] =	vst v3;
	v3 =	vadd.f32 v6, v9;
	v6 =	vld [tilespmem:s28+$0x2130]  }
0xe2: {  	v1 =	vadd.f32 v1, v2;
	[tilespmem:s28+$0x4030] =	vst v4;
	v4 =	vld [tilespmem:s28+$0x4130]  }
0xe3: {  	v0 =	vadd.f32 v0, v2;
	[tilespmem:s28+$0x6030] =	vst v3;
	v3 =	vld [tilespmem:s28+$0x6130]  }
0xe4: {  	[tilespmem:s28+$0xB0] =	vst v1;
	v1 =	vadd.f32 v7, v2;
	v7 =	vld [tilespmem:s28+$0x181B0]  }
0xe5: {  	[tilespmem:s28+$0x20B0] =	vst v0;
	v0 =	vadd.f32 v8, v2;
	v2 =	vld [tilespmem:s28+$0x1B0]  }
0xe6: {  	[tilespmem:s28+$0x40B0] =	vst v1;
	v1 =	vadd.f32 v5, v10;
	v5 =	vld [tilespmem:s28+$0x21B0]  }
0xe7: {  	[tilespmem:s28+$0x60B0] =	vst v0;
	v0 =	vadd.f32 v6, v10;
	v6 =	vld [tilespmem:s28+$0x41B0]  }
0xe8: {  	[tilespmem:s28+$0x130] =	vst v1;
	v1 =	vadd.f32 v4, v10;
	v4 =	vld [tilespmem:s28+$0x61B0]  }
0xe9: {  	v8 =	vld [tilespmem:s28+$0x18000];
	[tilespmem:s28+$0x2130] =	vst v0;
	v0 =	vadd.f32 v3, v10  }
0xea: {  	p0 =	por !p0, !p0;
	s0 =	simm.s32 $0x1;
	v3 =	vld [tilespmem:s28+$0x0];
	[tilespmem:s28+$0x4130] =	vst v1;
	v1 =	vadd.f32 v2, v7  }
0xeb: {  	s0 =	simm.s32 @!p0 $0x0;
	v2 =	vld [tilespmem:s28+$0x2000];
	[tilespmem:s28+$0x6130] =	vst v0;
	v0 =	vadd.f32 v5, v7  }
0xec: {  	s0 =	sshll.u32 s0, $0x6;
	v5 =	vld [tilespmem:s28+$0x4000];
	[tilespmem:s28+$0x1B0] =	vst v1;
	v1 =	vadd.f32 v6, v7  }
0xed: {  	s0 =	sadd.s32 s0, s7;
	v6 =	vld [tilespmem:s28+$0x6000];
	[tilespmem:s28+$0x21B0] =	vst v0;
	v0 =	vadd.f32 v4, v7  }
0xee: {  	s10 =	sadd.s32 $0x10, s0;
	s14 =	sadd.s32 $0x20, s0;
	s8 =	sadd.s32 $0x30, s0;
	v4 =	vld [tilespmem:s28+$0x18080];
	[tilespmem:s28+$0x41B0] =	vst v1  }
0xef: {  	s16 =	sor.u32 $0x200, s10;
	s15 =	sor.u32 $0x200, s14;
	s22 =	sor.u32 $0x200, s8;
	v1 =	vadd.f32 v3, v8;
	v3 =	vld [tilespmem:s28+$0x80];
	[tilespmem:s28+$0x61B0] =	vst v0  }
0xf0: {  	s6 =	sor.u32 $0x200, s0;
	s21 =	sor.u32 $0x280, s10;
	s18 =	sor.u32 $0x280, s14;
	v0 =	vadd.f32 v2, v8;
	v2 =	vld [tilespmem:s22+$0x18000]  }
0xf1: {  	s24 =	sor.u32 $0x280, s0;
	s17 =	sor.u32 $0x300, s10;
	s12 =	sor.u32 $0x300, s14;
	[tilespmem:s28+$0x0] =	vst v1;
	v1 =	vadd.f32 v5, v8;
	v5 =	vld [tilespmem:s22+$0x0]  }
0xf2: {  	s11 =	sor.u32 $0x380, s10;
	s10 =	sor.u32 $0x380, s14;
	s0 =	sor.u32 $0x300, s0;
	[tilespmem:s28+$0x2000] =	vst v0;
	v0 =	vadd.f32 v6, v8;
	v6 =	vld [tilespmem:s22+$0x2000]  }
0xf3: {  	[tilespmem:s28+$0x4000] =	vst v1;
	v1 =	vld [tilespmem:s22+$0x4000]  }
0xf4: {  	[tilespmem:s28+$0x6000] =	vst v0;
	v0 =	vadd.f32 v3, v4;
	v3 =	vld [tilespmem:s22+$0x6000]  }
0xf5: {  	v7 =	vld [tilespmem:s28+$0x2080]  }
0xf6: {  	[tilespmem:s28+$0x80] =	vst v0;
	v0 =	vld [tilespmem:s28+$0x4080];
	v5 =	vadd.f32 v5, v2  }
0xf7: {  	v8 =	vld [tilespmem:s28+$0x6080];
	v6 =	vadd.f32 v6, v2  }
0xf8: {  	v9 =	vld [tilespmem:s28+$0x18100];
	[tilespmem:s22+$0x0] =	vst v5;
	v1 =	vadd.f32 v1, v2  }
0xf9: {  	v5 =	vld [tilespmem:s28+$0x100];
	[tilespmem:s22+$0x2000] =	vst v6;
	v2 =	vadd.f32 v3, v2  }
0xfa: {  	v3 =	vadd.f32 v7, v4;
	v6 =	vld [tilespmem:s28+$0x2100];
	[tilespmem:s22+$0x4000] =	vst v1  }
0xfb: {  	s14 =	sor.u32 $0x280, s8;
	v0 =	vadd.f32 v0, v4;
	v1 =	vld [tilespmem:s28+$0x4100];
	[tilespmem:s22+$0x6000] =	vst v2  }
0xfc: {  	[tilespmem:s28+$0x2080] =	vst v3;
	v2 =	vadd.f32 v8, v4;
	v3 =	vld [tilespmem:s14+$0x18000]  }
0xfd: {  	[tilespmem:s28+$0x4080] =	vst v0;
	v0 =	vld [tilespmem:s14+$0x0]  }
0xfe: {  	[tilespmem:s28+$0x6080] =	vst v2;
	v2 =	vadd.f32 v5, v9;
	v4 =	vld [tilespmem:s14+$0x2000]  }
0xff: {  	v5 =	vadd.f32 v6, v9;
	v6 =	vld [tilespmem:s14+$0x4000]  }
0x100: {  	[tilespmem:s28+$0x100] =	vst v2;
	v1 =	vadd.f32 v1, v9;
	v2 =	vld [tilespmem:s14+$0x6000]  }
0x101: {  	[tilespmem:s28+$0x2100] =	vst v5;
	v5 =	vld [tilespmem:s28+$0x6100]  }
0x102: {  	[tilespmem:s28+$0x4100] =	vst v1;
	v1 =	vld [tilespmem:s28+$0x18180];
	v0 =	vadd.f32 v0, v3  }
0x103: {  	v7 =	vld [tilespmem:s28+$0x180];
	v4 =	vadd.f32 v4, v3  }
0x104: {  	v8 =	vld [tilespmem:s28+$0x2180];
	[tilespmem:s14+$0x0] =	vst v0;
	v0 =	vadd.f32 v6, v3  }
0x105: {  	v6 =	vld [tilespmem:s28+$0x4180];
	[tilespmem:s14+$0x2000] =	vst v4;
	v2 =	vadd.f32 v2, v3  }
0x106: {  	v3 =	vadd.f32 v5, v9;
	v4 =	vld [tilespmem:s28+$0x6180];
	[tilespmem:s14+$0x4000] =	vst v0  }
0x107: {  	v5 =	vld [tilespmem:s28+$0x18010];
	[tilespmem:s14+$0x6000] =	vst v2;
	s14 =	sor.u32 $0x300, s8  }
0x108: {  	[tilespmem:s28+$0x6100] =	vst v3;
	v0 =	vadd.f32 v7, v1;
	v2 =	vld [tilespmem:s14+$0x18000]  }
0x109: {  	v3 =	vadd.f32 v8, v1;
	v7 =	vld [tilespmem:s14+$0x0]  }
0x10a: {  	[tilespmem:s28+$0x180] =	vst v0;
	v0 =	vadd.f32 v6, v1;
	v6 =	vld [tilespmem:s14+$0x2000]  }
0x10b: {  	[tilespmem:s28+$0x2180] =	vst v3;
	v1 =	vadd.f32 v4, v1;
	v3 =	vld [tilespmem:s14+$0x4000]  }
0x10c: {  	[tilespmem:s28+$0x4180] =	vst v0;
	v0 =	vld [tilespmem:s14+$0x6000]  }
0x10d: {  	[tilespmem:s28+$0x6180] =	vst v1;
	v1 =	vld [tilespmem:s28+$0x10]  }
0x10e: {  	v4 =	vld [tilespmem:s28+$0x2010];
	v7 =	vadd.f32 v7, v2  }
0x10f: {  	v8 =	vld [tilespmem:s28+$0x4010];
	v6 =	vadd.f32 v6, v2  }
0x110: {  	v9 =	vld [tilespmem:s28+$0x6010];
	[tilespmem:s14+$0x0] =	vst v7;
	v3 =	vadd.f32 v3, v2  }
0x111: {  	v7 =	vld [tilespmem:s28+$0x18090];
	[tilespmem:s14+$0x2000] =	vst v6;
	v0 =	vadd.f32 v0, v2  }
0x112: {  	v1 =	vadd.f32 v1, v5;
	v2 =	vld [tilespmem:s28+$0x90];
	[tilespmem:s14+$0x4000] =	vst v3  }
0x113: {  	s8 =	sor.u32 $0x380, s8;
	v3 =	vadd.f32 v4, v5;
	v4 =	vld [tilespmem:s28+$0x2090];
	[tilespmem:s14+$0x6000] =	vst v0  }
0x114: {  	[tilespmem:s28+$0x10] =	vst v1;
	v1 =	vadd.f32 v8, v5;
	v0 =	vld [tilespmem:s8+$0x18000]  }
0x115: {  	[tilespmem:s28+$0x2010] =	vst v3;
	v3 =	vadd.f32 v9, v5;
	v5 =	vld [tilespmem:s8+$0x6000]  }
0x116: {  	[tilespmem:s28+$0x4010] =	vst v1;
	v1 =	vld [tilespmem:s28+$0x4090]  }
0x117: {  	[tilespmem:s28+$0x6010] =	vst v3;
	v2 =	vadd.f32 v2, v7;
	v3 =	vld [tilespmem:s28+$0x6090]  }
0x118: {  	v4 =	vadd.f32 v4, v7;
	v6 =	vld [tilespmem:s28+$0x18110]  }
0x119: {  	[tilespmem:s28+$0x90] =	vst v2;
	v2 =	vld [tilespmem:s28+$0x110]  }
0x11a: {  	[tilespmem:s28+$0x2090] =	vst v4;
	v4 =	vld [tilespmem:s28+$0x2110];
	v5 =	vadd.f32 v5, v0  }
0x11b: {  	v1 =	vadd.f32 v1, v7;
	v8 =	vld [tilespmem:s28+$0x4110]  }
0x11c: {  	v3 =	vadd.f32 v3, v7;
	v7 =	vld [tilespmem:s28+$0x6110];
	[tilespmem:s8+$0x6000] =	vst v5  }
0x11d: {  	[tilespmem:s28+$0x4090] =	vst v1;
	v1 =	vld [tilespmem:s28+$0x18190]  }
0x11e: {  	[tilespmem:s28+$0x6090] =	vst v3;
	v2 =	vadd.f32 v2, v6;
	v3 =	vld [tilespmem:s28+$0x190]  }
0x11f: {  	v4 =	vadd.f32 v4, v6;
	v5 =	vld [tilespmem:s28+$0x2190]  }
0x120: {  	[tilespmem:s28+$0x110] =	vst v2;
	v2 =	vadd.f32 v8, v6;
	v8 =	vld [tilespmem:s28+$0x4190]  }
0x121: {  	[tilespmem:s28+$0x2110] =	vst v4;
	v4 =	vadd.f32 v7, v6;
	v6 =	vld [tilespmem:s28+$0x6190]  }
0x122: {  	[tilespmem:s28+$0x4110] =	vst v2;
	v2 =	vld [tilespmem:s28+$0x18020]  }
0x123: {  	[tilespmem:s28+$0x6110] =	vst v4;
	v3 =	vadd.f32 v3, v1;
	v4 =	vld [tilespmem:s28+$0x20]  }
0x124: {  	v5 =	vadd.f32 v5, v1;
	v7 =	vld [tilespmem:s28+$0x2020]  }
0x125: {  	[tilespmem:s28+$0x190] =	vst v3;
	v3 =	vadd.f32 v8, v1;
	v8 =	vld [tilespmem:s28+$0x4020]  }
0x126: {  	[tilespmem:s28+$0x2190] =	vst v5;
	v1 =	vadd.f32 v6, v1;
	v5 =	vld [tilespmem:s28+$0x6020]  }
0x127: {  	[tilespmem:s28+$0x4190] =	vst v3;
	v3 =	vld [tilespmem:s28+$0x180A0]  }
0x128: {  	[tilespmem:s28+$0x6190] =	vst v1;
	v1 =	vadd.f32 v4, v2;
	v4 =	vld [tilespmem:s28+$0xA0]  }
0x129: {  	v6 =	vadd.f32 v7, v2;
	v7 =	vld [tilespmem:s28+$0x20A0]  }
0x12a: {  	[tilespmem:s28+$0x20] =	vst v1;
	v1 =	vadd.f32 v8, v2;
	v8 =	vld [tilespmem:s28+$0x40A0]  }
0x12b: {  	[tilespmem:s28+$0x2020] =	vst v6;
	v2 =	vadd.f32 v5, v2;
	v5 =	vld [tilespmem:s28+$0x60A0]  }
0x12c: {  	[tilespmem:s28+$0x4020] =	vst v1;
	v1 =	vld [tilespmem:s28+$0x18120]  }
0x12d: {  	[tilespmem:s28+$0x6020] =	vst v2;
	v2 =	vadd.f32 v4, v3;
	v4 =	vld [tilespmem:s28+$0x120]  }
0x12e: {  	v6 =	vadd.f32 v7, v3;
	v7 =	vld [tilespmem:s28+$0x2120]  }
0x12f: {  	[tilespmem:s28+$0xA0] =	vst v2;
	v2 =	vadd.f32 v8, v3;
	v8 =	vld [tilespmem:s28+$0x4120]  }
0x130: {  	[tilespmem:s28+$0x20A0] =	vst v6;
	v3 =	vadd.f32 v5, v3;
	v5 =	vld [tilespmem:s28+$0x6120]  }
0x131: {  	[tilespmem:s28+$0x40A0] =	vst v2;
	v2 =	vld [tilespmem:s28+$0x181A0]  }
0x132: {  	[tilespmem:s28+$0x60A0] =	vst v3;
	v3 =	vadd.f32 v4, v1;
	v4 =	vld [tilespmem:s28+$0x1A0]  }
0x133: {  	v6 =	vadd.f32 v7, v1;
	v7 =	vld [tilespmem:s28+$0x21A0]  }
0x134: {  	[tilespmem:s28+$0x120] =	vst v3;
	v3 =	vadd.f32 v8, v1;
	v8 =	vld [tilespmem:s28+$0x41A0]  }
0x135: {  	[tilespmem:s28+$0x2120] =	vst v6;
	v1 =	vadd.f32 v5, v1;
	v5 =	vld [tilespmem:s28+$0x61A0]  }
0x136: {  	v6 =	vld [tilespmem:s6+$0x18000];
	[tilespmem:s28+$0x4120] =	vst v3  }
0x137: {  	v3 =	vld [tilespmem:s6+$0x0];
	[tilespmem:s28+$0x6120] =	vst v1;
	v1 =	vadd.f32 v4, v2  }
0x138: {  	v4 =	vld [tilespmem:s6+$0x2000];
	v7 =	vadd.f32 v7, v2  }
0x139: {  	v9 =	vld [tilespmem:s6+$0x4000];
	[tilespmem:s28+$0x1A0] =	vst v1;
	v1 =	vadd.f32 v8, v2  }
0x13a: {  	v8 =	vld [tilespmem:s6+$0x6000];
	[tilespmem:s28+$0x21A0] =	vst v7;
	v2 =	vadd.f32 v5, v2  }
0x13b: {  	v5 =	vld [tilespmem:s16+$0x18000];
	[tilespmem:s28+$0x41A0] =	vst v1  }
0x13c: {  	v1 =	vadd.f32 v3, v6;
	v3 =	vld [tilespmem:s16+$0x0];
	[tilespmem:s28+$0x61A0] =	vst v2  }
0x13d: {  	v2 =	vadd.f32 v4, v6;
	v4 =	vld [tilespmem:s16+$0x2000]  }
0x13e: {  	[tilespmem:s6+$0x0] =	vst v1;
	v1 =	vadd.f32 v9, v6;
	v7 =	vld [tilespmem:s16+$0x4000]  }
0x13f: {  	[tilespmem:s6+$0x2000] =	vst v2;
	v2 =	vadd.f32 v8, v6;
	v6 =	vld [tilespmem:s16+$0x6000]  }
0x140: {  	[tilespmem:s6+$0x4000] =	vst v1;
	v1 =	vld [tilespmem:s15+$0x18000]  }
0x141: {  	[tilespmem:s6+$0x6000] =	vst v2;
	v2 =	vadd.f32 v3, v5;
	v3 =	vld [tilespmem:s15+$0x0]  }
0x142: {  	v4 =	vadd.f32 v4, v5;
	v8 =	vld [tilespmem:s15+$0x2000]  }
0x143: {  	[tilespmem:s16+$0x0] =	vst v2;
	v2 =	vadd.f32 v7, v5;
	v7 =	vld [tilespmem:s15+$0x4000]  }
0x144: {  	[tilespmem:s16+$0x2000] =	vst v4;
	v4 =	vadd.f32 v6, v5;
	v5 =	vld [tilespmem:s15+$0x6000]  }
0x145: {  	v6 =	vld [tilespmem:s24+$0x18000];
	[tilespmem:s16+$0x4000] =	vst v2  }
0x146: {  	v2 =	vld [tilespmem:s24+$0x0];
	[tilespmem:s16+$0x6000] =	vst v4;
	v3 =	vadd.f32 v3, v1  }
0x147: {  	v4 =	vld [tilespmem:s24+$0x2000];
	v8 =	vadd.f32 v8, v1  }
0x148: {  	v9 =	vld [tilespmem:s24+$0x4000];
	[tilespmem:s15+$0x0] =	vst v3;
	v3 =	vadd.f32 v7, v1  }
0x149: {  	v7 =	vld [tilespmem:s24+$0x6000];
	[tilespmem:s15+$0x2000] =	vst v8;
	v1 =	vadd.f32 v5, v1  }
0x14a: {  	v5 =	vld [tilespmem:s21+$0x18000];
	[tilespmem:s15+$0x4000] =	vst v3  }
0x14b: {  	v2 =	vadd.f32 v2, v6;
	v3 =	vld [tilespmem:s21+$0x0];
	[tilespmem:s15+$0x6000] =	vst v1  }
0x14c: {  	v1 =	vadd.f32 v4, v6;
	v4 =	vld [tilespmem:s21+$0x2000]  }
0x14d: {  	[tilespmem:s24+$0x0] =	vst v2;
	v2 =	vadd.f32 v9, v6;
	v8 =	vld [tilespmem:s21+$0x4000]  }
0x14e: {  	[tilespmem:s24+$0x2000] =	vst v1;
	v1 =	vadd.f32 v7, v6;
	v6 =	vld [tilespmem:s21+$0x6000]  }
0x14f: {  	[tilespmem:s24+$0x4000] =	vst v2;
	v2 =	vld [tilespmem:s18+$0x18000]  }
0x150: {  	[tilespmem:s24+$0x6000] =	vst v1;
	v1 =	vadd.f32 v3, v5;
	v3 =	vld [tilespmem:s18+$0x0]  }
0x151: {  	v4 =	vadd.f32 v4, v5;
	v7 =	vld [tilespmem:s18+$0x2000]  }
0x152: {  	[tilespmem:s21+$0x0] =	vst v1;
	v1 =	vadd.f32 v8, v5;
	v8 =	vld [tilespmem:s18+$0x4000]  }
0x153: {  	[tilespmem:s21+$0x2000] =	vst v4;
	v4 =	vadd.f32 v6, v5;
	v5 =	vld [tilespmem:s18+$0x6000]  }
0x154: {  	v6 =	vld [tilespmem:s0+$0x18000];
	[tilespmem:s21+$0x4000] =	vst v1  }
0x155: {  	v1 =	vld [tilespmem:s0+$0x0];
	[tilespmem:s21+$0x6000] =	vst v4;
	v3 =	vadd.f32 v3, v2  }
0x156: {  	v4 =	vld [tilespmem:s0+$0x2000];
	v7 =	vadd.f32 v7, v2  }
0x157: {  	v9 =	vld [tilespmem:s0+$0x4000];
	[tilespmem:s18+$0x0] =	vst v3;
	v3 =	vadd.f32 v8, v2  }
0x158: {  	v8 =	vld [tilespmem:s0+$0x6000];
	[tilespmem:s18+$0x2000] =	vst v7;
	v2 =	vadd.f32 v5, v2  }
0x159: {  	v5 =	vld [tilespmem:s17+$0x18000];
	[tilespmem:s18+$0x4000] =	vst v3  }
0x15a: {  	v1 =	vadd.f32 v1, v6;
	v3 =	vld [tilespmem:s17+$0x0];
	[tilespmem:s18+$0x6000] =	vst v2  }
0x15b: {  	v2 =	vadd.f32 v4, v6;
	v4 =	vld [tilespmem:s17+$0x2000]  }
0x15c: {  	[tilespmem:s0+$0x0] =	vst v1;
	v1 =	vadd.f32 v9, v6;
	v7 =	vld [tilespmem:s17+$0x4000]  }
0x15d: {  	[tilespmem:s0+$0x2000] =	vst v2;
	v2 =	vadd.f32 v8, v6;
	v6 =	vld [tilespmem:s17+$0x6000]  }
0x15e: {  	[tilespmem:s0+$0x4000] =	vst v1;
	v1 =	vld [tilespmem:s12+$0x18000]  }
0x15f: {  	[tilespmem:s0+$0x6000] =	vst v2;
	v2 =	vadd.f32 v3, v5;
	v3 =	vld [tilespmem:s12+$0x0]  }
0x160: {  	v4 =	vadd.f32 v4, v5;
	v8 =	vld [tilespmem:s12+$0x2000]  }
0x161: {  	[tilespmem:s17+$0x0] =	vst v2;
	v2 =	vadd.f32 v7, v5;
	v7 =	vld [tilespmem:s12+$0x4000]  }
0x162: {  	[tilespmem:s17+$0x2000] =	vst v4;
	v4 =	vadd.f32 v6, v5;
	v5 =	vld [tilespmem:s12+$0x6000]  }
0x163: {  	v6 =	vld [tilespmem:s9+$0x18000];
	[tilespmem:s17+$0x4000] =	vst v2  }
0x164: {  	v2 =	vld [tilespmem:s9+$0x0];
	[tilespmem:s17+$0x6000] =	vst v4;
	v3 =	vadd.f32 v3, v1  }
0x165: {  	v4 =	vld [tilespmem:s9+$0x2000];
	v8 =	vadd.f32 v8, v1  }
0x166: {  	v9 =	vld [tilespmem:s9+$0x4000];
	[tilespmem:s12+$0x0] =	vst v3;
	v3 =	vadd.f32 v7, v1  }
0x167: {  	v7 =	vld [tilespmem:s9+$0x6000];
	[tilespmem:s12+$0x2000] =	vst v8;
	v1 =	vadd.f32 v5, v1  }
0x168: {  	v8 =	vld [tilespmem:s11+$0x18000];
	[tilespmem:s12+$0x4000] =	vst v3  }
0x169: {  	v2 =	vadd.f32 v2, v6;
	v3 =	vld [tilespmem:s11+$0x0];
	[tilespmem:s12+$0x6000] =	vst v1  }
0x16a: {  	v1 =	vadd.f32 v4, v6;
	v4 =	vld [tilespmem:s11+$0x2000]  }
0x16b: {  	[tilespmem:s9+$0x0] =	vst v2;
	v2 =	vadd.f32 v9, v6;
	v9 =	vld [tilespmem:s11+$0x4000]  }
0x16c: {  	[tilespmem:s9+$0x2000] =	vst v1;
	v5 =	vadd.f32 v7, v6;
	v6 =	vld [tilespmem:s11+$0x6000]  }
.Ltmp2:
0x16d: {  	[tilespmem:s9+$0x4000] =	vst v2;
	v1 =	vld [tilespmem:s10+$0x18000];
	(pc) =	sbr.rel @p1 .LBB2_3-.Ltmp2, $4  }
0x16e: {  	[tilespmem:s9+$0x6000] =	vst v5;
	v2 =	vadd.f32 v3, v8;
	v5 =	vld [tilespmem:s10+$0x0]  }
0x16f: {  	v4 =	vadd.f32 v4, v8;
	v3 =	vld [tilespmem:s10+$0x2000]  }
0x170: {  	[tilespmem:s11+$0x0] =	vst v2;
	v7 =	vadd.f32 v9, v8;
	v2 =	vld [tilespmem:s10+$0x4000]  }
0x171: {  	[tilespmem:s11+$0x2000] =	vst v4;
	v6 =	vadd.f32 v6, v8;
	v4 =	vld [tilespmem:s10+$0x6000]  }
0x172: {  	v8 =	vld [tilespmem:s8+$0x0]  }
0x173: {  	[tilespmem:s11+$0x4000] =	vst v7;
	v5 =	vadd.f32 v5, v1  }
0x174: {  	[tilespmem:s11+$0x6000] =	vst v6;
	v3 =	vadd.f32 v3, v1  }
0x175: {  	v7 =	vld [tilespmem:s8+$0x2000];
	[tilespmem:s10+$0x0] =	vst v5;
	v2 =	vadd.f32 v2, v1  }
0x176: {  	v6 =	vld [tilespmem:s8+$0x4000];
	[tilespmem:s10+$0x2000] =	vst v3;
	v1 =	vadd.f32 v4, v1  }
0x177: {  	[tilespmem:s10+$0x4000] =	vst v2;
	v2 =	vadd.f32 v8, v0  }
0x178: {  	[tilespmem:s10+$0x6000] =	vst v1  }
0x179: {  	s0 =	smul.u32 $0x18, s1;
	[tilespmem:s8+$0x0] =	vst v2  }
0x17a: {  	v1 =	vadd.f32 v7, v0;
	s3 =	rddreg [dreg:$0x4]  }
0x17b: {  	p0 =	seq.s32 s1, $0x0;
	v0 =	vadd.f32 v6, v0;
	s0 =	sadd.s32 s3, s0  }
0x17c: {  	s21 =	rddreg [dreg:$0x2];
	p1 =	seq.s32 @!p0 s1, $0xA;
	[tilespmem:s8+$0x2000] =	vst v1;
	s0 =	sshll.u32 s0, $0x7  }
0x17d: {  	p0 =	por p1, p0;
	[tilespmem:s8+$0x4000] =	vst v0;
	s0 =	sadd.s32 s21, s0  }
0x17e: {  	[hbm4b:s0+s19] =	stream.strided.scatter [tilespmem:s5], [sflag:$0x4], $0x8000, s20, s19, $0x38;
	[tilespmem:$0x1E000] =	vst v63  }
0x17f: {  	s23 =	smul.u32 $0x3, s1;
	s0 =	simm.s32 @!p0 $0x6  }
0x180: {  	_ =	swait.ge @!p0 [sflag:s0], $0x8000  }
0x181: {  	s6 =	sadd.s32 @!p0 s23, s13;
	[sflag:s0] =	ssyncset.done @!p0 $0x0  }
0x182: {  	s7 =	simm.s32 @!p0 $0x0;
	[sflag:s0] =	ssyncadd.s32 @!p0 $0xFFFF8000;
	s0 =	sshll.u32 @!p0 s6, $0xA  }
0x183: {  	s8 =	simm.s32 @!p0 $0x1C000;
	s6 =	sadd.s32 @!p0 s4, s0;
	s0 =	sadd.s32 @!p0 s2, s0  }
0x184: {  	[tilespmem:s8], [sflag:$0x3] =	stream.linear.gather @!p0 [hbm4b:s6+s7], $0x2000, $0x38;
	[tilespmem:$0x1E000] =	vst v63  }
0x185: {  	s6 =	simm.s32 @!p0 $0x2000;
	s7 =	simm.s32 @!p0 $0x800000;
	s8 =	simm.s32 @!p0 $0x10000  }
0x186: {  	[tilespmem:s8], [sflag:$0x3] =	stream.strided.gather @!p0 [hbm4b:s0+s6], $0x8000, s7, s6, $0x38;
	[tilespmem:$0x1E000] =	vst v63  }
0x187: {  	_ =	swait.ge [sflag:s26], $0x2000  }
0x188: {  	[sflag:s26] =	ssyncset.done $0x0  }
0x189: {  	[sflag:s26] =	ssyncadd.s32 $0xFFFFE000  }
0x18a: {  	s7 =	simm.s32 $0x0;
	s8 =	simm.s32 $0x0;
	_ =	swait.ge [sflag:s26], $0x8000  }
0x18b: {  	s22 =	sand.u32 $0x40, s8;
	s24 =	sand.u32 $0x1C00, s7;
	[sflag:s26] =	ssyncset.done $0x0  }
0x18c: {  	s0 =	sor.u32 s22, s24;
	[sflag:s26] =	ssyncadd.s32 $0xFFFF8000  }
0x18d: {  	v0 =	vld [tilespmem:s0+$0x1A030]  }
0x18e: {  	v1 =	vld [tilespmem:s0+$0x8030]  }
0x18f: {  	v2 =	vld [tilespmem:s0+$0xA030]  }
0x190: {  	v3 =	vld [tilespmem:s0+$0xC030]  }
0x191: {  	v4 =	vld [tilespmem:s0+$0xE030]  }
0x192: {  	v5 =	vld [tilespmem:s0+$0x1A0B0]  }
0x193: {  	v6 =	vld [tilespmem:s0+$0x80B0]  }
0x194: {  	v7 =	vld [tilespmem:s0+$0xA0B0]  }
0x195: {  	v8 =	vld [tilespmem:s0+$0xC0B0]  }
0x196: {  	v9 =	vld [tilespmem:s0+$0xE0B0]  }
0x197: {  	v10 =	vld [tilespmem:s0+$0x1A130]  }
0x198: {  	v12 =	vld [tilespmem:s0+$0xA080]  }
0x199: {  	v13 =	vld [tilespmem:s0+$0xC080]  }
0x19a: {  	v14 =	vld [tilespmem:s0+$0xE080]  }
0x19b: {  	v15 =	vld [tilespmem:s0+$0x1A100]  }
0x19c: {  	v55 =	vld [tilespmem:s0+$0x8100]  }
0x19d: {  	v56 =	vld [tilespmem:s0+$0xA100]  }
0x19e: {  	v19 =	vld [tilespmem:s0+$0xE100]  }
0x19f: {  	v20 =	vld [tilespmem:s0+$0x1A180]  }
0x1a0: {  	v21 =	vld [tilespmem:s0+$0x8180]  }
0x1a1: {  	v22 =	vld [tilespmem:s0+$0xA180]  }
0x1a2: {  	v59 =	vld [tilespmem:s0+$0xC180];
	v1 =	vadd.f32 v1, v0  }
0x1a3: {  	v60 =	vld [tilespmem:s0+$0xE180];
	v2 =	vadd.f32 v2, v0  }
0x1a4: {  	[tilespmem:s0+$0x8030] =	vst v1;
	v1 =	vadd.f32 v3, v0;
	v3 =	vld [tilespmem:s0+$0x8130]  }
0x1a5: {  	[tilespmem:s0+$0xA030] =	vst v2;
	v0 =	vadd.f32 v4, v0;
	v2 =	vld [tilespmem:s0+$0xA130]  }
0x1a6: {  	v4 =	vld [tilespmem:s0+$0xC130];
	[tilespmem:s0+$0xC030] =	vst v1;
	v1 =	vadd.f32 v6, v5  }
0x1a7: {  	[tilespmem:s0+$0xE030] =	vst v0;
	v0 =	vadd.f32 v7, v5;
	v6 =	vld [tilespmem:s0+$0xE130]  }
0x1a8: {  	v7 =	vld [tilespmem:s0+$0x1A1B0];
	[tilespmem:s0+$0x80B0] =	vst v1;
	v1 =	vadd.f32 v8, v5  }
0x1a9: {  	[tilespmem:s0+$0xA0B0] =	vst v0;
	v0 =	vadd.f32 v9, v5;
	v5 =	vld [tilespmem:s0+$0x81B0]  }
0x1aa: {  	[tilespmem:s0+$0xC0B0] =	vst v1;
	v1 =	vadd.f32 v3, v10;
	v3 =	vld [tilespmem:s0+$0xA1B0]  }
0x1ab: {  	[tilespmem:s0+$0xE0B0] =	vst v0;
	v0 =	vadd.f32 v2, v10;
	v2 =	vld [tilespmem:s0+$0xC1B0]  }
0x1ac: {  	[tilespmem:s0+$0x8130] =	vst v1;
	v1 =	vadd.f32 v4, v10;
	v4 =	vld [tilespmem:s0+$0xE1B0]  }
0x1ad: {  	v61 =	vld [tilespmem:s0+$0x1A010];
	[tilespmem:s0+$0xA130] =	vst v0;
	v0 =	vadd.f32 v6, v10  }
0x1ae: {  	p0 =	por $0x0, $0x0;
	s6 =	simm.s32 $0x1;
	v25 =	vld [tilespmem:s0+$0x8090];
	[tilespmem:s0+$0xC130] =	vst v1;
	v1 =	vadd.f32 v5, v7  }
0x1af: {  	s6 =	simm.s32 @!p0 $0x0;
	v26 =	vld [tilespmem:s0+$0xA090];
	[tilespmem:s0+$0xE130] =	vst v0;
	v0 =	vadd.f32 v3, v7  }
0x1b0: {  	s6 =	sshll.u32 s6, $0x6;
	v27 =	vld [tilespmem:s0+$0xC090];
	[tilespmem:s0+$0x81B0] =	vst v1;
	v1 =	vadd.f32 v2, v7  }
0x1b1: {  	s6 =	sadd.s32 $0x0, s6;
	v28 =	vld [tilespmem:s0+$0xE090];
	[tilespmem:s0+$0xA1B0] =	vst v0;
	v0 =	vadd.f32 v4, v7  }
0x1b2: {  	s9 =	sadd.s32 $0x30, s6;
	v29 =	vld [tilespmem:s0+$0x1A110];
	[tilespmem:s0+$0xC1B0] =	vst v1  }
0x1b3: {  	s28 =	sor.u32 $0x200, s9;
	v30 =	vld [tilespmem:s0+$0x8110];
	[tilespmem:s0+$0xE1B0] =	vst v0  }
0x1b4: {  	v0 =	vld [tilespmem:s28+$0x1A000]  }
0x1b5: {  	v7 =	vld [tilespmem:s28+$0x8000]  }
0x1b6: {  	v53 =	vld [tilespmem:s28+$0xA000]  }
0x1b7: {  	v54 =	vld [tilespmem:s28+$0xC000]  }
0x1b8: {  	v11 =	vld [tilespmem:s28+$0xE000]  }
0x1b9: {  	v8 =	vld [tilespmem:s0+$0x1A000]  }
0x1ba: {  	v6 =	vld [tilespmem:s0+$0x8000];
	v7 =	vadd.f32 v7, v0  }
0x1bb: {  	v5 =	vld [tilespmem:s0+$0xA000];
	v9 =	vadd.f32 v53, v0  }
0x1bc: {  	v3 =	vld [tilespmem:s0+$0xC000];
	[tilespmem:s28+$0x8000] =	vst v7;
	v7 =	vadd.f32 v54, v0  }
0x1bd: {  	v2 =	vld [tilespmem:s0+$0xE000];
	[tilespmem:s28+$0xA000] =	vst v9;
	v0 =	vadd.f32 v11, v0  }
0x1be: {  	v10 =	vadd.f32 v55, v15;
	v4 =	vld [tilespmem:s0+$0x1A080];
	[tilespmem:s28+$0xC000] =	vst v7  }
0x1bf: {  	s3 =	sor.u32 $0x280, s9;
	v6 =	vadd.f32 v6, v8;
	v1 =	vld [tilespmem:s0+$0x8080];
	[tilespmem:s28+$0xE000] =	vst v0  }
0x1c0: {  	[tilespmem:s0+$0x8100] =	vst v10;
	v5 =	vadd.f32 v5, v8;
	v0 =	vld [tilespmem:s3+$0x1A000]  }
0x1c1: {  	[tilespmem:s0+$0x8000] =	vst v6;
	v3 =	vadd.f32 v3, v8;
	v57 =	vld [tilespmem:s3+$0x8000]  }
0x1c2: {  	[tilespmem:s0+$0xA000] =	vst v5;
	v2 =	vadd.f32 v2, v8;
	v16 =	vld [tilespmem:s3+$0xA000]  }
0x1c3: {  	[tilespmem:s0+$0xC000] =	vst v3;
	v12 =	vadd.f32 v12, v4;
	v17 =	vld [tilespmem:s3+$0xC000]  }
0x1c4: {  	v13 =	vadd.f32 v13, v4;
	[tilespmem:s0+$0xE000] =	vst v2;
	v18 =	vld [tilespmem:s3+$0xE000]  }
0x1c5: {  	v31 =	vld [tilespmem:s0+$0xA110];
	v1 =	vadd.f32 v1, v4;
	v4 =	vadd.f32 v14, v4;
	[tilespmem:s0+$0xA080] =	vst v12  }
0x1c6: {  	v32 =	vld [tilespmem:s0+$0xC110];
	[tilespmem:s0+$0xC080] =	vst v13;
	v11 =	vadd.f32 v57, v0  }
0x1c7: {  	v5 =	vld [tilespmem:s0+$0x8010];
	[tilespmem:s0+$0xE080] =	vst v4;
	v16 =	vadd.f32 v16, v0  }
0x1c8: {  	v33 =	vld [tilespmem:s0+$0xE110];
	v58 =	vadd.f32 v17, v0;
	[tilespmem:s3+$0x8000] =	vst v11  }
0x1c9: {  	v3 =	vld [tilespmem:s0+$0xA010];
	v0 =	vadd.f32 v18, v0;
	[tilespmem:s3+$0xA000] =	vst v16  }
0x1ca: {  	v7 =	vld [tilespmem:s0+$0xC100];
	[tilespmem:s3+$0xC000] =	vst v58  }
0x1cb: {  	s5 =	sor.u32 $0x300, s9;
	v2 =	vld [tilespmem:s0+$0xC010];
	v4 =	vadd.f32 v56, v15;
	[tilespmem:s3+$0xE000] =	vst v0  }
0x1cc: {  	[tilespmem:s0+$0x8080] =	vst v1;
	v5 =	vadd.f32 v5, v61;
	v0 =	vld [tilespmem:s5+$0x1A000]  }
0x1cd: {  	[tilespmem:s0+$0xA100] =	vst v4;
	v4 =	vadd.f32 v19, v15;
	v62 =	vld [tilespmem:s5+$0x8000]  }
0x1ce: {  	v3 =	vadd.f32 v3, v61;
	[tilespmem:s0+$0x8010] =	vst v5;
	v23 =	vld [tilespmem:s5+$0xA000]  }
0x1cf: {  	[tilespmem:s0+$0xE100] =	vst v4;
	v7 =	vadd.f32 v7, v15;
	v24 =	vld [tilespmem:s5+$0xC000]  }
0x1d0: {  	v4 =	vadd.f32 v22, v20;
	[tilespmem:s0+$0xA010] =	vst v3;
	v6 =	vld [tilespmem:s5+$0xE000]  }
0x1d1: {  	v34 =	vld [tilespmem:s0+$0x1A190];
	[tilespmem:s0+$0xC100] =	vst v7;
	v7 =	vadd.f32 v21, v20  }
0x1d2: {  	v35 =	vld [tilespmem:s0+$0x1A020];
	[tilespmem:s0+$0xA180] =	vst v4;
	v8 =	vadd.f32 v62, v0  }
0x1d3: {  	v36 =	vld [tilespmem:s0+$0x8020];
	v2 =	vadd.f32 v2, v61;
	v4 =	vadd.f32 v60, v20;
	[tilespmem:s0+$0x8180] =	vst v7  }
0x1d4: {  	v7 =	vadd.f32 v59, v20;
	v63 =	vadd.f32 v23, v0;
	[tilespmem:s5+$0x8000] =	vst v8;
	v8 =	vld [tilespmem:s0+$0xE010]  }
0x1d5: {  	[tilespmem:s0+$0xC010] =	vst v2;
	v24 =	vadd.f32 v24, v0;
	v0 =	vadd.f32 v6, v0;
	v6 =	vld [tilespmem:s0+$0x1A090]  }
0x1d6: {  	v37 =	vld [tilespmem:s0+$0xA020];
	[tilespmem:s0+$0xE180] =	vst v4  }
0x1d7: {  	v38 =	vld [tilespmem:s0+$0xE020];
	[tilespmem:s0+$0xC180] =	vst v7  }
0x1d8: {  	v39 =	vld [tilespmem:s0+$0x1A0A0];
	[tilespmem:s5+$0xA000] =	vst v63  }
0x1d9: {  	v40 =	vld [tilespmem:s0+$0x80A0];
	[tilespmem:s5+$0xC000] =	vst v24;
	v3 =	vadd.f32 v8, v61  }
0x1da: {  	v41 =	vld [tilespmem:s0+$0xA0A0];
	[tilespmem:s5+$0xE000] =	vst v0;
	v2 =	vadd.f32 v25, v6  }
0x1db: {  	v42 =	vld [tilespmem:s0+$0xA120];
	[tilespmem:s0+$0xE010] =	vst v3;
	v3 =	vadd.f32 v26, v6  }
0x1dc: {  	v43 =	vld [tilespmem:s0+$0xC120];
	[tilespmem:s0+$0x8090] =	vst v2;
	v2 =	vadd.f32 v27, v6  }
0x1dd: {  	v7 =	vld [tilespmem:s0+$0x8190];
	[tilespmem:s0+$0xA090] =	vst v3;
	v3 =	vadd.f32 v28, v6  }
0x1de: {  	v4 =	vld [tilespmem:s0+$0xA190];
	[tilespmem:s0+$0xC090] =	vst v2;
	v2 =	vadd.f32 v30, v29  }
0x1df: {  	v5 =	vld [tilespmem:s0+$0xC190];
	[tilespmem:s0+$0xE090] =	vst v3;
	v3 =	vadd.f32 v31, v29  }
0x1e0: {  	v8 =	vld [tilespmem:s0+$0xE190];
	[tilespmem:s0+$0x8110] =	vst v2;
	v2 =	vadd.f32 v32, v29  }
0x1e1: {  	v44 =	vld [tilespmem:s0+$0x1A1A0];
	[tilespmem:s0+$0xA110] =	vst v3;
	v3 =	vadd.f32 v33, v29  }
0x1e2: {  	v45 =	vld [tilespmem:s0+$0x81A0];
	[tilespmem:s0+$0xC110] =	vst v2;
	v2 =	vadd.f32 v7, v34  }
0x1e3: {  	v6 =	vld [tilespmem:s0+$0xC020];
	[tilespmem:s0+$0xE110] =	vst v3;
	v3 =	vadd.f32 v4, v34  }
0x1e4: {  	s12 =	sor.u32 $0x200, s6;
	v46 =	vld [tilespmem:s0+$0xA1A0];
	[tilespmem:s0+$0x8190] =	vst v2;
	v2 =	vadd.f32 v5, v34  }
0x1e5: {  	v47 =	vld [tilespmem:s12+$0x8000];
	[tilespmem:s0+$0xA190] =	vst v3;
	v3 =	vadd.f32 v8, v34  }
0x1e6: {  	v7 =	vld [tilespmem:s0+$0xC0A0];
	[tilespmem:s0+$0xC190] =	vst v2;
	v2 =	vadd.f32 v36, v35  }
0x1e7: {  	v5 =	vld [tilespmem:s0+$0x1A120];
	[tilespmem:s0+$0xE190] =	vst v3;
	v3 =	vadd.f32 v37, v35  }
0x1e8: {  	v4 =	vld [tilespmem:s0+$0xE0A0];
	[tilespmem:s0+$0x8020] =	vst v2;
	v2 =	vadd.f32 v6, v35  }
0x1e9: {  	v8 =	vld [tilespmem:s0+$0x8120];
	[tilespmem:s0+$0xA020] =	vst v3;
	v3 =	vadd.f32 v38, v35  }
0x1ea: {  	s9 =	sor.u32 $0x380, s9;
	v48 =	vld [tilespmem:s12+$0xA000];
	[tilespmem:s0+$0xC020] =	vst v2;
	v2 =	vadd.f32 v40, v39  }
0x1eb: {  	v0 =	vld [tilespmem:s9+$0x1A000];
	[tilespmem:s0+$0xE020] =	vst v3;
	v3 =	vadd.f32 v41, v39  }
0x1ec: {  	s11 =	sadd.s32 $0x10, s6;
	v6 =	vld [tilespmem:s0+$0xE120];
	[tilespmem:s0+$0x80A0] =	vst v2;
	v2 =	vadd.f32 v7, v39  }
0x1ed: {  	s14 =	sor.u32 $0x200, s11;
	v1 =	vld [tilespmem:s9+$0xE000];
	[tilespmem:s0+$0xA0A0] =	vst v3;
	v3 =	vadd.f32 v4, v39  }
0x1ee: {  	v49 =	vld [tilespmem:s14+$0x1A000];
	[tilespmem:s0+$0xC0A0] =	vst v2;
	v2 =	vadd.f32 v8, v5  }
0x1ef: {  	v7 =	vld [tilespmem:s0+$0xC1A0];
	[tilespmem:s0+$0xE0A0] =	vst v3;
	v3 =	vadd.f32 v42, v5  }
0x1f0: {  	v4 =	vld [tilespmem:s0+$0xE1A0];
	[tilespmem:s0+$0x8120] =	vst v2;
	v2 =	vadd.f32 v43, v5  }
0x1f1: {  	v8 =	vld [tilespmem:s12+$0x1A000];
	[tilespmem:s0+$0xA120] =	vst v3;
	v3 =	vadd.f32 v6, v5  }
0x1f2: {  	[tilespmem:s0+$0xC120] =	vst v2;
	v2 =	vadd.f32 v45, v44;
	v6 =	vld [tilespmem:s12+$0xE000]  }
0x1f3: {  	v50 =	vld [tilespmem:s14+$0xE000];
	[tilespmem:s0+$0xE120] =	vst v3;
	v3 =	vadd.f32 v46, v44  }
0x1f4: {  	[tilespmem:s0+$0x81A0] =	vst v2;
	v2 =	vadd.f32 v7, v44;
	v7 =	vld [tilespmem:s14+$0x8000]  }
0x1f5: {  	v5 =	vld [tilespmem:s12+$0xC000];
	[tilespmem:s0+$0xA1A0] =	vst v3;
	v3 =	vadd.f32 v4, v44  }
0x1f6: {  	s15 =	sadd.s32 $0x20, s6;
	[tilespmem:s0+$0xC1A0] =	vst v2;
	v2 =	vld [tilespmem:s14+$0xC000]  }
0x1f7: {  	s16 =	sor.u32 $0x200, s15;
	v4 =	vld [tilespmem:s14+$0xA000];
	v6 =	vadd.f32 v6, v8;
	[tilespmem:s0+$0xE1A0] =	vst v3  }
0x1f8: {  	v3 =	vadd.f32 v47, v8;
	v52 =	vld [tilespmem:s16+$0x1A000]  }
0x1f9: {  	v51 =	vadd.f32 v48, v8;
	[tilespmem:s12+$0xE000] =	vst v6;
	v6 =	vadd.f32 v7, v49;
	v7 =	vld [tilespmem:s16+$0xE000]  }
0x1fa: {  	[tilespmem:s12+$0x8000] =	vst v3;
	v3 =	vadd.f32 v5, v8;
	v5 =	vld [tilespmem:s16+$0x8000]  }
0x1fb: {  	[tilespmem:s12+$0xA000] =	vst v51;
	v8 =	vld [tilespmem:s16+$0xA000]  }
0x1fc: {  	s17 =	sor.u32 $0x280, s6;
	[tilespmem:s12+$0xC000] =	vst v3;
	v3 =	vld [tilespmem:s16+$0xC000]  }
0x1fd: {  	v4 =	vadd.f32 v4, v49;
	v11 =	vld [tilespmem:s17+$0x1A000]  }
0x1fe: {  	v2 =	vadd.f32 v2, v49;
	[tilespmem:s14+$0x8000] =	vst v6;
	v6 =	vld [tilespmem:s17+$0x8000]  }
0x1ff: {  	[tilespmem:s14+$0xA000] =	vst v4;
	v4 =	vadd.f32 v50, v49;
	v53 =	vld [tilespmem:s17+$0xA000]  }
0x200: {  	[tilespmem:s14+$0xC000] =	vst v2;
	v2 =	vld [tilespmem:s17+$0xC000]  }
0x201: {  	s18 =	sor.u32 $0x280, s11;
	v7 =	vadd.f32 v7, v52;
	[tilespmem:s14+$0xE000] =	vst v4;
	v4 =	vadd.f32 v5, v52;
	v5 =	vld [tilespmem:s17+$0xE000]  }
0x202: {  	v54 =	vld [tilespmem:s18+$0x1A000]  }
0x203: {  	v8 =	vadd.f32 v8, v52;
	[tilespmem:s16+$0xE000] =	vst v7;
	v7 =	vld [tilespmem:s18+$0xE000]  }
0x204: {  	[tilespmem:s16+$0x8000] =	vst v4;
	v3 =	vadd.f32 v3, v52;
	v4 =	vld [tilespmem:s18+$0x8000]  }
0x205: {  	[tilespmem:s16+$0xA000] =	vst v8;
	v8 =	vld [tilespmem:s18+$0xA000]  }
0x206: {  	s21 =	sor.u32 $0x280, s15;
	v6 =	vadd.f32 v6, v11;
	[tilespmem:s16+$0xC000] =	vst v3;
	v3 =	vld [tilespmem:s18+$0xC000]  }
0x207: {  	v9 =	vadd.f32 v53, v11;
	v55 =	vld [tilespmem:s21+$0x1A000]  }
0x208: {  	v2 =	vadd.f32 v2, v11;
	[tilespmem:s17+$0x8000] =	vst v6;
	v6 =	vld [tilespmem:s21+$0x8000]  }
0x209: {  	[tilespmem:s17+$0xA000] =	vst v9;
	v5 =	vadd.f32 v5, v11;
	v56 =	vld [tilespmem:s21+$0xA000]  }
0x20a: {  	[tilespmem:s17+$0xC000] =	vst v2;
	v2 =	vld [tilespmem:s21+$0xC000]  }
0x20b: {  	s6 =	sor.u32 $0x300, s6;
	v7 =	vadd.f32 v7, v54;
	[tilespmem:s17+$0xE000] =	vst v5;
	v5 =	vld [tilespmem:s21+$0xE000]  }
0x20c: {  	v4 =	vadd.f32 v4, v54;
	v57 =	vld [tilespmem:s6+$0x1A000]  }
0x20d: {  	v8 =	vadd.f32 v8, v54;
	[tilespmem:s18+$0xE000] =	vst v7;
	v7 =	vld [tilespmem:s6+$0xE000]  }
0x20e: {  	[tilespmem:s18+$0x8000] =	vst v4;
	v3 =	vadd.f32 v3, v54;
	v4 =	vld [tilespmem:s6+$0x8000]  }
0x20f: {  	[tilespmem:s18+$0xA000] =	vst v8;
	v8 =	vld [tilespmem:s6+$0xA000]  }
0x210: {  	s22 =	sor.u32 $0x300, s11;
	v6 =	vadd.f32 v6, v55;
	[tilespmem:s18+$0xC000] =	vst v3;
	v3 =	vld [tilespmem:s6+$0xC000]  }
0x211: {  	v9 =	vadd.f32 v56, v55;
	v58 =	vld [tilespmem:s22+$0x1A000]  }
0x212: {  	v2 =	vadd.f32 v2, v55;
	[tilespmem:s21+$0x8000] =	vst v6;
	v6 =	vld [tilespmem:s22+$0x8000]  }
0x213: {  	[tilespmem:s21+$0xA000] =	vst v9;
	v5 =	vadd.f32 v5, v55;
	v59 =	vld [tilespmem:s22+$0xA000]  }
0x214: {  	[tilespmem:s21+$0xC000] =	vst v2;
	v2 =	vld [tilespmem:s22+$0xC000]  }
0x215: {  	s24 =	sor.u32 $0x300, s15;
	v7 =	vadd.f32 v7, v57;
	[tilespmem:s21+$0xE000] =	vst v5;
	v5 =	vld [tilespmem:s22+$0xE000]  }
0x216: {  	v4 =	vadd.f32 v4, v57;
	v60 =	vld [tilespmem:s24+$0x1A000]  }
0x217: {  	v8 =	vadd.f32 v8, v57;
	[tilespmem:s6+$0xE000] =	vst v7;
	v61 =	vld [tilespmem:s24+$0xE000]  }
0x218: {  	[tilespmem:s6+$0x8000] =	vst v4;
	v3 =	vadd.f32 v3, v57;
	v4 =	vld [tilespmem:s24+$0x8000]  }
0x219: {  	s28 =	sor.u32 s7, s8;
	[tilespmem:s6+$0xA000] =	vst v8;
	v8 =	vld [tilespmem:s24+$0xA000];
	v7 =	vadd.f32 v59, v58  }
0x21a: {  	s0 =	sor.u32 $0x380, s28;
	[tilespmem:s6+$0xC000] =	vst v3;
	v3 =	vadd.f32 v6, v58;
	v6 =	vld [tilespmem:s24+$0xC000]  }
0x21b: {  	v2 =	vadd.f32 v2, v58;
	[tilespmem:s22+$0xA000] =	vst v7;
	v7 =	vld [tilespmem:s0+$0x8000]  }
0x21c: {  	v5 =	vadd.f32 v5, v58;
	[tilespmem:s22+$0x8000] =	vst v3;
	v3 =	vld [tilespmem:s0+$0x1A000]  }
0x21d: {  	[tilespmem:s22+$0xC000] =	vst v2;
	v2 =	vadd.f32 v4, v60;
	v4 =	vld [tilespmem:s0+$0xA000]  }
0x21e: {  	[tilespmem:s22+$0xE000] =	vst v5;
	v5 =	vadd.f32 v8, v60;
	v8 =	vld [tilespmem:s0+$0xC000]  }
0x21f: {  	s12 =	sor.u32 $0x380, s11;
	[tilespmem:s24+$0x8000] =	vst v2;
	v2 =	vadd.f32 v6, v60;
	v6 =	vld [tilespmem:s0+$0xE000]  }
0x220: {  	v62 =	vld [tilespmem:s12+$0x1A000];
	[tilespmem:s24+$0xA000] =	vst v5;
	v5 =	vadd.f32 v61, v60  }
0x221: {  	[tilespmem:s24+$0xC000] =	vst v2;
	v2 =	vadd.f32 v7, v3;
	v7 =	vld [tilespmem:s12+$0x8000]  }
0x222: {  	v63 =	vld [tilespmem:s12+$0xA000];
	[tilespmem:s24+$0xE000] =	vst v5;
	v4 =	vadd.f32 v4, v3  }
0x223: {  	[tilespmem:s0+$0x8000] =	vst v2;
	v2 =	vadd.f32 v8, v3;
	v8 =	vld [tilespmem:s12+$0xC000]  }
0x224: {  	s11 =	sor.u32 $0x380, s15;
	[tilespmem:s0+$0xA000] =	vst v4;
	v3 =	vadd.f32 v6, v3;
	v4 =	vld [tilespmem:s12+$0xE000]  }
0x225: {  	v5 =	vld [tilespmem:s11+$0x8000];
	v6 =	vadd.f32 v1, v0;
	[tilespmem:s0+$0xC000] =	vst v2  }
0x226: {  	v1 =	vld [tilespmem:s11+$0x1A000];
	[tilespmem:s0+$0xE000] =	vst v3;
	v2 =	vadd.f32 v7, v62  }
0x227: {  	[tilespmem:s9+$0xE000] =	vst v6;
	v6 =	vadd.f32 v63, v62;
	v3 =	vld [tilespmem:s11+$0xA000]  }
0x228: {  	[tilespmem:s12+$0x8000] =	vst v2;
	v2 =	vld [tilespmem:s11+$0xC000];
	v7 =	vadd.f32 v8, v62  }
0x229: {  	[tilespmem:s12+$0xA000] =	vst v6;
	v6 =	vadd.f32 v4, v62;
	v4 =	vld [tilespmem:s11+$0xE000]  }
.LBB2_5:
0x22a: {  	s8 =	sadd.s32 $0x40, s8;
	[tilespmem:s12+$0xC000] =	vst v7;
	v7 =	vld [tilespmem:s9+$0x8000];
	s7 =	sadd.s32 $0x200, s7  }
0x22b: {  	s0 =	sand.u32 $0x40, s8;
	s6 =	sand.u32 $0x1C00, s7;
	s10 =	sor.u32 s7, s8;
	[tilespmem:s12+$0xE000] =	vst v6;
	v5 =	vadd.f32 v5, v1;
	v6 =	vld [tilespmem:s9+$0xA000]  }
0x22c: {  	p1 =	slt.u32 s8, $0x3C0;
	s0 =	sor.u32 s0, s6;
	s10 =	sor.u32 $0x380, s10;
	v3 =	vadd.f32 v3, v1;
	v8 =	vld [tilespmem:s9+$0xC000]  }
0x22d: {  	v9 =	vld [tilespmem:s0+$0x1A030];
	[tilespmem:s11+$0x8000] =	vst v5;
	v2 =	vadd.f32 v2, v1  }
0x22e: {  	v5 =	vld [tilespmem:s0+$0x8030];
	[tilespmem:s11+$0xA000] =	vst v3;
	v1 =	vadd.f32 v4, v1  }
0x22f: {  	v3 =	vld [tilespmem:s0+$0xA030];
	[tilespmem:s11+$0xC000] =	vst v2;
	v2 =	vadd.f32 v7, v0  }
0x230: {  	v4 =	vld [tilespmem:s0+$0xC030];
	[tilespmem:s11+$0xE000] =	vst v1;
	v1 =	vadd.f32 v6, v0  }
0x231: {  	v6 =	vld [tilespmem:s0+$0xE030];
	[tilespmem:s9+$0x8000] =	vst v2;
	v0 =	vadd.f32 v8, v0  }
0x232: {  	v2 =	vld [tilespmem:s0+$0x1A0B0];
	[tilespmem:s9+$0xA000] =	vst v1  }
0x233: {  	v1 =	vld [tilespmem:s0+$0x80B0];
	[tilespmem:s9+$0xC000] =	vst v0  }
0x234: {  	v0 =	vld [tilespmem:s0+$0xA0B0]  }
0x235: {  	v7 =	vld [tilespmem:s0+$0xC0B0]  }
0x236: {  	v5 =	vadd.f32 v5, v9;
	v8 =	vld [tilespmem:s0+$0xE0B0]  }
0x237: {  	v3 =	vadd.f32 v3, v9;
	v10 =	vld [tilespmem:s0+$0x1A130]  }
0x238: {  	v4 =	vadd.f32 v4, v9;
	[tilespmem:s0+$0x8030] =	vst v5;
	v5 =	vld [tilespmem:s0+$0x8130]  }
0x239: {  	[tilespmem:s0+$0xA030] =	vst v3;
	v3 =	vadd.f32 v6, v9;
	v6 =	vld [tilespmem:s0+$0xA130]  }
0x23a: {  	v1 =	vadd.f32 v1, v2;
	[tilespmem:s0+$0xC030] =	vst v4;
	v4 =	vld [tilespmem:s0+$0xC130]  }
0x23b: {  	v0 =	vadd.f32 v0, v2;
	[tilespmem:s0+$0xE030] =	vst v3;
	v3 =	vld [tilespmem:s0+$0xE130]  }
0x23c: {  	[tilespmem:s0+$0x80B0] =	vst v1;
	v1 =	vadd.f32 v7, v2;
	v7 =	vld [tilespmem:s0+$0x1A1B0]  }
0x23d: {  	[tilespmem:s0+$0xA0B0] =	vst v0;
	v0 =	vadd.f32 v8, v2;
	v2 =	vld [tilespmem:s0+$0x81B0]  }
0x23e: {  	[tilespmem:s0+$0xC0B0] =	vst v1;
	v1 =	vadd.f32 v5, v10;
	v5 =	vld [tilespmem:s0+$0xA1B0]  }
0x23f: {  	[tilespmem:s0+$0xE0B0] =	vst v0;
	v0 =	vadd.f32 v6, v10;
	v6 =	vld [tilespmem:s0+$0xC1B0]  }
0x240: {  	[tilespmem:s0+$0x8130] =	vst v1;
	v1 =	vadd.f32 v4, v10;
	v4 =	vld [tilespmem:s0+$0xE1B0]  }
0x241: {  	v8 =	vld [tilespmem:s0+$0x1A000];
	[tilespmem:s0+$0xA130] =	vst v0;
	v0 =	vadd.f32 v3, v10  }
0x242: {  	p0 =	por !p0, !p0;
	s6 =	simm.s32 $0x1;
	v3 =	vld [tilespmem:s0+$0x8000];
	[tilespmem:s0+$0xC130] =	vst v1;
	v1 =	vadd.f32 v2, v7  }
0x243: {  	s6 =	simm.s32 @!p0 $0x0;
	v2 =	vld [tilespmem:s0+$0xA000];
	[tilespmem:s0+$0xE130] =	vst v0;
	v0 =	vadd.f32 v5, v7  }
0x244: {  	s6 =	sshll.u32 s6, $0x6;
	v5 =	vld [tilespmem:s0+$0xC000];
	[tilespmem:s0+$0x81B0] =	vst v1;
	v1 =	vadd.f32 v6, v7  }
0x245: {  	s11 =	sadd.s32 s6, s7;
	v6 =	vld [tilespmem:s0+$0xE000];
	[tilespmem:s0+$0xA1B0] =	vst v0;
	v0 =	vadd.f32 v4, v7  }
0x246: {  	s12 =	sadd.s32 $0x10, s11;
	s22 =	sadd.s32 $0x20, s11;
	s9 =	sadd.s32 $0x30, s11;
	v4 =	vld [tilespmem:s0+$0x1A080];
	[tilespmem:s0+$0xC1B0] =	vst v1  }
0x247: {  	s6 =	sor.u32 $0x200, s12;
	s16 =	sor.u32 $0x200, s22;
	s5 =	sor.u32 $0x200, s9;
	v1 =	vadd.f32 v3, v8;
	v3 =	vld [tilespmem:s0+$0x8080];
	[tilespmem:s0+$0xE1B0] =	vst v0  }
0x248: {  	s14 =	sor.u32 $0x200, s11;
	s24 =	sor.u32 $0x280, s12;
	s21 =	sor.u32 $0x280, s22;
	v0 =	vadd.f32 v2, v8;
	v2 =	vld [tilespmem:s5+$0x1A000]  }
0x249: {  	s15 =	sor.u32 $0x280, s11;
	s28 =	sor.u32 $0x300, s12;
	s17 =	sor.u32 $0x300, s22;
	[tilespmem:s0+$0x8000] =	vst v1;
	v1 =	vadd.f32 v5, v8;
	v5 =	vld [tilespmem:s5+$0x8000]  }
0x24a: {  	s18 =	sor.u32 $0x300, s11;
	s12 =	sor.u32 $0x380, s12;
	s11 =	sor.u32 $0x380, s22;
	[tilespmem:s0+$0xA000] =	vst v0;
	v0 =	vadd.f32 v6, v8;
	v6 =	vld [tilespmem:s5+$0xA000]  }
0x24b: {  	[tilespmem:s0+$0xC000] =	vst v1;
	v1 =	vld [tilespmem:s5+$0xC000]  }
0x24c: {  	[tilespmem:s0+$0xE000] =	vst v0;
	v0 =	vadd.f32 v3, v4;
	v3 =	vld [tilespmem:s5+$0xE000]  }
0x24d: {  	v7 =	vld [tilespmem:s0+$0xA080]  }
0x24e: {  	[tilespmem:s0+$0x8080] =	vst v0;
	v0 =	vld [tilespmem:s0+$0xC080];
	v5 =	vadd.f32 v5, v2  }
0x24f: {  	v8 =	vld [tilespmem:s0+$0xE080];
	v6 =	vadd.f32 v6, v2  }
0x250: {  	v9 =	vld [tilespmem:s0+$0x1A100];
	[tilespmem:s5+$0x8000] =	vst v5;
	v1 =	vadd.f32 v1, v2  }
0x251: {  	v5 =	vld [tilespmem:s0+$0x8100];
	[tilespmem:s5+$0xA000] =	vst v6;
	v2 =	vadd.f32 v3, v2  }
0x252: {  	v3 =	vadd.f32 v7, v4;
	v6 =	vld [tilespmem:s0+$0xA100];
	[tilespmem:s5+$0xC000] =	vst v1  }
0x253: {  	v0 =	vadd.f32 v0, v4;
	v1 =	vld [tilespmem:s0+$0xC100];
	[tilespmem:s5+$0xE000] =	vst v2;
	s5 =	sor.u32 $0x280, s9  }
0x254: {  	[tilespmem:s0+$0xA080] =	vst v3;
	v2 =	vadd.f32 v8, v4;
	v3 =	vld [tilespmem:s5+$0x1A000]  }
0x255: {  	[tilespmem:s0+$0xC080] =	vst v0;
	v0 =	vld [tilespmem:s5+$0x8000]  }
0x256: {  	[tilespmem:s0+$0xE080] =	vst v2;
	v2 =	vadd.f32 v5, v9;
	v4 =	vld [tilespmem:s5+$0xA000]  }
0x257: {  	v5 =	vadd.f32 v6, v9;
	v6 =	vld [tilespmem:s5+$0xC000]  }
0x258: {  	[tilespmem:s0+$0x8100] =	vst v2;
	v1 =	vadd.f32 v1, v9;
	v2 =	vld [tilespmem:s5+$0xE000]  }
0x259: {  	[tilespmem:s0+$0xA100] =	vst v5;
	v5 =	vld [tilespmem:s0+$0xE100]  }
0x25a: {  	[tilespmem:s0+$0xC100] =	vst v1;
	v1 =	vld [tilespmem:s0+$0x1A180];
	v0 =	vadd.f32 v0, v3  }
0x25b: {  	v7 =	vld [tilespmem:s0+$0x8180];
	v4 =	vadd.f32 v4, v3  }
0x25c: {  	v8 =	vld [tilespmem:s0+$0xA180];
	[tilespmem:s5+$0x8000] =	vst v0;
	v0 =	vadd.f32 v6, v3  }
0x25d: {  	v6 =	vld [tilespmem:s0+$0xC180];
	[tilespmem:s5+$0xA000] =	vst v4;
	v2 =	vadd.f32 v2, v3  }
0x25e: {  	v3 =	vadd.f32 v5, v9;
	v4 =	vld [tilespmem:s0+$0xE180];
	[tilespmem:s5+$0xC000] =	vst v0  }
0x25f: {  	v5 =	vld [tilespmem:s0+$0x1A010];
	[tilespmem:s5+$0xE000] =	vst v2;
	s5 =	sor.u32 $0x300, s9  }
0x260: {  	[tilespmem:s0+$0xE100] =	vst v3;
	v0 =	vadd.f32 v7, v1;
	v2 =	vld [tilespmem:s5+$0x1A000]  }
0x261: {  	v3 =	vadd.f32 v8, v1;
	v7 =	vld [tilespmem:s5+$0x8000]  }
0x262: {  	[tilespmem:s0+$0x8180] =	vst v0;
	v0 =	vadd.f32 v6, v1;
	v6 =	vld [tilespmem:s5+$0xA000]  }
0x263: {  	[tilespmem:s0+$0xA180] =	vst v3;
	v1 =	vadd.f32 v4, v1;
	v3 =	vld [tilespmem:s5+$0xC000]  }
0x264: {  	[tilespmem:s0+$0xC180] =	vst v0;
	v0 =	vld [tilespmem:s5+$0xE000]  }
0x265: {  	[tilespmem:s0+$0xE180] =	vst v1;
	v1 =	vld [tilespmem:s0+$0x8010]  }
0x266: {  	v4 =	vld [tilespmem:s0+$0xA010];
	v7 =	vadd.f32 v7, v2  }
0x267: {  	v8 =	vld [tilespmem:s0+$0xC010];
	v6 =	vadd.f32 v6, v2  }
0x268: {  	v9 =	vld [tilespmem:s0+$0xE010];
	[tilespmem:s5+$0x8000] =	vst v7;
	v3 =	vadd.f32 v3, v2  }
0x269: {  	v7 =	vld [tilespmem:s0+$0x1A090];
	[tilespmem:s5+$0xA000] =	vst v6;
	v0 =	vadd.f32 v0, v2  }
0x26a: {  	v1 =	vadd.f32 v1, v5;
	v2 =	vld [tilespmem:s0+$0x8090];
	[tilespmem:s5+$0xC000] =	vst v3  }
0x26b: {  	s9 =	sor.u32 $0x380, s9;
	v3 =	vadd.f32 v4, v5;
	v4 =	vld [tilespmem:s0+$0xA090];
	[tilespmem:s5+$0xE000] =	vst v0  }
0x26c: {  	[tilespmem:s0+$0x8010] =	vst v1;
	v1 =	vadd.f32 v8, v5;
	v0 =	vld [tilespmem:s9+$0x1A000]  }
0x26d: {  	[tilespmem:s0+$0xA010] =	vst v3;
	v3 =	vadd.f32 v9, v5;
	v5 =	vld [tilespmem:s9+$0xE000]  }
0x26e: {  	[tilespmem:s0+$0xC010] =	vst v1;
	v1 =	vld [tilespmem:s0+$0xC090]  }
0x26f: {  	[tilespmem:s0+$0xE010] =	vst v3;
	v2 =	vadd.f32 v2, v7;
	v3 =	vld [tilespmem:s0+$0xE090]  }
0x270: {  	v4 =	vadd.f32 v4, v7;
	v6 =	vld [tilespmem:s0+$0x1A110]  }
0x271: {  	[tilespmem:s0+$0x8090] =	vst v2;
	v2 =	vld [tilespmem:s0+$0x8110]  }
0x272: {  	[tilespmem:s0+$0xA090] =	vst v4;
	v4 =	vld [tilespmem:s0+$0xA110];
	v5 =	vadd.f32 v5, v0  }
0x273: {  	v1 =	vadd.f32 v1, v7;
	v8 =	vld [tilespmem:s0+$0xC110]  }
0x274: {  	v3 =	vadd.f32 v3, v7;
	v7 =	vld [tilespmem:s0+$0xE110];
	[tilespmem:s9+$0xE000] =	vst v5  }
0x275: {  	[tilespmem:s0+$0xC090] =	vst v1;
	v1 =	vld [tilespmem:s0+$0x1A190]  }
0x276: {  	[tilespmem:s0+$0xE090] =	vst v3;
	v2 =	vadd.f32 v2, v6;
	v3 =	vld [tilespmem:s0+$0x8190]  }
0x277: {  	v4 =	vadd.f32 v4, v6;
	v5 =	vld [tilespmem:s0+$0xA190]  }
0x278: {  	[tilespmem:s0+$0x8110] =	vst v2;
	v2 =	vadd.f32 v8, v6;
	v8 =	vld [tilespmem:s0+$0xC190]  }
0x279: {  	[tilespmem:s0+$0xA110] =	vst v4;
	v4 =	vadd.f32 v7, v6;
	v6 =	vld [tilespmem:s0+$0xE190]  }
0x27a: {  	[tilespmem:s0+$0xC110] =	vst v2;
	v2 =	vld [tilespmem:s0+$0x1A020]  }
0x27b: {  	[tilespmem:s0+$0xE110] =	vst v4;
	v3 =	vadd.f32 v3, v1;
	v4 =	vld [tilespmem:s0+$0x8020]  }
0x27c: {  	v5 =	vadd.f32 v5, v1;
	v7 =	vld [tilespmem:s0+$0xA020]  }
0x27d: {  	[tilespmem:s0+$0x8190] =	vst v3;
	v3 =	vadd.f32 v8, v1;
	v8 =	vld [tilespmem:s0+$0xC020]  }
0x27e: {  	[tilespmem:s0+$0xA190] =	vst v5;
	v1 =	vadd.f32 v6, v1;
	v5 =	vld [tilespmem:s0+$0xE020]  }
0x27f: {  	[tilespmem:s0+$0xC190] =	vst v3;
	v3 =	vld [tilespmem:s0+$0x1A0A0]  }
0x280: {  	[tilespmem:s0+$0xE190] =	vst v1;
	v1 =	vadd.f32 v4, v2;
	v4 =	vld [tilespmem:s0+$0x80A0]  }
0x281: {  	v6 =	vadd.f32 v7, v2;
	v7 =	vld [tilespmem:s0+$0xA0A0]  }
0x282: {  	[tilespmem:s0+$0x8020] =	vst v1;
	v1 =	vadd.f32 v8, v2;
	v8 =	vld [tilespmem:s0+$0xC0A0]  }
0x283: {  	[tilespmem:s0+$0xA020] =	vst v6;
	v2 =	vadd.f32 v5, v2;
	v5 =	vld [tilespmem:s0+$0xE0A0]  }
0x284: {  	[tilespmem:s0+$0xC020] =	vst v1;
	v1 =	vld [tilespmem:s0+$0x1A120]  }
0x285: {  	[tilespmem:s0+$0xE020] =	vst v2;
	v2 =	vadd.f32 v4, v3;
	v4 =	vld [tilespmem:s0+$0x8120]  }
0x286: {  	v6 =	vadd.f32 v7, v3;
	v7 =	vld [tilespmem:s0+$0xA120]  }
0x287: {  	[tilespmem:s0+$0x80A0] =	vst v2;
	v2 =	vadd.f32 v8, v3;
	v8 =	vld [tilespmem:s0+$0xC120]  }
0x288: {  	[tilespmem:s0+$0xA0A0] =	vst v6;
	v3 =	vadd.f32 v5, v3;
	v5 =	vld [tilespmem:s0+$0xE120]  }
0x289: {  	[tilespmem:s0+$0xC0A0] =	vst v2;
	v2 =	vld [tilespmem:s0+$0x1A1A0]  }
0x28a: {  	[tilespmem:s0+$0xE0A0] =	vst v3;
	v3 =	vadd.f32 v4, v1;
	v4 =	vld [tilespmem:s0+$0x81A0]  }
0x28b: {  	v6 =	vadd.f32 v7, v1;
	v7 =	vld [tilespmem:s0+$0xA1A0]  }
0x28c: {  	[tilespmem:s0+$0x8120] =	vst v3;
	v3 =	vadd.f32 v8, v1;
	v8 =	vld [tilespmem:s0+$0xC1A0]  }
0x28d: {  	[tilespmem:s0+$0xA120] =	vst v6;
	v1 =	vadd.f32 v5, v1;
	v5 =	vld [tilespmem:s0+$0xE1A0]  }
0x28e: {  	v6 =	vld [tilespmem:s14+$0x1A000];
	[tilespmem:s0+$0xC120] =	vst v3  }
0x28f: {  	v3 =	vld [tilespmem:s14+$0x8000];
	[tilespmem:s0+$0xE120] =	vst v1;
	v1 =	vadd.f32 v4, v2  }
0x290: {  	v4 =	vld [tilespmem:s14+$0xA000];
	v7 =	vadd.f32 v7, v2  }
0x291: {  	v9 =	vld [tilespmem:s14+$0xC000];
	[tilespmem:s0+$0x81A0] =	vst v1;
	v1 =	vadd.f32 v8, v2  }
0x292: {  	v8 =	vld [tilespmem:s14+$0xE000];
	[tilespmem:s0+$0xA1A0] =	vst v7;
	v2 =	vadd.f32 v5, v2  }
0x293: {  	v5 =	vld [tilespmem:s6+$0x1A000];
	[tilespmem:s0+$0xC1A0] =	vst v1  }
0x294: {  	v1 =	vadd.f32 v3, v6;
	v3 =	vld [tilespmem:s6+$0x8000];
	[tilespmem:s0+$0xE1A0] =	vst v2  }
0x295: {  	v2 =	vadd.f32 v4, v6;
	v4 =	vld [tilespmem:s6+$0xA000]  }
0x296: {  	[tilespmem:s14+$0x8000] =	vst v1;
	v1 =	vadd.f32 v9, v6;
	v7 =	vld [tilespmem:s6+$0xC000]  }
0x297: {  	[tilespmem:s14+$0xA000] =	vst v2;
	v2 =	vadd.f32 v8, v6;
	v6 =	vld [tilespmem:s6+$0xE000]  }
0x298: {  	[tilespmem:s14+$0xC000] =	vst v1;
	v1 =	vld [tilespmem:s16+$0x1A000]  }
0x299: {  	[tilespmem:s14+$0xE000] =	vst v2;
	v2 =	vadd.f32 v3, v5;
	v3 =	vld [tilespmem:s16+$0x8000]  }
0x29a: {  	v4 =	vadd.f32 v4, v5;
	v8 =	vld [tilespmem:s16+$0xA000]  }
0x29b: {  	[tilespmem:s6+$0x8000] =	vst v2;
	v2 =	vadd.f32 v7, v5;
	v7 =	vld [tilespmem:s16+$0xC000]  }
0x29c: {  	[tilespmem:s6+$0xA000] =	vst v4;
	v4 =	vadd.f32 v6, v5;
	v5 =	vld [tilespmem:s16+$0xE000]  }
0x29d: {  	v6 =	vld [tilespmem:s15+$0x1A000];
	[tilespmem:s6+$0xC000] =	vst v2  }
0x29e: {  	v2 =	vld [tilespmem:s15+$0x8000];
	[tilespmem:s6+$0xE000] =	vst v4;
	v3 =	vadd.f32 v3, v1  }
0x29f: {  	v4 =	vld [tilespmem:s15+$0xA000];
	v8 =	vadd.f32 v8, v1  }
0x2a0: {  	v9 =	vld [tilespmem:s15+$0xC000];
	[tilespmem:s16+$0x8000] =	vst v3;
	v3 =	vadd.f32 v7, v1  }
0x2a1: {  	v7 =	vld [tilespmem:s15+$0xE000];
	[tilespmem:s16+$0xA000] =	vst v8;
	v1 =	vadd.f32 v5, v1  }
0x2a2: {  	v5 =	vld [tilespmem:s24+$0x1A000];
	[tilespmem:s16+$0xC000] =	vst v3  }
0x2a3: {  	v2 =	vadd.f32 v2, v6;
	v3 =	vld [tilespmem:s24+$0x8000];
	[tilespmem:s16+$0xE000] =	vst v1  }
0x2a4: {  	v1 =	vadd.f32 v4, v6;
	v4 =	vld [tilespmem:s24+$0xA000]  }
0x2a5: {  	[tilespmem:s15+$0x8000] =	vst v2;
	v2 =	vadd.f32 v9, v6;
	v8 =	vld [tilespmem:s24+$0xC000]  }
0x2a6: {  	[tilespmem:s15+$0xA000] =	vst v1;
	v1 =	vadd.f32 v7, v6;
	v6 =	vld [tilespmem:s24+$0xE000]  }
0x2a7: {  	[tilespmem:s15+$0xC000] =	vst v2;
	v2 =	vld [tilespmem:s21+$0x1A000]  }
0x2a8: {  	[tilespmem:s15+$0xE000] =	vst v1;
	v1 =	vadd.f32 v3, v5;
	v3 =	vld [tilespmem:s21+$0x8000]  }
0x2a9: {  	v4 =	vadd.f32 v4, v5;
	v7 =	vld [tilespmem:s21+$0xA000]  }
0x2aa: {  	[tilespmem:s24+$0x8000] =	vst v1;
	v1 =	vadd.f32 v8, v5;
	v8 =	vld [tilespmem:s21+$0xC000]  }
0x2ab: {  	[tilespmem:s24+$0xA000] =	vst v4;
	v4 =	vadd.f32 v6, v5;
	v5 =	vld [tilespmem:s21+$0xE000]  }
0x2ac: {  	v6 =	vld [tilespmem:s18+$0x1A000];
	[tilespmem:s24+$0xC000] =	vst v1  }
0x2ad: {  	v1 =	vld [tilespmem:s18+$0x8000];
	[tilespmem:s24+$0xE000] =	vst v4;
	v3 =	vadd.f32 v3, v2  }
0x2ae: {  	v4 =	vld [tilespmem:s18+$0xA000];
	v7 =	vadd.f32 v7, v2  }
0x2af: {  	v9 =	vld [tilespmem:s18+$0xC000];
	[tilespmem:s21+$0x8000] =	vst v3;
	v3 =	vadd.f32 v8, v2  }
0x2b0: {  	v8 =	vld [tilespmem:s18+$0xE000];
	[tilespmem:s21+$0xA000] =	vst v7;
	v2 =	vadd.f32 v5, v2  }
0x2b1: {  	v5 =	vld [tilespmem:s28+$0x1A000];
	[tilespmem:s21+$0xC000] =	vst v3  }
0x2b2: {  	v1 =	vadd.f32 v1, v6;
	v3 =	vld [tilespmem:s28+$0x8000];
	[tilespmem:s21+$0xE000] =	vst v2  }
0x2b3: {  	v2 =	vadd.f32 v4, v6;
	v4 =	vld [tilespmem:s28+$0xA000]  }
0x2b4: {  	[tilespmem:s18+$0x8000] =	vst v1;
	v1 =	vadd.f32 v9, v6;
	v7 =	vld [tilespmem:s28+$0xC000]  }
0x2b5: {  	[tilespmem:s18+$0xA000] =	vst v2;
	v2 =	vadd.f32 v8, v6;
	v6 =	vld [tilespmem:s28+$0xE000]  }
0x2b6: {  	[tilespmem:s18+$0xC000] =	vst v1;
	v1 =	vld [tilespmem:s17+$0x1A000]  }
0x2b7: {  	[tilespmem:s18+$0xE000] =	vst v2;
	v2 =	vadd.f32 v3, v5;
	v3 =	vld [tilespmem:s17+$0x8000]  }
0x2b8: {  	v4 =	vadd.f32 v4, v5;
	v8 =	vld [tilespmem:s17+$0xA000]  }
0x2b9: {  	[tilespmem:s28+$0x8000] =	vst v2;
	v2 =	vadd.f32 v7, v5;
	v7 =	vld [tilespmem:s17+$0xC000]  }
0x2ba: {  	[tilespmem:s28+$0xA000] =	vst v4;
	v4 =	vadd.f32 v6, v5;
	v5 =	vld [tilespmem:s17+$0xE000]  }
0x2bb: {  	v6 =	vld [tilespmem:s10+$0x1A000];
	[tilespmem:s28+$0xC000] =	vst v2  }
0x2bc: {  	v2 =	vld [tilespmem:s10+$0x8000];
	[tilespmem:s28+$0xE000] =	vst v4;
	v3 =	vadd.f32 v3, v1  }
0x2bd: {  	v4 =	vld [tilespmem:s10+$0xA000];
	v8 =	vadd.f32 v8, v1  }
0x2be: {  	v9 =	vld [tilespmem:s10+$0xC000];
	[tilespmem:s17+$0x8000] =	vst v3;
	v3 =	vadd.f32 v7, v1  }
0x2bf: {  	v7 =	vld [tilespmem:s10+$0xE000];
	[tilespmem:s17+$0xA000] =	vst v8;
	v1 =	vadd.f32 v5, v1  }
0x2c0: {  	v8 =	vld [tilespmem:s12+$0x1A000];
	[tilespmem:s17+$0xC000] =	vst v3  }
0x2c1: {  	v2 =	vadd.f32 v2, v6;
	v3 =	vld [tilespmem:s12+$0x8000];
	[tilespmem:s17+$0xE000] =	vst v1  }
0x2c2: {  	v1 =	vadd.f32 v4, v6;
	v4 =	vld [tilespmem:s12+$0xA000]  }
0x2c3: {  	[tilespmem:s10+$0x8000] =	vst v2;
	v2 =	vadd.f32 v9, v6;
	v9 =	vld [tilespmem:s12+$0xC000]  }
0x2c4: {  	[tilespmem:s10+$0xA000] =	vst v1;
	v5 =	vadd.f32 v7, v6;
	v6 =	vld [tilespmem:s12+$0xE000]  }
.Ltmp3:
0x2c5: {  	[tilespmem:s10+$0xC000] =	vst v2;
	v1 =	vld [tilespmem:s11+$0x1A000];
	(pc) =	sbr.rel @p1 .LBB2_5-.Ltmp3, $4  }
0x2c6: {  	[tilespmem:s10+$0xE000] =	vst v5;
	v2 =	vadd.f32 v3, v8;
	v5 =	vld [tilespmem:s11+$0x8000]  }
0x2c7: {  	v4 =	vadd.f32 v4, v8;
	v3 =	vld [tilespmem:s11+$0xA000]  }
0x2c8: {  	[tilespmem:s12+$0x8000] =	vst v2;
	v7 =	vadd.f32 v9, v8;
	v2 =	vld [tilespmem:s11+$0xC000]  }
0x2c9: {  	[tilespmem:s12+$0xA000] =	vst v4;
	v6 =	vadd.f32 v6, v8;
	v4 =	vld [tilespmem:s11+$0xE000]  }
0x2ca: {  	v8 =	vld [tilespmem:s9+$0x8000]  }
0x2cb: {  	[tilespmem:s12+$0xC000] =	vst v7;
	v5 =	vadd.f32 v5, v1  }
0x2cc: {  	[tilespmem:s12+$0xE000] =	vst v6;
	v3 =	vadd.f32 v3, v1  }
0x2cd: {  	v58 =	vld [tilespmem:s9+$0xA000];
	[tilespmem:s11+$0x8000] =	vst v5;
	v2 =	vadd.f32 v2, v1  }
0x2ce: {  	v59 =	vld [tilespmem:s9+$0xC000];
	[tilespmem:s11+$0xA000] =	vst v3;
	v60 =	vadd.f32 v4, v1  }
0x2cf: {  	[tilespmem:s11+$0xC000] =	vst v2;
	v61 =	vadd.f32 v8, v0  }
0x2d0: {  	[tilespmem:s11+$0xE000] =	vst v60  }
0x2d1: {  	p0 =	seq.s32 s1, $0xA;
	[tilespmem:s9+$0x8000] =	vst v61  }
.Ltmp4:
0x2d2: {  	v62 =	vadd.f32 v58, v0;
	s0 =	rddreg [dreg:$0xb];
	(pc) =	sbr.rel @p0 .LBB2_10-.Ltmp4, $4  }
0x2d3: {  	v63 =	vadd.f32 v59, v0;
	s0 =	sadd.s32 s23, s0  }
0x2d4: {  	s3 =	rddreg [dreg:$0x2];
	[tilespmem:s9+$0xA000] =	vst v62;
	s0 =	sshll.u32 s0, $0xA  }
0x2d5: {  	s28 =	simm.s32 $0x8000;
	[tilespmem:s9+$0xC000] =	vst v63;
	s0 =	sadd.s32 s3, s0  }
0x2d6: {  	[hbm4b:s0+s19] =	stream.strided.scatter [tilespmem:s28], [sflag:$0x5], $0x8000, s20, s19, $0x38;
	[tilespmem:$0x1E000] =	vst v63  }
0x2d7: {  	_ =	swait.ge [sflag:s29], $0x8000  }
0x2d8: {  	s0 =	rddreg [dreg:$0xc]  }
0x2d9: {  	s0 =	sadd.s32 s23, s0  }
0x2da: {  	s7 =	simm.s32 $0x0;
	[sflag:s29] =	ssyncset.done $0x0;
	s0 =	sshll.u32 s0, $0xA  }
0x2db: {  	s3 =	simm.s32 $0x18000;
	[sflag:s29] =	ssyncadd.s32 $0xFFFF8000;
	s5 =	sadd.s32 s4, s0  }
0x2dc: {  	[tilespmem:s3], [sflag:$0x1] =	stream.linear.gather [hbm4b:s5+s7], $0x2000, $0x38;
	[tilespmem:$0x1E000] =	vst v63  }
0x2dd: {  	s0 =	sadd.s32 s2, s0  }
0x2de: {  	[tilespmem:s7], [sflag:$0x1] =	stream.strided.gather [hbm4b:s0+s19], $0x8000, s20, s19, $0x38;
	[tilespmem:$0x1E000] =	vst v63  }
0x2df: {  	_ =	swait.ge [sflag:s31], $0x2000  }
0x2e0: {  	[sflag:s31] =	ssyncset.done $0x0  }
0x2e1: {  	[sflag:s31] =	ssyncadd.s32 $0xFFFFE000  }
0x2e2: {  	s8 =	simm.s32 $0x0;
	_ =	swait.ge [sflag:s31], $0x8000  }
0x2e3: {  	s9 =	sand.u32 $0x40, s8;
	s10 =	sand.u32 $0x1C00, s7;
	[sflag:s31] =	ssyncset.done $0x0  }
0x2e4: {  	s0 =	sor.u32 s9, s10;
	[sflag:s31] =	ssyncadd.s32 $0xFFFF8000  }
0x2e5: {  	v0 =	vld [tilespmem:s0+$0x1C030]  }
0x2e6: {  	v1 =	vld [tilespmem:s0+$0x10030]  }
0x2e7: {  	v2 =	vld [tilespmem:s0+$0x12030]  }
0x2e8: {  	v3 =	vld [tilespmem:s0+$0x14030]  }
0x2e9: {  	v4 =	vld [tilespmem:s0+$0x16030]  }
0x2ea: {  	v5 =	vld [tilespmem:s0+$0x1C0B0]  }
0x2eb: {  	v6 =	vld [tilespmem:s0+$0x100B0]  }
0x2ec: {  	v7 =	vld [tilespmem:s0+$0x120B0]  }
0x2ed: {  	v8 =	vld [tilespmem:s0+$0x140B0]  }
0x2ee: {  	v9 =	vld [tilespmem:s0+$0x160B0]  }
0x2ef: {  	v10 =	vld [tilespmem:s0+$0x1C130]  }
0x2f0: {  	v12 =	vld [tilespmem:s0+$0x12080]  }
0x2f1: {  	v13 =	vld [tilespmem:s0+$0x14080]  }
0x2f2: {  	v14 =	vld [tilespmem:s0+$0x16080]  }
0x2f3: {  	v15 =	vld [tilespmem:s0+$0x1C100]  }
0x2f4: {  	v55 =	vld [tilespmem:s0+$0x10100]  }
0x2f5: {  	v56 =	vld [tilespmem:s0+$0x12100]  }
0x2f6: {  	v19 =	vld [tilespmem:s0+$0x16100]  }
0x2f7: {  	v20 =	vld [tilespmem:s0+$0x1C180]  }
0x2f8: {  	v21 =	vld [tilespmem:s0+$0x10180];
	v1 =	vadd.f32 v1, v0  }
0x2f9: {  	v22 =	vld [tilespmem:s0+$0x12180];
	v2 =	vadd.f32 v2, v0  }
0x2fa: {  	[tilespmem:s0+$0x10030] =	vst v1;
	v1 =	vadd.f32 v3, v0;
	v3 =	vld [tilespmem:s0+$0x10130]  }
0x2fb: {  	[tilespmem:s0+$0x12030] =	vst v2;
	v0 =	vadd.f32 v4, v0;
	v2 =	vld [tilespmem:s0+$0x12130]  }
0x2fc: {  	v4 =	vld [tilespmem:s0+$0x14130];
	[tilespmem:s0+$0x14030] =	vst v1;
	v1 =	vadd.f32 v6, v5  }
0x2fd: {  	[tilespmem:s0+$0x16030] =	vst v0;
	v0 =	vadd.f32 v7, v5;
	v6 =	vld [tilespmem:s0+$0x16130]  }
0x2fe: {  	v7 =	vld [tilespmem:s0+$0x1C1B0];
	[tilespmem:s0+$0x100B0] =	vst v1;
	v1 =	vadd.f32 v8, v5  }
0x2ff: {  	[tilespmem:s0+$0x120B0] =	vst v0;
	v0 =	vadd.f32 v9, v5;
	v5 =	vld [tilespmem:s0+$0x101B0]  }
0x300: {  	[tilespmem:s0+$0x140B0] =	vst v1;
	v1 =	vadd.f32 v3, v10;
	v3 =	vld [tilespmem:s0+$0x121B0]  }
0x301: {  	[tilespmem:s0+$0x160B0] =	vst v0;
	v0 =	vadd.f32 v2, v10;
	v2 =	vld [tilespmem:s0+$0x141B0]  }
0x302: {  	[tilespmem:s0+$0x10130] =	vst v1;
	v1 =	vadd.f32 v4, v10;
	v4 =	vld [tilespmem:s0+$0x161B0]  }
0x303: {  	v59 =	vld [tilespmem:s0+$0x14180];
	[tilespmem:s0+$0x12130] =	vst v0;
	v0 =	vadd.f32 v6, v10  }
0x304: {  	p0 =	por $0x0, $0x0;
	s5 =	simm.s32 $0x1;
	v60 =	vld [tilespmem:s0+$0x16180];
	[tilespmem:s0+$0x14130] =	vst v1;
	v1 =	vadd.f32 v5, v7  }
0x305: {  	s5 =	simm.s32 @!p0 $0x0;
	v61 =	vld [tilespmem:s0+$0x1C010];
	[tilespmem:s0+$0x16130] =	vst v0;
	v0 =	vadd.f32 v3, v7  }
0x306: {  	s5 =	sshll.u32 s5, $0x6;
	v25 =	vld [tilespmem:s0+$0x10090];
	[tilespmem:s0+$0x101B0] =	vst v1;
	v1 =	vadd.f32 v2, v7  }
0x307: {  	s6 =	sadd.s32 $0x0, s5;
	v26 =	vld [tilespmem:s0+$0x12090];
	[tilespmem:s0+$0x121B0] =	vst v0;
	v0 =	vadd.f32 v4, v7  }
0x308: {  	s9 =	sadd.s32 $0x30, s6;
	v27 =	vld [tilespmem:s0+$0x14090];
	[tilespmem:s0+$0x141B0] =	vst v1  }
0x309: {  	s11 =	sor.u32 $0x200, s9;
	v28 =	vld [tilespmem:s0+$0x16090];
	[tilespmem:s0+$0x161B0] =	vst v0  }
0x30a: {  	v0 =	vld [tilespmem:s11+$0x1C000]  }
0x30b: {  	v7 =	vld [tilespmem:s11+$0x10000]  }
0x30c: {  	v53 =	vld [tilespmem:s11+$0x12000]  }
0x30d: {  	v54 =	vld [tilespmem:s11+$0x14000]  }
0x30e: {  	v11 =	vld [tilespmem:s11+$0x16000]  }
0x30f: {  	v29 =	vld [tilespmem:s0+$0x1C110]  }
0x310: {  	v8 =	vld [tilespmem:s0+$0x1C000];
	v7 =	vadd.f32 v7, v0  }
0x311: {  	v6 =	vld [tilespmem:s0+$0x10000];
	v9 =	vadd.f32 v53, v0  }
0x312: {  	v5 =	vld [tilespmem:s0+$0x12000];
	[tilespmem:s11+$0x10000] =	vst v7;
	v7 =	vadd.f32 v54, v0  }
0x313: {  	v3 =	vld [tilespmem:s0+$0x14000];
	[tilespmem:s11+$0x12000] =	vst v9;
	v0 =	vadd.f32 v11, v0  }
0x314: {  	v2 =	vld [tilespmem:s0+$0x16000];
	[tilespmem:s11+$0x14000] =	vst v7  }
0x315: {  	s12 =	sor.u32 $0x280, s9;
	v10 =	vadd.f32 v55, v15;
	v4 =	vld [tilespmem:s0+$0x1C080];
	[tilespmem:s11+$0x16000] =	vst v0  }
0x316: {  	v6 =	vadd.f32 v6, v8;
	v0 =	vld [tilespmem:s12+$0x1C000]  }
0x317: {  	[tilespmem:s0+$0x10100] =	vst v10;
	v5 =	vadd.f32 v5, v8;
	v57 =	vld [tilespmem:s12+$0x10000]  }
0x318: {  	[tilespmem:s0+$0x10000] =	vst v6;
	v3 =	vadd.f32 v3, v8;
	v16 =	vld [tilespmem:s12+$0x12000]  }
0x319: {  	[tilespmem:s0+$0x12000] =	vst v5;
	v2 =	vadd.f32 v2, v8;
	v17 =	vld [tilespmem:s12+$0x14000]  }
0x31a: {  	[tilespmem:s0+$0x14000] =	vst v3;
	v12 =	vadd.f32 v12, v4;
	v18 =	vld [tilespmem:s12+$0x16000]  }
0x31b: {  	v1 =	vld [tilespmem:s0+$0x10080];
	v13 =	vadd.f32 v13, v4;
	[tilespmem:s0+$0x16000] =	vst v2  }
0x31c: {  	v30 =	vld [tilespmem:s0+$0x10110];
	[tilespmem:s0+$0x12080] =	vst v12;
	v11 =	vadd.f32 v57, v0  }
0x31d: {  	v31 =	vld [tilespmem:s0+$0x12110];
	[tilespmem:s0+$0x14080] =	vst v13;
	v16 =	vadd.f32 v16, v0  }
0x31e: {  	v5 =	vld [tilespmem:s0+$0x10010];
	v58 =	vadd.f32 v17, v0;
	[tilespmem:s12+$0x10000] =	vst v11  }
0x31f: {  	v3 =	vld [tilespmem:s0+$0x12010];
	v0 =	vadd.f32 v18, v0;
	[tilespmem:s12+$0x12000] =	vst v16  }
0x320: {  	v2 =	vld [tilespmem:s0+$0x14010];
	v1 =	vadd.f32 v1, v4;
	v4 =	vadd.f32 v14, v4;
	[tilespmem:s12+$0x14000] =	vst v58  }
0x321: {  	s14 =	sor.u32 $0x300, s9;
	v7 =	vld [tilespmem:s0+$0x14100];
	[tilespmem:s12+$0x16000] =	vst v0  }
0x322: {  	[tilespmem:s0+$0x16080] =	vst v4;
	v4 =	vadd.f32 v56, v15;
	v0 =	vld [tilespmem:s14+$0x1C000]  }
0x323: {  	[tilespmem:s0+$0x10080] =	vst v1;
	v5 =	vadd.f32 v5, v61;
	v62 =	vld [tilespmem:s14+$0x10000]  }
0x324: {  	[tilespmem:s0+$0x12100] =	vst v4;
	v4 =	vadd.f32 v19, v15;
	v23 =	vld [tilespmem:s14+$0x12000]  }
0x325: {  	v3 =	vadd.f32 v3, v61;
	[tilespmem:s0+$0x10010] =	vst v5;
	v24 =	vld [tilespmem:s14+$0x14000]  }
0x326: {  	[tilespmem:s0+$0x16100] =	vst v4;
	v4 =	vadd.f32 v22, v20;
	v6 =	vld [tilespmem:s14+$0x16000]  }
0x327: {  	v32 =	vld [tilespmem:s0+$0x14110];
	[tilespmem:s0+$0x12010] =	vst v3;
	v7 =	vadd.f32 v7, v15  }
0x328: {  	v33 =	vld [tilespmem:s0+$0x16110];
	v2 =	vadd.f32 v2, v61;
	[tilespmem:s0+$0x12180] =	vst v4  }
0x329: {  	v34 =	vld [tilespmem:s0+$0x1C190];
	v4 =	vadd.f32 v60, v20;
	[tilespmem:s0+$0x14100] =	vst v7;
	v7 =	vadd.f32 v21, v20  }
0x32a: {  	v35 =	vld [tilespmem:s0+$0x1C020];
	[tilespmem:s0+$0x14010] =	vst v2;
	v8 =	vadd.f32 v62, v0;
	v63 =	vadd.f32 v23, v0  }
0x32b: {  	[tilespmem:s0+$0x10180] =	vst v7;
	v24 =	vadd.f32 v24, v0;
	v0 =	vadd.f32 v6, v0;
	v6 =	vld [tilespmem:s0+$0x1C090]  }
0x32c: {  	v7 =	vadd.f32 v59, v20;
	[tilespmem:s14+$0x10000] =	vst v8;
	v8 =	vld [tilespmem:s0+$0x16010]  }
0x32d: {  	v36 =	vld [tilespmem:s0+$0x10020];
	[tilespmem:s0+$0x16180] =	vst v4  }
0x32e: {  	v37 =	vld [tilespmem:s0+$0x12020];
	[tilespmem:s0+$0x14180] =	vst v7  }
0x32f: {  	v38 =	vld [tilespmem:s0+$0x16020];
	[tilespmem:s14+$0x12000] =	vst v63  }
0x330: {  	v39 =	vld [tilespmem:s0+$0x1C0A0];
	[tilespmem:s14+$0x14000] =	vst v24;
	v2 =	vadd.f32 v25, v6  }
0x331: {  	v40 =	vld [tilespmem:s0+$0x100A0];
	[tilespmem:s14+$0x16000] =	vst v0;
	v3 =	vadd.f32 v8, v61  }
0x332: {  	v41 =	vld [tilespmem:s0+$0x120A0];
	[tilespmem:s0+$0x10090] =	vst v2;
	v2 =	vadd.f32 v27, v6  }
0x333: {  	v7 =	vld [tilespmem:s0+$0x10190];
	[tilespmem:s0+$0x16010] =	vst v3;
	v3 =	vadd.f32 v26, v6  }
0x334: {  	v42 =	vld [tilespmem:s0+$0x12120];
	[tilespmem:s0+$0x14090] =	vst v2;
	v2 =	vadd.f32 v30, v29  }
0x335: {  	v5 =	vld [tilespmem:s0+$0x14190];
	[tilespmem:s0+$0x12090] =	vst v3;
	v3 =	vadd.f32 v28, v6  }
0x336: {  	v4 =	vld [tilespmem:s0+$0x12190];
	[tilespmem:s0+$0x10110] =	vst v2;
	v2 =	vadd.f32 v32, v29  }
0x337: {  	v43 =	vld [tilespmem:s0+$0x14120];
	[tilespmem:s0+$0x16090] =	vst v3;
	v3 =	vadd.f32 v31, v29  }
0x338: {  	v8 =	vld [tilespmem:s0+$0x16190];
	[tilespmem:s0+$0x14110] =	vst v2;
	v2 =	vadd.f32 v7, v34  }
0x339: {  	v6 =	vld [tilespmem:s0+$0x14020];
	[tilespmem:s0+$0x12110] =	vst v3;
	v3 =	vadd.f32 v33, v29  }
0x33a: {  	v44 =	vld [tilespmem:s0+$0x1C1A0];
	[tilespmem:s0+$0x10190] =	vst v2;
	v2 =	vadd.f32 v5, v34  }
0x33b: {  	v45 =	vld [tilespmem:s0+$0x101A0];
	[tilespmem:s0+$0x16110] =	vst v3;
	v3 =	vadd.f32 v4, v34  }
0x33c: {  	v46 =	vld [tilespmem:s0+$0x121A0];
	[tilespmem:s0+$0x14190] =	vst v2;
	v2 =	vadd.f32 v36, v35  }
0x33d: {  	v7 =	vld [tilespmem:s0+$0x140A0];
	[tilespmem:s0+$0x12190] =	vst v3;
	v3 =	vadd.f32 v8, v34  }
0x33e: {  	v5 =	vld [tilespmem:s0+$0x1C120];
	[tilespmem:s0+$0x10020] =	vst v2;
	v2 =	vadd.f32 v6, v35  }
0x33f: {  	v8 =	vld [tilespmem:s0+$0x10120];
	[tilespmem:s0+$0x16190] =	vst v3;
	v3 =	vadd.f32 v37, v35  }
0x340: {  	s15 =	sor.u32 $0x200, s6;
	v4 =	vld [tilespmem:s0+$0x160A0];
	[tilespmem:s0+$0x14020] =	vst v2;
	v2 =	vadd.f32 v40, v39  }
0x341: {  	v47 =	vld [tilespmem:s15+$0x10000];
	[tilespmem:s0+$0x12020] =	vst v3;
	v3 =	vadd.f32 v38, v35  }
0x342: {  	s9 =	sor.u32 $0x380, s9;
	v48 =	vld [tilespmem:s15+$0x12000];
	[tilespmem:s0+$0x100A0] =	vst v2;
	v2 =	vadd.f32 v7, v39  }
0x343: {  	v0 =	vld [tilespmem:s9+$0x1C000];
	[tilespmem:s0+$0x16020] =	vst v3;
	v3 =	vadd.f32 v41, v39  }
0x344: {  	v6 =	vld [tilespmem:s0+$0x16120];
	[tilespmem:s0+$0x140A0] =	vst v2;
	v2 =	vadd.f32 v8, v5  }
0x345: {  	s10 =	sadd.s32 $0x10, s6;
	v7 =	vld [tilespmem:s0+$0x141A0];
	[tilespmem:s0+$0x120A0] =	vst v3;
	v3 =	vadd.f32 v4, v39  }
0x346: {  	s12 =	sor.u32 $0x200, s10;
	v1 =	vld [tilespmem:s9+$0x16000];
	[tilespmem:s0+$0x10120] =	vst v2;
	v2 =	vadd.f32 v43, v5  }
0x347: {  	v49 =	vld [tilespmem:s12+$0x1C000];
	[tilespmem:s0+$0x160A0] =	vst v3;
	v3 =	vadd.f32 v42, v5  }
0x348: {  	v4 =	vld [tilespmem:s0+$0x161A0];
	[tilespmem:s0+$0x14120] =	vst v2;
	v2 =	vadd.f32 v45, v44  }
0x349: {  	v8 =	vld [tilespmem:s15+$0x1C000];
	[tilespmem:s0+$0x12120] =	vst v3;
	v3 =	vadd.f32 v6, v5  }
0x34a: {  	v5 =	vld [tilespmem:s15+$0x14000];
	[tilespmem:s0+$0x101A0] =	vst v2;
	v2 =	vadd.f32 v7, v44  }
0x34b: {  	v6 =	vld [tilespmem:s15+$0x16000];
	[tilespmem:s0+$0x16120] =	vst v3;
	v3 =	vadd.f32 v46, v44  }
0x34c: {  	v7 =	vld [tilespmem:s12+$0x10000];
	[tilespmem:s0+$0x141A0] =	vst v2  }
0x34d: {  	v2 =	vld [tilespmem:s12+$0x14000];
	[tilespmem:s0+$0x121A0] =	vst v3;
	v3 =	vadd.f32 v4, v44  }
0x34e: {  	s11 =	sadd.s32 $0x20, s6;
	v4 =	vld [tilespmem:s12+$0x12000]  }
0x34f: {  	s14 =	sor.u32 $0x200, s11;
	v50 =	vadd.f32 v47, v8;
	[tilespmem:s0+$0x161A0] =	vst v3;
	v3 =	vld [tilespmem:s12+$0x16000]  }
0x350: {  	v51 =	vadd.f32 v48, v8;
	v52 =	vld [tilespmem:s14+$0x1C000]  }
0x351: {  	[tilespmem:s15+$0x10000] =	vst v50;
	v5 =	vadd.f32 v5, v8;
	v53 =	vld [tilespmem:s14+$0x10000]  }
0x352: {  	[tilespmem:s15+$0x12000] =	vst v51;
	v6 =	vadd.f32 v6, v8;
	v8 =	vld [tilespmem:s14+$0x12000]  }
0x353: {  	[tilespmem:s15+$0x14000] =	vst v5;
	v5 =	vld [tilespmem:s14+$0x14000]  }
0x354: {  	s16 =	sor.u32 $0x280, s6;
	[tilespmem:s15+$0x16000] =	vst v6;
	v6 =	vadd.f32 v7, v49;
	v7 =	vld [tilespmem:s14+$0x16000]  }
0x355: {  	v2 =	vadd.f32 v2, v49;
	v11 =	vld [tilespmem:s16+$0x1C000]  }
0x356: {  	v54 =	vld [tilespmem:s16+$0x16000];
	v4 =	vadd.f32 v4, v49;
	[tilespmem:s12+$0x10000] =	vst v6  }
0x357: {  	v6 =	vld [tilespmem:s16+$0x10000];
	[tilespmem:s12+$0x14000] =	vst v2;
	v3 =	vadd.f32 v3, v49  }
0x358: {  	v2 =	vld [tilespmem:s16+$0x14000];
	[tilespmem:s12+$0x12000] =	vst v4;
	v8 =	vadd.f32 v8, v52  }
0x359: {  	s17 =	sor.u32 $0x280, s10;
	v4 =	vld [tilespmem:s16+$0x12000];
	v7 =	vadd.f32 v7, v52;
	[tilespmem:s12+$0x16000] =	vst v3  }
0x35a: {  	v3 =	vadd.f32 v53, v52;
	v55 =	vld [tilespmem:s17+$0x1C000];
	[tilespmem:s14+$0x12000] =	vst v8  }
0x35b: {  	v8 =	vld [tilespmem:s17+$0x12000];
	[tilespmem:s14+$0x16000] =	vst v7  }
0x35c: {  	v7 =	vld [tilespmem:s17+$0x16000];
	[tilespmem:s14+$0x10000] =	vst v3;
	v3 =	vadd.f32 v5, v52  }
0x35d: {  	v5 =	vld [tilespmem:s17+$0x10000]  }
0x35e: {  	s18 =	sor.u32 $0x280, s11;
	v6 =	vadd.f32 v6, v11;
	[tilespmem:s14+$0x14000] =	vst v3;
	v3 =	vld [tilespmem:s17+$0x14000]  }
0x35f: {  	v4 =	vadd.f32 v4, v11;
	v56 =	vld [tilespmem:s18+$0x1C000]  }
0x360: {  	v2 =	vadd.f32 v2, v11;
	[tilespmem:s16+$0x10000] =	vst v6;
	v6 =	vld [tilespmem:s18+$0x10000]  }
0x361: {  	[tilespmem:s16+$0x12000] =	vst v4;
	v4 =	vadd.f32 v54, v11;
	v57 =	vld [tilespmem:s18+$0x12000]  }
0x362: {  	[tilespmem:s16+$0x14000] =	vst v2;
	v2 =	vld [tilespmem:s18+$0x14000]  }
0x363: {  	s6 =	sor.u32 $0x300, s6;
	v8 =	vadd.f32 v8, v55;
	[tilespmem:s16+$0x16000] =	vst v4;
	v4 =	vadd.f32 v5, v55;
	v5 =	vld [tilespmem:s18+$0x16000]  }
0x364: {  	v7 =	vadd.f32 v7, v55;
	v58 =	vld [tilespmem:s6+$0x1C000]  }
0x365: {  	[tilespmem:s17+$0x12000] =	vst v8;
	v8 =	vld [tilespmem:s6+$0x12000]  }
0x366: {  	[tilespmem:s17+$0x16000] =	vst v7;
	v7 =	vld [tilespmem:s6+$0x16000];
	v3 =	vadd.f32 v3, v55  }
0x367: {  	[tilespmem:s17+$0x10000] =	vst v4;
	v4 =	vld [tilespmem:s6+$0x10000]  }
0x368: {  	s21 =	sor.u32 $0x300, s10;
	v6 =	vadd.f32 v6, v56;
	[tilespmem:s17+$0x14000] =	vst v3;
	v3 =	vld [tilespmem:s6+$0x14000]  }
0x369: {  	v9 =	vadd.f32 v57, v56;
	v59 =	vld [tilespmem:s21+$0x1C000]  }
0x36a: {  	v2 =	vadd.f32 v2, v56;
	[tilespmem:s18+$0x10000] =	vst v6;
	v6 =	vld [tilespmem:s21+$0x10000]  }
0x36b: {  	[tilespmem:s18+$0x12000] =	vst v9;
	v5 =	vadd.f32 v5, v56;
	v60 =	vld [tilespmem:s21+$0x12000]  }
0x36c: {  	[tilespmem:s18+$0x14000] =	vst v2;
	v2 =	vld [tilespmem:s21+$0x14000]  }
0x36d: {  	s22 =	sor.u32 $0x300, s11;
	v8 =	vadd.f32 v8, v58;
	[tilespmem:s18+$0x16000] =	vst v5;
	v5 =	vld [tilespmem:s21+$0x16000]  }
0x36e: {  	v7 =	vadd.f32 v7, v58;
	v61 =	vld [tilespmem:s22+$0x1C000]  }
0x36f: {  	v4 =	vadd.f32 v4, v58;
	[tilespmem:s6+$0x12000] =	vst v8;
	v8 =	vld [tilespmem:s22+$0x12000]  }
0x370: {  	[tilespmem:s6+$0x16000] =	vst v7;
	v7 =	vld [tilespmem:s22+$0x16000];
	v3 =	vadd.f32 v3, v58  }
0x371: {  	s24 =	sor.u32 s7, s8;
	v1 =	vadd.f32 v1, v0;
	[tilespmem:s6+$0x10000] =	vst v4;
	v4 =	vld [tilespmem:s22+$0x10000]  }
0x372: {  	s28 =	sor.u32 $0x380, s24;
	v6 =	vadd.f32 v6, v59;
	[tilespmem:s6+$0x14000] =	vst v3;
	v3 =	vld [tilespmem:s22+$0x14000]  }
0x373: {  	[tilespmem:s9+$0x16000] =	vst v1;
	v1 =	vadd.f32 v60, v59;
	v62 =	vld [tilespmem:s28+$0x1C000]  }
0x374: {  	v2 =	vadd.f32 v2, v59;
	[tilespmem:s21+$0x10000] =	vst v6;
	v6 =	vld [tilespmem:s28+$0x10000]  }
0x375: {  	[tilespmem:s21+$0x12000] =	vst v1;
	v1 =	vadd.f32 v5, v59;
	v5 =	vld [tilespmem:s28+$0x12000]  }
0x376: {  	[tilespmem:s21+$0x14000] =	vst v2;
	v2 =	vadd.f32 v4, v61;
	v4 =	vld [tilespmem:s28+$0x14000]  }
0x377: {  	s12 =	sor.u32 $0x380, s10;
	[tilespmem:s21+$0x16000] =	vst v1;
	v1 =	vadd.f32 v8, v61;
	v8 =	vld [tilespmem:s28+$0x16000]  }
0x378: {  	v63 =	vld [tilespmem:s12+$0x1C000];
	[tilespmem:s22+$0x10000] =	vst v2;
	v2 =	vadd.f32 v3, v61  }
0x379: {  	[tilespmem:s22+$0x12000] =	vst v1;
	v1 =	vadd.f32 v7, v61;
	v3 =	vld [tilespmem:s12+$0x10000]  }
0x37a: {  	[tilespmem:s22+$0x14000] =	vst v2;
	v2 =	vadd.f32 v6, v62;
	v6 =	vld [tilespmem:s12+$0x12000]  }
0x37b: {  	v7 =	vld [tilespmem:s12+$0x14000];
	[tilespmem:s22+$0x16000] =	vst v1;
	v1 =	vadd.f32 v5, v62  }
0x37c: {  	s11 =	sor.u32 $0x380, s11;
	[tilespmem:s28+$0x10000] =	vst v2;
	v2 =	vadd.f32 v4, v62;
	v4 =	vld [tilespmem:s12+$0x16000]  }
0x37d: {  	v8 =	vadd.f32 v8, v62;
	v5 =	vld [tilespmem:s11+$0x10000];
	[tilespmem:s28+$0x12000] =	vst v1  }
0x37e: {  	v1 =	vld [tilespmem:s11+$0x1C000];
	[tilespmem:s28+$0x14000] =	vst v2;
	v2 =	vadd.f32 v3, v63  }
0x37f: {  	[tilespmem:s28+$0x16000] =	vst v8;
	v3 =	vld [tilespmem:s11+$0x12000];
	v6 =	vadd.f32 v6, v63  }
0x380: {  	v7 =	vadd.f32 v7, v63;
	[tilespmem:s12+$0x10000] =	vst v2;
	v2 =	vld [tilespmem:s11+$0x14000]  }
0x381: {  	s3 =	smov.u32 s2;
	[tilespmem:s12+$0x12000] =	vst v6;
	v6 =	vadd.f32 v4, v63;
	v4 =	vld [tilespmem:s11+$0x16000]  }
.LBB2_8:
0x382: {  	s8 =	sadd.s32 $0x40, s8;
	[tilespmem:s12+$0x14000] =	vst v7;
	v7 =	vld [tilespmem:s9+$0x10000];
	s7 =	sadd.s32 $0x200, s7  }
0x383: {  	s0 =	sand.u32 $0x40, s8;
	s5 =	sand.u32 $0x1C00, s7;
	s6 =	sor.u32 s7, s8;
	[tilespmem:s12+$0x16000] =	vst v6;
	v5 =	vadd.f32 v5, v1;
	v6 =	vld [tilespmem:s9+$0x12000]  }
0x384: {  	p1 =	slt.u32 s8, $0x3C0;
	s0 =	sor.u32 s0, s5;
	s10 =	sor.u32 $0x380, s6;
	v3 =	vadd.f32 v3, v1;
	v8 =	vld [tilespmem:s9+$0x14000]  }
0x385: {  	v9 =	vld [tilespmem:s0+$0x1C030];
	[tilespmem:s11+$0x10000] =	vst v5;
	v2 =	vadd.f32 v2, v1  }
0x386: {  	v5 =	vld [tilespmem:s0+$0x10030];
	[tilespmem:s11+$0x12000] =	vst v3;
	v1 =	vadd.f32 v4, v1  }
0x387: {  	v3 =	vld [tilespmem:s0+$0x12030];
	[tilespmem:s11+$0x14000] =	vst v2;
	v2 =	vadd.f32 v7, v0  }
0x388: {  	v4 =	vld [tilespmem:s0+$0x14030];
	[tilespmem:s11+$0x16000] =	vst v1;
	v1 =	vadd.f32 v6, v0  }
0x389: {  	v6 =	vld [tilespmem:s0+$0x16030];
	[tilespmem:s9+$0x10000] =	vst v2;
	v0 =	vadd.f32 v8, v0  }
0x38a: {  	v2 =	vld [tilespmem:s0+$0x1C0B0];
	[tilespmem:s9+$0x12000] =	vst v1  }
0x38b: {  	v1 =	vld [tilespmem:s0+$0x100B0];
	[tilespmem:s9+$0x14000] =	vst v0  }
0x38c: {  	v0 =	vld [tilespmem:s0+$0x120B0]  }
0x38d: {  	v7 =	vld [tilespmem:s0+$0x140B0]  }
0x38e: {  	v5 =	vadd.f32 v5, v9;
	v8 =	vld [tilespmem:s0+$0x160B0]  }
0x38f: {  	v3 =	vadd.f32 v3, v9;
	v10 =	vld [tilespmem:s0+$0x1C130]  }
0x390: {  	v4 =	vadd.f32 v4, v9;
	[tilespmem:s0+$0x10030] =	vst v5;
	v5 =	vld [tilespmem:s0+$0x10130]  }
0x391: {  	[tilespmem:s0+$0x12030] =	vst v3;
	v3 =	vadd.f32 v6, v9;
	v6 =	vld [tilespmem:s0+$0x12130]  }
0x392: {  	v1 =	vadd.f32 v1, v2;
	[tilespmem:s0+$0x14030] =	vst v4;
	v4 =	vld [tilespmem:s0+$0x14130]  }
0x393: {  	v0 =	vadd.f32 v0, v2;
	[tilespmem:s0+$0x16030] =	vst v3;
	v3 =	vld [tilespmem:s0+$0x16130]  }
0x394: {  	[tilespmem:s0+$0x100B0] =	vst v1;
	v1 =	vadd.f32 v7, v2;
	v7 =	vld [tilespmem:s0+$0x1C1B0]  }
0x395: {  	[tilespmem:s0+$0x120B0] =	vst v0;
	v0 =	vadd.f32 v8, v2;
	v2 =	vld [tilespmem:s0+$0x101B0]  }
0x396: {  	[tilespmem:s0+$0x140B0] =	vst v1;
	v1 =	vadd.f32 v5, v10;
	v5 =	vld [tilespmem:s0+$0x121B0]  }
0x397: {  	[tilespmem:s0+$0x160B0] =	vst v0;
	v0 =	vadd.f32 v6, v10;
	v6 =	vld [tilespmem:s0+$0x141B0]  }
0x398: {  	[tilespmem:s0+$0x10130] =	vst v1;
	v1 =	vadd.f32 v4, v10;
	v4 =	vld [tilespmem:s0+$0x161B0]  }
0x399: {  	v8 =	vld [tilespmem:s0+$0x1C000];
	[tilespmem:s0+$0x12130] =	vst v0;
	v0 =	vadd.f32 v3, v10  }
0x39a: {  	p0 =	por !p0, !p0;
	s5 =	simm.s32 $0x1;
	v3 =	vld [tilespmem:s0+$0x10000];
	[tilespmem:s0+$0x14130] =	vst v1;
	v1 =	vadd.f32 v2, v7  }
0x39b: {  	s5 =	simm.s32 @!p0 $0x0;
	v2 =	vld [tilespmem:s0+$0x12000];
	[tilespmem:s0+$0x16130] =	vst v0;
	v0 =	vadd.f32 v5, v7  }
0x39c: {  	s5 =	sshll.u32 s5, $0x6;
	v5 =	vld [tilespmem:s0+$0x14000];
	[tilespmem:s0+$0x101B0] =	vst v1;
	v1 =	vadd.f32 v6, v7  }
0x39d: {  	s5 =	sadd.s32 s5, s7;
	v6 =	vld [tilespmem:s0+$0x16000];
	[tilespmem:s0+$0x121B0] =	vst v0;
	v0 =	vadd.f32 v4, v7  }
0x39e: {  	s11 =	sadd.s32 $0x10, s5;
	s22 =	sadd.s32 $0x20, s5;
	s9 =	sadd.s32 $0x30, s5;
	v4 =	vld [tilespmem:s0+$0x1C080];
	[tilespmem:s0+$0x141B0] =	vst v1  }
0x39f: {  	s6 =	sor.u32 $0x200, s11;
	s16 =	sor.u32 $0x200, s22;
	s2 =	sor.u32 $0x200, s9;
	v1 =	vadd.f32 v3, v8;
	v3 =	vld [tilespmem:s0+$0x10080];
	[tilespmem:s0+$0x161B0] =	vst v0  }
0x3a0: {  	s14 =	sor.u32 $0x200, s5;
	s24 =	sor.u32 $0x280, s11;
	s21 =	sor.u32 $0x280, s22;
	v0 =	vadd.f32 v2, v8;
	v2 =	vld [tilespmem:s2+$0x1C000]  }
0x3a1: {  	s15 =	sor.u32 $0x280, s5;
	s28 =	sor.u32 $0x300, s11;
	s17 =	sor.u32 $0x300, s22;
	[tilespmem:s0+$0x10000] =	vst v1;
	v1 =	vadd.f32 v5, v8;
	v5 =	vld [tilespmem:s2+$0x10000]  }
0x3a2: {  	s18 =	sor.u32 $0x300, s5;
	s12 =	sor.u32 $0x380, s11;
	s11 =	sor.u32 $0x380, s22;
	[tilespmem:s0+$0x12000] =	vst v0;
	v0 =	vadd.f32 v6, v8;
	v6 =	vld [tilespmem:s2+$0x12000]  }
0x3a3: {  	[tilespmem:s0+$0x14000] =	vst v1;
	v1 =	vld [tilespmem:s2+$0x14000]  }
0x3a4: {  	[tilespmem:s0+$0x16000] =	vst v0;
	v0 =	vadd.f32 v3, v4;
	v3 =	vld [tilespmem:s2+$0x16000]  }
0x3a5: {  	v7 =	vld [tilespmem:s0+$0x12080]  }
0x3a6: {  	[tilespmem:s0+$0x10080] =	vst v0;
	v0 =	vld [tilespmem:s0+$0x14080];
	v5 =	vadd.f32 v5, v2  }
0x3a7: {  	v8 =	vld [tilespmem:s0+$0x16080];
	v6 =	vadd.f32 v6, v2  }
0x3a8: {  	v9 =	vld [tilespmem:s0+$0x1C100];
	[tilespmem:s2+$0x10000] =	vst v5;
	v1 =	vadd.f32 v1, v2  }
0x3a9: {  	v5 =	vld [tilespmem:s0+$0x10100];
	[tilespmem:s2+$0x12000] =	vst v6;
	v2 =	vadd.f32 v3, v2  }
0x3aa: {  	v3 =	vadd.f32 v7, v4;
	v6 =	vld [tilespmem:s0+$0x12100];
	[tilespmem:s2+$0x14000] =	vst v1  }
0x3ab: {  	v0 =	vadd.f32 v0, v4;
	v1 =	vld [tilespmem:s0+$0x14100];
	[tilespmem:s2+$0x16000] =	vst v2;
	s2 =	sor.u32 $0x280, s9  }
0x3ac: {  	[tilespmem:s0+$0x12080] =	vst v3;
	v2 =	vadd.f32 v8, v4;
	v3 =	vld [tilespmem:s2+$0x1C000]  }
0x3ad: {  	[tilespmem:s0+$0x14080] =	vst v0;
	v0 =	vld [tilespmem:s2+$0x10000]  }
0x3ae: {  	[tilespmem:s0+$0x16080] =	vst v2;
	v2 =	vadd.f32 v5, v9;
	v4 =	vld [tilespmem:s2+$0x12000]  }
0x3af: {  	v5 =	vadd.f32 v6, v9;
	v6 =	vld [tilespmem:s2+$0x14000]  }
0x3b0: {  	[tilespmem:s0+$0x10100] =	vst v2;
	v1 =	vadd.f32 v1, v9;
	v2 =	vld [tilespmem:s2+$0x16000]  }
0x3b1: {  	[tilespmem:s0+$0x12100] =	vst v5;
	v5 =	vld [tilespmem:s0+$0x16100]  }
0x3b2: {  	[tilespmem:s0+$0x14100] =	vst v1;
	v1 =	vld [tilespmem:s0+$0x1C180];
	v0 =	vadd.f32 v0, v3  }
0x3b3: {  	v7 =	vld [tilespmem:s0+$0x10180];
	v4 =	vadd.f32 v4, v3  }
0x3b4: {  	v8 =	vld [tilespmem:s0+$0x12180];
	[tilespmem:s2+$0x10000] =	vst v0;
	v0 =	vadd.f32 v6, v3  }
0x3b5: {  	v6 =	vld [tilespmem:s0+$0x14180];
	[tilespmem:s2+$0x12000] =	vst v4;
	v2 =	vadd.f32 v2, v3  }
0x3b6: {  	v3 =	vadd.f32 v5, v9;
	v4 =	vld [tilespmem:s0+$0x16180];
	[tilespmem:s2+$0x14000] =	vst v0  }
0x3b7: {  	v5 =	vld [tilespmem:s0+$0x1C010];
	[tilespmem:s2+$0x16000] =	vst v2;
	s2 =	sor.u32 $0x300, s9  }
0x3b8: {  	[tilespmem:s0+$0x16100] =	vst v3;
	v0 =	vadd.f32 v7, v1;
	v2 =	vld [tilespmem:s2+$0x1C000]  }
0x3b9: {  	v3 =	vadd.f32 v8, v1;
	v7 =	vld [tilespmem:s2+$0x10000]  }
0x3ba: {  	[tilespmem:s0+$0x10180] =	vst v0;
	v0 =	vadd.f32 v6, v1;
	v6 =	vld [tilespmem:s2+$0x12000]  }
0x3bb: {  	[tilespmem:s0+$0x12180] =	vst v3;
	v1 =	vadd.f32 v4, v1;
	v3 =	vld [tilespmem:s2+$0x14000]  }
0x3bc: {  	[tilespmem:s0+$0x14180] =	vst v0;
	v0 =	vld [tilespmem:s2+$0x16000]  }
0x3bd: {  	[tilespmem:s0+$0x16180] =	vst v1;
	v1 =	vld [tilespmem:s0+$0x10010]  }
0x3be: {  	v4 =	vld [tilespmem:s0+$0x12010];
	v7 =	vadd.f32 v7, v2  }
0x3bf: {  	v8 =	vld [tilespmem:s0+$0x14010];
	v6 =	vadd.f32 v6, v2  }
0x3c0: {  	v9 =	vld [tilespmem:s0+$0x16010];
	[tilespmem:s2+$0x10000] =	vst v7;
	v3 =	vadd.f32 v3, v2  }
0x3c1: {  	v7 =	vld [tilespmem:s0+$0x1C090];
	[tilespmem:s2+$0x12000] =	vst v6;
	v0 =	vadd.f32 v0, v2  }
0x3c2: {  	v1 =	vadd.f32 v1, v5;
	v2 =	vld [tilespmem:s0+$0x10090];
	[tilespmem:s2+$0x14000] =	vst v3  }
0x3c3: {  	s9 =	sor.u32 $0x380, s9;
	v3 =	vadd.f32 v4, v5;
	v4 =	vld [tilespmem:s0+$0x12090];
	[tilespmem:s2+$0x16000] =	vst v0  }
0x3c4: {  	[tilespmem:s0+$0x10010] =	vst v1;
	v1 =	vadd.f32 v8, v5;
	v0 =	vld [tilespmem:s9+$0x1C000]  }
0x3c5: {  	[tilespmem:s0+$0x12010] =	vst v3;
	v3 =	vadd.f32 v9, v5;
	v5 =	vld [tilespmem:s9+$0x16000]  }
0x3c6: {  	[tilespmem:s0+$0x14010] =	vst v1;
	v1 =	vld [tilespmem:s0+$0x14090]  }
0x3c7: {  	[tilespmem:s0+$0x16010] =	vst v3;
	v2 =	vadd.f32 v2, v7;
	v3 =	vld [tilespmem:s0+$0x16090]  }
0x3c8: {  	v4 =	vadd.f32 v4, v7;
	v6 =	vld [tilespmem:s0+$0x1C110]  }
0x3c9: {  	[tilespmem:s0+$0x10090] =	vst v2;
	v2 =	vld [tilespmem:s0+$0x10110]  }
0x3ca: {  	[tilespmem:s0+$0x12090] =	vst v4;
	v4 =	vld [tilespmem:s0+$0x12110];
	v5 =	vadd.f32 v5, v0  }
0x3cb: {  	v1 =	vadd.f32 v1, v7;
	v8 =	vld [tilespmem:s0+$0x14110]  }
0x3cc: {  	v3 =	vadd.f32 v3, v7;
	v7 =	vld [tilespmem:s0+$0x16110];
	[tilespmem:s9+$0x16000] =	vst v5  }
0x3cd: {  	[tilespmem:s0+$0x14090] =	vst v1;
	v1 =	vld [tilespmem:s0+$0x1C190]  }
0x3ce: {  	[tilespmem:s0+$0x16090] =	vst v3;
	v2 =	vadd.f32 v2, v6;
	v3 =	vld [tilespmem:s0+$0x10190]  }
0x3cf: {  	v4 =	vadd.f32 v4, v6;
	v5 =	vld [tilespmem:s0+$0x12190]  }
0x3d0: {  	[tilespmem:s0+$0x10110] =	vst v2;
	v2 =	vadd.f32 v8, v6;
	v8 =	vld [tilespmem:s0+$0x14190]  }
0x3d1: {  	[tilespmem:s0+$0x12110] =	vst v4;
	v4 =	vadd.f32 v7, v6;
	v6 =	vld [tilespmem:s0+$0x16190]  }
0x3d2: {  	[tilespmem:s0+$0x14110] =	vst v2;
	v2 =	vld [tilespmem:s0+$0x1C020]  }
0x3d3: {  	[tilespmem:s0+$0x16110] =	vst v4;
	v3 =	vadd.f32 v3, v1;
	v4 =	vld [tilespmem:s0+$0x10020]  }
0x3d4: {  	v5 =	vadd.f32 v5, v1;
	v7 =	vld [tilespmem:s0+$0x12020]  }
0x3d5: {  	[tilespmem:s0+$0x10190] =	vst v3;
	v3 =	vadd.f32 v8, v1;
	v8 =	vld [tilespmem:s0+$0x14020]  }
0x3d6: {  	[tilespmem:s0+$0x12190] =	vst v5;
	v1 =	vadd.f32 v6, v1;
	v5 =	vld [tilespmem:s0+$0x16020]  }
0x3d7: {  	[tilespmem:s0+$0x14190] =	vst v3;
	v3 =	vld [tilespmem:s0+$0x1C0A0]  }
0x3d8: {  	[tilespmem:s0+$0x16190] =	vst v1;
	v1 =	vadd.f32 v4, v2;
	v4 =	vld [tilespmem:s0+$0x100A0]  }
0x3d9: {  	v6 =	vadd.f32 v7, v2;
	v7 =	vld [tilespmem:s0+$0x120A0]  }
0x3da: {  	[tilespmem:s0+$0x10020] =	vst v1;
	v1 =	vadd.f32 v8, v2;
	v8 =	vld [tilespmem:s0+$0x140A0]  }
0x3db: {  	[tilespmem:s0+$0x12020] =	vst v6;
	v2 =	vadd.f32 v5, v2;
	v5 =	vld [tilespmem:s0+$0x160A0]  }
0x3dc: {  	[tilespmem:s0+$0x14020] =	vst v1;
	v1 =	vld [tilespmem:s0+$0x1C120]  }
0x3dd: {  	[tilespmem:s0+$0x16020] =	vst v2;
	v2 =	vadd.f32 v4, v3;
	v4 =	vld [tilespmem:s0+$0x10120]  }
0x3de: {  	v6 =	vadd.f32 v7, v3;
	v7 =	vld [tilespmem:s0+$0x12120]  }
0x3df: {  	[tilespmem:s0+$0x100A0] =	vst v2;
	v2 =	vadd.f32 v8, v3;
	v8 =	vld [tilespmem:s0+$0x14120]  }
0x3e0: {  	[tilespmem:s0+$0x120A0] =	vst v6;
	v3 =	vadd.f32 v5, v3;
	v5 =	vld [tilespmem:s0+$0x16120]  }
0x3e1: {  	[tilespmem:s0+$0x140A0] =	vst v2;
	v2 =	vld [tilespmem:s0+$0x1C1A0]  }
0x3e2: {  	[tilespmem:s0+$0x160A0] =	vst v3;
	v3 =	vadd.f32 v4, v1;
	v4 =	vld [tilespmem:s0+$0x101A0]  }
0x3e3: {  	v6 =	vadd.f32 v7, v1;
	v7 =	vld [tilespmem:s0+$0x121A0]  }
0x3e4: {  	[tilespmem:s0+$0x10120] =	vst v3;
	v3 =	vadd.f32 v8, v1;
	v8 =	vld [tilespmem:s0+$0x141A0]  }
0x3e5: {  	[tilespmem:s0+$0x12120] =	vst v6;
	v1 =	vadd.f32 v5, v1;
	v5 =	vld [tilespmem:s0+$0x161A0]  }
0x3e6: {  	v6 =	vld [tilespmem:s14+$0x1C000];
	[tilespmem:s0+$0x14120] =	vst v3  }
0x3e7: {  	v3 =	vld [tilespmem:s14+$0x10000];
	[tilespmem:s0+$0x16120] =	vst v1;
	v1 =	vadd.f32 v4, v2  }
0x3e8: {  	v4 =	vld [tilespmem:s14+$0x12000];
	v7 =	vadd.f32 v7, v2  }
0x3e9: {  	v9 =	vld [tilespmem:s14+$0x14000];
	[tilespmem:s0+$0x101A0] =	vst v1;
	v1 =	vadd.f32 v8, v2  }
0x3ea: {  	v8 =	vld [tilespmem:s14+$0x16000];
	[tilespmem:s0+$0x121A0] =	vst v7;
	v2 =	vadd.f32 v5, v2  }
0x3eb: {  	v5 =	vld [tilespmem:s6+$0x1C000];
	[tilespmem:s0+$0x141A0] =	vst v1  }
0x3ec: {  	v1 =	vadd.f32 v3, v6;
	v3 =	vld [tilespmem:s6+$0x10000];
	[tilespmem:s0+$0x161A0] =	vst v2  }
0x3ed: {  	v2 =	vadd.f32 v4, v6;
	v4 =	vld [tilespmem:s6+$0x12000]  }
0x3ee: {  	[tilespmem:s14+$0x10000] =	vst v1;
	v1 =	vadd.f32 v9, v6;
	v7 =	vld [tilespmem:s6+$0x14000]  }
0x3ef: {  	[tilespmem:s14+$0x12000] =	vst v2;
	v2 =	vadd.f32 v8, v6;
	v6 =	vld [tilespmem:s6+$0x16000]  }
0x3f0: {  	[tilespmem:s14+$0x14000] =	vst v1;
	v1 =	vld [tilespmem:s16+$0x1C000]  }
0x3f1: {  	[tilespmem:s14+$0x16000] =	vst v2;
	v2 =	vadd.f32 v3, v5;
	v3 =	vld [tilespmem:s16+$0x10000]  }
0x3f2: {  	v4 =	vadd.f32 v4, v5;
	v8 =	vld [tilespmem:s16+$0x12000]  }
0x3f3: {  	[tilespmem:s6+$0x10000] =	vst v2;
	v2 =	vadd.f32 v7, v5;
	v7 =	vld [tilespmem:s16+$0x14000]  }
0x3f4: {  	[tilespmem:s6+$0x12000] =	vst v4;
	v4 =	vadd.f32 v6, v5;
	v5 =	vld [tilespmem:s16+$0x16000]  }
0x3f5: {  	v6 =	vld [tilespmem:s15+$0x1C000];
	[tilespmem:s6+$0x14000] =	vst v2  }
0x3f6: {  	v2 =	vld [tilespmem:s15+$0x10000];
	[tilespmem:s6+$0x16000] =	vst v4;
	v3 =	vadd.f32 v3, v1  }
0x3f7: {  	v4 =	vld [tilespmem:s15+$0x12000];
	v8 =	vadd.f32 v8, v1  }
0x3f8: {  	v9 =	vld [tilespmem:s15+$0x14000];
	[tilespmem:s16+$0x10000] =	vst v3;
	v3 =	vadd.f32 v7, v1  }
0x3f9: {  	v7 =	vld [tilespmem:s15+$0x16000];
	[tilespmem:s16+$0x12000] =	vst v8;
	v1 =	vadd.f32 v5, v1  }
0x3fa: {  	v5 =	vld [tilespmem:s24+$0x1C000];
	[tilespmem:s16+$0x14000] =	vst v3  }
0x3fb: {  	v2 =	vadd.f32 v2, v6;
	v3 =	vld [tilespmem:s24+$0x10000];
	[tilespmem:s16+$0x16000] =	vst v1  }
0x3fc: {  	v1 =	vadd.f32 v4, v6;
	v4 =	vld [tilespmem:s24+$0x12000]  }
0x3fd: {  	[tilespmem:s15+$0x10000] =	vst v2;
	v2 =	vadd.f32 v9, v6;
	v8 =	vld [tilespmem:s24+$0x14000]  }
0x3fe: {  	[tilespmem:s15+$0x12000] =	vst v1;
	v1 =	vadd.f32 v7, v6;
	v6 =	vld [tilespmem:s24+$0x16000]  }
0x3ff: {  	[tilespmem:s15+$0x14000] =	vst v2;
	v2 =	vld [tilespmem:s21+$0x1C000]  }
0x400: {  	[tilespmem:s15+$0x16000] =	vst v1;
	v1 =	vadd.f32 v3, v5;
	v3 =	vld [tilespmem:s21+$0x10000]  }
0x401: {  	v4 =	vadd.f32 v4, v5;
	v7 =	vld [tilespmem:s21+$0x12000]  }
0x402: {  	[tilespmem:s24+$0x10000] =	vst v1;
	v1 =	vadd.f32 v8, v5;
	v8 =	vld [tilespmem:s21+$0x14000]  }
0x403: {  	[tilespmem:s24+$0x12000] =	vst v4;
	v4 =	vadd.f32 v6, v5;
	v5 =	vld [tilespmem:s21+$0x16000]  }
0x404: {  	v6 =	vld [tilespmem:s18+$0x1C000];
	[tilespmem:s24+$0x14000] =	vst v1  }
0x405: {  	v1 =	vld [tilespmem:s18+$0x10000];
	[tilespmem:s24+$0x16000] =	vst v4;
	v3 =	vadd.f32 v3, v2  }
0x406: {  	v4 =	vld [tilespmem:s18+$0x12000];
	v7 =	vadd.f32 v7, v2  }
0x407: {  	v9 =	vld [tilespmem:s18+$0x14000];
	[tilespmem:s21+$0x10000] =	vst v3;
	v3 =	vadd.f32 v8, v2  }
0x408: {  	v8 =	vld [tilespmem:s18+$0x16000];
	[tilespmem:s21+$0x12000] =	vst v7;
	v2 =	vadd.f32 v5, v2  }
0x409: {  	v5 =	vld [tilespmem:s28+$0x1C000];
	[tilespmem:s21+$0x14000] =	vst v3  }
0x40a: {  	v1 =	vadd.f32 v1, v6;
	v3 =	vld [tilespmem:s28+$0x10000];
	[tilespmem:s21+$0x16000] =	vst v2  }
0x40b: {  	v2 =	vadd.f32 v4, v6;
	v4 =	vld [tilespmem:s28+$0x12000]  }
0x40c: {  	[tilespmem:s18+$0x10000] =	vst v1;
	v1 =	vadd.f32 v9, v6;
	v7 =	vld [tilespmem:s28+$0x14000]  }
0x40d: {  	[tilespmem:s18+$0x12000] =	vst v2;
	v2 =	vadd.f32 v8, v6;
	v6 =	vld [tilespmem:s28+$0x16000]  }
0x40e: {  	[tilespmem:s18+$0x14000] =	vst v1;
	v1 =	vld [tilespmem:s17+$0x1C000]  }
0x40f: {  	[tilespmem:s18+$0x16000] =	vst v2;
	v2 =	vadd.f32 v3, v5;
	v3 =	vld [tilespmem:s17+$0x10000]  }
0x410: {  	v4 =	vadd.f32 v4, v5;
	v8 =	vld [tilespmem:s17+$0x12000]  }
0x411: {  	[tilespmem:s28+$0x10000] =	vst v2;
	v2 =	vadd.f32 v7, v5;
	v7 =	vld [tilespmem:s17+$0x14000]  }
0x412: {  	[tilespmem:s28+$0x12000] =	vst v4;
	v4 =	vadd.f32 v6, v5;
	v5 =	vld [tilespmem:s17+$0x16000]  }
0x413: {  	v6 =	vld [tilespmem:s10+$0x1C000];
	[tilespmem:s28+$0x14000] =	vst v2  }
0x414: {  	v2 =	vld [tilespmem:s10+$0x10000];
	[tilespmem:s28+$0x16000] =	vst v4;
	v3 =	vadd.f32 v3, v1  }
0x415: {  	v4 =	vld [tilespmem:s10+$0x12000];
	v8 =	vadd.f32 v8, v1  }
0x416: {  	v9 =	vld [tilespmem:s10+$0x14000];
	[tilespmem:s17+$0x10000] =	vst v3;
	v3 =	vadd.f32 v7, v1  }
0x417: {  	v7 =	vld [tilespmem:s10+$0x16000];
	[tilespmem:s17+$0x12000] =	vst v8;
	v1 =	vadd.f32 v5, v1  }
0x418: {  	v8 =	vld [tilespmem:s12+$0x1C000];
	[tilespmem:s17+$0x14000] =	vst v3  }
0x419: {  	v2 =	vadd.f32 v2, v6;
	v3 =	vld [tilespmem:s12+$0x10000];
	[tilespmem:s17+$0x16000] =	vst v1  }
0x41a: {  	v1 =	vadd.f32 v4, v6;
	v4 =	vld [tilespmem:s12+$0x12000]  }
0x41b: {  	[tilespmem:s10+$0x10000] =	vst v2;
	v2 =	vadd.f32 v9, v6;
	v9 =	vld [tilespmem:s12+$0x14000]  }
0x41c: {  	[tilespmem:s10+$0x12000] =	vst v1;
	v5 =	vadd.f32 v7, v6;
	v6 =	vld [tilespmem:s12+$0x16000]  }
.Ltmp5:
0x41d: {  	[tilespmem:s10+$0x14000] =	vst v2;
	v1 =	vld [tilespmem:s11+$0x1C000];
	(pc) =	sbr.rel @p1 .LBB2_8-.Ltmp5, $4  }
0x41e: {  	[tilespmem:s10+$0x16000] =	vst v5;
	v2 =	vadd.f32 v3, v8;
	v5 =	vld [tilespmem:s11+$0x10000]  }
0x41f: {  	v4 =	vadd.f32 v4, v8;
	v3 =	vld [tilespmem:s11+$0x12000]  }
0x420: {  	[tilespmem:s12+$0x10000] =	vst v2;
	v7 =	vadd.f32 v9, v8;
	v2 =	vld [tilespmem:s11+$0x14000]  }
0x421: {  	[tilespmem:s12+$0x12000] =	vst v4;
	v6 =	vadd.f32 v6, v8;
	v4 =	vld [tilespmem:s11+$0x16000]  }
0x422: {  	v8 =	vld [tilespmem:s9+$0x10000]  }
0x423: {  	[tilespmem:s12+$0x14000] =	vst v7;
	v58 =	vld [tilespmem:s9+$0x12000];
	v5 =	vadd.f32 v5, v1  }
0x424: {  	v59 =	vld [tilespmem:s9+$0x14000];
	[tilespmem:s12+$0x16000] =	vst v6;
	v3 =	vadd.f32 v3, v1  }
0x425: {  	[tilespmem:s11+$0x10000] =	vst v5;
	v2 =	vadd.f32 v2, v1  }
0x426: {  	[tilespmem:s11+$0x12000] =	vst v3;
	v60 =	vadd.f32 v4, v1  }
0x427: {  	[tilespmem:s11+$0x14000] =	vst v2;
	v61 =	vadd.f32 v8, v0  }
0x428: {  	v62 =	vadd.f32 v58, v0;
	[tilespmem:s11+$0x16000] =	vst v60  }
0x429: {  	s0 =	sadd.s32 s23, s13;
	v63 =	vadd.f32 v59, v0;
	[tilespmem:s9+$0x10000] =	vst v61  }
0x42a: {  	s2 =	rddreg [dreg:$0x2];
	s0 =	sshll.u32 s0, $0xA;
	[tilespmem:s9+$0x12000] =	vst v62  }
0x42b: {  	s21 =	simm.s32 $0x10000;
	s0 =	sadd.s32 s2, s0;
	[tilespmem:s9+$0x14000] =	vst v63  }
0x42c: {  	[hbm4b:s0+s19] =	stream.strided.scatter [tilespmem:s21], [sflag:$0x6], $0x8000, s20, s19, $0x38;
	[tilespmem:$0x1E000] =	vst v63  }
0x42d: {  	_ =	swait.ge [sflag:s30], $0x8000  }
0x42e: {  	s22 =	rddreg [dreg:$0xd]  }
0x42f: {  	s5 =	simm.s32 $0x0;
	s6 =	simm.s32 $0x1A000;
	s0 =	sadd.s32 s23, s22  }
.Ltmp6:
0x430: {  	[sflag:s30] =	ssyncset.done $0x0;
	s0 =	sshll.u32 s0, $0xA;
	(pc) =	sbr.rel .LBB2_2-.Ltmp6, $4  }
0x431: {  	s28 =	simm.s32 $0x8000;
	[sflag:s30] =	ssyncadd.s32 $0xFFFF8000;
	s24 =	sadd.s32 s4, s0  }
0x432: {  	[tilespmem:s6], [sflag:$0x2] =	stream.linear.gather [hbm4b:s24+s5], $0x2000, $0x38;
	[tilespmem:$0x1E000] =	vst v63  }
0x433: {  	s1 =	sadd.s32 $0x1, s1;
	s2 =	smov.u32 s3;
	s0 =	sadd.s32 s3, s0  }
0x434: {  	[tilespmem:s28], [sflag:$0x2] =	stream.strided.gather [hbm4b:s0+s19], $0x8000, s20, s19, $0x38;
	[tilespmem:$0x1E000] =	vst v63  }
.LBB2_11:
0x435: {  	_ =	sfence.sel $0x180000  }
0x436: {  	[bflag:$0x0] =	sbarrier.arrive $0xFFFF  }
0x437: {  	_ =	strace $0x90000047  }
0x438: {  	s0 =	stileid.u32;
	[bflag:$0x2] =	sbarrier.arrive $0xFFFF  }
0x439: {  	p0 =	sne.s32 s0, $0x0;
	s0 =	rddreg [dreg:$0x3]  }
0x43a: {  	s0 =	sadd.s32 @!p0 $0x100000, s0  }
0x43b: {  	[sflag:s0] =	ssyncadd.tile.s32 @!p0 $0x1;
	_ =	shalt  }
.Lfunc_end2:
_tile_overlayer_lowered:
.L_overlay_start_2:
0x43c: {  	(tag) =	ssettag $0x2  }
0x43d: {  	s0 =	rddreg [dreg:$0x0];
	s2 =	stileid.u32  }
0x43e: {  	s1 =	rddreg [dreg:$0x1];
	p0 =	sne.s32 s2, $0x0  }
0x43f: {  	s3 =	rddreg [dreg:$0x2];
	[bflag:$0x3] =	sbarrier.arrive $0xFFFF;
	s2 =	simm.s32 @!p0 $0x1C07  }
0x440: {  	[timem:s3], [sflag:s2] =	dma.local @!p0 [hbm:s0], s1  }
0x441: {  	s0 =	simm.s32 @!p0 $0x7  }
0x442: {  	_ =	swait.ge @!p0 [sflag:s0], s1  }
0x443: {  	s1 =	ssub.s32 @!p0 $0x0, s1;
	[sflag:s0] =	ssyncset.done @!p0 $0x0  }
0x444: {  	[sflag:s0] =	ssyncadd.s32 @!p0 s1  }
0x445: {  	[bflag:$0x3] =	sbarrier.arrive $0xFFFF  }
0x446: {  	_ =	shalt  }

</sc_bundles>
